<compile_context>
chip_gen: v7x
topology: tpu7x:2x2x1
jax: 0.10.2.dev20260603
libtpu: 0.0.44.dev20260713+nightly
codegen_flags: <defaults>
</compile_context>

<pallas_src>
import functools

import numpy as np
import jax
import jax.numpy as jnp
from jax import lax
from jax.experimental import pallas as pl
from jax.experimental.pallas import tpu as pltpu
from jax.experimental.pallas import tpu_sc as plsc

N_BATCH = 16384
N_PARTICLES = 256
N_DIM = 3
N_CG = N_PARTICLES // 4
N_NCG = N_PARTICLES - N_CG

NW = 32
BLOCKS_PER_W = 4
NSLAB = BLOCKS_PER_W * N_DIM

IN_PLANE = N_BATCH * N_PARTICLES
SLAB = 16 * 2 * 8 * 128
HSLAB_ROWS = 128
PITCH = 69


def _sc_split(x_flat):
    mesh = plsc.VectorSubcoreMesh(core_axis_name="c", subcore_axis_name="s")

    @functools.partial(
        pl.kernel,
        mesh=mesh,
        compiler_params=pltpu.CompilerParams(needs_layout_passes=False),
        out_type=(
            jax.ShapeDtypeStruct((N_DIM * 8, 128, 8, 128), jnp.float32),
            jax.ShapeDtypeStruct((N_DIM * 24, 128, 8, 128), jnp.float32),
        ),
        scratch_types=[
            pltpu.VMEM((HSLAB_ROWS, 128), jnp.float32),
            pltpu.VMEM((HSLAB_ROWS, 128), jnp.float32),
            pltpu.VMEM((N_PARTICLES * PITCH,), jnp.float32),
            pltpu.VMEM((8, 8, 128), jnp.float32),
            pltpu.VMEM((24, 8, 128), jnp.float32),
            pltpu.SemaphoreType.DMA,
            pltpu.SemaphoreType.DMA,
            pltpu.SemaphoreType.DMA,
            pltpu.SemaphoreType.DMA,
        ],
    )
    def k(x_hbm, cg_hbm, ncg_hbm, vin0, vin1, vtmp, vcg, vncg,
          sin0, sin1, scg, sncg):
        wid = lax.axis_index("s") * 2 + lax.axis_index("c")
        vins = [vin0, vin1]
        sins = [sin0, sin1]

        ii = lax.iota(jnp.int32, 16)
        a, m = ii // 4, ii % 4
        idx69 = []
        for qv in range(16):
            q4 = 4 * qv + a
            row = jnp.where(m == 0, q4, 64 + 3 * q4 + m - 1)
            idx69.append(row * PITCH)

        def coords(sl):
            c = sl // 3
            p = sl - c * 3
            tbo = wid * BLOCKS_PER_W + c
            return p, tbo

        def start_in(sl, half):
            p, tbo = coords(sl)
            row0 = pl.multiple_of(
                p * (IN_PLANE // 128) + tbo * (SLAB // 128) + half * 128, 128)
            return pltpu.async_copy(
                x_hbm.at[pl.ds(row0, HSLAB_ROWS)], vins[half], sins[half])

        def wait_in(half):
            pltpu.make_async_copy(
                x_hbm.at[pl.ds(0, HSLAB_ROWS)], vins[half], sins[half]).wait()

        def wait_cg():
            pltpu.make_async_copy(
                vcg, cg_hbm.at[pl.ds(0, 8), 0], scg).wait()

        def wait_ncg():
            pltpu.make_async_copy(
                vncg, ncg_hbm.at[pl.ds(0, 24), 0], sncg).wait()

        def do_half(sl, half):
            vin = vins[half]

            @plsc.parallel_loop(0, 64, unroll=8)
            def s1_body(bl):
                tb16 = (bl // 8) * 16 + bl % 8
                for qv in range(16):
                    rowb = tb16 + (qv // 8) * 8
                    val = vin[rowb, pl.ds((qv % 8) * 16, 16)]
                    plsc.store_scatter(vtmp, [idx69[qv] + bl], val)

            @plsc.parallel_loop(0, 64, unroll=8)
            def s2cg_body(r):
                for c in range(4):
                    vcg[r // 8, r % 8, pl.ds(half * 64 + 16 * c, 16)] = (
                        vtmp[pl.ds(r * PITCH + 16 * c, 16)])

            @plsc.parallel_loop(0, 192, unroll=8)
            def s2ncg_body(r):
                for c in range(4):
                    vncg[r // 8, r % 8, pl.ds(half * 64 + 16 * c, 16)] = (
                        vtmp[pl.ds((64 + r) * PITCH + 16 * c, 16)])

        start_in(0, 0)

        def slab_body(sl, _):
            wait_in(0)
            start_in(sl, 1)

            @pl.when(sl > 0)
            def _drain_outs():
                wait_cg()
                wait_ncg()

            do_half(sl, 0)

            wait_in(1)
            nxt = jnp.minimum(sl + 1, NSLAB - 1)
            start_in(nxt, 0)
            do_half(sl, 1)

            p, tbo = coords(sl)
            pltpu.async_copy(vcg, cg_hbm.at[pl.ds(p * 8, 8), tbo], scg)
            pltpu.async_copy(vncg, ncg_hbm.at[pl.ds(p * 24, 24), tbo], sncg)
            return _

        lax.fori_loop(0, NSLAB, slab_body, None)
        wait_cg()
        wait_ncg()
        wait_in(0)

    return k(x_flat)


@jax.jit
def kernel(input_coords):
    x5 = (input_coords.transpose(2, 0, 1)
          .reshape(N_DIM, 2048, 8, 2, 128)
          .transpose(0, 1, 3, 2, 4))
    x_flat = x5.reshape(N_DIM * IN_PLANE // 128, 128)
    cg_t, ncg_t = _sc_split(x_flat)
    cg = (cg_t.reshape(N_DIM, 8, 128, 8, 128)
          .transpose(0, 1, 3, 2, 4)
          .reshape(N_DIM, N_CG, N_BATCH)
          .transpose(2, 1, 0))
    ncg = (ncg_t.reshape(N_DIM, 24, 128, 8, 128)
           .transpose(0, 1, 3, 2, 4)
           .reshape(N_DIM, N_NCG, N_BATCH)
           .transpose(2, 1, 0))
    return (cg, ncg)

# --- scband reference (transcript-rebuilt; emitter-appended) ---
"""Pipeline reference for scband-decimation-encoder-16630113370668 (READ-ONLY COPY).

The authoritative reference and input builder live on the scoring server;
editing this copy changes nothing except your own understanding.
"""

import jax, jax.numpy as jnp
import numpy as np

N_BATCH = 16384
N_PARTICLES = 256
N_DIM = 3

# CG mask: every 4th particle is a coarse-grained site (64 CG, 192 non-CG)
CG_MASK = (np.arange(N_PARTICLES) % 4 == 0)
CG_IDX = jnp.asarray(np.nonzero(CG_MASK)[0], dtype=jnp.int32)
NONCG_IDX = jnp.asarray(np.nonzero(~CG_MASK)[0], dtype=jnp.int32)


def setup_inputs(seed: int = 0) -> dict:
    key = jax.random.key(seed)
    input_coords = jax.random.normal(key, (N_BATCH, N_PARTICLES, N_DIM), dtype=jnp.float32)
    return {"input_coords": input_coords}


def reference(input_coords):
    # tf.boolean_mask(input_coords, mask, axis=1) with a static mask is a static
    # gather along axis 1 (identical_randomize=False so no shuffle branch).
    cg_coords = jnp.take(input_coords, CG_IDX, axis=1)
    non_cg_coords = jnp.take(input_coords, NONCG_IDX, axis=1)
    cg_coords = jnp.reshape(cg_coords, (input_coords.shape[0], CG_IDX.shape[0], input_coords.shape[-1]))
    non_cg_coords = jnp.reshape(non_cg_coords, (input_coords.shape[0], NONCG_IDX.shape[0], input_coords.shape[-1]))
    return (cg_coords, non_cg_coords)

if __name__ == "__main__":
    import jax
    _d = setup_inputs()
    print(jax.jit(kernel)(*tuple(_d.values())))

</pallas_src>

<mosaic_0001>
#map = affine_map<(d0, d1) -> (0, 0)>
#map1 = affine_map<(d0, d1) -> (0, 0, 0, 0)>
module attributes {stable_mosaic.version = 14 : i64} {
  func.func @k(%arg0: i32, %arg1: i32, %arg2: memref<98304x128xf32, #tpu.memory_space<hbm>>, %arg3: memref<24x128x8x128xf32, #tpu.memory_space<hbm>>, %arg4: memref<72x128x8x128xf32, #tpu.memory_space<hbm>>, %arg5: memref<128x128xf32, #tpu.memory_space<vmem>>, %arg6: memref<128x128xf32, #tpu.memory_space<vmem>>, %arg7: memref<17664xf32, #tpu.memory_space<vmem>>, %arg8: memref<8x8x128xf32, #tpu.memory_space<vmem>>, %arg9: memref<24x8x128xf32, #tpu.memory_space<vmem>>, %arg10: memref<!tpu.dma_semaphore, #tpu.memory_space<semaphore_mem>>, %arg11: memref<!tpu.dma_semaphore, #tpu.memory_space<semaphore_mem>>, %arg12: memref<!tpu.dma_semaphore, #tpu.memory_space<semaphore_mem>>, %arg13: memref<!tpu.dma_semaphore, #tpu.memory_space<semaphore_mem>>) attributes {dimension_semantics = [#tpu.dimension_semantics<core_parallel>, #tpu.dimension_semantics<subcore_parallel>], iteration_bounds = array<i64: 2, 16>, scalar_prefetch = 0 : i64, scratch_operands = 9 : i64, tpu.core_type = #tpu.core_type<sc_vector_subcore>, window_params = [{transform_indices = #map}, {transform_indices = #map1}, {transform_indices = #map1}]} {
    %mul3A = arith.constant 2 : i32
    %mul3A_0 = arith.muli %arg1, %mul3A : i32
    %add3A = arith.addi %mul3A_0, %arg0 : i32
    %iota3A = tpu.iota {dimensions = array<i32: 0>} : vector<16xi32>
    %jit3A = arith.constant 4 : i32
    %div3A = vector.broadcast %jit3A : i32 to vector<16xi32>
    %div3A_1 = arith.divsi %iota3A, %div3A : vector<16xi32>
    %sign3A = arith.constant 0 : i32
    %sign3A_2 = vector.broadcast %sign3A : i32 to vector<16xi32>
    %sign3A_3 = arith.cmpi sgt, %iota3A, %sign3A_2 : vector<16xi32>
    %sign3A_4 = arith.extui %sign3A_3 : vector<16xi1> to vector<16xi32>
    %sign3A_5 = arith.constant 0 : i32
    %sign3A_6 = vector.broadcast %sign3A_5 : i32 to vector<16xi32>
    %sign3A_7 = arith.cmpi slt, %iota3A, %sign3A_6 : vector<16xi32>
    %sign3A_8 = arith.extui %sign3A_7 : vector<16xi1> to vector<16xi32>
    %sign3A_9 = arith.subi %sign3A_4, %sign3A_8 : vector<16xi32>
    %sign3A_10 = arith.constant 0 : i32
    %sign3A_11 = arith.cmpi sgt, %jit3A, %sign3A_10 : i32
    %sign3A_12 = arith.extui %sign3A_11 : i1 to i32
    %sign3A_13 = arith.constant 0 : i32
    %sign3A_14 = arith.cmpi slt, %jit3A, %sign3A_13 : i32
    %sign3A_15 = arith.extui %sign3A_14 : i1 to i32
    %sign3A_16 = arith.subi %sign3A_12, %sign3A_15 : i32
    %ne3A = vector.broadcast %sign3A_16 : i32 to vector<16xi32>
    %ne3A_17 = arith.cmpi ne, %sign3A_9, %ne3A : vector<16xi32>
    %rem3A = vector.broadcast %jit3A : i32 to vector<16xi32>
    %rem3A_18 = arith.remsi %iota3A, %rem3A : vector<16xi32>
    %ne3A_19 = arith.constant 0 : i32
    %ne3A_20 = vector.broadcast %ne3A_19 : i32 to vector<16xi32>
    %ne3A_21 = arith.cmpi ne, %rem3A_18, %ne3A_20 : vector<16xi32>
    %and3A = arith.andi %ne3A_17, %ne3A_21 : vector<16xi1>
    %sub3A = arith.constant 1 : i32
    %sub3A_22 = vector.broadcast %sub3A : i32 to vector<16xi32>
    %sub3A_23 = arith.subi %div3A_1, %sub3A_22 : vector<16xi32>
    %select_n3A = arith.select %and3A, %sub3A_23, %div3A_1 : vector<16xi1>, vector<16xi32>
    %jit3A_24 = arith.constant 4 : i32
    %eq3A = arith.constant 0 : i32
    %eq3A_25 = arith.cmpi eq, %jit3A_24, %eq3A : i32
    %jit3A_26 = arith.constant 1 : i32
    %select_n3A_27 = arith.select %eq3A_25, %jit3A_26, %jit3A_24 : i32
    %rem3A_28 = vector.broadcast %select_n3A_27 : i32 to vector<16xi32>
    %rem3A_29 = arith.remsi %iota3A, %rem3A_28 : vector<16xi32>
    %ne3A_30 = arith.constant 0 : i32
    %ne3A_31 = vector.broadcast %ne3A_30 : i32 to vector<16xi32>
    %ne3A_32 = arith.cmpi ne, %rem3A_29, %ne3A_31 : vector<16xi32>
    %lt3A = arith.constant 0 : i32
    %lt3A_33 = vector.broadcast %lt3A : i32 to vector<16xi32>
    %lt3A_34 = arith.cmpi slt, %rem3A_29, %lt3A_33 : vector<16xi32>
    %lt3A_35 = arith.constant 0 : i32
    %lt3A_36 = arith.cmpi slt, %select_n3A_27, %lt3A_35 : i32
    %ne3A_37 = vector.broadcast %lt3A_36 : i1 to vector<16xi1>
    %ne3A_38 = vector.broadcast %ne3A_37 : vector<16xi1> to vector<16xi1>
    %ne3A_39 = arith.xori %lt3A_34, %ne3A_38 : vector<16xi1>
    %and3A_40 = arith.andi %ne3A_39, %ne3A_32 : vector<16xi1>
    %add3A_41 = vector.broadcast %select_n3A_27 : i32 to vector<16xi32>
    %add3A_42 = arith.addi %rem3A_29, %add3A_41 : vector<16xi32>
    %select_n3A_43 = arith.select %and3A_40, %add3A_42, %rem3A_29 : vector<16xi1>, vector<16xi32>
    %add3A_44 = arith.constant 0 : i32
    %add3A_45 = vector.broadcast %add3A_44 : i32 to vector<16xi32>
    %add3A_46 = arith.addi %add3A_45, %select_n3A : vector<16xi32>
    %eq3A_47 = arith.constant 0 : i32
    %eq3A_48 = vector.broadcast %eq3A_47 : i32 to vector<16xi32>
    %eq3A_49 = arith.cmpi eq, %select_n3A_43, %eq3A_48 : vector<16xi32>
    %mul3A_50 = arith.constant 3 : i32
    %mul3A_51 = vector.broadcast %mul3A_50 : i32 to vector<16xi32>
    %mul3A_52 = arith.muli %mul3A_51, %add3A_46 : vector<16xi32>
    %add3A_53 = arith.constant 64 : i32
    %add3A_54 = vector.broadcast %add3A_53 : i32 to vector<16xi32>
    %add3A_55 = arith.addi %add3A_54, %mul3A_52 : vector<16xi32>
    %add3A_56 = arith.addi %add3A_55, %select_n3A_43 : vector<16xi32>
    %sub3A_57 = arith.constant 1 : i32
    %sub3A_58 = vector.broadcast %sub3A_57 : i32 to vector<16xi32>
    %sub3A_59 = arith.subi %add3A_56, %sub3A_58 : vector<16xi32>
    %select_n3A_60 = arith.select %eq3A_49, %add3A_46, %sub3A_59 : vector<16xi1>, vector<16xi32>
    %mul3A_61 = arith.constant 69 : i32
    %mul3A_62 = vector.broadcast %mul3A_61 : i32 to vector<16xi32>
    %mul3A_63 = arith.muli %select_n3A_60, %mul3A_62 : vector<16xi32>
    %add3A_64 = arith.constant 4 : i32
    %add3A_65 = vector.broadcast %add3A_64 : i32 to vector<16xi32>
    %add3A_66 = arith.addi %add3A_65, %select_n3A : vector<16xi32>
    %eq3A_67 = arith.constant 0 : i32
    %eq3A_68 = vector.broadcast %eq3A_67 : i32 to vector<16xi32>
    %eq3A_69 = arith.cmpi eq, %select_n3A_43, %eq3A_68 : vector<16xi32>
    %mul3A_70 = arith.constant 3 : i32
    %mul3A_71 = vector.broadcast %mul3A_70 : i32 to vector<16xi32>
    %mul3A_72 = arith.muli %mul3A_71, %add3A_66 : vector<16xi32>
    %add3A_73 = arith.constant 64 : i32
    %add3A_74 = vector.broadcast %add3A_73 : i32 to vector<16xi32>
    %add3A_75 = arith.addi %add3A_74, %mul3A_72 : vector<16xi32>
    %add3A_76 = arith.addi %add3A_75, %select_n3A_43 : vector<16xi32>
    %sub3A_77 = arith.constant 1 : i32
    %sub3A_78 = vector.broadcast %sub3A_77 : i32 to vector<16xi32>
    %sub3A_79 = arith.subi %add3A_76, %sub3A_78 : vector<16xi32>
    %select_n3A_80 = arith.select %eq3A_69, %add3A_66, %sub3A_79 : vector<16xi1>, vector<16xi32>
    %mul3A_81 = arith.constant 69 : i32
    %mul3A_82 = vector.broadcast %mul3A_81 : i32 to vector<16xi32>
    %mul3A_83 = arith.muli %select_n3A_80, %mul3A_82 : vector<16xi32>
    %add3A_84 = arith.constant 8 : i32
    %add3A_85 = vector.broadcast %add3A_84 : i32 to vector<16xi32>
    %add3A_86 = arith.addi %add3A_85, %select_n3A : vector<16xi32>
    %eq3A_87 = arith.constant 0 : i32
    %eq3A_88 = vector.broadcast %eq3A_87 : i32 to vector<16xi32>
    %eq3A_89 = arith.cmpi eq, %select_n3A_43, %eq3A_88 : vector<16xi32>
    %mul3A_90 = arith.constant 3 : i32
    %mul3A_91 = vector.broadcast %mul3A_90 : i32 to vector<16xi32>
    %mul3A_92 = arith.muli %mul3A_91, %add3A_86 : vector<16xi32>
    %add3A_93 = arith.constant 64 : i32
    %add3A_94 = vector.broadcast %add3A_93 : i32 to vector<16xi32>
    %add3A_95 = arith.addi %add3A_94, %mul3A_92 : vector<16xi32>
    %add3A_96 = arith.addi %add3A_95, %select_n3A_43 : vector<16xi32>
    %sub3A_97 = arith.constant 1 : i32
    %sub3A_98 = vector.broadcast %sub3A_97 : i32 to vector<16xi32>
    %sub3A_99 = arith.subi %add3A_96, %sub3A_98 : vector<16xi32>
    %select_n3A_100 = arith.select %eq3A_89, %add3A_86, %sub3A_99 : vector<16xi1>, vector<16xi32>
    %mul3A_101 = arith.constant 69 : i32
    %mul3A_102 = vector.broadcast %mul3A_101 : i32 to vector<16xi32>
    %mul3A_103 = arith.muli %select_n3A_100, %mul3A_102 : vector<16xi32>
    %add3A_104 = arith.constant 12 : i32
    %add3A_105 = vector.broadcast %add3A_104 : i32 to vector<16xi32>
    %add3A_106 = arith.addi %add3A_105, %select_n3A : vector<16xi32>
    %eq3A_107 = arith.constant 0 : i32
    %eq3A_108 = vector.broadcast %eq3A_107 : i32 to vector<16xi32>
    %eq3A_109 = arith.cmpi eq, %select_n3A_43, %eq3A_108 : vector<16xi32>
    %mul3A_110 = arith.constant 3 : i32
    %mul3A_111 = vector.broadcast %mul3A_110 : i32 to vector<16xi32>
    %mul3A_112 = arith.muli %mul3A_111, %add3A_106 : vector<16xi32>
    %add3A_113 = arith.constant 64 : i32
    %add3A_114 = vector.broadcast %add3A_113 : i32 to vector<16xi32>
    %add3A_115 = arith.addi %add3A_114, %mul3A_112 : vector<16xi32>
    %add3A_116 = arith.addi %add3A_115, %select_n3A_43 : vector<16xi32>
    %sub3A_117 = arith.constant 1 : i32
    %sub3A_118 = vector.broadcast %sub3A_117 : i32 to vector<16xi32>
    %sub3A_119 = arith.subi %add3A_116, %sub3A_118 : vector<16xi32>
    %select_n3A_120 = arith.select %eq3A_109, %add3A_106, %sub3A_119 : vector<16xi1>, vector<16xi32>
    %mul3A_121 = arith.constant 69 : i32
    %mul3A_122 = vector.broadcast %mul3A_121 : i32 to vector<16xi32>
    %mul3A_123 = arith.muli %select_n3A_120, %mul3A_122 : vector<16xi32>
    %add3A_124 = arith.constant 16 : i32
    %add3A_125 = vector.broadcast %add3A_124 : i32 to vector<16xi32>
    %add3A_126 = arith.addi %add3A_125, %select_n3A : vector<16xi32>
    %eq3A_127 = arith.constant 0 : i32
    %eq3A_128 = vector.broadcast %eq3A_127 : i32 to vector<16xi32>
    %eq3A_129 = arith.cmpi eq, %select_n3A_43, %eq3A_128 : vector<16xi32>
    %mul3A_130 = arith.constant 3 : i32
    %mul3A_131 = vector.broadcast %mul3A_130 : i32 to vector<16xi32>
    %mul3A_132 = arith.muli %mul3A_131, %add3A_126 : vector<16xi32>
    %add3A_133 = arith.constant 64 : i32
    %add3A_134 = vector.broadcast %add3A_133 : i32 to vector<16xi32>
    %add3A_135 = arith.addi %add3A_134, %mul3A_132 : vector<16xi32>
    %add3A_136 = arith.addi %add3A_135, %select_n3A_43 : vector<16xi32>
    %sub3A_137 = arith.constant 1 : i32
    %sub3A_138 = vector.broadcast %sub3A_137 : i32 to vector<16xi32>
    %sub3A_139 = arith.subi %add3A_136, %sub3A_138 : vector<16xi32>
    %select_n3A_140 = arith.select %eq3A_129, %add3A_126, %sub3A_139 : vector<16xi1>, vector<16xi32>
    %mul3A_141 = arith.constant 69 : i32
    %mul3A_142 = vector.broadcast %mul3A_141 : i32 to vector<16xi32>
    %mul3A_143 = arith.muli %select_n3A_140, %mul3A_142 : vector<16xi32>
    %add3A_144 = arith.constant 20 : i32
    %add3A_145 = vector.broadcast %add3A_144 : i32 to vector<16xi32>
    %add3A_146 = arith.addi %add3A_145, %select_n3A : vector<16xi32>
    %eq3A_147 = arith.constant 0 : i32
    %eq3A_148 = vector.broadcast %eq3A_147 : i32 to vector<16xi32>
    %eq3A_149 = arith.cmpi eq, %select_n3A_43, %eq3A_148 : vector<16xi32>
    %mul3A_150 = arith.constant 3 : i32
    %mul3A_151 = vector.broadcast %mul3A_150 : i32 to vector<16xi32>
    %mul3A_152 = arith.muli %mul3A_151, %add3A_146 : vector<16xi32>
    %add3A_153 = arith.constant 64 : i32
    %add3A_154 = vector.broadcast %add3A_153 : i32 to vector<16xi32>
    %add3A_155 = arith.addi %add3A_154, %mul3A_152 : vector<16xi32>
    %add3A_156 = arith.addi %add3A_155, %select_n3A_43 : vector<16xi32>
    %sub3A_157 = arith.constant 1 : i32
    %sub3A_158 = vector.broadcast %sub3A_157 : i32 to vector<16xi32>
    %sub3A_159 = arith.subi %add3A_156, %sub3A_158 : vector<16xi32>
    %select_n3A_160 = arith.select %eq3A_149, %add3A_146, %sub3A_159 : vector<16xi1>, vector<16xi32>
    %mul3A_161 = arith.constant 69 : i32
    %mul3A_162 = vector.broadcast %mul3A_161 : i32 to vector<16xi32>
    %mul3A_163 = arith.muli %select_n3A_160, %mul3A_162 : vector<16xi32>
    %add3A_164 = arith.constant 24 : i32
    %add3A_165 = vector.broadcast %add3A_164 : i32 to vector<16xi32>
    %add3A_166 = arith.addi %add3A_165, %select_n3A : vector<16xi32>
    %eq3A_167 = arith.constant 0 : i32
    %eq3A_168 = vector.broadcast %eq3A_167 : i32 to vector<16xi32>
    %eq3A_169 = arith.cmpi eq, %select_n3A_43, %eq3A_168 : vector<16xi32>
    %mul3A_170 = arith.constant 3 : i32
    %mul3A_171 = vector.broadcast %mul3A_170 : i32 to vector<16xi32>
    %mul3A_172 = arith.muli %mul3A_171, %add3A_166 : vector<16xi32>
    %add3A_173 = arith.constant 64 : i32
    %add3A_174 = vector.broadcast %add3A_173 : i32 to vector<16xi32>
    %add3A_175 = arith.addi %add3A_174, %mul3A_172 : vector<16xi32>
    %add3A_176 = arith.addi %add3A_175, %select_n3A_43 : vector<16xi32>
    %sub3A_177 = arith.constant 1 : i32
    %sub3A_178 = vector.broadcast %sub3A_177 : i32 to vector<16xi32>
    %sub3A_179 = arith.subi %add3A_176, %sub3A_178 : vector<16xi32>
    %select_n3A_180 = arith.select %eq3A_169, %add3A_166, %sub3A_179 : vector<16xi1>, vector<16xi32>
    %mul3A_181 = arith.constant 69 : i32
    %mul3A_182 = vector.broadcast %mul3A_181 : i32 to vector<16xi32>
    %mul3A_183 = arith.muli %select_n3A_180, %mul3A_182 : vector<16xi32>
    %add3A_184 = arith.constant 28 : i32
    %add3A_185 = vector.broadcast %add3A_184 : i32 to vector<16xi32>
    %add3A_186 = arith.addi %add3A_185, %select_n3A : vector<16xi32>
    %eq3A_187 = arith.constant 0 : i32
    %eq3A_188 = vector.broadcast %eq3A_187 : i32 to vector<16xi32>
    %eq3A_189 = arith.cmpi eq, %select_n3A_43, %eq3A_188 : vector<16xi32>
    %mul3A_190 = arith.constant 3 : i32
    %mul3A_191 = vector.broadcast %mul3A_190 : i32 to vector<16xi32>
    %mul3A_192 = arith.muli %mul3A_191, %add3A_186 : vector<16xi32>
    %add3A_193 = arith.constant 64 : i32
    %add3A_194 = vector.broadcast %add3A_193 : i32 to vector<16xi32>
    %add3A_195 = arith.addi %add3A_194, %mul3A_192 : vector<16xi32>
    %add3A_196 = arith.addi %add3A_195, %select_n3A_43 : vector<16xi32>
    %sub3A_197 = arith.constant 1 : i32
    %sub3A_198 = vector.broadcast %sub3A_197 : i32 to vector<16xi32>
    %sub3A_199 = arith.subi %add3A_196, %sub3A_198 : vector<16xi32>
    %select_n3A_200 = arith.select %eq3A_189, %add3A_186, %sub3A_199 : vector<16xi1>, vector<16xi32>
    %mul3A_201 = arith.constant 69 : i32
    %mul3A_202 = vector.broadcast %mul3A_201 : i32 to vector<16xi32>
    %mul3A_203 = arith.muli %select_n3A_200, %mul3A_202 : vector<16xi32>
    %add3A_204 = arith.constant 32 : i32
    %add3A_205 = vector.broadcast %add3A_204 : i32 to vector<16xi32>
    %add3A_206 = arith.addi %add3A_205, %select_n3A : vector<16xi32>
    %eq3A_207 = arith.constant 0 : i32
    %eq3A_208 = vector.broadcast %eq3A_207 : i32 to vector<16xi32>
    %eq3A_209 = arith.cmpi eq, %select_n3A_43, %eq3A_208 : vector<16xi32>
    %mul3A_210 = arith.constant 3 : i32
    %mul3A_211 = vector.broadcast %mul3A_210 : i32 to vector<16xi32>
    %mul3A_212 = arith.muli %mul3A_211, %add3A_206 : vector<16xi32>
    %add3A_213 = arith.constant 64 : i32
    %add3A_214 = vector.broadcast %add3A_213 : i32 to vector<16xi32>
    %add3A_215 = arith.addi %add3A_214, %mul3A_212 : vector<16xi32>
    %add3A_216 = arith.addi %add3A_215, %select_n3A_43 : vector<16xi32>
    %sub3A_217 = arith.constant 1 : i32
    %sub3A_218 = vector.broadcast %sub3A_217 : i32 to vector<16xi32>
    %sub3A_219 = arith.subi %add3A_216, %sub3A_218 : vector<16xi32>
    %select_n3A_220 = arith.select %eq3A_209, %add3A_206, %sub3A_219 : vector<16xi1>, vector<16xi32>
    %mul3A_221 = arith.constant 69 : i32
    %mul3A_222 = vector.broadcast %mul3A_221 : i32 to vector<16xi32>
    %mul3A_223 = arith.muli %select_n3A_220, %mul3A_222 : vector<16xi32>
    %add3A_224 = arith.constant 36 : i32
    %add3A_225 = vector.broadcast %add3A_224 : i32 to vector<16xi32>
    %add3A_226 = arith.addi %add3A_225, %select_n3A : vector<16xi32>
    %eq3A_227 = arith.constant 0 : i32
    %eq3A_228 = vector.broadcast %eq3A_227 : i32 to vector<16xi32>
    %eq3A_229 = arith.cmpi eq, %select_n3A_43, %eq3A_228 : vector<16xi32>
    %mul3A_230 = arith.constant 3 : i32
    %mul3A_231 = vector.broadcast %mul3A_230 : i32 to vector<16xi32>
    %mul3A_232 = arith.muli %mul3A_231, %add3A_226 : vector<16xi32>
    %add3A_233 = arith.constant 64 : i32
    %add3A_234 = vector.broadcast %add3A_233 : i32 to vector<16xi32>
    %add3A_235 = arith.addi %add3A_234, %mul3A_232 : vector<16xi32>
    %add3A_236 = arith.addi %add3A_235, %select_n3A_43 : vector<16xi32>
    %sub3A_237 = arith.constant 1 : i32
    %sub3A_238 = vector.broadcast %sub3A_237 : i32 to vector<16xi32>
    %sub3A_239 = arith.subi %add3A_236, %sub3A_238 : vector<16xi32>
    %select_n3A_240 = arith.select %eq3A_229, %add3A_226, %sub3A_239 : vector<16xi1>, vector<16xi32>
    %mul3A_241 = arith.constant 69 : i32
    %mul3A_242 = vector.broadcast %mul3A_241 : i32 to vector<16xi32>
    %mul3A_243 = arith.muli %select_n3A_240, %mul3A_242 : vector<16xi32>
    %add3A_244 = arith.constant 40 : i32
    %add3A_245 = vector.broadcast %add3A_244 : i32 to vector<16xi32>
    %add3A_246 = arith.addi %add3A_245, %select_n3A : vector<16xi32>
    %eq3A_247 = arith.constant 0 : i32
    %eq3A_248 = vector.broadcast %eq3A_247 : i32 to vector<16xi32>
    %eq3A_249 = arith.cmpi eq, %select_n3A_43, %eq3A_248 : vector<16xi32>
    %mul3A_250 = arith.constant 3 : i32
    %mul3A_251 = vector.broadcast %mul3A_250 : i32 to vector<16xi32>
    %mul3A_252 = arith.muli %mul3A_251, %add3A_246 : vector<16xi32>
    %add3A_253 = arith.constant 64 : i32
    %add3A_254 = vector.broadcast %add3A_253 : i32 to vector<16xi32>
    %add3A_255 = arith.addi %add3A_254, %mul3A_252 : vector<16xi32>
    %add3A_256 = arith.addi %add3A_255, %select_n3A_43 : vector<16xi32>
    %sub3A_257 = arith.constant 1 : i32
    %sub3A_258 = vector.broadcast %sub3A_257 : i32 to vector<16xi32>
    %sub3A_259 = arith.subi %add3A_256, %sub3A_258 : vector<16xi32>
    %select_n3A_260 = arith.select %eq3A_249, %add3A_246, %sub3A_259 : vector<16xi1>, vector<16xi32>
    %mul3A_261 = arith.constant 69 : i32
    %mul3A_262 = vector.broadcast %mul3A_261 : i32 to vector<16xi32>
    %mul3A_263 = arith.muli %select_n3A_260, %mul3A_262 : vector<16xi32>
    %add3A_264 = arith.constant 44 : i32
    %add3A_265 = vector.broadcast %add3A_264 : i32 to vector<16xi32>
    %add3A_266 = arith.addi %add3A_265, %select_n3A : vector<16xi32>
    %eq3A_267 = arith.constant 0 : i32
    %eq3A_268 = vector.broadcast %eq3A_267 : i32 to vector<16xi32>
    %eq3A_269 = arith.cmpi eq, %select_n3A_43, %eq3A_268 : vector<16xi32>
    %mul3A_270 = arith.constant 3 : i32
    %mul3A_271 = vector.broadcast %mul3A_270 : i32 to vector<16xi32>
    %mul3A_272 = arith.muli %mul3A_271, %add3A_266 : vector<16xi32>
    %add3A_273 = arith.constant 64 : i32
    %add3A_274 = vector.broadcast %add3A_273 : i32 to vector<16xi32>
    %add3A_275 = arith.addi %add3A_274, %mul3A_272 : vector<16xi32>
    %add3A_276 = arith.addi %add3A_275, %select_n3A_43 : vector<16xi32>
    %sub3A_277 = arith.constant 1 : i32
    %sub3A_278 = vector.broadcast %sub3A_277 : i32 to vector<16xi32>
    %sub3A_279 = arith.subi %add3A_276, %sub3A_278 : vector<16xi32>
    %select_n3A_280 = arith.select %eq3A_269, %add3A_266, %sub3A_279 : vector<16xi1>, vector<16xi32>
    %mul3A_281 = arith.constant 69 : i32
    %mul3A_282 = vector.broadcast %mul3A_281 : i32 to vector<16xi32>
    %mul3A_283 = arith.muli %select_n3A_280, %mul3A_282 : vector<16xi32>
    %add3A_284 = arith.constant 48 : i32
    %add3A_285 = vector.broadcast %add3A_284 : i32 to vector<16xi32>
    %add3A_286 = arith.addi %add3A_285, %select_n3A : vector<16xi32>
    %eq3A_287 = arith.constant 0 : i32
    %eq3A_288 = vector.broadcast %eq3A_287 : i32 to vector<16xi32>
    %eq3A_289 = arith.cmpi eq, %select_n3A_43, %eq3A_288 : vector<16xi32>
    %mul3A_290 = arith.constant 3 : i32
    %mul3A_291 = vector.broadcast %mul3A_290 : i32 to vector<16xi32>
    %mul3A_292 = arith.muli %mul3A_291, %add3A_286 : vector<16xi32>
    %add3A_293 = arith.constant 64 : i32
    %add3A_294 = vector.broadcast %add3A_293 : i32 to vector<16xi32>
    %add3A_295 = arith.addi %add3A_294, %mul3A_292 : vector<16xi32>
    %add3A_296 = arith.addi %add3A_295, %select_n3A_43 : vector<16xi32>
    %sub3A_297 = arith.constant 1 : i32
    %sub3A_298 = vector.broadcast %sub3A_297 : i32 to vector<16xi32>
    %sub3A_299 = arith.subi %add3A_296, %sub3A_298 : vector<16xi32>
    %select_n3A_300 = arith.select %eq3A_289, %add3A_286, %sub3A_299 : vector<16xi1>, vector<16xi32>
    %mul3A_301 = arith.constant 69 : i32
    %mul3A_302 = vector.broadcast %mul3A_301 : i32 to vector<16xi32>
    %mul3A_303 = arith.muli %select_n3A_300, %mul3A_302 : vector<16xi32>
    %add3A_304 = arith.constant 52 : i32
    %add3A_305 = vector.broadcast %add3A_304 : i32 to vector<16xi32>
    %add3A_306 = arith.addi %add3A_305, %select_n3A : vector<16xi32>
    %eq3A_307 = arith.constant 0 : i32
    %eq3A_308 = vector.broadcast %eq3A_307 : i32 to vector<16xi32>
    %eq3A_309 = arith.cmpi eq, %select_n3A_43, %eq3A_308 : vector<16xi32>
    %mul3A_310 = arith.constant 3 : i32
    %mul3A_311 = vector.broadcast %mul3A_310 : i32 to vector<16xi32>
    %mul3A_312 = arith.muli %mul3A_311, %add3A_306 : vector<16xi32>
    %add3A_313 = arith.constant 64 : i32
    %add3A_314 = vector.broadcast %add3A_313 : i32 to vector<16xi32>
    %add3A_315 = arith.addi %add3A_314, %mul3A_312 : vector<16xi32>
    %add3A_316 = arith.addi %add3A_315, %select_n3A_43 : vector<16xi32>
    %sub3A_317 = arith.constant 1 : i32
    %sub3A_318 = vector.broadcast %sub3A_317 : i32 to vector<16xi32>
    %sub3A_319 = arith.subi %add3A_316, %sub3A_318 : vector<16xi32>
    %select_n3A_320 = arith.select %eq3A_309, %add3A_306, %sub3A_319 : vector<16xi1>, vector<16xi32>
    %mul3A_321 = arith.constant 69 : i32
    %mul3A_322 = vector.broadcast %mul3A_321 : i32 to vector<16xi32>
    %mul3A_323 = arith.muli %select_n3A_320, %mul3A_322 : vector<16xi32>
    %add3A_324 = arith.constant 56 : i32
    %add3A_325 = vector.broadcast %add3A_324 : i32 to vector<16xi32>
    %add3A_326 = arith.addi %add3A_325, %select_n3A : vector<16xi32>
    %eq3A_327 = arith.constant 0 : i32
    %eq3A_328 = vector.broadcast %eq3A_327 : i32 to vector<16xi32>
    %eq3A_329 = arith.cmpi eq, %select_n3A_43, %eq3A_328 : vector<16xi32>
    %mul3A_330 = arith.constant 3 : i32
    %mul3A_331 = vector.broadcast %mul3A_330 : i32 to vector<16xi32>
    %mul3A_332 = arith.muli %mul3A_331, %add3A_326 : vector<16xi32>
    %add3A_333 = arith.constant 64 : i32
    %add3A_334 = vector.broadcast %add3A_333 : i32 to vector<16xi32>
    %add3A_335 = arith.addi %add3A_334, %mul3A_332 : vector<16xi32>
    %add3A_336 = arith.addi %add3A_335, %select_n3A_43 : vector<16xi32>
    %sub3A_337 = arith.constant 1 : i32
    %sub3A_338 = vector.broadcast %sub3A_337 : i32 to vector<16xi32>
    %sub3A_339 = arith.subi %add3A_336, %sub3A_338 : vector<16xi32>
    %select_n3A_340 = arith.select %eq3A_329, %add3A_326, %sub3A_339 : vector<16xi1>, vector<16xi32>
    %mul3A_341 = arith.constant 69 : i32
    %mul3A_342 = vector.broadcast %mul3A_341 : i32 to vector<16xi32>
    %mul3A_343 = arith.muli %select_n3A_340, %mul3A_342 : vector<16xi32>
    %add3A_344 = arith.constant 60 : i32
    %add3A_345 = vector.broadcast %add3A_344 : i32 to vector<16xi32>
    %add3A_346 = arith.addi %add3A_345, %select_n3A : vector<16xi32>
    %eq3A_347 = arith.constant 0 : i32
    %eq3A_348 = vector.broadcast %eq3A_347 : i32 to vector<16xi32>
    %eq3A_349 = arith.cmpi eq, %select_n3A_43, %eq3A_348 : vector<16xi32>
    %mul3A_350 = arith.constant 3 : i32
    %mul3A_351 = vector.broadcast %mul3A_350 : i32 to vector<16xi32>
    %mul3A_352 = arith.muli %mul3A_351, %add3A_346 : vector<16xi32>
    %add3A_353 = arith.constant 64 : i32
    %add3A_354 = vector.broadcast %add3A_353 : i32 to vector<16xi32>
    %add3A_355 = arith.addi %add3A_354, %mul3A_352 : vector<16xi32>
    %add3A_356 = arith.addi %add3A_355, %select_n3A_43 : vector<16xi32>
    %sub3A_357 = arith.constant 1 : i32
    %sub3A_358 = vector.broadcast %sub3A_357 : i32 to vector<16xi32>
    %sub3A_359 = arith.subi %add3A_356, %sub3A_358 : vector<16xi32>
    %select_n3A_360 = arith.select %eq3A_349, %add3A_346, %sub3A_359 : vector<16xi1>, vector<16xi32>
    %mul3A_361 = arith.constant 69 : i32
    %mul3A_362 = vector.broadcast %mul3A_361 : i32 to vector<16xi32>
    %mul3A_363 = arith.muli %select_n3A_360, %mul3A_362 : vector<16xi32>
    %mul3A_364 = arith.constant 4 : i32
    %mul3A_365 = arith.muli %add3A, %mul3A_364 : i32
    %add3A_366 = arith.constant 0 : i32
    %add3A_367 = arith.addi %mul3A_365, %add3A_366 : i32
    %mul3A_368 = arith.constant 256 : i32
    %mul3A_369 = arith.muli %add3A_367, %mul3A_368 : i32
    %add3A_370 = arith.constant 0 : i32
    %add3A_371 = arith.addi %add3A_370, %mul3A_369 : i32
    %add3A_372 = arith.constant 0 : i32
    %add3A_373 = arith.addi %add3A_371, %add3A_372 : i32
    %multiple_of3A = tpu.assume_multiple %add3A_373, 128 : i32
    %dma_start3A = arith.constant 0 : i32
    %dma_start3A_374 = tpu.memref_slice %arg2[%multiple_of3A, %dma_start3A] : memref<98304x128xf32, #tpu.memory_space<hbm>> -> memref<128x128xf32, #tpu.memory_space<hbm>>
    %dma_start3A_375 = arith.constant 0 : i32
    %dma_start3A_376 = tpu.memref_slice %arg2[%multiple_of3A, %dma_start3A_375] : memref<98304x128xf32, #tpu.memory_space<hbm>> -> memref<128x128xf32, #tpu.memory_space<hbm>>
    tpu.enqueue_dma source(%dma_start3A_376 : memref<128x128xf32, #tpu.memory_space<hbm>>) target(%arg5 : memref<128x128xf32, #tpu.memory_space<vmem>>) target_semaphore(%arg10 : memref<!tpu.dma_semaphore, #tpu.memory_space<semaphore_mem>>)
    %scan3A = arith.constant 0 : i32
    %scan3A_377 = arith.constant 12 : i32
    %scan3A_378 = arith.addi %scan3A, %scan3A_377 : i32
    %scan3A_379 = arith.constant 1 : i32
    scf.for %scan3A_408 = %scan3A to %scan3A_378 step %scan3A_379  : i32 {
      %dma_wait3A_409 = arith.constant 0 : i32
      %dma_wait3A_410 = arith.constant 0 : i32
      %dma_wait3A_411 = tpu.memref_slice %arg2[%dma_wait3A_409, %dma_wait3A_410] : memref<98304x128xf32, #tpu.memory_space<hbm>> -> memref<128x128xf32, #tpu.memory_space<hbm>>
      %dma_wait3A_412 = arith.constant 0 : i32
      %dma_wait3A_413 = arith.constant 0 : i32
      %dma_wait3A_414 = tpu.memref_slice %arg2[%dma_wait3A_412, %dma_wait3A_413] : memref<98304x128xf32, #tpu.memory_space<hbm>> -> memref<128x128xf32, #tpu.memory_space<hbm>>
      tpu.wait_dma2 semaphore(%arg10 : memref<!tpu.dma_semaphore, #tpu.memory_space<semaphore_mem>>) src(%dma_wait3A_414 : memref<128x128xf32, #tpu.memory_space<hbm>>) dst(%arg5 : memref<128x128xf32, #tpu.memory_space<vmem>>)
      %jit3A_415 = arith.constant 3 : i32
      %div3A_416 = arith.divsi %scan3A_408, %jit3A_415 : i32
      %sign3A_417 = arith.constant 0 : i32
      %sign3A_418 = arith.cmpi sgt, %scan3A_408, %sign3A_417 : i32
      %sign3A_419 = arith.extui %sign3A_418 : i1 to i32
      %sign3A_420 = arith.constant 0 : i32
      %sign3A_421 = arith.cmpi slt, %scan3A_408, %sign3A_420 : i32
      %sign3A_422 = arith.extui %sign3A_421 : i1 to i32
      %sign3A_423 = arith.subi %sign3A_419, %sign3A_422 : i32
      %sign3A_424 = arith.constant 0 : i32
      %sign3A_425 = arith.cmpi sgt, %jit3A_415, %sign3A_424 : i32
      %sign3A_426 = arith.extui %sign3A_425 : i1 to i32
      %sign3A_427 = arith.constant 0 : i32
      %sign3A_428 = arith.cmpi slt, %jit3A_415, %sign3A_427 : i32
      %sign3A_429 = arith.extui %sign3A_428 : i1 to i32
      %sign3A_430 = arith.subi %sign3A_426, %sign3A_429 : i32
      %ne3A_431 = arith.cmpi ne, %sign3A_423, %sign3A_430 : i32
      %rem3A_432 = arith.remsi %scan3A_408, %jit3A_415 : i32
      %ne3A_433 = arith.constant 0 : i32
      %ne3A_434 = arith.cmpi ne, %rem3A_432, %ne3A_433 : i32
      %and3A_435 = arith.andi %ne3A_431, %ne3A_434 : i1
      %sub3A_436 = arith.constant 1 : i32
      %sub3A_437 = arith.subi %div3A_416, %sub3A_436 : i32
      %select_n3A_438 = arith.select %and3A_435, %sub3A_437, %div3A_416 : i32
      %mul3A_439 = arith.constant 3 : i32
      %mul3A_440 = arith.muli %select_n3A_438, %mul3A_439 : i32
      %sub3A_441 = arith.subi %scan3A_408, %mul3A_440 : i32
      %mul3A_442 = arith.constant 4 : i32
      %mul3A_443 = arith.muli %add3A, %mul3A_442 : i32
      %add3A_444 = arith.addi %mul3A_443, %select_n3A_438 : i32
      %mul3A_445 = arith.constant 32768 : i32
      %mul3A_446 = arith.muli %sub3A_441, %mul3A_445 : i32
      %mul3A_447 = arith.constant 256 : i32
      %mul3A_448 = arith.muli %add3A_444, %mul3A_447 : i32
      %add3A_449 = arith.addi %mul3A_446, %mul3A_448 : i32
      %add3A_450 = arith.constant 128 : i32
      %add3A_451 = arith.addi %add3A_449, %add3A_450 : i32
      %multiple_of3A_452 = tpu.assume_multiple %add3A_451, 128 : i32
      %dma_start3A_453 = arith.constant 0 : i32
      %dma_start3A_454 = tpu.memref_slice %arg2[%multiple_of3A_452, %dma_start3A_453] : memref<98304x128xf32, #tpu.memory_space<hbm>> -> memref<128x128xf32, #tpu.memory_space<hbm>>
      %dma_start3A_455 = arith.constant 0 : i32
      %dma_start3A_456 = tpu.memref_slice %arg2[%multiple_of3A_452, %dma_start3A_455] : memref<98304x128xf32, #tpu.memory_space<hbm>> -> memref<128x128xf32, #tpu.memory_space<hbm>>
      tpu.enqueue_dma source(%dma_start3A_456 : memref<128x128xf32, #tpu.memory_space<hbm>>) target(%arg6 : memref<128x128xf32, #tpu.memory_space<vmem>>) target_semaphore(%arg11 : memref<!tpu.dma_semaphore, #tpu.memory_space<semaphore_mem>>)
      %gt3A = arith.constant 0 : i32
      %gt3A_457 = arith.cmpi sgt, %scan3A_408, %gt3A : i32
      %convert_element_type3A = arith.extui %gt3A_457 : i1 to i32
      %cond3A = arith.constant 0 : i32
      %cond3A_458 = arith.cmpi ne, %convert_element_type3A, %cond3A : i32
      scf.if %cond3A_458 {
        %dma_wait3A_577 = arith.constant 0 : i32
        %dma_wait3A_578 = arith.constant 0 : i32
        %dma_wait3A_579 = arith.constant 0 : i32
        %dma_wait3A_580 = arith.constant 0 : i32
        %dma_wait3A_581 = tpu.memref_slice %arg3[%dma_wait3A_578, %dma_wait3A_577, %dma_wait3A_579, %dma_wait3A_580] : memref<24x128x8x128xf32, #tpu.memory_space<hbm>> -> memref<8x1x8x128xf32, #tpu.memory_space<hbm>>
        %dma_wait3A_582 = tpu.memref_squeeze %dma_wait3A_581 : memref<8x1x8x128xf32, #tpu.memory_space<hbm>> -> memref<8x8x128xf32, #tpu.memory_space<hbm>>
        %dma_wait3A_583 = arith.constant 0 : i32
        %dma_wait3A_584 = arith.constant 0 : i32
        %dma_wait3A_585 = arith.constant 0 : i32
        %dma_wait3A_586 = tpu.memref_slice %arg3[%dma_wait3A_583, %dma_wait3A_577, %dma_wait3A_584, %dma_wait3A_585] : memref<24x128x8x128xf32, #tpu.memory_space<hbm>> -> memref<8x1x8x128xf32, #tpu.memory_space<hbm>>
        %dma_wait3A_587 = tpu.memref_squeeze %dma_wait3A_586 : memref<8x1x8x128xf32, #tpu.memory_space<hbm>> -> memref<8x8x128xf32, #tpu.memory_space<hbm>>
        tpu.wait_dma2 semaphore(%arg12 : memref<!tpu.dma_semaphore, #tpu.memory_space<semaphore_mem>>) src(%arg8 : memref<8x8x128xf32, #tpu.memory_space<vmem>>) dst(%dma_wait3A_587 : memref<8x8x128xf32, #tpu.memory_space<hbm>>)
        %dma_wait3A_588 = arith.constant 0 : i32
        %dma_wait3A_589 = arith.constant 0 : i32
        %dma_wait3A_590 = arith.constant 0 : i32
        %dma_wait3A_591 = arith.constant 0 : i32
        %dma_wait3A_592 = tpu.memref_slice %arg4[%dma_wait3A_589, %dma_wait3A_588, %dma_wait3A_590, %dma_wait3A_591] : memref<72x128x8x128xf32, #tpu.memory_space<hbm>> -> memref<24x1x8x128xf32, #tpu.memory_space<hbm>>
        %dma_wait3A_593 = tpu.memref_squeeze %dma_wait3A_592 : memref<24x1x8x128xf32, #tpu.memory_space<hbm>> -> memref<24x8x128xf32, #tpu.memory_space<hbm>>
        %dma_wait3A_594 = arith.constant 0 : i32
        %dma_wait3A_595 = arith.constant 0 : i32
        %dma_wait3A_596 = arith.constant 0 : i32
        %dma_wait3A_597 = tpu.memref_slice %arg4[%dma_wait3A_594, %dma_wait3A_588, %dma_wait3A_595, %dma_wait3A_596] : memref<72x128x8x128xf32, #tpu.memory_space<hbm>> -> memref<24x1x8x128xf32, #tpu.memory_space<hbm>>
        %dma_wait3A_598 = tpu.memref_squeeze %dma_wait3A_597 : memref<24x1x8x128xf32, #tpu.memory_space<hbm>> -> memref<24x8x128xf32, #tpu.memory_space<hbm>>
        tpu.wait_dma2 semaphore(%arg13 : memref<!tpu.dma_semaphore, #tpu.memory_space<semaphore_mem>>) src(%arg9 : memref<24x8x128xf32, #tpu.memory_space<vmem>>) dst(%dma_wait3A_598 : memref<24x8x128xf32, #tpu.memory_space<hbm>>)
      } else {
      }
      %parallel_loop3A = arith.constant 0 : i32
      %parallel_loop3A_459 = arith.constant 64 : i32
      %parallel_loop3A_460 = arith.constant 1 : i32
      scf.for %parallel_loop3A_577 = %parallel_loop3A to %parallel_loop3A_459 step %parallel_loop3A_460  : i32 {
        %parallel_loop3A_578 = arith.constant 8 : i32
        %parallel_loop3A_579 = arith.divsi %parallel_loop3A_577, %parallel_loop3A_578 : i32
        %parallel_loop3A_580 = arith.constant 0 : i32
        %parallel_loop3A_581 = arith.cmpi sgt, %parallel_loop3A_577, %parallel_loop3A_580 : i32
        %parallel_loop3A_582 = arith.extui %parallel_loop3A_581 : i1 to i32
        %parallel_loop3A_583 = arith.constant 0 : i32
        %parallel_loop3A_584 = arith.cmpi slt, %parallel_loop3A_577, %parallel_loop3A_583 : i32
        %parallel_loop3A_585 = arith.extui %parallel_loop3A_584 : i1 to i32
        %parallel_loop3A_586 = arith.subi %parallel_loop3A_582, %parallel_loop3A_585 : i32
        %parallel_loop3A_587 = arith.constant 0 : i32
        %parallel_loop3A_588 = arith.cmpi sgt, %parallel_loop3A_578, %parallel_loop3A_587 : i32
        %parallel_loop3A_589 = arith.extui %parallel_loop3A_588 : i1 to i32
        %parallel_loop3A_590 = arith.constant 0 : i32
        %parallel_loop3A_591 = arith.cmpi slt, %parallel_loop3A_578, %parallel_loop3A_590 : i32
        %parallel_loop3A_592 = arith.extui %parallel_loop3A_591 : i1 to i32
        %parallel_loop3A_593 = arith.subi %parallel_loop3A_589, %parallel_loop3A_592 : i32
        %parallel_loop3A_594 = arith.cmpi ne, %parallel_loop3A_586, %parallel_loop3A_593 : i32
        %parallel_loop3A_595 = arith.remsi %parallel_loop3A_577, %parallel_loop3A_578 : i32
        %parallel_loop3A_596 = arith.constant 0 : i32
        %parallel_loop3A_597 = arith.cmpi ne, %parallel_loop3A_595, %parallel_loop3A_596 : i32
        %parallel_loop3A_598 = arith.andi %parallel_loop3A_594, %parallel_loop3A_597 : i1
        %parallel_loop3A_599 = arith.constant 1 : i32
        %parallel_loop3A_600 = arith.subi %parallel_loop3A_579, %parallel_loop3A_599 : i32
        %parallel_loop3A_601 = arith.select %parallel_loop3A_598, %parallel_loop3A_600, %parallel_loop3A_579 : i32
        %parallel_loop3A_602 = arith.constant 16 : i32
        %parallel_loop3A_603 = arith.muli %parallel_loop3A_601, %parallel_loop3A_602 : i32
        %parallel_loop3A_604 = arith.constant 8 : i32
        %parallel_loop3A_605 = arith.constant 0 : i32
        %parallel_loop3A_606 = arith.cmpi eq, %parallel_loop3A_604, %parallel_loop3A_605 : i32
        %parallel_loop3A_607 = arith.constant 1 : i32
        %parallel_loop3A_608 = arith.select %parallel_loop3A_606, %parallel_loop3A_607, %parallel_loop3A_604 : i32
        %parallel_loop3A_609 = arith.remsi %parallel_loop3A_577, %parallel_loop3A_608 : i32
        %parallel_loop3A_610 = arith.constant 0 : i32
        %parallel_loop3A_611 = arith.cmpi ne, %parallel_loop3A_609, %parallel_loop3A_610 : i32
        %parallel_loop3A_612 = arith.constant 0 : i32
        %parallel_loop3A_613 = arith.cmpi slt, %parallel_loop3A_609, %parallel_loop3A_612 : i32
        %parallel_loop3A_614 = arith.constant 0 : i32
        %parallel_loop3A_615 = arith.cmpi slt, %parallel_loop3A_608, %parallel_loop3A_614 : i32
        %parallel_loop3A_616 = arith.xori %parallel_loop3A_613, %parallel_loop3A_615 : i1
        %parallel_loop3A_617 = arith.andi %parallel_loop3A_616, %parallel_loop3A_611 : i1
        %parallel_loop3A_618 = arith.addi %parallel_loop3A_609, %parallel_loop3A_608 : i32
        %parallel_loop3A_619 = arith.select %parallel_loop3A_617, %parallel_loop3A_618, %parallel_loop3A_609 : i32
        %parallel_loop3A_620 = arith.addi %parallel_loop3A_603, %parallel_loop3A_619 : i32
        %parallel_loop3A_621 = arith.constant 0 : i32
        %parallel_loop3A_622 = arith.addi %parallel_loop3A_620, %parallel_loop3A_621 : i32
        %parallel_loop3A_623 = arith.index_cast %parallel_loop3A_622 : i32 to index
        %parallel_loop3A_624 = arith.constant 0 : index
        %parallel_loop3A_625 = tpu.vector_load %arg5[%parallel_loop3A_623, %parallel_loop3A_624] {strides = array<i32>} : memref<128x128xf32, #tpu.memory_space<vmem>>, vector<16xf32>,
        %parallel_loop3A_626 = vector.broadcast %parallel_loop3A_577 : i32 to vector<16xi32>
        %parallel_loop3A_627 = arith.addi %mul3A_63, %parallel_loop3A_626 : vector<16xi32>
        tpu.vector_store_idx %arg7[%parallel_loop3A_627], %parallel_loop3A_625 : memref<17664xf32, #tpu.memory_space<vmem>>[vector<16xi32>], vector<16xf32>,
        %parallel_loop3A_628 = arith.constant 0 : i32
        %parallel_loop3A_629 = arith.addi %parallel_loop3A_620, %parallel_loop3A_628 : i32
        %parallel_loop3A_630 = arith.index_cast %parallel_loop3A_629 : i32 to index
        %parallel_loop3A_631 = arith.constant 16 : index
        %parallel_loop3A_632 = tpu.vector_load %arg5[%parallel_loop3A_630, %parallel_loop3A_631] {strides = array<i32>} : memref<128x128xf32, #tpu.memory_space<vmem>>, vector<16xf32>,
        %parallel_loop3A_633 = vector.broadcast %parallel_loop3A_577 : i32 to vector<16xi32>
        %parallel_loop3A_634 = arith.addi %mul3A_83, %parallel_loop3A_633 : vector<16xi32>
        tpu.vector_store_idx %arg7[%parallel_loop3A_634], %parallel_loop3A_632 : memref<17664xf32, #tpu.memory_space<vmem>>[vector<16xi32>], vector<16xf32>,
        %parallel_loop3A_635 = arith.constant 0 : i32
        %parallel_loop3A_636 = arith.addi %parallel_loop3A_620, %parallel_loop3A_635 : i32
        %parallel_loop3A_637 = arith.index_cast %parallel_loop3A_636 : i32 to index
        %parallel_loop3A_638 = arith.constant 32 : index
        %parallel_loop3A_639 = tpu.vector_load %arg5[%parallel_loop3A_637, %parallel_loop3A_638] {strides = array<i32>} : memref<128x128xf32, #tpu.memory_space<vmem>>, vector<16xf32>,
        %parallel_loop3A_640 = vector.broadcast %parallel_loop3A_577 : i32 to vector<16xi32>
        %parallel_loop3A_641 = arith.addi %mul3A_103, %parallel_loop3A_640 : vector<16xi32>
        tpu.vector_store_idx %arg7[%parallel_loop3A_641], %parallel_loop3A_639 : memref<17664xf32, #tpu.memory_space<vmem>>[vector<16xi32>], vector<16xf32>,
        %parallel_loop3A_642 = arith.constant 0 : i32
        %parallel_loop3A_643 = arith.addi %parallel_loop3A_620, %parallel_loop3A_642 : i32
        %parallel_loop3A_644 = arith.index_cast %parallel_loop3A_643 : i32 to index
        %parallel_loop3A_645 = arith.constant 48 : index
        %parallel_loop3A_646 = tpu.vector_load %arg5[%parallel_loop3A_644, %parallel_loop3A_645] {strides = array<i32>} : memref<128x128xf32, #tpu.memory_space<vmem>>, vector<16xf32>,
        %parallel_loop3A_647 = vector.broadcast %parallel_loop3A_577 : i32 to vector<16xi32>
        %parallel_loop3A_648 = arith.addi %mul3A_123, %parallel_loop3A_647 : vector<16xi32>
        tpu.vector_store_idx %arg7[%parallel_loop3A_648], %parallel_loop3A_646 : memref<17664xf32, #tpu.memory_space<vmem>>[vector<16xi32>], vector<16xf32>,
        %parallel_loop3A_649 = arith.constant 0 : i32
        %parallel_loop3A_650 = arith.addi %parallel_loop3A_620, %parallel_loop3A_649 : i32
        %parallel_loop3A_651 = arith.index_cast %parallel_loop3A_650 : i32 to index
        %parallel_loop3A_652 = arith.constant 64 : index
        %parallel_loop3A_653 = tpu.vector_load %arg5[%parallel_loop3A_651, %parallel_loop3A_652] {strides = array<i32>} : memref<128x128xf32, #tpu.memory_space<vmem>>, vector<16xf32>,
        %parallel_loop3A_654 = vector.broadcast %parallel_loop3A_577 : i32 to vector<16xi32>
        %parallel_loop3A_655 = arith.addi %mul3A_143, %parallel_loop3A_654 : vector<16xi32>
        tpu.vector_store_idx %arg7[%parallel_loop3A_655], %parallel_loop3A_653 : memref<17664xf32, #tpu.memory_space<vmem>>[vector<16xi32>], vector<16xf32>,
        %parallel_loop3A_656 = arith.constant 0 : i32
        %parallel_loop3A_657 = arith.addi %parallel_loop3A_620, %parallel_loop3A_656 : i32
        %parallel_loop3A_658 = arith.index_cast %parallel_loop3A_657 : i32 to index
        %parallel_loop3A_659 = arith.constant 80 : index
        %parallel_loop3A_660 = tpu.vector_load %arg5[%parallel_loop3A_658, %parallel_loop3A_659] {strides = array<i32>} : memref<128x128xf32, #tpu.memory_space<vmem>>, vector<16xf32>,
        %parallel_loop3A_661 = vector.broadcast %parallel_loop3A_577 : i32 to vector<16xi32>
        %parallel_loop3A_662 = arith.addi %mul3A_163, %parallel_loop3A_661 : vector<16xi32>
        tpu.vector_store_idx %arg7[%parallel_loop3A_662], %parallel_loop3A_660 : memref<17664xf32, #tpu.memory_space<vmem>>[vector<16xi32>], vector<16xf32>,
        %parallel_loop3A_663 = arith.constant 0 : i32
        %parallel_loop3A_664 = arith.addi %parallel_loop3A_620, %parallel_loop3A_663 : i32
        %parallel_loop3A_665 = arith.index_cast %parallel_loop3A_664 : i32 to index
        %parallel_loop3A_666 = arith.constant 96 : index
        %parallel_loop3A_667 = tpu.vector_load %arg5[%parallel_loop3A_665, %parallel_loop3A_666] {strides = array<i32>} : memref<128x128xf32, #tpu.memory_space<vmem>>, vector<16xf32>,
        %parallel_loop3A_668 = vector.broadcast %parallel_loop3A_577 : i32 to vector<16xi32>
        %parallel_loop3A_669 = arith.addi %mul3A_183, %parallel_loop3A_668 : vector<16xi32>
        tpu.vector_store_idx %arg7[%parallel_loop3A_669], %parallel_loop3A_667 : memref<17664xf32, #tpu.memory_space<vmem>>[vector<16xi32>], vector<16xf32>,
        %parallel_loop3A_670 = arith.constant 0 : i32
        %parallel_loop3A_671 = arith.addi %parallel_loop3A_620, %parallel_loop3A_670 : i32
        %parallel_loop3A_672 = arith.index_cast %parallel_loop3A_671 : i32 to index
        %parallel_loop3A_673 = arith.constant 112 : index
        %parallel_loop3A_674 = tpu.vector_load %arg5[%parallel_loop3A_672, %parallel_loop3A_673] {strides = array<i32>} : memref<128x128xf32, #tpu.memory_space<vmem>>, vector<16xf32>,
        %parallel_loop3A_675 = vector.broadcast %parallel_loop3A_577 : i32 to vector<16xi32>
        %parallel_loop3A_676 = arith.addi %mul3A_203, %parallel_loop3A_675 : vector<16xi32>
        tpu.vector_store_idx %arg7[%parallel_loop3A_676], %parallel_loop3A_674 : memref<17664xf32, #tpu.memory_space<vmem>>[vector<16xi32>], vector<16xf32>,
        %parallel_loop3A_677 = arith.constant 8 : i32
        %parallel_loop3A_678 = arith.addi %parallel_loop3A_620, %parallel_loop3A_677 : i32
        %parallel_loop3A_679 = arith.index_cast %parallel_loop3A_678 : i32 to index
        %parallel_loop3A_680 = arith.constant 0 : index
        %parallel_loop3A_681 = tpu.vector_load %arg5[%parallel_loop3A_679, %parallel_loop3A_680] {strides = array<i32>} : memref<128x128xf32, #tpu.memory_space<vmem>>, vector<16xf32>,
        %parallel_loop3A_682 = vector.broadcast %parallel_loop3A_577 : i32 to vector<16xi32>
        %parallel_loop3A_683 = arith.addi %mul3A_223, %parallel_loop3A_682 : vector<16xi32>
        tpu.vector_store_idx %arg7[%parallel_loop3A_683], %parallel_loop3A_681 : memref<17664xf32, #tpu.memory_space<vmem>>[vector<16xi32>], vector<16xf32>,
        %parallel_loop3A_684 = arith.constant 8 : i32
        %parallel_loop3A_685 = arith.addi %parallel_loop3A_620, %parallel_loop3A_684 : i32
        %parallel_loop3A_686 = arith.index_cast %parallel_loop3A_685 : i32 to index
        %parallel_loop3A_687 = arith.constant 16 : index
        %parallel_loop3A_688 = tpu.vector_load %arg5[%parallel_loop3A_686, %parallel_loop3A_687] {strides = array<i32>} : memref<128x128xf32, #tpu.memory_space<vmem>>, vector<16xf32>,
        %parallel_loop3A_689 = vector.broadcast %parallel_loop3A_577 : i32 to vector<16xi32>
        %parallel_loop3A_690 = arith.addi %mul3A_243, %parallel_loop3A_689 : vector<16xi32>
        tpu.vector_store_idx %arg7[%parallel_loop3A_690], %parallel_loop3A_688 : memref<17664xf32, #tpu.memory_space<vmem>>[vector<16xi32>], vector<16xf32>,
        %parallel_loop3A_691 = arith.constant 8 : i32
        %parallel_loop3A_692 = arith.addi %parallel_loop3A_620, %parallel_loop3A_691 : i32
        %parallel_loop3A_693 = arith.index_cast %parallel_loop3A_692 : i32 to index
        %parallel_loop3A_694 = arith.constant 32 : index
        %parallel_loop3A_695 = tpu.vector_load %arg5[%parallel_loop3A_693, %parallel_loop3A_694] {strides = array<i32>} : memref<128x128xf32, #tpu.memory_space<vmem>>, vector<16xf32>,
        %parallel_loop3A_696 = vector.broadcast %parallel_loop3A_577 : i32 to vector<16xi32>
        %parallel_loop3A_697 = arith.addi %mul3A_263, %parallel_loop3A_696 : vector<16xi32>
        tpu.vector_store_idx %arg7[%parallel_loop3A_697], %parallel_loop3A_695 : memref<17664xf32, #tpu.memory_space<vmem>>[vector<16xi32>], vector<16xf32>,
        %parallel_loop3A_698 = arith.constant 8 : i32
        %parallel_loop3A_699 = arith.addi %parallel_loop3A_620, %parallel_loop3A_698 : i32
        %parallel_loop3A_700 = arith.index_cast %parallel_loop3A_699 : i32 to index
        %parallel_loop3A_701 = arith.constant 48 : index
        %parallel_loop3A_702 = tpu.vector_load %arg5[%parallel_loop3A_700, %parallel_loop3A_701] {strides = array<i32>} : memref<128x128xf32, #tpu.memory_space<vmem>>, vector<16xf32>,
        %parallel_loop3A_703 = vector.broadcast %parallel_loop3A_577 : i32 to vector<16xi32>
        %parallel_loop3A_704 = arith.addi %mul3A_283, %parallel_loop3A_703 : vector<16xi32>
        tpu.vector_store_idx %arg7[%parallel_loop3A_704], %parallel_loop3A_702 : memref<17664xf32, #tpu.memory_space<vmem>>[vector<16xi32>], vector<16xf32>,
        %parallel_loop3A_705 = arith.constant 8 : i32
        %parallel_loop3A_706 = arith.addi %parallel_loop3A_620, %parallel_loop3A_705 : i32
        %parallel_loop3A_707 = arith.index_cast %parallel_loop3A_706 : i32 to index
        %parallel_loop3A_708 = arith.constant 64 : index
        %parallel_loop3A_709 = tpu.vector_load %arg5[%parallel_loop3A_707, %parallel_loop3A_708] {strides = array<i32>} : memref<128x128xf32, #tpu.memory_space<vmem>>, vector<16xf32>,
        %parallel_loop3A_710 = vector.broadcast %parallel_loop3A_577 : i32 to vector<16xi32>
        %parallel_loop3A_711 = arith.addi %mul3A_303, %parallel_loop3A_710 : vector<16xi32>
        tpu.vector_store_idx %arg7[%parallel_loop3A_711], %parallel_loop3A_709 : memref<17664xf32, #tpu.memory_space<vmem>>[vector<16xi32>], vector<16xf32>,
        %parallel_loop3A_712 = arith.constant 8 : i32
        %parallel_loop3A_713 = arith.addi %parallel_loop3A_620, %parallel_loop3A_712 : i32
        %parallel_loop3A_714 = arith.index_cast %parallel_loop3A_713 : i32 to index
        %parallel_loop3A_715 = arith.constant 80 : index
        %parallel_loop3A_716 = tpu.vector_load %arg5[%parallel_loop3A_714, %parallel_loop3A_715] {strides = array<i32>} : memref<128x128xf32, #tpu.memory_space<vmem>>, vector<16xf32>,
        %parallel_loop3A_717 = vector.broadcast %parallel_loop3A_577 : i32 to vector<16xi32>
        %parallel_loop3A_718 = arith.addi %mul3A_323, %parallel_loop3A_717 : vector<16xi32>
        tpu.vector_store_idx %arg7[%parallel_loop3A_718], %parallel_loop3A_716 : memref<17664xf32, #tpu.memory_space<vmem>>[vector<16xi32>], vector<16xf32>,
        %parallel_loop3A_719 = arith.constant 8 : i32
        %parallel_loop3A_720 = arith.addi %parallel_loop3A_620, %parallel_loop3A_719 : i32
        %parallel_loop3A_721 = arith.index_cast %parallel_loop3A_720 : i32 to index
        %parallel_loop3A_722 = arith.constant 96 : index
        %parallel_loop3A_723 = tpu.vector_load %arg5[%parallel_loop3A_721, %parallel_loop3A_722] {strides = array<i32>} : memref<128x128xf32, #tpu.memory_space<vmem>>, vector<16xf32>,
        %parallel_loop3A_724 = vector.broadcast %parallel_loop3A_577 : i32 to vector<16xi32>
        %parallel_loop3A_725 = arith.addi %mul3A_343, %parallel_loop3A_724 : vector<16xi32>
        tpu.vector_store_idx %arg7[%parallel_loop3A_725], %parallel_loop3A_723 : memref<17664xf32, #tpu.memory_space<vmem>>[vector<16xi32>], vector<16xf32>,
        %parallel_loop3A_726 = arith.constant 8 : i32
        %parallel_loop3A_727 = arith.addi %parallel_loop3A_620, %parallel_loop3A_726 : i32
        %parallel_loop3A_728 = arith.index_cast %parallel_loop3A_727 : i32 to index
        %parallel_loop3A_729 = arith.constant 112 : index
        %parallel_loop3A_730 = tpu.vector_load %arg5[%parallel_loop3A_728, %parallel_loop3A_729] {strides = array<i32>} : memref<128x128xf32, #tpu.memory_space<vmem>>, vector<16xf32>,
        %parallel_loop3A_731 = vector.broadcast %parallel_loop3A_577 : i32 to vector<16xi32>
        %parallel_loop3A_732 = arith.addi %mul3A_363, %parallel_loop3A_731 : vector<16xi32>
        tpu.vector_store_idx %arg7[%parallel_loop3A_732], %parallel_loop3A_730 : memref<17664xf32, #tpu.memory_space<vmem>>[vector<16xi32>], vector<16xf32>,
      } {sc.loop_unroll_factor = 8 : i64, sc.parallel_access}
      %parallel_loop3A_461 = arith.constant 0 : i32
      %parallel_loop3A_462 = arith.constant 64 : i32
      %parallel_loop3A_463 = arith.constant 1 : i32
      scf.for %parallel_loop3A_577 = %parallel_loop3A_461 to %parallel_loop3A_462 step %parallel_loop3A_463  : i32 {
        %parallel_loop3A_578 = arith.constant 69 : i32
        %parallel_loop3A_579 = arith.muli %parallel_loop3A_577, %parallel_loop3A_578 : i32
        %parallel_loop3A_580 = arith.constant 0 : i32
        %parallel_loop3A_581 = arith.addi %parallel_loop3A_579, %parallel_loop3A_580 : i32
        %parallel_loop3A_582 = arith.index_cast %parallel_loop3A_581 : i32 to index
        %parallel_loop3A_583 = tpu.vector_load %arg7[%parallel_loop3A_582] {strides = array<i32>} : memref<17664xf32, #tpu.memory_space<vmem>>, vector<16xf32>,
        %parallel_loop3A_584 = arith.constant 8 : i32
        %parallel_loop3A_585 = arith.divsi %parallel_loop3A_577, %parallel_loop3A_584 : i32
        %parallel_loop3A_586 = arith.constant 0 : i32
        %parallel_loop3A_587 = arith.cmpi sgt, %parallel_loop3A_577, %parallel_loop3A_586 : i32
        %parallel_loop3A_588 = arith.extui %parallel_loop3A_587 : i1 to i32
        %parallel_loop3A_589 = arith.constant 0 : i32
        %parallel_loop3A_590 = arith.cmpi slt, %parallel_loop3A_577, %parallel_loop3A_589 : i32
        %parallel_loop3A_591 = arith.extui %parallel_loop3A_590 : i1 to i32
        %parallel_loop3A_592 = arith.subi %parallel_loop3A_588, %parallel_loop3A_591 : i32
        %parallel_loop3A_593 = arith.constant 0 : i32
        %parallel_loop3A_594 = arith.cmpi sgt, %parallel_loop3A_584, %parallel_loop3A_593 : i32
        %parallel_loop3A_595 = arith.extui %parallel_loop3A_594 : i1 to i32
        %parallel_loop3A_596 = arith.constant 0 : i32
        %parallel_loop3A_597 = arith.cmpi slt, %parallel_loop3A_584, %parallel_loop3A_596 : i32
        %parallel_loop3A_598 = arith.extui %parallel_loop3A_597 : i1 to i32
        %parallel_loop3A_599 = arith.subi %parallel_loop3A_595, %parallel_loop3A_598 : i32
        %parallel_loop3A_600 = arith.cmpi ne, %parallel_loop3A_592, %parallel_loop3A_599 : i32
        %parallel_loop3A_601 = arith.remsi %parallel_loop3A_577, %parallel_loop3A_584 : i32
        %parallel_loop3A_602 = arith.constant 0 : i32
        %parallel_loop3A_603 = arith.cmpi ne, %parallel_loop3A_601, %parallel_loop3A_602 : i32
        %parallel_loop3A_604 = arith.andi %parallel_loop3A_600, %parallel_loop3A_603 : i1
        %parallel_loop3A_605 = arith.constant 1 : i32
        %parallel_loop3A_606 = arith.subi %parallel_loop3A_585, %parallel_loop3A_605 : i32
        %parallel_loop3A_607 = arith.select %parallel_loop3A_604, %parallel_loop3A_606, %parallel_loop3A_585 : i32
        %parallel_loop3A_608 = arith.constant 8 : i32
        %parallel_loop3A_609 = arith.constant 0 : i32
        %parallel_loop3A_610 = arith.cmpi eq, %parallel_loop3A_608, %parallel_loop3A_609 : i32
        %parallel_loop3A_611 = arith.constant 1 : i32
        %parallel_loop3A_612 = arith.select %parallel_loop3A_610, %parallel_loop3A_611, %parallel_loop3A_608 : i32
        %parallel_loop3A_613 = arith.remsi %parallel_loop3A_577, %parallel_loop3A_612 : i32
        %parallel_loop3A_614 = arith.constant 0 : i32
        %parallel_loop3A_615 = arith.cmpi ne, %parallel_loop3A_613, %parallel_loop3A_614 : i32
        %parallel_loop3A_616 = arith.constant 0 : i32
        %parallel_loop3A_617 = arith.cmpi slt, %parallel_loop3A_613, %parallel_loop3A_616 : i32
        %parallel_loop3A_618 = arith.constant 0 : i32
        %parallel_loop3A_619 = arith.cmpi slt, %parallel_loop3A_612, %parallel_loop3A_618 : i32
        %parallel_loop3A_620 = arith.xori %parallel_loop3A_617, %parallel_loop3A_619 : i1
        %parallel_loop3A_621 = arith.andi %parallel_loop3A_620, %parallel_loop3A_615 : i1
        %parallel_loop3A_622 = arith.addi %parallel_loop3A_613, %parallel_loop3A_612 : i32
        %parallel_loop3A_623 = arith.select %parallel_loop3A_621, %parallel_loop3A_622, %parallel_loop3A_613 : i32
        %parallel_loop3A_624 = arith.index_cast %parallel_loop3A_607 : i32 to index
        %parallel_loop3A_625 = arith.index_cast %parallel_loop3A_623 : i32 to index
        %parallel_loop3A_626 = arith.constant 0 : index
        %parallel_loop3A_627 = tpu.vector_load %arg8[%parallel_loop3A_624, %parallel_loop3A_625, %parallel_loop3A_626] {strides = array<i32>} : memref<8x8x128xf32, #tpu.memory_space<vmem>>, vector<16xf32>,
        tpu.vector_store %arg8[%parallel_loop3A_624, %parallel_loop3A_625, %parallel_loop3A_626], %parallel_loop3A_583 {strides = array<i32>} : memref<8x8x128xf32, #tpu.memory_space<vmem>>, vector<16xf32>,
        %parallel_loop3A_628 = arith.constant 69 : i32
        %parallel_loop3A_629 = arith.muli %parallel_loop3A_577, %parallel_loop3A_628 : i32
        %parallel_loop3A_630 = arith.constant 16 : i32
        %parallel_loop3A_631 = arith.addi %parallel_loop3A_629, %parallel_loop3A_630 : i32
        %parallel_loop3A_632 = arith.index_cast %parallel_loop3A_631 : i32 to index
        %parallel_loop3A_633 = tpu.vector_load %arg7[%parallel_loop3A_632] {strides = array<i32>} : memref<17664xf32, #tpu.memory_space<vmem>>, vector<16xf32>,
        %parallel_loop3A_634 = arith.constant 8 : i32
        %parallel_loop3A_635 = arith.divsi %parallel_loop3A_577, %parallel_loop3A_634 : i32
        %parallel_loop3A_636 = arith.constant 0 : i32
        %parallel_loop3A_637 = arith.cmpi sgt, %parallel_loop3A_577, %parallel_loop3A_636 : i32
        %parallel_loop3A_638 = arith.extui %parallel_loop3A_637 : i1 to i32
        %parallel_loop3A_639 = arith.constant 0 : i32
        %parallel_loop3A_640 = arith.cmpi slt, %parallel_loop3A_577, %parallel_loop3A_639 : i32
        %parallel_loop3A_641 = arith.extui %parallel_loop3A_640 : i1 to i32
        %parallel_loop3A_642 = arith.subi %parallel_loop3A_638, %parallel_loop3A_641 : i32
        %parallel_loop3A_643 = arith.constant 0 : i32
        %parallel_loop3A_644 = arith.cmpi sgt, %parallel_loop3A_634, %parallel_loop3A_643 : i32
        %parallel_loop3A_645 = arith.extui %parallel_loop3A_644 : i1 to i32
        %parallel_loop3A_646 = arith.constant 0 : i32
        %parallel_loop3A_647 = arith.cmpi slt, %parallel_loop3A_634, %parallel_loop3A_646 : i32
        %parallel_loop3A_648 = arith.extui %parallel_loop3A_647 : i1 to i32
        %parallel_loop3A_649 = arith.subi %parallel_loop3A_645, %parallel_loop3A_648 : i32
        %parallel_loop3A_650 = arith.cmpi ne, %parallel_loop3A_642, %parallel_loop3A_649 : i32
        %parallel_loop3A_651 = arith.remsi %parallel_loop3A_577, %parallel_loop3A_634 : i32
        %parallel_loop3A_652 = arith.constant 0 : i32
        %parallel_loop3A_653 = arith.cmpi ne, %parallel_loop3A_651, %parallel_loop3A_652 : i32
        %parallel_loop3A_654 = arith.andi %parallel_loop3A_650, %parallel_loop3A_653 : i1
        %parallel_loop3A_655 = arith.constant 1 : i32
        %parallel_loop3A_656 = arith.subi %parallel_loop3A_635, %parallel_loop3A_655 : i32
        %parallel_loop3A_657 = arith.select %parallel_loop3A_654, %parallel_loop3A_656, %parallel_loop3A_635 : i32
        %parallel_loop3A_658 = arith.constant 8 : i32
        %parallel_loop3A_659 = arith.constant 0 : i32
        %parallel_loop3A_660 = arith.cmpi eq, %parallel_loop3A_658, %parallel_loop3A_659 : i32
        %parallel_loop3A_661 = arith.constant 1 : i32
        %parallel_loop3A_662 = arith.select %parallel_loop3A_660, %parallel_loop3A_661, %parallel_loop3A_658 : i32
        %parallel_loop3A_663 = arith.remsi %parallel_loop3A_577, %parallel_loop3A_662 : i32
        %parallel_loop3A_664 = arith.constant 0 : i32
        %parallel_loop3A_665 = arith.cmpi ne, %parallel_loop3A_663, %parallel_loop3A_664 : i32
        %parallel_loop3A_666 = arith.constant 0 : i32
        %parallel_loop3A_667 = arith.cmpi slt, %parallel_loop3A_663, %parallel_loop3A_666 : i32
        %parallel_loop3A_668 = arith.constant 0 : i32
        %parallel_loop3A_669 = arith.cmpi slt, %parallel_loop3A_662, %parallel_loop3A_668 : i32
        %parallel_loop3A_670 = arith.xori %parallel_loop3A_667, %parallel_loop3A_669 : i1
        %parallel_loop3A_671 = arith.andi %parallel_loop3A_670, %parallel_loop3A_665 : i1
        %parallel_loop3A_672 = arith.addi %parallel_loop3A_663, %parallel_loop3A_662 : i32
        %parallel_loop3A_673 = arith.select %parallel_loop3A_671, %parallel_loop3A_672, %parallel_loop3A_663 : i32
        %parallel_loop3A_674 = arith.index_cast %parallel_loop3A_657 : i32 to index
        %parallel_loop3A_675 = arith.index_cast %parallel_loop3A_673 : i32 to index
        %parallel_loop3A_676 = arith.constant 16 : index
        %parallel_loop3A_677 = tpu.vector_load %arg8[%parallel_loop3A_674, %parallel_loop3A_675, %parallel_loop3A_676] {strides = array<i32>} : memref<8x8x128xf32, #tpu.memory_space<vmem>>, vector<16xf32>,
        tpu.vector_store %arg8[%parallel_loop3A_674, %parallel_loop3A_675, %parallel_loop3A_676], %parallel_loop3A_633 {strides = array<i32>} : memref<8x8x128xf32, #tpu.memory_space<vmem>>, vector<16xf32>,
        %parallel_loop3A_678 = arith.constant 69 : i32
        %parallel_loop3A_679 = arith.muli %parallel_loop3A_577, %parallel_loop3A_678 : i32
        %parallel_loop3A_680 = arith.constant 32 : i32
        %parallel_loop3A_681 = arith.addi %parallel_loop3A_679, %parallel_loop3A_680 : i32
        %parallel_loop3A_682 = arith.index_cast %parallel_loop3A_681 : i32 to index
        %parallel_loop3A_683 = tpu.vector_load %arg7[%parallel_loop3A_682] {strides = array<i32>} : memref<17664xf32, #tpu.memory_space<vmem>>, vector<16xf32>,
        %parallel_loop3A_684 = arith.constant 8 : i32
        %parallel_loop3A_685 = arith.divsi %parallel_loop3A_577, %parallel_loop3A_684 : i32
        %parallel_loop3A_686 = arith.constant 0 : i32
        %parallel_loop3A_687 = arith.cmpi sgt, %parallel_loop3A_577, %parallel_loop3A_686 : i32
        %parallel_loop3A_688 = arith.extui %parallel_loop3A_687 : i1 to i32
        %parallel_loop3A_689 = arith.constant 0 : i32
        %parallel_loop3A_690 = arith.cmpi slt, %parallel_loop3A_577, %parallel_loop3A_689 : i32
        %parallel_loop3A_691 = arith.extui %parallel_loop3A_690 : i1 to i32
        %parallel_loop3A_692 = arith.subi %parallel_loop3A_688, %parallel_loop3A_691 : i32
        %parallel_loop3A_693 = arith.constant 0 : i32
        %parallel_loop3A_694 = arith.cmpi sgt, %parallel_loop3A_684, %parallel_loop3A_693 : i32
        %parallel_loop3A_695 = arith.extui %parallel_loop3A_694 : i1 to i32
        %parallel_loop3A_696 = arith.constant 0 : i32
        %parallel_loop3A_697 = arith.cmpi slt, %parallel_loop3A_684, %parallel_loop3A_696 : i32
        %parallel_loop3A_698 = arith.extui %parallel_loop3A_697 : i1 to i32
        %parallel_loop3A_699 = arith.subi %parallel_loop3A_695, %parallel_loop3A_698 : i32
        %parallel_loop3A_700 = arith.cmpi ne, %parallel_loop3A_692, %parallel_loop3A_699 : i32
        %parallel_loop3A_701 = arith.remsi %parallel_loop3A_577, %parallel_loop3A_684 : i32
        %parallel_loop3A_702 = arith.constant 0 : i32
        %parallel_loop3A_703 = arith.cmpi ne, %parallel_loop3A_701, %parallel_loop3A_702 : i32
        %parallel_loop3A_704 = arith.andi %parallel_loop3A_700, %parallel_loop3A_703 : i1
        %parallel_loop3A_705 = arith.constant 1 : i32
        %parallel_loop3A_706 = arith.subi %parallel_loop3A_685, %parallel_loop3A_705 : i32
        %parallel_loop3A_707 = arith.select %parallel_loop3A_704, %parallel_loop3A_706, %parallel_loop3A_685 : i32
        %parallel_loop3A_708 = arith.constant 8 : i32
        %parallel_loop3A_709 = arith.constant 0 : i32
        %parallel_loop3A_710 = arith.cmpi eq, %parallel_loop3A_708, %parallel_loop3A_709 : i32
        %parallel_loop3A_711 = arith.constant 1 : i32
        %parallel_loop3A_712 = arith.select %parallel_loop3A_710, %parallel_loop3A_711, %parallel_loop3A_708 : i32
        %parallel_loop3A_713 = arith.remsi %parallel_loop3A_577, %parallel_loop3A_712 : i32
        %parallel_loop3A_714 = arith.constant 0 : i32
        %parallel_loop3A_715 = arith.cmpi ne, %parallel_loop3A_713, %parallel_loop3A_714 : i32
        %parallel_loop3A_716 = arith.constant 0 : i32
        %parallel_loop3A_717 = arith.cmpi slt, %parallel_loop3A_713, %parallel_loop3A_716 : i32
        %parallel_loop3A_718 = arith.constant 0 : i32
        %parallel_loop3A_719 = arith.cmpi slt, %parallel_loop3A_712, %parallel_loop3A_718 : i32
        %parallel_loop3A_720 = arith.xori %parallel_loop3A_717, %parallel_loop3A_719 : i1
        %parallel_loop3A_721 = arith.andi %parallel_loop3A_720, %parallel_loop3A_715 : i1
        %parallel_loop3A_722 = arith.addi %parallel_loop3A_713, %parallel_loop3A_712 : i32
        %parallel_loop3A_723 = arith.select %parallel_loop3A_721, %parallel_loop3A_722, %parallel_loop3A_713 : i32
        %parallel_loop3A_724 = arith.index_cast %parallel_loop3A_707 : i32 to index
        %parallel_loop3A_725 = arith.index_cast %parallel_loop3A_723 : i32 to index
        %parallel_loop3A_726 = arith.constant 32 : index
        %parallel_loop3A_727 = tpu.vector_load %arg8[%parallel_loop3A_724, %parallel_loop3A_725, %parallel_loop3A_726] {strides = array<i32>} : memref<8x8x128xf32, #tpu.memory_space<vmem>>, vector<16xf32>,
        tpu.vector_store %arg8[%parallel_loop3A_724, %parallel_loop3A_725, %parallel_loop3A_726], %parallel_loop3A_683 {strides = array<i32>} : memref<8x8x128xf32, #tpu.memory_space<vmem>>, vector<16xf32>,
        %parallel_loop3A_728 = arith.constant 69 : i32
        %parallel_loop3A_729 = arith.muli %parallel_loop3A_577, %parallel_loop3A_728 : i32
        %parallel_loop3A_730 = arith.constant 48 : i32
        %parallel_loop3A_731 = arith.addi %parallel_loop3A_729, %parallel_loop3A_730 : i32
        %parallel_loop3A_732 = arith.index_cast %parallel_loop3A_731 : i32 to index
        %parallel_loop3A_733 = tpu.vector_load %arg7[%parallel_loop3A_732] {strides = array<i32>} : memref<17664xf32, #tpu.memory_space<vmem>>, vector<16xf32>,
        %parallel_loop3A_734 = arith.constant 8 : i32
        %parallel_loop3A_735 = arith.divsi %parallel_loop3A_577, %parallel_loop3A_734 : i32
        %parallel_loop3A_736 = arith.constant 0 : i32
        %parallel_loop3A_737 = arith.cmpi sgt, %parallel_loop3A_577, %parallel_loop3A_736 : i32
        %parallel_loop3A_738 = arith.extui %parallel_loop3A_737 : i1 to i32
        %parallel_loop3A_739 = arith.constant 0 : i32
        %parallel_loop3A_740 = arith.cmpi slt, %parallel_loop3A_577, %parallel_loop3A_739 : i32
        %parallel_loop3A_741 = arith.extui %parallel_loop3A_740 : i1 to i32
        %parallel_loop3A_742 = arith.subi %parallel_loop3A_738, %parallel_loop3A_741 : i32
        %parallel_loop3A_743 = arith.constant 0 : i32
        %parallel_loop3A_744 = arith.cmpi sgt, %parallel_loop3A_734, %parallel_loop3A_743 : i32
        %parallel_loop3A_745 = arith.extui %parallel_loop3A_744 : i1 to i32
        %parallel_loop3A_746 = arith.constant 0 : i32
        %parallel_loop3A_747 = arith.cmpi slt, %parallel_loop3A_734, %parallel_loop3A_746 : i32
        %parallel_loop3A_748 = arith.extui %parallel_loop3A_747 : i1 to i32
        %parallel_loop3A_749 = arith.subi %parallel_loop3A_745, %parallel_loop3A_748 : i32
        %parallel_loop3A_750 = arith.cmpi ne, %parallel_loop3A_742, %parallel_loop3A_749 : i32
        %parallel_loop3A_751 = arith.remsi %parallel_loop3A_577, %parallel_loop3A_734 : i32
        %parallel_loop3A_752 = arith.constant 0 : i32
        %parallel_loop3A_753 = arith.cmpi ne, %parallel_loop3A_751, %parallel_loop3A_752 : i32
        %parallel_loop3A_754 = arith.andi %parallel_loop3A_750, %parallel_loop3A_753 : i1
        %parallel_loop3A_755 = arith.constant 1 : i32
        %parallel_loop3A_756 = arith.subi %parallel_loop3A_735, %parallel_loop3A_755 : i32
        %parallel_loop3A_757 = arith.select %parallel_loop3A_754, %parallel_loop3A_756, %parallel_loop3A_735 : i32
        %parallel_loop3A_758 = arith.constant 8 : i32
        %parallel_loop3A_759 = arith.constant 0 : i32
        %parallel_loop3A_760 = arith.cmpi eq, %parallel_loop3A_758, %parallel_loop3A_759 : i32
        %parallel_loop3A_761 = arith.constant 1 : i32
        %parallel_loop3A_762 = arith.select %parallel_loop3A_760, %parallel_loop3A_761, %parallel_loop3A_758 : i32
        %parallel_loop3A_763 = arith.remsi %parallel_loop3A_577, %parallel_loop3A_762 : i32
        %parallel_loop3A_764 = arith.constant 0 : i32
        %parallel_loop3A_765 = arith.cmpi ne, %parallel_loop3A_763, %parallel_loop3A_764 : i32
        %parallel_loop3A_766 = arith.constant 0 : i32
        %parallel_loop3A_767 = arith.cmpi slt, %parallel_loop3A_763, %parallel_loop3A_766 : i32
        %parallel_loop3A_768 = arith.constant 0 : i32
        %parallel_loop3A_769 = arith.cmpi slt, %parallel_loop3A_762, %parallel_loop3A_768 : i32
        %parallel_loop3A_770 = arith.xori %parallel_loop3A_767, %parallel_loop3A_769 : i1
        %parallel_loop3A_771 = arith.andi %parallel_loop3A_770, %parallel_loop3A_765 : i1
        %parallel_loop3A_772 = arith.addi %parallel_loop3A_763, %parallel_loop3A_762 : i32
        %parallel_loop3A_773 = arith.select %parallel_loop3A_771, %parallel_loop3A_772, %parallel_loop3A_763 : i32
        %parallel_loop3A_774 = arith.index_cast %parallel_loop3A_757 : i32 to index
        %parallel_loop3A_775 = arith.index_cast %parallel_loop3A_773 : i32 to index
        %parallel_loop3A_776 = arith.constant 48 : index
        %parallel_loop3A_777 = tpu.vector_load %arg8[%parallel_loop3A_774, %parallel_loop3A_775, %parallel_loop3A_776] {strides = array<i32>} : memref<8x8x128xf32, #tpu.memory_space<vmem>>, vector<16xf32>,
        tpu.vector_store %arg8[%parallel_loop3A_774, %parallel_loop3A_775, %parallel_loop3A_776], %parallel_loop3A_733 {strides = array<i32>} : memref<8x8x128xf32, #tpu.memory_space<vmem>>, vector<16xf32>,
      } {sc.loop_unroll_factor = 8 : i64, sc.parallel_access}
      %parallel_loop3A_464 = arith.constant 0 : i32
      %parallel_loop3A_465 = arith.constant 192 : i32
      %parallel_loop3A_466 = arith.constant 1 : i32
      scf.for %parallel_loop3A_577 = %parallel_loop3A_464 to %parallel_loop3A_465 step %parallel_loop3A_466  : i32 {
        %parallel_loop3A_578 = arith.constant 64 : i32
        %parallel_loop3A_579 = arith.addi %parallel_loop3A_578, %parallel_loop3A_577 : i32
        %parallel_loop3A_580 = arith.constant 69 : i32
        %parallel_loop3A_581 = arith.muli %parallel_loop3A_579, %parallel_loop3A_580 : i32
        %parallel_loop3A_582 = arith.constant 0 : i32
        %parallel_loop3A_583 = arith.addi %parallel_loop3A_581, %parallel_loop3A_582 : i32
        %parallel_loop3A_584 = arith.index_cast %parallel_loop3A_583 : i32 to index
        %parallel_loop3A_585 = tpu.vector_load %arg7[%parallel_loop3A_584] {strides = array<i32>} : memref<17664xf32, #tpu.memory_space<vmem>>, vector<16xf32>,
        %parallel_loop3A_586 = arith.constant 8 : i32
        %parallel_loop3A_587 = arith.divsi %parallel_loop3A_577, %parallel_loop3A_586 : i32
        %parallel_loop3A_588 = arith.constant 0 : i32
        %parallel_loop3A_589 = arith.cmpi sgt, %parallel_loop3A_577, %parallel_loop3A_588 : i32
        %parallel_loop3A_590 = arith.extui %parallel_loop3A_589 : i1 to i32
        %parallel_loop3A_591 = arith.constant 0 : i32
        %parallel_loop3A_592 = arith.cmpi slt, %parallel_loop3A_577, %parallel_loop3A_591 : i32
        %parallel_loop3A_593 = arith.extui %parallel_loop3A_592 : i1 to i32
        %parallel_loop3A_594 = arith.subi %parallel_loop3A_590, %parallel_loop3A_593 : i32
        %parallel_loop3A_595 = arith.constant 0 : i32
        %parallel_loop3A_596 = arith.cmpi sgt, %parallel_loop3A_586, %parallel_loop3A_595 : i32
        %parallel_loop3A_597 = arith.extui %parallel_loop3A_596 : i1 to i32
        %parallel_loop3A_598 = arith.constant 0 : i32
        %parallel_loop3A_599 = arith.cmpi slt, %parallel_loop3A_586, %parallel_loop3A_598 : i32
        %parallel_loop3A_600 = arith.extui %parallel_loop3A_599 : i1 to i32
        %parallel_loop3A_601 = arith.subi %parallel_loop3A_597, %parallel_loop3A_600 : i32
        %parallel_loop3A_602 = arith.cmpi ne, %parallel_loop3A_594, %parallel_loop3A_601 : i32
        %parallel_loop3A_603 = arith.remsi %parallel_loop3A_577, %parallel_loop3A_586 : i32
        %parallel_loop3A_604 = arith.constant 0 : i32
        %parallel_loop3A_605 = arith.cmpi ne, %parallel_loop3A_603, %parallel_loop3A_604 : i32
        %parallel_loop3A_606 = arith.andi %parallel_loop3A_602, %parallel_loop3A_605 : i1
        %parallel_loop3A_607 = arith.constant 1 : i32
        %parallel_loop3A_608 = arith.subi %parallel_loop3A_587, %parallel_loop3A_607 : i32
        %parallel_loop3A_609 = arith.select %parallel_loop3A_606, %parallel_loop3A_608, %parallel_loop3A_587 : i32
        %parallel_loop3A_610 = arith.constant 8 : i32
        %parallel_loop3A_611 = arith.constant 0 : i32
        %parallel_loop3A_612 = arith.cmpi eq, %parallel_loop3A_610, %parallel_loop3A_611 : i32
        %parallel_loop3A_613 = arith.constant 1 : i32
        %parallel_loop3A_614 = arith.select %parallel_loop3A_612, %parallel_loop3A_613, %parallel_loop3A_610 : i32
        %parallel_loop3A_615 = arith.remsi %parallel_loop3A_577, %parallel_loop3A_614 : i32
        %parallel_loop3A_616 = arith.constant 0 : i32
        %parallel_loop3A_617 = arith.cmpi ne, %parallel_loop3A_615, %parallel_loop3A_616 : i32
        %parallel_loop3A_618 = arith.constant 0 : i32
        %parallel_loop3A_619 = arith.cmpi slt, %parallel_loop3A_615, %parallel_loop3A_618 : i32
        %parallel_loop3A_620 = arith.constant 0 : i32
        %parallel_loop3A_621 = arith.cmpi slt, %parallel_loop3A_614, %parallel_loop3A_620 : i32
        %parallel_loop3A_622 = arith.xori %parallel_loop3A_619, %parallel_loop3A_621 : i1
        %parallel_loop3A_623 = arith.andi %parallel_loop3A_622, %parallel_loop3A_617 : i1
        %parallel_loop3A_624 = arith.addi %parallel_loop3A_615, %parallel_loop3A_614 : i32
        %parallel_loop3A_625 = arith.select %parallel_loop3A_623, %parallel_loop3A_624, %parallel_loop3A_615 : i32
        %parallel_loop3A_626 = arith.index_cast %parallel_loop3A_609 : i32 to index
        %parallel_loop3A_627 = arith.index_cast %parallel_loop3A_625 : i32 to index
        %parallel_loop3A_628 = arith.constant 0 : index
        %parallel_loop3A_629 = tpu.vector_load %arg9[%parallel_loop3A_626, %parallel_loop3A_627, %parallel_loop3A_628] {strides = array<i32>} : memref<24x8x128xf32, #tpu.memory_space<vmem>>, vector<16xf32>,
        tpu.vector_store %arg9[%parallel_loop3A_626, %parallel_loop3A_627, %parallel_loop3A_628], %parallel_loop3A_585 {strides = array<i32>} : memref<24x8x128xf32, #tpu.memory_space<vmem>>, vector<16xf32>,
        %parallel_loop3A_630 = arith.constant 64 : i32
        %parallel_loop3A_631 = arith.addi %parallel_loop3A_630, %parallel_loop3A_577 : i32
        %parallel_loop3A_632 = arith.constant 69 : i32
        %parallel_loop3A_633 = arith.muli %parallel_loop3A_631, %parallel_loop3A_632 : i32
        %parallel_loop3A_634 = arith.constant 16 : i32
        %parallel_loop3A_635 = arith.addi %parallel_loop3A_633, %parallel_loop3A_634 : i32
        %parallel_loop3A_636 = arith.index_cast %parallel_loop3A_635 : i32 to index
        %parallel_loop3A_637 = tpu.vector_load %arg7[%parallel_loop3A_636] {strides = array<i32>} : memref<17664xf32, #tpu.memory_space<vmem>>, vector<16xf32>,
        %parallel_loop3A_638 = arith.constant 8 : i32
        %parallel_loop3A_639 = arith.divsi %parallel_loop3A_577, %parallel_loop3A_638 : i32
        %parallel_loop3A_640 = arith.constant 0 : i32
        %parallel_loop3A_641 = arith.cmpi sgt, %parallel_loop3A_577, %parallel_loop3A_640 : i32
        %parallel_loop3A_642 = arith.extui %parallel_loop3A_641 : i1 to i32
        %parallel_loop3A_643 = arith.constant 0 : i32
        %parallel_loop3A_644 = arith.cmpi slt, %parallel_loop3A_577, %parallel_loop3A_643 : i32
        %parallel_loop3A_645 = arith.extui %parallel_loop3A_644 : i1 to i32
        %parallel_loop3A_646 = arith.subi %parallel_loop3A_642, %parallel_loop3A_645 : i32
        %parallel_loop3A_647 = arith.constant 0 : i32
        %parallel_loop3A_648 = arith.cmpi sgt, %parallel_loop3A_638, %parallel_loop3A_647 : i32
        %parallel_loop3A_649 = arith.extui %parallel_loop3A_648 : i1 to i32
        %parallel_loop3A_650 = arith.constant 0 : i32
        %parallel_loop3A_651 = arith.cmpi slt, %parallel_loop3A_638, %parallel_loop3A_650 : i32
        %parallel_loop3A_652 = arith.extui %parallel_loop3A_651 : i1 to i32
        %parallel_loop3A_653 = arith.subi %parallel_loop3A_649, %parallel_loop3A_652 : i32
        %parallel_loop3A_654 = arith.cmpi ne, %parallel_loop3A_646, %parallel_loop3A_653 : i32
        %parallel_loop3A_655 = arith.remsi %parallel_loop3A_577, %parallel_loop3A_638 : i32
        %parallel_loop3A_656 = arith.constant 0 : i32
        %parallel_loop3A_657 = arith.cmpi ne, %parallel_loop3A_655, %parallel_loop3A_656 : i32
        %parallel_loop3A_658 = arith.andi %parallel_loop3A_654, %parallel_loop3A_657 : i1
        %parallel_loop3A_659 = arith.constant 1 : i32
        %parallel_loop3A_660 = arith.subi %parallel_loop3A_639, %parallel_loop3A_659 : i32
        %parallel_loop3A_661 = arith.select %parallel_loop3A_658, %parallel_loop3A_660, %parallel_loop3A_639 : i32
        %parallel_loop3A_662 = arith.constant 8 : i32
        %parallel_loop3A_663 = arith.constant 0 : i32
        %parallel_loop3A_664 = arith.cmpi eq, %parallel_loop3A_662, %parallel_loop3A_663 : i32
        %parallel_loop3A_665 = arith.constant 1 : i32
        %parallel_loop3A_666 = arith.select %parallel_loop3A_664, %parallel_loop3A_665, %parallel_loop3A_662 : i32
        %parallel_loop3A_667 = arith.remsi %parallel_loop3A_577, %parallel_loop3A_666 : i32
        %parallel_loop3A_668 = arith.constant 0 : i32
        %parallel_loop3A_669 = arith.cmpi ne, %parallel_loop3A_667, %parallel_loop3A_668 : i32
        %parallel_loop3A_670 = arith.constant 0 : i32
        %parallel_loop3A_671 = arith.cmpi slt, %parallel_loop3A_667, %parallel_loop3A_670 : i32
        %parallel_loop3A_672 = arith.constant 0 : i32
        %parallel_loop3A_673 = arith.cmpi slt, %parallel_loop3A_666, %parallel_loop3A_672 : i32
        %parallel_loop3A_674 = arith.xori %parallel_loop3A_671, %parallel_loop3A_673 : i1
        %parallel_loop3A_675 = arith.andi %parallel_loop3A_674, %parallel_loop3A_669 : i1
        %parallel_loop3A_676 = arith.addi %parallel_loop3A_667, %parallel_loop3A_666 : i32
        %parallel_loop3A_677 = arith.select %parallel_loop3A_675, %parallel_loop3A_676, %parallel_loop3A_667 : i32
        %parallel_loop3A_678 = arith.index_cast %parallel_loop3A_661 : i32 to index
        %parallel_loop3A_679 = arith.index_cast %parallel_loop3A_677 : i32 to index
        %parallel_loop3A_680 = arith.constant 16 : index
        %parallel_loop3A_681 = tpu.vector_load %arg9[%parallel_loop3A_678, %parallel_loop3A_679, %parallel_loop3A_680] {strides = array<i32>} : memref<24x8x128xf32, #tpu.memory_space<vmem>>, vector<16xf32>,
        tpu.vector_store %arg9[%parallel_loop3A_678, %parallel_loop3A_679, %parallel_loop3A_680], %parallel_loop3A_637 {strides = array<i32>} : memref<24x8x128xf32, #tpu.memory_space<vmem>>, vector<16xf32>,
        %parallel_loop3A_682 = arith.constant 64 : i32
        %parallel_loop3A_683 = arith.addi %parallel_loop3A_682, %parallel_loop3A_577 : i32
        %parallel_loop3A_684 = arith.constant 69 : i32
        %parallel_loop3A_685 = arith.muli %parallel_loop3A_683, %parallel_loop3A_684 : i32
        %parallel_loop3A_686 = arith.constant 32 : i32
        %parallel_loop3A_687 = arith.addi %parallel_loop3A_685, %parallel_loop3A_686 : i32
        %parallel_loop3A_688 = arith.index_cast %parallel_loop3A_687 : i32 to index
        %parallel_loop3A_689 = tpu.vector_load %arg7[%parallel_loop3A_688] {strides = array<i32>} : memref<17664xf32, #tpu.memory_space<vmem>>, vector<16xf32>,
        %parallel_loop3A_690 = arith.constant 8 : i32
        %parallel_loop3A_691 = arith.divsi %parallel_loop3A_577, %parallel_loop3A_690 : i32
        %parallel_loop3A_692 = arith.constant 0 : i32
        %parallel_loop3A_693 = arith.cmpi sgt, %parallel_loop3A_577, %parallel_loop3A_692 : i32
        %parallel_loop3A_694 = arith.extui %parallel_loop3A_693 : i1 to i32
        %parallel_loop3A_695 = arith.constant 0 : i32
        %parallel_loop3A_696 = arith.cmpi slt, %parallel_loop3A_577, %parallel_loop3A_695 : i32
        %parallel_loop3A_697 = arith.extui %parallel_loop3A_696 : i1 to i32
        %parallel_loop3A_698 = arith.subi %parallel_loop3A_694, %parallel_loop3A_697 : i32
        %parallel_loop3A_699 = arith.constant 0 : i32
        %parallel_loop3A_700 = arith.cmpi sgt, %parallel_loop3A_690, %parallel_loop3A_699 : i32
        %parallel_loop3A_701 = arith.extui %parallel_loop3A_700 : i1 to i32
        %parallel_loop3A_702 = arith.constant 0 : i32
        %parallel_loop3A_703 = arith.cmpi slt, %parallel_loop3A_690, %parallel_loop3A_702 : i32
        %parallel_loop3A_704 = arith.extui %parallel_loop3A_703 : i1 to i32
        %parallel_loop3A_705 = arith.subi %parallel_loop3A_701, %parallel_loop3A_704 : i32
        %parallel_loop3A_706 = arith.cmpi ne, %parallel_loop3A_698, %parallel_loop3A_705 : i32
        %parallel_loop3A_707 = arith.remsi %parallel_loop3A_577, %parallel_loop3A_690 : i32
        %parallel_loop3A_708 = arith.constant 0 : i32
        %parallel_loop3A_709 = arith.cmpi ne, %parallel_loop3A_707, %parallel_loop3A_708 : i32
        %parallel_loop3A_710 = arith.andi %parallel_loop3A_706, %parallel_loop3A_709 : i1
        %parallel_loop3A_711 = arith.constant 1 : i32
        %parallel_loop3A_712 = arith.subi %parallel_loop3A_691, %parallel_loop3A_711 : i32
        %parallel_loop3A_713 = arith.select %parallel_loop3A_710, %parallel_loop3A_712, %parallel_loop3A_691 : i32
        %parallel_loop3A_714 = arith.constant 8 : i32
        %parallel_loop3A_715 = arith.constant 0 : i32
        %parallel_loop3A_716 = arith.cmpi eq, %parallel_loop3A_714, %parallel_loop3A_715 : i32
        %parallel_loop3A_717 = arith.constant 1 : i32
        %parallel_loop3A_718 = arith.select %parallel_loop3A_716, %parallel_loop3A_717, %parallel_loop3A_714 : i32
        %parallel_loop3A_719 = arith.remsi %parallel_loop3A_577, %parallel_loop3A_718 : i32
        %parallel_loop3A_720 = arith.constant 0 : i32
        %parallel_loop3A_721 = arith.cmpi ne, %parallel_loop3A_719, %parallel_loop3A_720 : i32
        %parallel_loop3A_722 = arith.constant 0 : i32
        %parallel_loop3A_723 = arith.cmpi slt, %parallel_loop3A_719, %parallel_loop3A_722 : i32
        %parallel_loop3A_724 = arith.constant 0 : i32
        %parallel_loop3A_725 = arith.cmpi slt, %parallel_loop3A_718, %parallel_loop3A_724 : i32
        %parallel_loop3A_726 = arith.xori %parallel_loop3A_723, %parallel_loop3A_725 : i1
        %parallel_loop3A_727 = arith.andi %parallel_loop3A_726, %parallel_loop3A_721 : i1
        %parallel_loop3A_728 = arith.addi %parallel_loop3A_719, %parallel_loop3A_718 : i32
        %parallel_loop3A_729 = arith.select %parallel_loop3A_727, %parallel_loop3A_728, %parallel_loop3A_719 : i32
        %parallel_loop3A_730 = arith.index_cast %parallel_loop3A_713 : i32 to index
        %parallel_loop3A_731 = arith.index_cast %parallel_loop3A_729 : i32 to index
        %parallel_loop3A_732 = arith.constant 32 : index
        %parallel_loop3A_733 = tpu.vector_load %arg9[%parallel_loop3A_730, %parallel_loop3A_731, %parallel_loop3A_732] {strides = array<i32>} : memref<24x8x128xf32, #tpu.memory_space<vmem>>, vector<16xf32>,
        tpu.vector_store %arg9[%parallel_loop3A_730, %parallel_loop3A_731, %parallel_loop3A_732], %parallel_loop3A_689 {strides = array<i32>} : memref<24x8x128xf32, #tpu.memory_space<vmem>>, vector<16xf32>,
        %parallel_loop3A_734 = arith.constant 64 : i32
        %parallel_loop3A_735 = arith.addi %parallel_loop3A_734, %parallel_loop3A_577 : i32
        %parallel_loop3A_736 = arith.constant 69 : i32
        %parallel_loop3A_737 = arith.muli %parallel_loop3A_735, %parallel_loop3A_736 : i32
        %parallel_loop3A_738 = arith.constant 48 : i32
        %parallel_loop3A_739 = arith.addi %parallel_loop3A_737, %parallel_loop3A_738 : i32
        %parallel_loop3A_740 = arith.index_cast %parallel_loop3A_739 : i32 to index
        %parallel_loop3A_741 = tpu.vector_load %arg7[%parallel_loop3A_740] {strides = array<i32>} : memref<17664xf32, #tpu.memory_space<vmem>>, vector<16xf32>,
        %parallel_loop3A_742 = arith.constant 8 : i32
        %parallel_loop3A_743 = arith.divsi %parallel_loop3A_577, %parallel_loop3A_742 : i32
        %parallel_loop3A_744 = arith.constant 0 : i32
        %parallel_loop3A_745 = arith.cmpi sgt, %parallel_loop3A_577, %parallel_loop3A_744 : i32
        %parallel_loop3A_746 = arith.extui %parallel_loop3A_745 : i1 to i32
        %parallel_loop3A_747 = arith.constant 0 : i32
        %parallel_loop3A_748 = arith.cmpi slt, %parallel_loop3A_577, %parallel_loop3A_747 : i32
        %parallel_loop3A_749 = arith.extui %parallel_loop3A_748 : i1 to i32
        %parallel_loop3A_750 = arith.subi %parallel_loop3A_746, %parallel_loop3A_749 : i32
        %parallel_loop3A_751 = arith.constant 0 : i32
        %parallel_loop3A_752 = arith.cmpi sgt, %parallel_loop3A_742, %parallel_loop3A_751 : i32
        %parallel_loop3A_753 = arith.extui %parallel_loop3A_752 : i1 to i32
        %parallel_loop3A_754 = arith.constant 0 : i32
        %parallel_loop3A_755 = arith.cmpi slt, %parallel_loop3A_742, %parallel_loop3A_754 : i32
        %parallel_loop3A_756 = arith.extui %parallel_loop3A_755 : i1 to i32
        %parallel_loop3A_757 = arith.subi %parallel_loop3A_753, %parallel_loop3A_756 : i32
        %parallel_loop3A_758 = arith.cmpi ne, %parallel_loop3A_750, %parallel_loop3A_757 : i32
        %parallel_loop3A_759 = arith.remsi %parallel_loop3A_577, %parallel_loop3A_742 : i32
        %parallel_loop3A_760 = arith.constant 0 : i32
        %parallel_loop3A_761 = arith.cmpi ne, %parallel_loop3A_759, %parallel_loop3A_760 : i32
        %parallel_loop3A_762 = arith.andi %parallel_loop3A_758, %parallel_loop3A_761 : i1
        %parallel_loop3A_763 = arith.constant 1 : i32
        %parallel_loop3A_764 = arith.subi %parallel_loop3A_743, %parallel_loop3A_763 : i32
        %parallel_loop3A_765 = arith.select %parallel_loop3A_762, %parallel_loop3A_764, %parallel_loop3A_743 : i32
        %parallel_loop3A_766 = arith.constant 8 : i32
        %parallel_loop3A_767 = arith.constant 0 : i32
        %parallel_loop3A_768 = arith.cmpi eq, %parallel_loop3A_766, %parallel_loop3A_767 : i32
        %parallel_loop3A_769 = arith.constant 1 : i32
        %parallel_loop3A_770 = arith.select %parallel_loop3A_768, %parallel_loop3A_769, %parallel_loop3A_766 : i32
        %parallel_loop3A_771 = arith.remsi %parallel_loop3A_577, %parallel_loop3A_770 : i32
        %parallel_loop3A_772 = arith.constant 0 : i32
        %parallel_loop3A_773 = arith.cmpi ne, %parallel_loop3A_771, %parallel_loop3A_772 : i32
        %parallel_loop3A_774 = arith.constant 0 : i32
        %parallel_loop3A_775 = arith.cmpi slt, %parallel_loop3A_771, %parallel_loop3A_774 : i32
        %parallel_loop3A_776 = arith.constant 0 : i32
        %parallel_loop3A_777 = arith.cmpi slt, %parallel_loop3A_770, %parallel_loop3A_776 : i32
        %parallel_loop3A_778 = arith.xori %parallel_loop3A_775, %parallel_loop3A_777 : i1
        %parallel_loop3A_779 = arith.andi %parallel_loop3A_778, %parallel_loop3A_773 : i1
        %parallel_loop3A_780 = arith.addi %parallel_loop3A_771, %parallel_loop3A_770 : i32
        %parallel_loop3A_781 = arith.select %parallel_loop3A_779, %parallel_loop3A_780, %parallel_loop3A_771 : i32
        %parallel_loop3A_782 = arith.index_cast %parallel_loop3A_765 : i32 to index
        %parallel_loop3A_783 = arith.index_cast %parallel_loop3A_781 : i32 to index
        %parallel_loop3A_784 = arith.constant 48 : index
        %parallel_loop3A_785 = tpu.vector_load %arg9[%parallel_loop3A_782, %parallel_loop3A_783, %parallel_loop3A_784] {strides = array<i32>} : memref<24x8x128xf32, #tpu.memory_space<vmem>>, vector<16xf32>,
        tpu.vector_store %arg9[%parallel_loop3A_782, %parallel_loop3A_783, %parallel_loop3A_784], %parallel_loop3A_741 {strides = array<i32>} : memref<24x8x128xf32, #tpu.memory_space<vmem>>, vector<16xf32>,
      } {sc.loop_unroll_factor = 8 : i64, sc.parallel_access}
      %dma_wait3A_467 = arith.constant 0 : i32
      %dma_wait3A_468 = arith.constant 0 : i32
      %dma_wait3A_469 = tpu.memref_slice %arg2[%dma_wait3A_467, %dma_wait3A_468] : memref<98304x128xf32, #tpu.memory_space<hbm>> -> memref<128x128xf32, #tpu.memory_space<hbm>>
      %dma_wait3A_470 = arith.constant 0 : i32
      %dma_wait3A_471 = arith.constant 0 : i32
      %dma_wait3A_472 = tpu.memref_slice %arg2[%dma_wait3A_470, %dma_wait3A_471] : memref<98304x128xf32, #tpu.memory_space<hbm>> -> memref<128x128xf32, #tpu.memory_space<hbm>>
      tpu.wait_dma2 semaphore(%arg11 : memref<!tpu.dma_semaphore, #tpu.memory_space<semaphore_mem>>) src(%dma_wait3A_472 : memref<128x128xf32, #tpu.memory_space<hbm>>) dst(%arg6 : memref<128x128xf32, #tpu.memory_space<vmem>>)
      %add3A_473 = arith.constant 1 : i32
      %add3A_474 = arith.addi %scan3A_408, %add3A_473 : i32
      %min3A = arith.constant 11 : i32
      %min3A_475 = arith.minsi %add3A_474, %min3A : i32
      %jit3A_476 = arith.constant 3 : i32
      %div3A_477 = arith.divsi %min3A_475, %jit3A_476 : i32
      %sign3A_478 = arith.constant 0 : i32
      %sign3A_479 = arith.cmpi sgt, %min3A_475, %sign3A_478 : i32
      %sign3A_480 = arith.extui %sign3A_479 : i1 to i32
      %sign3A_481 = arith.constant 0 : i32
      %sign3A_482 = arith.cmpi slt, %min3A_475, %sign3A_481 : i32
      %sign3A_483 = arith.extui %sign3A_482 : i1 to i32
      %sign3A_484 = arith.subi %sign3A_480, %sign3A_483 : i32
      %sign3A_485 = arith.constant 0 : i32
      %sign3A_486 = arith.cmpi sgt, %jit3A_476, %sign3A_485 : i32
      %sign3A_487 = arith.extui %sign3A_486 : i1 to i32
      %sign3A_488 = arith.constant 0 : i32
      %sign3A_489 = arith.cmpi slt, %jit3A_476, %sign3A_488 : i32
      %sign3A_490 = arith.extui %sign3A_489 : i1 to i32
      %sign3A_491 = arith.subi %sign3A_487, %sign3A_490 : i32
      %ne3A_492 = arith.cmpi ne, %sign3A_484, %sign3A_491 : i32
      %rem3A_493 = arith.remsi %min3A_475, %jit3A_476 : i32
      %ne3A_494 = arith.constant 0 : i32
      %ne3A_495 = arith.cmpi ne, %rem3A_493, %ne3A_494 : i32
      %and3A_496 = arith.andi %ne3A_492, %ne3A_495 : i1
      %sub3A_497 = arith.constant 1 : i32
      %sub3A_498 = arith.subi %div3A_477, %sub3A_497 : i32
      %select_n3A_499 = arith.select %and3A_496, %sub3A_498, %div3A_477 : i32
      %mul3A_500 = arith.constant 3 : i32
      %mul3A_501 = arith.muli %select_n3A_499, %mul3A_500 : i32
      %sub3A_502 = arith.subi %min3A_475, %mul3A_501 : i32
      %mul3A_503 = arith.constant 4 : i32
      %mul3A_504 = arith.muli %add3A, %mul3A_503 : i32
      %add3A_505 = arith.addi %mul3A_504, %select_n3A_499 : i32
      %mul3A_506 = arith.constant 32768 : i32
      %mul3A_507 = arith.muli %sub3A_502, %mul3A_506 : i32
      %mul3A_508 = arith.constant 256 : i32
      %mul3A_509 = arith.muli %add3A_505, %mul3A_508 : i32
      %add3A_510 = arith.addi %mul3A_507, %mul3A_509 : i32
      %add3A_511 = arith.constant 0 : i32
      %add3A_512 = arith.addi %add3A_510, %add3A_511 : i32
      %multiple_of3A_513 = tpu.assume_multiple %add3A_512, 128 : i32
      %dma_start3A_514 = arith.constant 0 : i32
      %dma_start3A_515 = tpu.memref_slice %arg2[%multiple_of3A_513, %dma_start3A_514] : memref<98304x128xf32, #tpu.memory_space<hbm>> -> memref<128x128xf32, #tpu.memory_space<hbm>>
      %dma_start3A_516 = arith.constant 0 : i32
      %dma_start3A_517 = tpu.memref_slice %arg2[%multiple_of3A_513, %dma_start3A_516] : memref<98304x128xf32, #tpu.memory_space<hbm>> -> memref<128x128xf32, #tpu.memory_space<hbm>>
      tpu.enqueue_dma source(%dma_start3A_517 : memref<128x128xf32, #tpu.memory_space<hbm>>) target(%arg5 : memref<128x128xf32, #tpu.memory_space<vmem>>) target_semaphore(%arg10 : memref<!tpu.dma_semaphore, #tpu.memory_space<semaphore_mem>>)
      %parallel_loop3A_518 = arith.constant 0 : i32
      %parallel_loop3A_519 = arith.constant 64 : i32
      %parallel_loop3A_520 = arith.constant 1 : i32
      scf.for %parallel_loop3A_577 = %parallel_loop3A_518 to %parallel_loop3A_519 step %parallel_loop3A_520  : i32 {
        %parallel_loop3A_578 = arith.constant 8 : i32
        %parallel_loop3A_579 = arith.divsi %parallel_loop3A_577, %parallel_loop3A_578 : i32
        %parallel_loop3A_580 = arith.constant 0 : i32
        %parallel_loop3A_581 = arith.cmpi sgt, %parallel_loop3A_577, %parallel_loop3A_580 : i32
        %parallel_loop3A_582 = arith.extui %parallel_loop3A_581 : i1 to i32
        %parallel_loop3A_583 = arith.constant 0 : i32
        %parallel_loop3A_584 = arith.cmpi slt, %parallel_loop3A_577, %parallel_loop3A_583 : i32
        %parallel_loop3A_585 = arith.extui %parallel_loop3A_584 : i1 to i32
        %parallel_loop3A_586 = arith.subi %parallel_loop3A_582, %parallel_loop3A_585 : i32
        %parallel_loop3A_587 = arith.constant 0 : i32
        %parallel_loop3A_588 = arith.cmpi sgt, %parallel_loop3A_578, %parallel_loop3A_587 : i32
        %parallel_loop3A_589 = arith.extui %parallel_loop3A_588 : i1 to i32
        %parallel_loop3A_590 = arith.constant 0 : i32
        %parallel_loop3A_591 = arith.cmpi slt, %parallel_loop3A_578, %parallel_loop3A_590 : i32
        %parallel_loop3A_592 = arith.extui %parallel_loop3A_591 : i1 to i32
        %parallel_loop3A_593 = arith.subi %parallel_loop3A_589, %parallel_loop3A_592 : i32
        %parallel_loop3A_594 = arith.cmpi ne, %parallel_loop3A_586, %parallel_loop3A_593 : i32
        %parallel_loop3A_595 = arith.remsi %parallel_loop3A_577, %parallel_loop3A_578 : i32
        %parallel_loop3A_596 = arith.constant 0 : i32
        %parallel_loop3A_597 = arith.cmpi ne, %parallel_loop3A_595, %parallel_loop3A_596 : i32
        %parallel_loop3A_598 = arith.andi %parallel_loop3A_594, %parallel_loop3A_597 : i1
        %parallel_loop3A_599 = arith.constant 1 : i32
        %parallel_loop3A_600 = arith.subi %parallel_loop3A_579, %parallel_loop3A_599 : i32
        %parallel_loop3A_601 = arith.select %parallel_loop3A_598, %parallel_loop3A_600, %parallel_loop3A_579 : i32
        %parallel_loop3A_602 = arith.constant 16 : i32
        %parallel_loop3A_603 = arith.muli %parallel_loop3A_601, %parallel_loop3A_602 : i32
        %parallel_loop3A_604 = arith.constant 8 : i32
        %parallel_loop3A_605 = arith.constant 0 : i32
        %parallel_loop3A_606 = arith.cmpi eq, %parallel_loop3A_604, %parallel_loop3A_605 : i32
        %parallel_loop3A_607 = arith.constant 1 : i32
        %parallel_loop3A_608 = arith.select %parallel_loop3A_606, %parallel_loop3A_607, %parallel_loop3A_604 : i32
        %parallel_loop3A_609 = arith.remsi %parallel_loop3A_577, %parallel_loop3A_608 : i32
        %parallel_loop3A_610 = arith.constant 0 : i32
        %parallel_loop3A_611 = arith.cmpi ne, %parallel_loop3A_609, %parallel_loop3A_610 : i32
        %parallel_loop3A_612 = arith.constant 0 : i32
        %parallel_loop3A_613 = arith.cmpi slt, %parallel_loop3A_609, %parallel_loop3A_612 : i32
        %parallel_loop3A_614 = arith.constant 0 : i32
        %parallel_loop3A_615 = arith.cmpi slt, %parallel_loop3A_608, %parallel_loop3A_614 : i32
        %parallel_loop3A_616 = arith.xori %parallel_loop3A_613, %parallel_loop3A_615 : i1
        %parallel_loop3A_617 = arith.andi %parallel_loop3A_616, %parallel_loop3A_611 : i1
        %parallel_loop3A_618 = arith.addi %parallel_loop3A_609, %parallel_loop3A_608 : i32
        %parallel_loop3A_619 = arith.select %parallel_loop3A_617, %parallel_loop3A_618, %parallel_loop3A_609 : i32
        %parallel_loop3A_620 = arith.addi %parallel_loop3A_603, %parallel_loop3A_619 : i32
        %parallel_loop3A_621 = arith.constant 0 : i32
        %parallel_loop3A_622 = arith.addi %parallel_loop3A_620, %parallel_loop3A_621 : i32
        %parallel_loop3A_623 = arith.index_cast %parallel_loop3A_622 : i32 to index
        %parallel_loop3A_624 = arith.constant 0 : index
        %parallel_loop3A_625 = tpu.vector_load %arg6[%parallel_loop3A_623, %parallel_loop3A_624] {strides = array<i32>} : memref<128x128xf32, #tpu.memory_space<vmem>>, vector<16xf32>,
        %parallel_loop3A_626 = vector.broadcast %parallel_loop3A_577 : i32 to vector<16xi32>
        %parallel_loop3A_627 = arith.addi %mul3A_63, %parallel_loop3A_626 : vector<16xi32>
        tpu.vector_store_idx %arg7[%parallel_loop3A_627], %parallel_loop3A_625 : memref<17664xf32, #tpu.memory_space<vmem>>[vector<16xi32>], vector<16xf32>,
        %parallel_loop3A_628 = arith.constant 0 : i32
        %parallel_loop3A_629 = arith.addi %parallel_loop3A_620, %parallel_loop3A_628 : i32
        %parallel_loop3A_630 = arith.index_cast %parallel_loop3A_629 : i32 to index
        %parallel_loop3A_631 = arith.constant 16 : index
        %parallel_loop3A_632 = tpu.vector_load %arg6[%parallel_loop3A_630, %parallel_loop3A_631] {strides = array<i32>} : memref<128x128xf32, #tpu.memory_space<vmem>>, vector<16xf32>,
        %parallel_loop3A_633 = vector.broadcast %parallel_loop3A_577 : i32 to vector<16xi32>
        %parallel_loop3A_634 = arith.addi %mul3A_83, %parallel_loop3A_633 : vector<16xi32>
        tpu.vector_store_idx %arg7[%parallel_loop3A_634], %parallel_loop3A_632 : memref<17664xf32, #tpu.memory_space<vmem>>[vector<16xi32>], vector<16xf32>,
        %parallel_loop3A_635 = arith.constant 0 : i32
        %parallel_loop3A_636 = arith.addi %parallel_loop3A_620, %parallel_loop3A_635 : i32
        %parallel_loop3A_637 = arith.index_cast %parallel_loop3A_636 : i32 to index
        %parallel_loop3A_638 = arith.constant 32 : index
        %parallel_loop3A_639 = tpu.vector_load %arg6[%parallel_loop3A_637, %parallel_loop3A_638] {strides = array<i32>} : memref<128x128xf32, #tpu.memory_space<vmem>>, vector<16xf32>,
        %parallel_loop3A_640 = vector.broadcast %parallel_loop3A_577 : i32 to vector<16xi32>
        %parallel_loop3A_641 = arith.addi %mul3A_103, %parallel_loop3A_640 : vector<16xi32>
        tpu.vector_store_idx %arg7[%parallel_loop3A_641], %parallel_loop3A_639 : memref<17664xf32, #tpu.memory_space<vmem>>[vector<16xi32>], vector<16xf32>,
        %parallel_loop3A_642 = arith.constant 0 : i32
        %parallel_loop3A_643 = arith.addi %parallel_loop3A_620, %parallel_loop3A_642 : i32
        %parallel_loop3A_644 = arith.index_cast %parallel_loop3A_643 : i32 to index
        %parallel_loop3A_645 = arith.constant 48 : index
        %parallel_loop3A_646 = tpu.vector_load %arg6[%parallel_loop3A_644, %parallel_loop3A_645] {strides = array<i32>} : memref<128x128xf32, #tpu.memory_space<vmem>>, vector<16xf32>,
        %parallel_loop3A_647 = vector.broadcast %parallel_loop3A_577 : i32 to vector<16xi32>
        %parallel_loop3A_648 = arith.addi %mul3A_123, %parallel_loop3A_647 : vector<16xi32>
        tpu.vector_store_idx %arg7[%parallel_loop3A_648], %parallel_loop3A_646 : memref<17664xf32, #tpu.memory_space<vmem>>[vector<16xi32>], vector<16xf32>,
        %parallel_loop3A_649 = arith.constant 0 : i32
        %parallel_loop3A_650 = arith.addi %parallel_loop3A_620, %parallel_loop3A_649 : i32
        %parallel_loop3A_651 = arith.index_cast %parallel_loop3A_650 : i32 to index
        %parallel_loop3A_652 = arith.constant 64 : index
        %parallel_loop3A_653 = tpu.vector_load %arg6[%parallel_loop3A_651, %parallel_loop3A_652] {strides = array<i32>} : memref<128x128xf32, #tpu.memory_space<vmem>>, vector<16xf32>,
        %parallel_loop3A_654 = vector.broadcast %parallel_loop3A_577 : i32 to vector<16xi32>
        %parallel_loop3A_655 = arith.addi %mul3A_143, %parallel_loop3A_654 : vector<16xi32>
        tpu.vector_store_idx %arg7[%parallel_loop3A_655], %parallel_loop3A_653 : memref<17664xf32, #tpu.memory_space<vmem>>[vector<16xi32>], vector<16xf32>,
        %parallel_loop3A_656 = arith.constant 0 : i32
        %parallel_loop3A_657 = arith.addi %parallel_loop3A_620, %parallel_loop3A_656 : i32
        %parallel_loop3A_658 = arith.index_cast %parallel_loop3A_657 : i32 to index
        %parallel_loop3A_659 = arith.constant 80 : index
        %parallel_loop3A_660 = tpu.vector_load %arg6[%parallel_loop3A_658, %parallel_loop3A_659] {strides = array<i32>} : memref<128x128xf32, #tpu.memory_space<vmem>>, vector<16xf32>,
        %parallel_loop3A_661 = vector.broadcast %parallel_loop3A_577 : i32 to vector<16xi32>
        %parallel_loop3A_662 = arith.addi %mul3A_163, %parallel_loop3A_661 : vector<16xi32>
        tpu.vector_store_idx %arg7[%parallel_loop3A_662], %parallel_loop3A_660 : memref<17664xf32, #tpu.memory_space<vmem>>[vector<16xi32>], vector<16xf32>,
        %parallel_loop3A_663 = arith.constant 0 : i32
        %parallel_loop3A_664 = arith.addi %parallel_loop3A_620, %parallel_loop3A_663 : i32
        %parallel_loop3A_665 = arith.index_cast %parallel_loop3A_664 : i32 to index
        %parallel_loop3A_666 = arith.constant 96 : index
        %parallel_loop3A_667 = tpu.vector_load %arg6[%parallel_loop3A_665, %parallel_loop3A_666] {strides = array<i32>} : memref<128x128xf32, #tpu.memory_space<vmem>>, vector<16xf32>,
        %parallel_loop3A_668 = vector.broadcast %parallel_loop3A_577 : i32 to vector<16xi32>
        %parallel_loop3A_669 = arith.addi %mul3A_183, %parallel_loop3A_668 : vector<16xi32>
        tpu.vector_store_idx %arg7[%parallel_loop3A_669], %parallel_loop3A_667 : memref<17664xf32, #tpu.memory_space<vmem>>[vector<16xi32>], vector<16xf32>,
        %parallel_loop3A_670 = arith.constant 0 : i32
        %parallel_loop3A_671 = arith.addi %parallel_loop3A_620, %parallel_loop3A_670 : i32
        %parallel_loop3A_672 = arith.index_cast %parallel_loop3A_671 : i32 to index
        %parallel_loop3A_673 = arith.constant 112 : index
        %parallel_loop3A_674 = tpu.vector_load %arg6[%parallel_loop3A_672, %parallel_loop3A_673] {strides = array<i32>} : memref<128x128xf32, #tpu.memory_space<vmem>>, vector<16xf32>,
        %parallel_loop3A_675 = vector.broadcast %parallel_loop3A_577 : i32 to vector<16xi32>
        %parallel_loop3A_676 = arith.addi %mul3A_203, %parallel_loop3A_675 : vector<16xi32>
        tpu.vector_store_idx %arg7[%parallel_loop3A_676], %parallel_loop3A_674 : memref<17664xf32, #tpu.memory_space<vmem>>[vector<16xi32>], vector<16xf32>,
        %parallel_loop3A_677 = arith.constant 8 : i32
        %parallel_loop3A_678 = arith.addi %parallel_loop3A_620, %parallel_loop3A_677 : i32
        %parallel_loop3A_679 = arith.index_cast %parallel_loop3A_678 : i32 to index
        %parallel_loop3A_680 = arith.constant 0 : index
        %parallel_loop3A_681 = tpu.vector_load %arg6[%parallel_loop3A_679, %parallel_loop3A_680] {strides = array<i32>} : memref<128x128xf32, #tpu.memory_space<vmem>>, vector<16xf32>,
        %parallel_loop3A_682 = vector.broadcast %parallel_loop3A_577 : i32 to vector<16xi32>
        %parallel_loop3A_683 = arith.addi %mul3A_223, %parallel_loop3A_682 : vector<16xi32>
        tpu.vector_store_idx %arg7[%parallel_loop3A_683], %parallel_loop3A_681 : memref<17664xf32, #tpu.memory_space<vmem>>[vector<16xi32>], vector<16xf32>,
        %parallel_loop3A_684 = arith.constant 8 : i32
        %parallel_loop3A_685 = arith.addi %parallel_loop3A_620, %parallel_loop3A_684 : i32
        %parallel_loop3A_686 = arith.index_cast %parallel_loop3A_685 : i32 to index
        %parallel_loop3A_687 = arith.constant 16 : index
        %parallel_loop3A_688 = tpu.vector_load %arg6[%parallel_loop3A_686, %parallel_loop3A_687] {strides = array<i32>} : memref<128x128xf32, #tpu.memory_space<vmem>>, vector<16xf32>,
        %parallel_loop3A_689 = vector.broadcast %parallel_loop3A_577 : i32 to vector<16xi32>
        %parallel_loop3A_690 = arith.addi %mul3A_243, %parallel_loop3A_689 : vector<16xi32>
        tpu.vector_store_idx %arg7[%parallel_loop3A_690], %parallel_loop3A_688 : memref<17664xf32, #tpu.memory_space<vmem>>[vector<16xi32>], vector<16xf32>,
        %parallel_loop3A_691 = arith.constant 8 : i32
        %parallel_loop3A_692 = arith.addi %parallel_loop3A_620, %parallel_loop3A_691 : i32
        %parallel_loop3A_693 = arith.index_cast %parallel_loop3A_692 : i32 to index
        %parallel_loop3A_694 = arith.constant 32 : index
        %parallel_loop3A_695 = tpu.vector_load %arg6[%parallel_loop3A_693, %parallel_loop3A_694] {strides = array<i32>} : memref<128x128xf32, #tpu.memory_space<vmem>>, vector<16xf32>,
        %parallel_loop3A_696 = vector.broadcast %parallel_loop3A_577 : i32 to vector<16xi32>
        %parallel_loop3A_697 = arith.addi %mul3A_263, %parallel_loop3A_696 : vector<16xi32>
        tpu.vector_store_idx %arg7[%parallel_loop3A_697], %parallel_loop3A_695 : memref<17664xf32, #tpu.memory_space<vmem>>[vector<16xi32>], vector<16xf32>,
        %parallel_loop3A_698 = arith.constant 8 : i32
        %parallel_loop3A_699 = arith.addi %parallel_loop3A_620, %parallel_loop3A_698 : i32
        %parallel_loop3A_700 = arith.index_cast %parallel_loop3A_699 : i32 to index
        %parallel_loop3A_701 = arith.constant 48 : index
        %parallel_loop3A_702 = tpu.vector_load %arg6[%parallel_loop3A_700, %parallel_loop3A_701] {strides = array<i32>} : memref<128x128xf32, #tpu.memory_space<vmem>>, vector<16xf32>,
        %parallel_loop3A_703 = vector.broadcast %parallel_loop3A_577 : i32 to vector<16xi32>
        %parallel_loop3A_704 = arith.addi %mul3A_283, %parallel_loop3A_703 : vector<16xi32>
        tpu.vector_store_idx %arg7[%parallel_loop3A_704], %parallel_loop3A_702 : memref<17664xf32, #tpu.memory_space<vmem>>[vector<16xi32>], vector<16xf32>,
        %parallel_loop3A_705 = arith.constant 8 : i32
        %parallel_loop3A_706 = arith.addi %parallel_loop3A_620, %parallel_loop3A_705 : i32
        %parallel_loop3A_707 = arith.index_cast %parallel_loop3A_706 : i32 to index
        %parallel_loop3A_708 = arith.constant 64 : index
        %parallel_loop3A_709 = tpu.vector_load %arg6[%parallel_loop3A_707, %parallel_loop3A_708] {strides = array<i32>} : memref<128x128xf32, #tpu.memory_space<vmem>>, vector<16xf32>,
        %parallel_loop3A_710 = vector.broadcast %parallel_loop3A_577 : i32 to vector<16xi32>
        %parallel_loop3A_711 = arith.addi %mul3A_303, %parallel_loop3A_710 : vector<16xi32>
        tpu.vector_store_idx %arg7[%parallel_loop3A_711], %parallel_loop3A_709 : memref<17664xf32, #tpu.memory_space<vmem>>[vector<16xi32>], vector<16xf32>,
        %parallel_loop3A_712 = arith.constant 8 : i32
        %parallel_loop3A_713 = arith.addi %parallel_loop3A_620, %parallel_loop3A_712 : i32
        %parallel_loop3A_714 = arith.index_cast %parallel_loop3A_713 : i32 to index
        %parallel_loop3A_715 = arith.constant 80 : index
        %parallel_loop3A_716 = tpu.vector_load %arg6[%parallel_loop3A_714, %parallel_loop3A_715] {strides = array<i32>} : memref<128x128xf32, #tpu.memory_space<vmem>>, vector<16xf32>,
        %parallel_loop3A_717 = vector.broadcast %parallel_loop3A_577 : i32 to vector<16xi32>
        %parallel_loop3A_718 = arith.addi %mul3A_323, %parallel_loop3A_717 : vector<16xi32>
        tpu.vector_store_idx %arg7[%parallel_loop3A_718], %parallel_loop3A_716 : memref<17664xf32, #tpu.memory_space<vmem>>[vector<16xi32>], vector<16xf32>,
        %parallel_loop3A_719 = arith.constant 8 : i32
        %parallel_loop3A_720 = arith.addi %parallel_loop3A_620, %parallel_loop3A_719 : i32
        %parallel_loop3A_721 = arith.index_cast %parallel_loop3A_720 : i32 to index
        %parallel_loop3A_722 = arith.constant 96 : index
        %parallel_loop3A_723 = tpu.vector_load %arg6[%parallel_loop3A_721, %parallel_loop3A_722] {strides = array<i32>} : memref<128x128xf32, #tpu.memory_space<vmem>>, vector<16xf32>,
        %parallel_loop3A_724 = vector.broadcast %parallel_loop3A_577 : i32 to vector<16xi32>
        %parallel_loop3A_725 = arith.addi %mul3A_343, %parallel_loop3A_724 : vector<16xi32>
        tpu.vector_store_idx %arg7[%parallel_loop3A_725], %parallel_loop3A_723 : memref<17664xf32, #tpu.memory_space<vmem>>[vector<16xi32>], vector<16xf32>,
        %parallel_loop3A_726 = arith.constant 8 : i32
        %parallel_loop3A_727 = arith.addi %parallel_loop3A_620, %parallel_loop3A_726 : i32
        %parallel_loop3A_728 = arith.index_cast %parallel_loop3A_727 : i32 to index
        %parallel_loop3A_729 = arith.constant 112 : index
        %parallel_loop3A_730 = tpu.vector_load %arg6[%parallel_loop3A_728, %parallel_loop3A_729] {strides = array<i32>} : memref<128x128xf32, #tpu.memory_space<vmem>>, vector<16xf32>,
        %parallel_loop3A_731 = vector.broadcast %parallel_loop3A_577 : i32 to vector<16xi32>
        %parallel_loop3A_732 = arith.addi %mul3A_363, %parallel_loop3A_731 : vector<16xi32>
        tpu.vector_store_idx %arg7[%parallel_loop3A_732], %parallel_loop3A_730 : memref<17664xf32, #tpu.memory_space<vmem>>[vector<16xi32>], vector<16xf32>,
      } {sc.loop_unroll_factor = 8 : i64, sc.parallel_access}
      %parallel_loop3A_521 = arith.constant 0 : i32
      %parallel_loop3A_522 = arith.constant 64 : i32
      %parallel_loop3A_523 = arith.constant 1 : i32
      scf.for %parallel_loop3A_577 = %parallel_loop3A_521 to %parallel_loop3A_522 step %parallel_loop3A_523  : i32 {
        %parallel_loop3A_578 = arith.constant 69 : i32
        %parallel_loop3A_579 = arith.muli %parallel_loop3A_577, %parallel_loop3A_578 : i32
        %parallel_loop3A_580 = arith.constant 0 : i32
        %parallel_loop3A_581 = arith.addi %parallel_loop3A_579, %parallel_loop3A_580 : i32
        %parallel_loop3A_582 = arith.index_cast %parallel_loop3A_581 : i32 to index
        %parallel_loop3A_583 = tpu.vector_load %arg7[%parallel_loop3A_582] {strides = array<i32>} : memref<17664xf32, #tpu.memory_space<vmem>>, vector<16xf32>,
        %parallel_loop3A_584 = arith.constant 8 : i32
        %parallel_loop3A_585 = arith.divsi %parallel_loop3A_577, %parallel_loop3A_584 : i32
        %parallel_loop3A_586 = arith.constant 0 : i32
        %parallel_loop3A_587 = arith.cmpi sgt, %parallel_loop3A_577, %parallel_loop3A_586 : i32
        %parallel_loop3A_588 = arith.extui %parallel_loop3A_587 : i1 to i32
        %parallel_loop3A_589 = arith.constant 0 : i32
        %parallel_loop3A_590 = arith.cmpi slt, %parallel_loop3A_577, %parallel_loop3A_589 : i32
        %parallel_loop3A_591 = arith.extui %parallel_loop3A_590 : i1 to i32
        %parallel_loop3A_592 = arith.subi %parallel_loop3A_588, %parallel_loop3A_591 : i32
        %parallel_loop3A_593 = arith.constant 0 : i32
        %parallel_loop3A_594 = arith.cmpi sgt, %parallel_loop3A_584, %parallel_loop3A_593 : i32
        %parallel_loop3A_595 = arith.extui %parallel_loop3A_594 : i1 to i32
        %parallel_loop3A_596 = arith.constant 0 : i32
        %parallel_loop3A_597 = arith.cmpi slt, %parallel_loop3A_584, %parallel_loop3A_596 : i32
        %parallel_loop3A_598 = arith.extui %parallel_loop3A_597 : i1 to i32
        %parallel_loop3A_599 = arith.subi %parallel_loop3A_595, %parallel_loop3A_598 : i32
        %parallel_loop3A_600 = arith.cmpi ne, %parallel_loop3A_592, %parallel_loop3A_599 : i32
        %parallel_loop3A_601 = arith.remsi %parallel_loop3A_577, %parallel_loop3A_584 : i32
        %parallel_loop3A_602 = arith.constant 0 : i32
        %parallel_loop3A_603 = arith.cmpi ne, %parallel_loop3A_601, %parallel_loop3A_602 : i32
        %parallel_loop3A_604 = arith.andi %parallel_loop3A_600, %parallel_loop3A_603 : i1
        %parallel_loop3A_605 = arith.constant 1 : i32
        %parallel_loop3A_606 = arith.subi %parallel_loop3A_585, %parallel_loop3A_605 : i32
        %parallel_loop3A_607 = arith.select %parallel_loop3A_604, %parallel_loop3A_606, %parallel_loop3A_585 : i32
        %parallel_loop3A_608 = arith.constant 8 : i32
        %parallel_loop3A_609 = arith.constant 0 : i32
        %parallel_loop3A_610 = arith.cmpi eq, %parallel_loop3A_608, %parallel_loop3A_609 : i32
        %parallel_loop3A_611 = arith.constant 1 : i32
        %parallel_loop3A_612 = arith.select %parallel_loop3A_610, %parallel_loop3A_611, %parallel_loop3A_608 : i32
        %parallel_loop3A_613 = arith.remsi %parallel_loop3A_577, %parallel_loop3A_612 : i32
        %parallel_loop3A_614 = arith.constant 0 : i32
        %parallel_loop3A_615 = arith.cmpi ne, %parallel_loop3A_613, %parallel_loop3A_614 : i32
        %parallel_loop3A_616 = arith.constant 0 : i32
        %parallel_loop3A_617 = arith.cmpi slt, %parallel_loop3A_613, %parallel_loop3A_616 : i32
        %parallel_loop3A_618 = arith.constant 0 : i32
        %parallel_loop3A_619 = arith.cmpi slt, %parallel_loop3A_612, %parallel_loop3A_618 : i32
        %parallel_loop3A_620 = arith.xori %parallel_loop3A_617, %parallel_loop3A_619 : i1
        %parallel_loop3A_621 = arith.andi %parallel_loop3A_620, %parallel_loop3A_615 : i1
        %parallel_loop3A_622 = arith.addi %parallel_loop3A_613, %parallel_loop3A_612 : i32
        %parallel_loop3A_623 = arith.select %parallel_loop3A_621, %parallel_loop3A_622, %parallel_loop3A_613 : i32
        %parallel_loop3A_624 = arith.index_cast %parallel_loop3A_607 : i32 to index
        %parallel_loop3A_625 = arith.index_cast %parallel_loop3A_623 : i32 to index
        %parallel_loop3A_626 = arith.constant 64 : index
        %parallel_loop3A_627 = tpu.vector_load %arg8[%parallel_loop3A_624, %parallel_loop3A_625, %parallel_loop3A_626] {strides = array<i32>} : memref<8x8x128xf32, #tpu.memory_space<vmem>>, vector<16xf32>,
        tpu.vector_store %arg8[%parallel_loop3A_624, %parallel_loop3A_625, %parallel_loop3A_626], %parallel_loop3A_583 {strides = array<i32>} : memref<8x8x128xf32, #tpu.memory_space<vmem>>, vector<16xf32>,
        %parallel_loop3A_628 = arith.constant 69 : i32
        %parallel_loop3A_629 = arith.muli %parallel_loop3A_577, %parallel_loop3A_628 : i32
        %parallel_loop3A_630 = arith.constant 16 : i32
        %parallel_loop3A_631 = arith.addi %parallel_loop3A_629, %parallel_loop3A_630 : i32
        %parallel_loop3A_632 = arith.index_cast %parallel_loop3A_631 : i32 to index
        %parallel_loop3A_633 = tpu.vector_load %arg7[%parallel_loop3A_632] {strides = array<i32>} : memref<17664xf32, #tpu.memory_space<vmem>>, vector<16xf32>,
        %parallel_loop3A_634 = arith.constant 8 : i32
        %parallel_loop3A_635 = arith.divsi %parallel_loop3A_577, %parallel_loop3A_634 : i32
        %parallel_loop3A_636 = arith.constant 0 : i32
        %parallel_loop3A_637 = arith.cmpi sgt, %parallel_loop3A_577, %parallel_loop3A_636 : i32
        %parallel_loop3A_638 = arith.extui %parallel_loop3A_637 : i1 to i32
        %parallel_loop3A_639 = arith.constant 0 : i32
        %parallel_loop3A_640 = arith.cmpi slt, %parallel_loop3A_577, %parallel_loop3A_639 : i32
        %parallel_loop3A_641 = arith.extui %parallel_loop3A_640 : i1 to i32
        %parallel_loop3A_642 = arith.subi %parallel_loop3A_638, %parallel_loop3A_641 : i32
        %parallel_loop3A_643 = arith.constant 0 : i32
        %parallel_loop3A_644 = arith.cmpi sgt, %parallel_loop3A_634, %parallel_loop3A_643 : i32
        %parallel_loop3A_645 = arith.extui %parallel_loop3A_644 : i1 to i32
        %parallel_loop3A_646 = arith.constant 0 : i32
        %parallel_loop3A_647 = arith.cmpi slt, %parallel_loop3A_634, %parallel_loop3A_646 : i32
        %parallel_loop3A_648 = arith.extui %parallel_loop3A_647 : i1 to i32
        %parallel_loop3A_649 = arith.subi %parallel_loop3A_645, %parallel_loop3A_648 : i32
        %parallel_loop3A_650 = arith.cmpi ne, %parallel_loop3A_642, %parallel_loop3A_649 : i32
        %parallel_loop3A_651 = arith.remsi %parallel_loop3A_577, %parallel_loop3A_634 : i32
        %parallel_loop3A_652 = arith.constant 0 : i32
        %parallel_loop3A_653 = arith.cmpi ne, %parallel_loop3A_651, %parallel_loop3A_652 : i32
        %parallel_loop3A_654 = arith.andi %parallel_loop3A_650, %parallel_loop3A_653 : i1
        %parallel_loop3A_655 = arith.constant 1 : i32
        %parallel_loop3A_656 = arith.subi %parallel_loop3A_635, %parallel_loop3A_655 : i32
        %parallel_loop3A_657 = arith.select %parallel_loop3A_654, %parallel_loop3A_656, %parallel_loop3A_635 : i32
        %parallel_loop3A_658 = arith.constant 8 : i32
        %parallel_loop3A_659 = arith.constant 0 : i32
        %parallel_loop3A_660 = arith.cmpi eq, %parallel_loop3A_658, %parallel_loop3A_659 : i32
        %parallel_loop3A_661 = arith.constant 1 : i32
        %parallel_loop3A_662 = arith.select %parallel_loop3A_660, %parallel_loop3A_661, %parallel_loop3A_658 : i32
        %parallel_loop3A_663 = arith.remsi %parallel_loop3A_577, %parallel_loop3A_662 : i32
        %parallel_loop3A_664 = arith.constant 0 : i32
        %parallel_loop3A_665 = arith.cmpi ne, %parallel_loop3A_663, %parallel_loop3A_664 : i32
        %parallel_loop3A_666 = arith.constant 0 : i32
        %parallel_loop3A_667 = arith.cmpi slt, %parallel_loop3A_663, %parallel_loop3A_666 : i32
        %parallel_loop3A_668 = arith.constant 0 : i32
        %parallel_loop3A_669 = arith.cmpi slt, %parallel_loop3A_662, %parallel_loop3A_668 : i32
        %parallel_loop3A_670 = arith.xori %parallel_loop3A_667, %parallel_loop3A_669 : i1
        %parallel_loop3A_671 = arith.andi %parallel_loop3A_670, %parallel_loop3A_665 : i1
        %parallel_loop3A_672 = arith.addi %parallel_loop3A_663, %parallel_loop3A_662 : i32
        %parallel_loop3A_673 = arith.select %parallel_loop3A_671, %parallel_loop3A_672, %parallel_loop3A_663 : i32
        %parallel_loop3A_674 = arith.index_cast %parallel_loop3A_657 : i32 to index
        %parallel_loop3A_675 = arith.index_cast %parallel_loop3A_673 : i32 to index
        %parallel_loop3A_676 = arith.constant 80 : index
        %parallel_loop3A_677 = tpu.vector_load %arg8[%parallel_loop3A_674, %parallel_loop3A_675, %parallel_loop3A_676] {strides = array<i32>} : memref<8x8x128xf32, #tpu.memory_space<vmem>>, vector<16xf32>,
        tpu.vector_store %arg8[%parallel_loop3A_674, %parallel_loop3A_675, %parallel_loop3A_676], %parallel_loop3A_633 {strides = array<i32>} : memref<8x8x128xf32, #tpu.memory_space<vmem>>, vector<16xf32>,
        %parallel_loop3A_678 = arith.constant 69 : i32
        %parallel_loop3A_679 = arith.muli %parallel_loop3A_577, %parallel_loop3A_678 : i32
        %parallel_loop3A_680 = arith.constant 32 : i32
        %parallel_loop3A_681 = arith.addi %parallel_loop3A_679, %parallel_loop3A_680 : i32
        %parallel_loop3A_682 = arith.index_cast %parallel_loop3A_681 : i32 to index
        %parallel_loop3A_683 = tpu.vector_load %arg7[%parallel_loop3A_682] {strides = array<i32>} : memref<17664xf32, #tpu.memory_space<vmem>>, vector<16xf32>,
        %parallel_loop3A_684 = arith.constant 8 : i32
        %parallel_loop3A_685 = arith.divsi %parallel_loop3A_577, %parallel_loop3A_684 : i32
        %parallel_loop3A_686 = arith.constant 0 : i32
        %parallel_loop3A_687 = arith.cmpi sgt, %parallel_loop3A_577, %parallel_loop3A_686 : i32
        %parallel_loop3A_688 = arith.extui %parallel_loop3A_687 : i1 to i32
        %parallel_loop3A_689 = arith.constant 0 : i32
        %parallel_loop3A_690 = arith.cmpi slt, %parallel_loop3A_577, %parallel_loop3A_689 : i32
        %parallel_loop3A_691 = arith.extui %parallel_loop3A_690 : i1 to i32
        %parallel_loop3A_692 = arith.subi %parallel_loop3A_688, %parallel_loop3A_691 : i32
        %parallel_loop3A_693 = arith.constant 0 : i32
        %parallel_loop3A_694 = arith.cmpi sgt, %parallel_loop3A_684, %parallel_loop3A_693 : i32
        %parallel_loop3A_695 = arith.extui %parallel_loop3A_694 : i1 to i32
        %parallel_loop3A_696 = arith.constant 0 : i32
        %parallel_loop3A_697 = arith.cmpi slt, %parallel_loop3A_684, %parallel_loop3A_696 : i32
        %parallel_loop3A_698 = arith.extui %parallel_loop3A_697 : i1 to i32
        %parallel_loop3A_699 = arith.subi %parallel_loop3A_695, %parallel_loop3A_698 : i32
        %parallel_loop3A_700 = arith.cmpi ne, %parallel_loop3A_692, %parallel_loop3A_699 : i32
        %parallel_loop3A_701 = arith.remsi %parallel_loop3A_577, %parallel_loop3A_684 : i32
        %parallel_loop3A_702 = arith.constant 0 : i32
        %parallel_loop3A_703 = arith.cmpi ne, %parallel_loop3A_701, %parallel_loop3A_702 : i32
        %parallel_loop3A_704 = arith.andi %parallel_loop3A_700, %parallel_loop3A_703 : i1
        %parallel_loop3A_705 = arith.constant 1 : i32
        %parallel_loop3A_706 = arith.subi %parallel_loop3A_685, %parallel_loop3A_705 : i32
        %parallel_loop3A_707 = arith.select %parallel_loop3A_704, %parallel_loop3A_706, %parallel_loop3A_685 : i32
        %parallel_loop3A_708 = arith.constant 8 : i32
        %parallel_loop3A_709 = arith.constant 0 : i32
        %parallel_loop3A_710 = arith.cmpi eq, %parallel_loop3A_708, %parallel_loop3A_709 : i32
        %parallel_loop3A_711 = arith.constant 1 : i32
        %parallel_loop3A_712 = arith.select %parallel_loop3A_710, %parallel_loop3A_711, %parallel_loop3A_708 : i32
        %parallel_loop3A_713 = arith.remsi %parallel_loop3A_577, %parallel_loop3A_712 : i32
        %parallel_loop3A_714 = arith.constant 0 : i32
        %parallel_loop3A_715 = arith.cmpi ne, %parallel_loop3A_713, %parallel_loop3A_714 : i32
        %parallel_loop3A_716 = arith.constant 0 : i32
        %parallel_loop3A_717 = arith.cmpi slt, %parallel_loop3A_713, %parallel_loop3A_716 : i32
        %parallel_loop3A_718 = arith.constant 0 : i32
        %parallel_loop3A_719 = arith.cmpi slt, %parallel_loop3A_712, %parallel_loop3A_718 : i32
        %parallel_loop3A_720 = arith.xori %parallel_loop3A_717, %parallel_loop3A_719 : i1
        %parallel_loop3A_721 = arith.andi %parallel_loop3A_720, %parallel_loop3A_715 : i1
        %parallel_loop3A_722 = arith.addi %parallel_loop3A_713, %parallel_loop3A_712 : i32
        %parallel_loop3A_723 = arith.select %parallel_loop3A_721, %parallel_loop3A_722, %parallel_loop3A_713 : i32
        %parallel_loop3A_724 = arith.index_cast %parallel_loop3A_707 : i32 to index
        %parallel_loop3A_725 = arith.index_cast %parallel_loop3A_723 : i32 to index
        %parallel_loop3A_726 = arith.constant 96 : index
        %parallel_loop3A_727 = tpu.vector_load %arg8[%parallel_loop3A_724, %parallel_loop3A_725, %parallel_loop3A_726] {strides = array<i32>} : memref<8x8x128xf32, #tpu.memory_space<vmem>>, vector<16xf32>,
        tpu.vector_store %arg8[%parallel_loop3A_724, %parallel_loop3A_725, %parallel_loop3A_726], %parallel_loop3A_683 {strides = array<i32>} : memref<8x8x128xf32, #tpu.memory_space<vmem>>, vector<16xf32>,
        %parallel_loop3A_728 = arith.constant 69 : i32
        %parallel_loop3A_729 = arith.muli %parallel_loop3A_577, %parallel_loop3A_728 : i32
        %parallel_loop3A_730 = arith.constant 48 : i32
        %parallel_loop3A_731 = arith.addi %parallel_loop3A_729, %parallel_loop3A_730 : i32
        %parallel_loop3A_732 = arith.index_cast %parallel_loop3A_731 : i32 to index
        %parallel_loop3A_733 = tpu.vector_load %arg7[%parallel_loop3A_732] {strides = array<i32>} : memref<17664xf32, #tpu.memory_space<vmem>>, vector<16xf32>,
        %parallel_loop3A_734 = arith.constant 8 : i32
        %parallel_loop3A_735 = arith.divsi %parallel_loop3A_577, %parallel_loop3A_734 : i32
        %parallel_loop3A_736 = arith.constant 0 : i32
        %parallel_loop3A_737 = arith.cmpi sgt, %parallel_loop3A_577, %parallel_loop3A_736 : i32
        %parallel_loop3A_738 = arith.extui %parallel_loop3A_737 : i1 to i32
        %parallel_loop3A_739 = arith.constant 0 : i32
        %parallel_loop3A_740 = arith.cmpi slt, %parallel_loop3A_577, %parallel_loop3A_739 : i32
        %parallel_loop3A_741 = arith.extui %parallel_loop3A_740 : i1 to i32
        %parallel_loop3A_742 = arith.subi %parallel_loop3A_738, %parallel_loop3A_741 : i32
        %parallel_loop3A_743 = arith.constant 0 : i32
        %parallel_loop3A_744 = arith.cmpi sgt, %parallel_loop3A_734, %parallel_loop3A_743 : i32
        %parallel_loop3A_745 = arith.extui %parallel_loop3A_744 : i1 to i32
        %parallel_loop3A_746 = arith.constant 0 : i32
        %parallel_loop3A_747 = arith.cmpi slt, %parallel_loop3A_734, %parallel_loop3A_746 : i32
        %parallel_loop3A_748 = arith.extui %parallel_loop3A_747 : i1 to i32
        %parallel_loop3A_749 = arith.subi %parallel_loop3A_745, %parallel_loop3A_748 : i32
        %parallel_loop3A_750 = arith.cmpi ne, %parallel_loop3A_742, %parallel_loop3A_749 : i32
        %parallel_loop3A_751 = arith.remsi %parallel_loop3A_577, %parallel_loop3A_734 : i32
        %parallel_loop3A_752 = arith.constant 0 : i32
        %parallel_loop3A_753 = arith.cmpi ne, %parallel_loop3A_751, %parallel_loop3A_752 : i32
        %parallel_loop3A_754 = arith.andi %parallel_loop3A_750, %parallel_loop3A_753 : i1
        %parallel_loop3A_755 = arith.constant 1 : i32
        %parallel_loop3A_756 = arith.subi %parallel_loop3A_735, %parallel_loop3A_755 : i32
        %parallel_loop3A_757 = arith.select %parallel_loop3A_754, %parallel_loop3A_756, %parallel_loop3A_735 : i32
        %parallel_loop3A_758 = arith.constant 8 : i32
        %parallel_loop3A_759 = arith.constant 0 : i32
        %parallel_loop3A_760 = arith.cmpi eq, %parallel_loop3A_758, %parallel_loop3A_759 : i32
        %parallel_loop3A_761 = arith.constant 1 : i32
        %parallel_loop3A_762 = arith.select %parallel_loop3A_760, %parallel_loop3A_761, %parallel_loop3A_758 : i32
        %parallel_loop3A_763 = arith.remsi %parallel_loop3A_577, %parallel_loop3A_762 : i32
        %parallel_loop3A_764 = arith.constant 0 : i32
        %parallel_loop3A_765 = arith.cmpi ne, %parallel_loop3A_763, %parallel_loop3A_764 : i32
        %parallel_loop3A_766 = arith.constant 0 : i32
        %parallel_loop3A_767 = arith.cmpi slt, %parallel_loop3A_763, %parallel_loop3A_766 : i32
        %parallel_loop3A_768 = arith.constant 0 : i32
        %parallel_loop3A_769 = arith.cmpi slt, %parallel_loop3A_762, %parallel_loop3A_768 : i32
        %parallel_loop3A_770 = arith.xori %parallel_loop3A_767, %parallel_loop3A_769 : i1
        %parallel_loop3A_771 = arith.andi %parallel_loop3A_770, %parallel_loop3A_765 : i1
        %parallel_loop3A_772 = arith.addi %parallel_loop3A_763, %parallel_loop3A_762 : i32
        %parallel_loop3A_773 = arith.select %parallel_loop3A_771, %parallel_loop3A_772, %parallel_loop3A_763 : i32
        %parallel_loop3A_774 = arith.index_cast %parallel_loop3A_757 : i32 to index
        %parallel_loop3A_775 = arith.index_cast %parallel_loop3A_773 : i32 to index
        %parallel_loop3A_776 = arith.constant 112 : index
        %parallel_loop3A_777 = tpu.vector_load %arg8[%parallel_loop3A_774, %parallel_loop3A_775, %parallel_loop3A_776] {strides = array<i32>} : memref<8x8x128xf32, #tpu.memory_space<vmem>>, vector<16xf32>,
        tpu.vector_store %arg8[%parallel_loop3A_774, %parallel_loop3A_775, %parallel_loop3A_776], %parallel_loop3A_733 {strides = array<i32>} : memref<8x8x128xf32, #tpu.memory_space<vmem>>, vector<16xf32>,
      } {sc.loop_unroll_factor = 8 : i64, sc.parallel_access}
      %parallel_loop3A_524 = arith.constant 0 : i32
      %parallel_loop3A_525 = arith.constant 192 : i32
      %parallel_loop3A_526 = arith.constant 1 : i32
      scf.for %parallel_loop3A_577 = %parallel_loop3A_524 to %parallel_loop3A_525 step %parallel_loop3A_526  : i32 {
        %parallel_loop3A_578 = arith.constant 64 : i32
        %parallel_loop3A_579 = arith.addi %parallel_loop3A_578, %parallel_loop3A_577 : i32
        %parallel_loop3A_580 = arith.constant 69 : i32
        %parallel_loop3A_581 = arith.muli %parallel_loop3A_579, %parallel_loop3A_580 : i32
        %parallel_loop3A_582 = arith.constant 0 : i32
        %parallel_loop3A_583 = arith.addi %parallel_loop3A_581, %parallel_loop3A_582 : i32
        %parallel_loop3A_584 = arith.index_cast %parallel_loop3A_583 : i32 to index
        %parallel_loop3A_585 = tpu.vector_load %arg7[%parallel_loop3A_584] {strides = array<i32>} : memref<17664xf32, #tpu.memory_space<vmem>>, vector<16xf32>,
        %parallel_loop3A_586 = arith.constant 8 : i32
        %parallel_loop3A_587 = arith.divsi %parallel_loop3A_577, %parallel_loop3A_586 : i32
        %parallel_loop3A_588 = arith.constant 0 : i32
        %parallel_loop3A_589 = arith.cmpi sgt, %parallel_loop3A_577, %parallel_loop3A_588 : i32
        %parallel_loop3A_590 = arith.extui %parallel_loop3A_589 : i1 to i32
        %parallel_loop3A_591 = arith.constant 0 : i32
        %parallel_loop3A_592 = arith.cmpi slt, %parallel_loop3A_577, %parallel_loop3A_591 : i32
        %parallel_loop3A_593 = arith.extui %parallel_loop3A_592 : i1 to i32
        %parallel_loop3A_594 = arith.subi %parallel_loop3A_590, %parallel_loop3A_593 : i32
        %parallel_loop3A_595 = arith.constant 0 : i32
        %parallel_loop3A_596 = arith.cmpi sgt, %parallel_loop3A_586, %parallel_loop3A_595 : i32
        %parallel_loop3A_597 = arith.extui %parallel_loop3A_596 : i1 to i32
        %parallel_loop3A_598 = arith.constant 0 : i32
        %parallel_loop3A_599 = arith.cmpi slt, %parallel_loop3A_586, %parallel_loop3A_598 : i32
        %parallel_loop3A_600 = arith.extui %parallel_loop3A_599 : i1 to i32
        %parallel_loop3A_601 = arith.subi %parallel_loop3A_597, %parallel_loop3A_600 : i32
        %parallel_loop3A_602 = arith.cmpi ne, %parallel_loop3A_594, %parallel_loop3A_601 : i32
        %parallel_loop3A_603 = arith.remsi %parallel_loop3A_577, %parallel_loop3A_586 : i32
        %parallel_loop3A_604 = arith.constant 0 : i32
        %parallel_loop3A_605 = arith.cmpi ne, %parallel_loop3A_603, %parallel_loop3A_604 : i32
        %parallel_loop3A_606 = arith.andi %parallel_loop3A_602, %parallel_loop3A_605 : i1
        %parallel_loop3A_607 = arith.constant 1 : i32
        %parallel_loop3A_608 = arith.subi %parallel_loop3A_587, %parallel_loop3A_607 : i32
        %parallel_loop3A_609 = arith.select %parallel_loop3A_606, %parallel_loop3A_608, %parallel_loop3A_587 : i32
        %parallel_loop3A_610 = arith.constant 8 : i32
        %parallel_loop3A_611 = arith.constant 0 : i32
        %parallel_loop3A_612 = arith.cmpi eq, %parallel_loop3A_610, %parallel_loop3A_611 : i32
        %parallel_loop3A_613 = arith.constant 1 : i32
        %parallel_loop3A_614 = arith.select %parallel_loop3A_612, %parallel_loop3A_613, %parallel_loop3A_610 : i32
        %parallel_loop3A_615 = arith.remsi %parallel_loop3A_577, %parallel_loop3A_614 : i32
        %parallel_loop3A_616 = arith.constant 0 : i32
        %parallel_loop3A_617 = arith.cmpi ne, %parallel_loop3A_615, %parallel_loop3A_616 : i32
        %parallel_loop3A_618 = arith.constant 0 : i32
        %parallel_loop3A_619 = arith.cmpi slt, %parallel_loop3A_615, %parallel_loop3A_618 : i32
        %parallel_loop3A_620 = arith.constant 0 : i32
        %parallel_loop3A_621 = arith.cmpi slt, %parallel_loop3A_614, %parallel_loop3A_620 : i32
        %parallel_loop3A_622 = arith.xori %parallel_loop3A_619, %parallel_loop3A_621 : i1
        %parallel_loop3A_623 = arith.andi %parallel_loop3A_622, %parallel_loop3A_617 : i1
        %parallel_loop3A_624 = arith.addi %parallel_loop3A_615, %parallel_loop3A_614 : i32
        %parallel_loop3A_625 = arith.select %parallel_loop3A_623, %parallel_loop3A_624, %parallel_loop3A_615 : i32
        %parallel_loop3A_626 = arith.index_cast %parallel_loop3A_609 : i32 to index
        %parallel_loop3A_627 = arith.index_cast %parallel_loop3A_625 : i32 to index
        %parallel_loop3A_628 = arith.constant 64 : index
        %parallel_loop3A_629 = tpu.vector_load %arg9[%parallel_loop3A_626, %parallel_loop3A_627, %parallel_loop3A_628] {strides = array<i32>} : memref<24x8x128xf32, #tpu.memory_space<vmem>>, vector<16xf32>,
        tpu.vector_store %arg9[%parallel_loop3A_626, %parallel_loop3A_627, %parallel_loop3A_628], %parallel_loop3A_585 {strides = array<i32>} : memref<24x8x128xf32, #tpu.memory_space<vmem>>, vector<16xf32>,
        %parallel_loop3A_630 = arith.constant 64 : i32
        %parallel_loop3A_631 = arith.addi %parallel_loop3A_630, %parallel_loop3A_577 : i32
        %parallel_loop3A_632 = arith.constant 69 : i32
        %parallel_loop3A_633 = arith.muli %parallel_loop3A_631, %parallel_loop3A_632 : i32
        %parallel_loop3A_634 = arith.constant 16 : i32
        %parallel_loop3A_635 = arith.addi %parallel_loop3A_633, %parallel_loop3A_634 : i32
        %parallel_loop3A_636 = arith.index_cast %parallel_loop3A_635 : i32 to index
        %parallel_loop3A_637 = tpu.vector_load %arg7[%parallel_loop3A_636] {strides = array<i32>} : memref<17664xf32, #tpu.memory_space<vmem>>, vector<16xf32>,
        %parallel_loop3A_638 = arith.constant 8 : i32
        %parallel_loop3A_639 = arith.divsi %parallel_loop3A_577, %parallel_loop3A_638 : i32
        %parallel_loop3A_640 = arith.constant 0 : i32
        %parallel_loop3A_641 = arith.cmpi sgt, %parallel_loop3A_577, %parallel_loop3A_640 : i32
        %parallel_loop3A_642 = arith.extui %parallel_loop3A_641 : i1 to i32
        %parallel_loop3A_643 = arith.constant 0 : i32
        %parallel_loop3A_644 = arith.cmpi slt, %parallel_loop3A_577, %parallel_loop3A_643 : i32
        %parallel_loop3A_645 = arith.extui %parallel_loop3A_644 : i1 to i32
        %parallel_loop3A_646 = arith.subi %parallel_loop3A_642, %parallel_loop3A_645 : i32
        %parallel_loop3A_647 = arith.constant 0 : i32
        %parallel_loop3A_648 = arith.cmpi sgt, %parallel_loop3A_638, %parallel_loop3A_647 : i32
        %parallel_loop3A_649 = arith.extui %parallel_loop3A_648 : i1 to i32
        %parallel_loop3A_650 = arith.constant 0 : i32
        %parallel_loop3A_651 = arith.cmpi slt, %parallel_loop3A_638, %parallel_loop3A_650 : i32
        %parallel_loop3A_652 = arith.extui %parallel_loop3A_651 : i1 to i32
        %parallel_loop3A_653 = arith.subi %parallel_loop3A_649, %parallel_loop3A_652 : i32
        %parallel_loop3A_654 = arith.cmpi ne, %parallel_loop3A_646, %parallel_loop3A_653 : i32
        %parallel_loop3A_655 = arith.remsi %parallel_loop3A_577, %parallel_loop3A_638 : i32
        %parallel_loop3A_656 = arith.constant 0 : i32
        %parallel_loop3A_657 = arith.cmpi ne, %parallel_loop3A_655, %parallel_loop3A_656 : i32
        %parallel_loop3A_658 = arith.andi %parallel_loop3A_654, %parallel_loop3A_657 : i1
        %parallel_loop3A_659 = arith.constant 1 : i32
        %parallel_loop3A_660 = arith.subi %parallel_loop3A_639, %parallel_loop3A_659 : i32
        %parallel_loop3A_661 = arith.select %parallel_loop3A_658, %parallel_loop3A_660, %parallel_loop3A_639 : i32
        %parallel_loop3A_662 = arith.constant 8 : i32
        %parallel_loop3A_663 = arith.constant 0 : i32
        %parallel_loop3A_664 = arith.cmpi eq, %parallel_loop3A_662, %parallel_loop3A_663 : i32
        %parallel_loop3A_665 = arith.constant 1 : i32
        %parallel_loop3A_666 = arith.select %parallel_loop3A_664, %parallel_loop3A_665, %parallel_loop3A_662 : i32
        %parallel_loop3A_667 = arith.remsi %parallel_loop3A_577, %parallel_loop3A_666 : i32
        %parallel_loop3A_668 = arith.constant 0 : i32
        %parallel_loop3A_669 = arith.cmpi ne, %parallel_loop3A_667, %parallel_loop3A_668 : i32
        %parallel_loop3A_670 = arith.constant 0 : i32
        %parallel_loop3A_671 = arith.cmpi slt, %parallel_loop3A_667, %parallel_loop3A_670 : i32
        %parallel_loop3A_672 = arith.constant 0 : i32
        %parallel_loop3A_673 = arith.cmpi slt, %parallel_loop3A_666, %parallel_loop3A_672 : i32
        %parallel_loop3A_674 = arith.xori %parallel_loop3A_671, %parallel_loop3A_673 : i1
        %parallel_loop3A_675 = arith.andi %parallel_loop3A_674, %parallel_loop3A_669 : i1
        %parallel_loop3A_676 = arith.addi %parallel_loop3A_667, %parallel_loop3A_666 : i32
        %parallel_loop3A_677 = arith.select %parallel_loop3A_675, %parallel_loop3A_676, %parallel_loop3A_667 : i32
        %parallel_loop3A_678 = arith.index_cast %parallel_loop3A_661 : i32 to index
        %parallel_loop3A_679 = arith.index_cast %parallel_loop3A_677 : i32 to index
        %parallel_loop3A_680 = arith.constant 80 : index
        %parallel_loop3A_681 = tpu.vector_load %arg9[%parallel_loop3A_678, %parallel_loop3A_679, %parallel_loop3A_680] {strides = array<i32>} : memref<24x8x128xf32, #tpu.memory_space<vmem>>, vector<16xf32>,
        tpu.vector_store %arg9[%parallel_loop3A_678, %parallel_loop3A_679, %parallel_loop3A_680], %parallel_loop3A_637 {strides = array<i32>} : memref<24x8x128xf32, #tpu.memory_space<vmem>>, vector<16xf32>,
        %parallel_loop3A_682 = arith.constant 64 : i32
        %parallel_loop3A_683 = arith.addi %parallel_loop3A_682, %parallel_loop3A_577 : i32
        %parallel_loop3A_684 = arith.constant 69 : i32
        %parallel_loop3A_685 = arith.muli %parallel_loop3A_683, %parallel_loop3A_684 : i32
        %parallel_loop3A_686 = arith.constant 32 : i32
        %parallel_loop3A_687 = arith.addi %parallel_loop3A_685, %parallel_loop3A_686 : i32
        %parallel_loop3A_688 = arith.index_cast %parallel_loop3A_687 : i32 to index
        %parallel_loop3A_689 = tpu.vector_load %arg7[%parallel_loop3A_688] {strides = array<i32>} : memref<17664xf32, #tpu.memory_space<vmem>>, vector<16xf32>,
        %parallel_loop3A_690 = arith.constant 8 : i32
        %parallel_loop3A_691 = arith.divsi %parallel_loop3A_577, %parallel_loop3A_690 : i32
        %parallel_loop3A_692 = arith.constant 0 : i32
        %parallel_loop3A_693 = arith.cmpi sgt, %parallel_loop3A_577, %parallel_loop3A_692 : i32
        %parallel_loop3A_694 = arith.extui %parallel_loop3A_693 : i1 to i32
        %parallel_loop3A_695 = arith.constant 0 : i32
        %parallel_loop3A_696 = arith.cmpi slt, %parallel_loop3A_577, %parallel_loop3A_695 : i32
        %parallel_loop3A_697 = arith.extui %parallel_loop3A_696 : i1 to i32
        %parallel_loop3A_698 = arith.subi %parallel_loop3A_694, %parallel_loop3A_697 : i32
        %parallel_loop3A_699 = arith.constant 0 : i32
        %parallel_loop3A_700 = arith.cmpi sgt, %parallel_loop3A_690, %parallel_loop3A_699 : i32
        %parallel_loop3A_701 = arith.extui %parallel_loop3A_700 : i1 to i32
        %parallel_loop3A_702 = arith.constant 0 : i32
        %parallel_loop3A_703 = arith.cmpi slt, %parallel_loop3A_690, %parallel_loop3A_702 : i32
        %parallel_loop3A_704 = arith.extui %parallel_loop3A_703 : i1 to i32
        %parallel_loop3A_705 = arith.subi %parallel_loop3A_701, %parallel_loop3A_704 : i32
        %parallel_loop3A_706 = arith.cmpi ne, %parallel_loop3A_698, %parallel_loop3A_705 : i32
        %parallel_loop3A_707 = arith.remsi %parallel_loop3A_577, %parallel_loop3A_690 : i32
        %parallel_loop3A_708 = arith.constant 0 : i32
        %parallel_loop3A_709 = arith.cmpi ne, %parallel_loop3A_707, %parallel_loop3A_708 : i32
        %parallel_loop3A_710 = arith.andi %parallel_loop3A_706, %parallel_loop3A_709 : i1
        %parallel_loop3A_711 = arith.constant 1 : i32
        %parallel_loop3A_712 = arith.subi %parallel_loop3A_691, %parallel_loop3A_711 : i32
        %parallel_loop3A_713 = arith.select %parallel_loop3A_710, %parallel_loop3A_712, %parallel_loop3A_691 : i32
        %parallel_loop3A_714 = arith.constant 8 : i32
        %parallel_loop3A_715 = arith.constant 0 : i32
        %parallel_loop3A_716 = arith.cmpi eq, %parallel_loop3A_714, %parallel_loop3A_715 : i32
        %parallel_loop3A_717 = arith.constant 1 : i32
        %parallel_loop3A_718 = arith.select %parallel_loop3A_716, %parallel_loop3A_717, %parallel_loop3A_714 : i32
        %parallel_loop3A_719 = arith.remsi %parallel_loop3A_577, %parallel_loop3A_718 : i32
        %parallel_loop3A_720 = arith.constant 0 : i32
        %parallel_loop3A_721 = arith.cmpi ne, %parallel_loop3A_719, %parallel_loop3A_720 : i32
        %parallel_loop3A_722 = arith.constant 0 : i32
        %parallel_loop3A_723 = arith.cmpi slt, %parallel_loop3A_719, %parallel_loop3A_722 : i32
        %parallel_loop3A_724 = arith.constant 0 : i32
        %parallel_loop3A_725 = arith.cmpi slt, %parallel_loop3A_718, %parallel_loop3A_724 : i32
        %parallel_loop3A_726 = arith.xori %parallel_loop3A_723, %parallel_loop3A_725 : i1
        %parallel_loop3A_727 = arith.andi %parallel_loop3A_726, %parallel_loop3A_721 : i1
        %parallel_loop3A_728 = arith.addi %parallel_loop3A_719, %parallel_loop3A_718 : i32
        %parallel_loop3A_729 = arith.select %parallel_loop3A_727, %parallel_loop3A_728, %parallel_loop3A_719 : i32
        %parallel_loop3A_730 = arith.index_cast %parallel_loop3A_713 : i32 to index
        %parallel_loop3A_731 = arith.index_cast %parallel_loop3A_729 : i32 to index
        %parallel_loop3A_732 = arith.constant 96 : index
        %parallel_loop3A_733 = tpu.vector_load %arg9[%parallel_loop3A_730, %parallel_loop3A_731, %parallel_loop3A_732] {strides = array<i32>} : memref<24x8x128xf32, #tpu.memory_space<vmem>>, vector<16xf32>,
        tpu.vector_store %arg9[%parallel_loop3A_730, %parallel_loop3A_731, %parallel_loop3A_732], %parallel_loop3A_689 {strides = array<i32>} : memref<24x8x128xf32, #tpu.memory_space<vmem>>, vector<16xf32>,
        %parallel_loop3A_734 = arith.constant 64 : i32
        %parallel_loop3A_735 = arith.addi %parallel_loop3A_734, %parallel_loop3A_577 : i32
        %parallel_loop3A_736 = arith.constant 69 : i32
        %parallel_loop3A_737 = arith.muli %parallel_loop3A_735, %parallel_loop3A_736 : i32
        %parallel_loop3A_738 = arith.constant 48 : i32
        %parallel_loop3A_739 = arith.addi %parallel_loop3A_737, %parallel_loop3A_738 : i32
        %parallel_loop3A_740 = arith.index_cast %parallel_loop3A_739 : i32 to index
        %parallel_loop3A_741 = tpu.vector_load %arg7[%parallel_loop3A_740] {strides = array<i32>} : memref<17664xf32, #tpu.memory_space<vmem>>, vector<16xf32>,
        %parallel_loop3A_742 = arith.constant 8 : i32
        %parallel_loop3A_743 = arith.divsi %parallel_loop3A_577, %parallel_loop3A_742 : i32
        %parallel_loop3A_744 = arith.constant 0 : i32
        %parallel_loop3A_745 = arith.cmpi sgt, %parallel_loop3A_577, %parallel_loop3A_744 : i32
        %parallel_loop3A_746 = arith.extui %parallel_loop3A_745 : i1 to i32
        %parallel_loop3A_747 = arith.constant 0 : i32
        %parallel_loop3A_748 = arith.cmpi slt, %parallel_loop3A_577, %parallel_loop3A_747 : i32
        %parallel_loop3A_749 = arith.extui %parallel_loop3A_748 : i1 to i32
        %parallel_loop3A_750 = arith.subi %parallel_loop3A_746, %parallel_loop3A_749 : i32
        %parallel_loop3A_751 = arith.constant 0 : i32
        %parallel_loop3A_752 = arith.cmpi sgt, %parallel_loop3A_742, %parallel_loop3A_751 : i32
        %parallel_loop3A_753 = arith.extui %parallel_loop3A_752 : i1 to i32
        %parallel_loop3A_754 = arith.constant 0 : i32
        %parallel_loop3A_755 = arith.cmpi slt, %parallel_loop3A_742, %parallel_loop3A_754 : i32
        %parallel_loop3A_756 = arith.extui %parallel_loop3A_755 : i1 to i32
        %parallel_loop3A_757 = arith.subi %parallel_loop3A_753, %parallel_loop3A_756 : i32
        %parallel_loop3A_758 = arith.cmpi ne, %parallel_loop3A_750, %parallel_loop3A_757 : i32
        %parallel_loop3A_759 = arith.remsi %parallel_loop3A_577, %parallel_loop3A_742 : i32
        %parallel_loop3A_760 = arith.constant 0 : i32
        %parallel_loop3A_761 = arith.cmpi ne, %parallel_loop3A_759, %parallel_loop3A_760 : i32
        %parallel_loop3A_762 = arith.andi %parallel_loop3A_758, %parallel_loop3A_761 : i1
        %parallel_loop3A_763 = arith.constant 1 : i32
        %parallel_loop3A_764 = arith.subi %parallel_loop3A_743, %parallel_loop3A_763 : i32
        %parallel_loop3A_765 = arith.select %parallel_loop3A_762, %parallel_loop3A_764, %parallel_loop3A_743 : i32
        %parallel_loop3A_766 = arith.constant 8 : i32
        %parallel_loop3A_767 = arith.constant 0 : i32
        %parallel_loop3A_768 = arith.cmpi eq, %parallel_loop3A_766, %parallel_loop3A_767 : i32
        %parallel_loop3A_769 = arith.constant 1 : i32
        %parallel_loop3A_770 = arith.select %parallel_loop3A_768, %parallel_loop3A_769, %parallel_loop3A_766 : i32
        %parallel_loop3A_771 = arith.remsi %parallel_loop3A_577, %parallel_loop3A_770 : i32
        %parallel_loop3A_772 = arith.constant 0 : i32
        %parallel_loop3A_773 = arith.cmpi ne, %parallel_loop3A_771, %parallel_loop3A_772 : i32
        %parallel_loop3A_774 = arith.constant 0 : i32
        %parallel_loop3A_775 = arith.cmpi slt, %parallel_loop3A_771, %parallel_loop3A_774 : i32
        %parallel_loop3A_776 = arith.constant 0 : i32
        %parallel_loop3A_777 = arith.cmpi slt, %parallel_loop3A_770, %parallel_loop3A_776 : i32
        %parallel_loop3A_778 = arith.xori %parallel_loop3A_775, %parallel_loop3A_777 : i1
        %parallel_loop3A_779 = arith.andi %parallel_loop3A_778, %parallel_loop3A_773 : i1
        %parallel_loop3A_780 = arith.addi %parallel_loop3A_771, %parallel_loop3A_770 : i32
        %parallel_loop3A_781 = arith.select %parallel_loop3A_779, %parallel_loop3A_780, %parallel_loop3A_771 : i32
        %parallel_loop3A_782 = arith.index_cast %parallel_loop3A_765 : i32 to index
        %parallel_loop3A_783 = arith.index_cast %parallel_loop3A_781 : i32 to index
        %parallel_loop3A_784 = arith.constant 112 : index
        %parallel_loop3A_785 = tpu.vector_load %arg9[%parallel_loop3A_782, %parallel_loop3A_783, %parallel_loop3A_784] {strides = array<i32>} : memref<24x8x128xf32, #tpu.memory_space<vmem>>, vector<16xf32>,
        tpu.vector_store %arg9[%parallel_loop3A_782, %parallel_loop3A_783, %parallel_loop3A_784], %parallel_loop3A_741 {strides = array<i32>} : memref<24x8x128xf32, #tpu.memory_space<vmem>>, vector<16xf32>,
      } {sc.loop_unroll_factor = 8 : i64, sc.parallel_access}
      %jit3A_527 = arith.constant 3 : i32
      %div3A_528 = arith.divsi %scan3A_408, %jit3A_527 : i32
      %sign3A_529 = arith.constant 0 : i32
      %sign3A_530 = arith.cmpi sgt, %scan3A_408, %sign3A_529 : i32
      %sign3A_531 = arith.extui %sign3A_530 : i1 to i32
      %sign3A_532 = arith.constant 0 : i32
      %sign3A_533 = arith.cmpi slt, %scan3A_408, %sign3A_532 : i32
      %sign3A_534 = arith.extui %sign3A_533 : i1 to i32
      %sign3A_535 = arith.subi %sign3A_531, %sign3A_534 : i32
      %sign3A_536 = arith.constant 0 : i32
      %sign3A_537 = arith.cmpi sgt, %jit3A_527, %sign3A_536 : i32
      %sign3A_538 = arith.extui %sign3A_537 : i1 to i32
      %sign3A_539 = arith.constant 0 : i32
      %sign3A_540 = arith.cmpi slt, %jit3A_527, %sign3A_539 : i32
      %sign3A_541 = arith.extui %sign3A_540 : i1 to i32
      %sign3A_542 = arith.subi %sign3A_538, %sign3A_541 : i32
      %ne3A_543 = arith.cmpi ne, %sign3A_535, %sign3A_542 : i32
      %rem3A_544 = arith.remsi %scan3A_408, %jit3A_527 : i32
      %ne3A_545 = arith.constant 0 : i32
      %ne3A_546 = arith.cmpi ne, %rem3A_544, %ne3A_545 : i32
      %and3A_547 = arith.andi %ne3A_543, %ne3A_546 : i1
      %sub3A_548 = arith.constant 1 : i32
      %sub3A_549 = arith.subi %div3A_528, %sub3A_548 : i32
      %select_n3A_550 = arith.select %and3A_547, %sub3A_549, %div3A_528 : i32
      %mul3A_551 = arith.constant 3 : i32
      %mul3A_552 = arith.muli %select_n3A_550, %mul3A_551 : i32
      %sub3A_553 = arith.subi %scan3A_408, %mul3A_552 : i32
      %mul3A_554 = arith.constant 4 : i32
      %mul3A_555 = arith.muli %add3A, %mul3A_554 : i32
      %add3A_556 = arith.addi %mul3A_555, %select_n3A_550 : i32
      %mul3A_557 = arith.constant 8 : i32
      %mul3A_558 = arith.muli %sub3A_553, %mul3A_557 : i32
      %dma_start3A_559 = arith.constant 0 : i32
      %dma_start3A_560 = arith.constant 0 : i32
      %dma_start3A_561 = tpu.memref_slice %arg3[%mul3A_558, %add3A_556, %dma_start3A_559, %dma_start3A_560] : memref<24x128x8x128xf32, #tpu.memory_space<hbm>> -> memref<8x1x8x128xf32, #tpu.memory_space<hbm>>
      %dma_start3A_562 = tpu.memref_squeeze %dma_start3A_561 : memref<8x1x8x128xf32, #tpu.memory_space<hbm>> -> memref<8x8x128xf32, #tpu.memory_space<hbm>>
      %dma_start3A_563 = arith.constant 0 : i32
      %dma_start3A_564 = arith.constant 0 : i32
      %dma_start3A_565 = tpu.memref_slice %arg3[%mul3A_558, %add3A_556, %dma_start3A_563, %dma_start3A_564] : memref<24x128x8x128xf32, #tpu.memory_space<hbm>> -> memref<8x1x8x128xf32, #tpu.memory_space<hbm>>
      %dma_start3A_566 = tpu.memref_squeeze %dma_start3A_565 : memref<8x1x8x128xf32, #tpu.memory_space<hbm>> -> memref<8x8x128xf32, #tpu.memory_space<hbm>>
      tpu.enqueue_dma source(%arg8 : memref<8x8x128xf32, #tpu.memory_space<vmem>>) target(%dma_start3A_566 : memref<8x8x128xf32, #tpu.memory_space<hbm>>) target_semaphore(%arg12 : memref<!tpu.dma_semaphore, #tpu.memory_space<semaphore_mem>>)
      %mul3A_567 = arith.constant 24 : i32
      %mul3A_568 = arith.muli %sub3A_553, %mul3A_567 : i32
      %dma_start3A_569 = arith.constant 0 : i32
      %dma_start3A_570 = arith.constant 0 : i32
      %dma_start3A_571 = tpu.memref_slice %arg4[%mul3A_568, %add3A_556, %dma_start3A_569, %dma_start3A_570] : memref<72x128x8x128xf32, #tpu.memory_space<hbm>> -> memref<24x1x8x128xf32, #tpu.memory_space<hbm>>
      %dma_start3A_572 = tpu.memref_squeeze %dma_start3A_571 : memref<24x1x8x128xf32, #tpu.memory_space<hbm>> -> memref<24x8x128xf32, #tpu.memory_space<hbm>>
      %dma_start3A_573 = arith.constant 0 : i32
      %dma_start3A_574 = arith.constant 0 : i32
      %dma_start3A_575 = tpu.memref_slice %arg4[%mul3A_568, %add3A_556, %dma_start3A_573, %dma_start3A_574] : memref<72x128x8x128xf32, #tpu.memory_space<hbm>> -> memref<24x1x8x128xf32, #tpu.memory_space<hbm>>
      %dma_start3A_576 = tpu.memref_squeeze %dma_start3A_575 : memref<24x1x8x128xf32, #tpu.memory_space<hbm>> -> memref<24x8x128xf32, #tpu.memory_space<hbm>>
      tpu.enqueue_dma source(%arg9 : memref<24x8x128xf32, #tpu.memory_space<vmem>>) target(%dma_start3A_576 : memref<24x8x128xf32, #tpu.memory_space<hbm>>) target_semaphore(%arg13 : memref<!tpu.dma_semaphore, #tpu.memory_space<semaphore_mem>>)
    }
    %scan3A_380 = arith.constant 12 : i32
    %dma_wait3A = arith.constant 0 : i32
    %dma_wait3A_381 = arith.constant 0 : i32
    %dma_wait3A_382 = arith.constant 0 : i32
    %dma_wait3A_383 = arith.constant 0 : i32
    %dma_wait3A_384 = tpu.memref_slice %arg3[%dma_wait3A_381, %dma_wait3A, %dma_wait3A_382, %dma_wait3A_383] : memref<24x128x8x128xf32, #tpu.memory_space<hbm>> -> memref<8x1x8x128xf32, #tpu.memory_space<hbm>>
    %dma_wait3A_385 = tpu.memref_squeeze %dma_wait3A_384 : memref<8x1x8x128xf32, #tpu.memory_space<hbm>> -> memref<8x8x128xf32, #tpu.memory_space<hbm>>
    %dma_wait3A_386 = arith.constant 0 : i32
    %dma_wait3A_387 = arith.constant 0 : i32
    %dma_wait3A_388 = arith.constant 0 : i32
    %dma_wait3A_389 = tpu.memref_slice %arg3[%dma_wait3A_386, %dma_wait3A, %dma_wait3A_387, %dma_wait3A_388] : memref<24x128x8x128xf32, #tpu.memory_space<hbm>> -> memref<8x1x8x128xf32, #tpu.memory_space<hbm>>
    %dma_wait3A_390 = tpu.memref_squeeze %dma_wait3A_389 : memref<8x1x8x128xf32, #tpu.memory_space<hbm>> -> memref<8x8x128xf32, #tpu.memory_space<hbm>>
    tpu.wait_dma2 semaphore(%arg12 : memref<!tpu.dma_semaphore, #tpu.memory_space<semaphore_mem>>) src(%arg8 : memref<8x8x128xf32, #tpu.memory_space<vmem>>) dst(%dma_wait3A_390 : memref<8x8x128xf32, #tpu.memory_space<hbm>>)
    %dma_wait3A_391 = arith.constant 0 : i32
    %dma_wait3A_392 = arith.constant 0 : i32
    %dma_wait3A_393 = arith.constant 0 : i32
    %dma_wait3A_394 = arith.constant 0 : i32
    %dma_wait3A_395 = tpu.memref_slice %arg4[%dma_wait3A_392, %dma_wait3A_391, %dma_wait3A_393, %dma_wait3A_394] : memref<72x128x8x128xf32, #tpu.memory_space<hbm>> -> memref<24x1x8x128xf32, #tpu.memory_space<hbm>>
    %dma_wait3A_396 = tpu.memref_squeeze %dma_wait3A_395 : memref<24x1x8x128xf32, #tpu.memory_space<hbm>> -> memref<24x8x128xf32, #tpu.memory_space<hbm>>
    %dma_wait3A_397 = arith.constant 0 : i32
    %dma_wait3A_398 = arith.constant 0 : i32
    %dma_wait3A_399 = arith.constant 0 : i32
    %dma_wait3A_400 = tpu.memref_slice %arg4[%dma_wait3A_397, %dma_wait3A_391, %dma_wait3A_398, %dma_wait3A_399] : memref<72x128x8x128xf32, #tpu.memory_space<hbm>> -> memref<24x1x8x128xf32, #tpu.memory_space<hbm>>
    %dma_wait3A_401 = tpu.memref_squeeze %dma_wait3A_400 : memref<24x1x8x128xf32, #tpu.memory_space<hbm>> -> memref<24x8x128xf32, #tpu.memory_space<hbm>>
    tpu.wait_dma2 semaphore(%arg13 : memref<!tpu.dma_semaphore, #tpu.memory_space<semaphore_mem>>) src(%arg9 : memref<24x8x128xf32, #tpu.memory_space<vmem>>) dst(%dma_wait3A_401 : memref<24x8x128xf32, #tpu.memory_space<hbm>>)
    %dma_wait3A_402 = arith.constant 0 : i32
    %dma_wait3A_403 = arith.constant 0 : i32
    %dma_wait3A_404 = tpu.memref_slice %arg2[%dma_wait3A_402, %dma_wait3A_403] : memref<98304x128xf32, #tpu.memory_space<hbm>> -> memref<128x128xf32, #tpu.memory_space<hbm>>
    %dma_wait3A_405 = arith.constant 0 : i32
    %dma_wait3A_406 = arith.constant 0 : i32
    %dma_wait3A_407 = tpu.memref_slice %arg2[%dma_wait3A_405, %dma_wait3A_406] : memref<98304x128xf32, #tpu.memory_space<hbm>> -> memref<128x128xf32, #tpu.memory_space<hbm>>
    tpu.wait_dma2 semaphore(%arg10 : memref<!tpu.dma_semaphore, #tpu.memory_space<semaphore_mem>>) src(%dma_wait3A_407 : memref<128x128xf32, #tpu.memory_space<hbm>>) dst(%arg5 : memref<128x128xf32, #tpu.memory_space<vmem>>)
    return
  }
}

</mosaic_0001>

<sc_bundles>
// kernel: kernel.3.cloned.1.call-start
scs
__scs_entry_jumppad:
0x0: {  	(pc) =	sbr.rel $0x88, $3  }
0x1: {  	(tag) =	ssettag $0x0;
	lr =	simm.s32 $0x1  }
0x2: {  	[smem:$0x3FA0] =	sst lr;
	_ =	strace $0xD0000000  }
0x3: {  	_ = 	snop  }
0x4: {  	_ = 	snop  }
0x5: {  	_ = 	snop  }
0x6: {  	_ = 	snop  }
0x7: {  	_ = 	snop  }
__scs_overlays_trampoline_lowered:
0x8: {  	[smem:$0x3FAF] =	sst s0  }
0x9: {  	[smem:$0x3FB0] =	sst s1  }
0xa: {  	[smem:$0x3FB1] =	sst s2  }
0xb: {  	[smem:$0x3FB2] =	sst s3  }
0xc: {  	[smem:$0x3FB3] =	sst s4  }
0xd: {  	[smem:$0x3FB4] =	sst s5  }
0xe: {  	[smem:$0x3FB5] =	sst s6  }
0xf: {  	[smem:$0x3FB6] =	sst s7  }
0x10: {  	[smem:$0x3FB7] =	sst s8  }
0x11: {  	[smem:$0x3FB8] =	sst s9;
	s0 =	simm.s32 @!p0 $0x0  }
0x12: {  	s1 =	sld [smem:$0x3F9E];
	s0 =	simm.s32 @p0 $0x1  }
0x13: {  	[smem:$0x3FB9] =	sst s0;
	s0 =	simm.s32 @!p1 $0x0  }
0x14: {  	s2 =	sld [smem:$0x3F9D];
	s0 =	simm.s32 @p1 $0x1  }
0x15: {  	[smem:$0x3FBA] =	sst s0;
	s0 =	simm.s32 @!p2 $0x0  }
0x16: {  	s3 =	sld [smem:$0x3FDB];
	s0 =	simm.s32 @p2 $0x1  }
0x17: {  	s4 =	simm.s32 $0x1BF5;
	[smem:$0x3FBC] =	sst s0  }
0x18: {  	s0 =	sld [smem:$0x3F9F];
	_ =	swait.ge [sflag:s4], $0x0  }
0x19: {  	s7 =	sld [smem:$0x3FA0]  }
0x1a: {  	s8 =	sadd.s32 $0xFFFFE003, lr  }
0x1b: {  	s9 =	sadd.s32 $0xFFFFFEF7, lr;
	s5 =	simm.s32 $0xFFFFFFFF;
	p2 =	slt.u32 s8, $0xFFFFF086  }
0x1c: {  	p1 =	slt.u32 s9, $0xF7A;
	s5 =	simm.s32 @!p2 $0x0  }
0x1d: {  	s5 =	simm.s32 @p1 $0x1;
	p0 =	seq.s32 s7, s2  }
0x1e: {  	s7 =	smul.u32 @!p0 $0xF7A, s2;
	p2 =	seq.s32 @!p0 s5, $0x0  }
0x1f: {  	s9 =	smul.u32 $0xF7A, s1;
	s8 =	simm.s32 @!p0 $0x1BF5;
	p2 =	por !p2, p0  }
0x20: {  	[sflag:s8] =	ssyncset.s32 @!p0 $0xFFFFF086;
	s6 =	sadd.s32 @!p0 s3, s7;
	s7 =	simm.s32 @!p0 $0x108  }
0x21: {  	s3 =	sadd.s32 s3, s9;
	s6 =	sadd.s32 @!p0 $0x88, s6;
	s7 =	simm.s32 @p2 $0x1082  }
0x22: {  	[simem:s7], [sflag:s8] =	dma.local @!p0 [hbm:s6], $0xF7A  }
0x23: {  	s9 =	sor.u32 $0xD0000000, s2;
	s6 =	simm.s32 $0x108;
	_ =	swait.ge @!p0 [sflag:s8], $0x0  }
0x24: {  	s3 =	sadd.s32 $0x88, s3;
	s6 =	simm.s32 @!p1 $0x1082;
	[sflag:s4] =	ssyncset.s32 $0xFFFFF086  }
0x25: {  	[simem:s6], [sflag:s4] =	dma.local [hbm:s3], $0xF7A  }
0x26: {  	[smem:$0x3FA0] =	sst s1;
	(tag) =	ssettag s2;
	_ =	strace s9  }
0x27: {  	s1 =	sld [smem:$0x3FB0]  }
0x28: {  	s2 =	sld [smem:$0x3FB1]  }
0x29: {  	s4 =	sld [smem:$0x3FB3]  }
0x2a: {  	p0 =	seq.s32 s5, $0x0;
	s5 =	sld [smem:$0x3FB4]  }
0x2b: {  	s6 =	sld [smem:$0x3FB5]  }
0x2c: {  	s7 =	sld [smem:$0x3FB6]  }
0x2d: {  	s3 =	simm.s32 $0x108;
	s8 =	sld [smem:$0x3FB7]  }
0x2e: {  	s3 =	simm.s32 @!p0 $0x1082;
	s9 =	sld [smem:$0x3FB8]  }
0x2f: {  	lr =	sadd.s32 s0, s3;
	s0 =	sld [smem:$0x3FAF]  }
0x30: {  	s3 =	sld [smem:$0x3FB2]  }
0x31: {  	[smem:$0x3FBB] =	sst s10  }
0x32: {  	s10 =	sld [smem:$0x3FB9];
	_ =	sdelay $0x3  }
0x33: {  	p0 =	seq.s32 s10, $0x1;
	s10 =	sld [smem:$0x3FBB];
	_ =	sdelay $0x3  }
0x34: {  	[smem:$0x3FBB] =	sst s10  }
0x35: {  	s10 =	sld [smem:$0x3FBA];
	_ =	sdelay $0x3  }
0x36: {  	p1 =	seq.s32 s10, $0x1;
	s10 =	sld [smem:$0x3FBB];
	_ =	sdelay $0x3  }
0x37: {  	[smem:$0x3FBB] =	sst s10  }
0x38: {  	s10 =	sld [smem:$0x3FBC]  }
0x39: {  	_ = 	snop;
	(pc) =	sbr.ind lr, $3  }
0x3a: {  	_ = 	snop  }
0x3b: {  	_ = 	snop  }
0x3c: {  	p2 =	seq.s32 s10, $0x1;
	s10 =	sld [smem:$0x3FBB]  }
0x3d: {  	_ =	shalt  }
0x3e: {  	_ =	shalt  }
0x3f: {  	_ =	shalt  }
0x40: {  	_ =	shalt  }
0x41: {  	_ =	shalt  }
0x42: {  	_ =	shalt  }
0x43: {  	_ =	shalt  }
0x44: {  	_ =	shalt  }
0x45: {  	_ =	shalt  }
0x46: {  	_ =	shalt  }
0x47: {  	_ =	shalt  }
0x48: {  	_ =	shalt  }
0x49: {  	_ =	shalt  }
0x4a: {  	_ =	shalt  }
0x4b: {  	_ =	shalt  }
0x4c: {  	_ =	shalt  }
0x4d: {  	_ =	shalt  }
0x4e: {  	_ =	shalt  }
0x4f: {  	_ =	shalt  }
0x50: {  	_ =	shalt  }
0x51: {  	_ =	shalt  }
0x52: {  	_ =	shalt  }
0x53: {  	_ =	shalt  }
0x54: {  	_ =	shalt  }
0x55: {  	_ =	shalt  }
0x56: {  	_ =	shalt  }
0x57: {  	_ =	shalt  }
0x58: {  	_ =	shalt  }
0x59: {  	_ =	shalt  }
0x5a: {  	_ =	shalt  }
0x5b: {  	_ =	shalt  }
0x5c: {  	_ =	shalt  }
0x5d: {  	_ =	shalt  }
0x5e: {  	_ =	shalt  }
0x5f: {  	_ =	shalt  }
0x60: {  	_ =	shalt  }
0x61: {  	_ =	shalt  }
0x62: {  	_ =	shalt  }
0x63: {  	_ =	shalt  }
0x64: {  	_ =	shalt  }
0x65: {  	_ =	shalt  }
0x66: {  	_ =	shalt  }
0x67: {  	_ =	shalt  }
0x68: {  	_ =	shalt  }
0x69: {  	_ =	shalt  }
0x6a: {  	_ =	shalt  }
0x6b: {  	_ =	shalt  }
0x6c: {  	_ =	shalt  }
0x6d: {  	_ =	shalt  }
0x6e: {  	_ =	shalt  }
0x6f: {  	_ =	shalt  }
0x70: {  	_ =	shalt  }
0x71: {  	_ =	shalt  }
0x72: {  	_ =	shalt  }
0x73: {  	_ =	shalt  }
0x74: {  	_ =	shalt  }
0x75: {  	_ =	shalt  }
0x76: {  	_ =	shalt  }
0x77: {  	_ =	shalt  }
0x78: {  	_ =	shalt  }
0x79: {  	_ =	shalt  }
0x7a: {  	_ =	shalt  }
0x7b: {  	_ =	shalt  }
0x7c: {  	_ =	shalt  }
0x7d: {  	_ =	shalt  }
0x7e: {  	_ =	shalt  }
0x7f: {  	_ =	shalt  }
0x80: {  	_ =	shalt  }
0x81: {  	_ =	shalt  }
0x82: {  	_ =	shalt  }
0x83: {  	_ =	shalt  }
0x84: {  	_ =	shalt  }
0x85: {  	_ =	shalt  }
0x86: {  	_ =	shalt  }
0x87: {  	_ =	shalt  }
.Lfunc_end0:
.L_simem_size_0:
called_computation_lowered:
.L_overlay_start_0:
0x88: {  	s2 =	sld [smem:$0x3FD9]  }
0x89: {  	s3 =	sld [smem:$0x3FFE];
	_ =	sdelay $0x1  }
0x8a: {  	s1 =	srdreg.scid  }
0x8b: {  	s0 =	sand.u32 $0x1, s1  }
0x8c: {  	s15 =	sshll.u32 s0, $0xA;
	s2 =	sadd.s32 s3, s2  }
0x8d: {  	s2 =	sadd.s32 s2, s15  }
0x8e: {  	[smem:$0x3FC7] =	sst s2  }
0x8f: {  	_ = 	snop  }
0x90: {  	s2 =	sld [smem:$0x3FD0];
	_ =	sdelay $0x2  }
0x91: {  	s4 =	simm.s32 $0xA;
	s5 =	simm.s32 $0x10;
	s16 =	sld [smem:$0x3FC9]  }
0x92: {  	[smem:s5], [sflag:s4] =	dma.local [hbm:s2], $0x1  }
0x93: {  	_ =	swait.eq [sflag:s4], $0x1  }
0x94: {  	[sflag:s4] =	ssyncset.done $0x0  }
0x95: {  	s17 =	sld [smem:$0x10];
	[sflag:s4] =	ssyncadd.s32 $0xFFFFFFFF  }
0x96: {  	s18 =	sld [smem:$0x11];
	(tm) =	ssettm $0x1  }
0x97: {  	s19 =	sld [smem:$0x3FFB];
	_ =	sdelay $0x3  }
0x98: {  	_ =	strace s19  }
0x99: {  	s5 =	sld [smem:$0x3FFC];
	_ =	sdelay $0x3  }
0x9a: {  	_ =	strace s5  }
0x9b: {  	s5 =	sld [smem:$0x3FFD];
	_ =	sdelay $0x3  }
0x9c: {  	_ =	strace s5  }
0x9d: {  	_ =	strace $0x8FFFFFFF  }
0x9e: {  	s20 =	sld [smem:$0x3FDB];
	_ =	sdelay $0x1  }
0x9f: {  	s6 =	simm.s32 $_scs_section_size  }
0xa0: {  	s7 =	simm.s32 $_size__tile_overlayer_lowered;
	s8 =	simm.s32 $_tile_overlayer_lowered  }
0xa1: {  	s23 =	simm.s32 $0x1BFF;
	s22 =	sshll.u32 s8, $0x1;
	s5 =	sadd.s32 s6, s20  }
0xa2: {  	s9 =	simm.s32 $0x0;
	s21 =	sshll.u32 s7, $0x1;
	s7 =	sadd.s32 s22, s5  }
0xa3: {  	[timem:s9], [sflag:s23] =	dma.local [hbm:s7], s21  }
0xa4: {  	_ =	swait.ge [sflag:s23], s21  }
0xa5: {  	s6 =	ssub.s32 $0x0, s21;
	[sflag:s23] =	ssyncset.done $0x0  }
0xa6: {  	[sflag:s23] =	ssyncadd.s32 s6;
	_ =	sdelay $0x1  }
0xa7: {  	s24 =	simm.s32 $0x1B8B  }
0xa8: {  	_ =	swait.ge [sflag:s24], $0x1  }
0xa9: {  	[sflag:s24] =	ssyncset.done $0x0  }
0xaa: {  	s25 =	simm.s32 $0x1B8E;
	[sflag:s24] =	ssyncadd.s32 $0xFFFFFFFF  }
0xab: {  	s26 =	simm.s32 $execute0_lowered;
	[smem:$0x3FD2] =	sst s25  }
0xac: {  	s6 =	sshll.u32 s26, $0x1;
	_ =	strace $0x80000046;
	[dreg:$0x1] =	wrdreg $0xFFFFFFFF  }
0xad: {  	s28 =	simm.s32 $_size_execute0_lowered;
	s5 =	sadd.s32 s5, s6;
	[dreg:$0x0] =	wrdreg $0x0  }
0xae: {  	s6 =	sshll.u32 s28, $0x1;
	[dreg:$0x2] =	wrdreg s5  }
0xaf: {  	[dreg:$0x3] =	wrdreg s6  }
0xb0: {  	[dreg:$0x4] =	wrdreg $0xC0  }
0xb1: {  	_ =	task [dreg:s9], $0x5FFFF  }
0xb2: {  	[dreg:$0x1] =	wrdreg $0xFFFFFFFF  }
0xb3: {  	[dreg:$0x0] =	wrdreg $0x60  }
0xb4: {  	[dreg:$0x2] =	wrdreg s16  }
0xb5: {  	[dreg:$0x3] =	wrdreg s17  }
0xb6: {  	[dreg:$0x4] =	wrdreg s18  }
0xb7: {  	[dreg:$0x5] =	wrdreg $0x9  }
0xb8: {  	_ =	task.clear_ibuf [dreg:s9], $0x6FFFF;
	_ =	strace $0x90000046  }
0xb9: {  	s29 =	simm.s32 $0x9;
	_ =	strace $0x80000048  }
0xba: {  	_ =	swait.ge [sflag:s29], $0x1  }
0xbb: {  	[sflag:s29] =	ssyncadd.s32 $0xFFFFFFFF  }
0xbc: {  	_ =	strace $0x90000048  }
0xbd: {  	_ =	sfence  }
0xbe: {  	s30 =	sld [smem:$0x0];
	_ =	sdelay $0x2  }
0xbf: {  	s31 =	sshll.u32 s1, $0xD;
	s1 =	sshrl.u32 s1, $0x2  }
0xc0: {  	s3 =	sand.u32 $0x4000, s31;
	s1 =	sadd.s32 s1, s30  }
0xc1: {  	s0 =	sor.u32 s3, s0;
	s1 =	sshll.u32 s1, $0x11  }
0xc2: {  	s0 =	sor.u32 s1, s0  }
0xc3: {  	s0 =	sadd.s32 $0x8F2B, s0  }
0xc4: {  	[sflag:s0] =	ssyncadd.remote.s32 $0x1  }
0xc5: {  	_ =	sfence.sel $0xFFFF  }
0xc6: {  	[dreg:$0x0] =	wrdreg $0xFFFFFFFF;
	(pc) =	sbr.abs _section_cstart, $3  }
0xc7: {  	[dreg:$0x1] =	wrdreg $0xFFFFFFFF  }
0xc8: {  	_ =	task.clear_ibuf [dreg:s9], $0x2FFFF;
	_ =	strace $0x9FFFFFFF  }
0xc9: {  	(tm) =	ssettm $0x7FFFFFFF  }
tec
execute0_lowered:
.L_overlay_start_1:
0x0: {  	(tag) =	ssettag $0x1  }
0x1: {  	v0 =	vimm.s32 $0x1437  }
0x2: {  	vm14 =	vcmask $0x300;
	vm13 =	vcmask $0x704;
	vm12 =	vcmask $0xB08  }
0x3: {  	vm11 =	vcmask $0xF0C;
	vm10 =	vcmask $0x1310;
	vm9 =	vcmask $0x1714  }
0x4: {  	vm8 =	vcmask $0x1B18;
	vm7 =	vcmask $0x1F1C;
	vm6 =	vcmask $0x2320  }
0x5: {  	vm5 =	vcmask $0x2724;
	vm4 =	vcmask $0x2B28;
	vm3 =	vcmask $0x2F2C  }
0x6: {  	vm2 =	vcmask $0x3330;
	vm1 =	vcmask $0x3734;
	vm0 =	vcmask $0x3B38  }
0x7: {  	v1 =	vimm.s32 $0x1773;
	v2 =	vimm.s32 $0x1AAF;
	v3 =	vimm.s32 $0x1DEB  }
0x8: {  	v4 =	vimm.s32 $0x2127;
	v5 =	vimm.s32 $0x2463;
	v6 =	vimm.s32 $0x279F  }
0x9: {  	v7 =	vimm.s32 $0x2ADB;
	v8 =	vimm.s32 $0x2E17;
	v9 =	vimm.s32 $0x3153  }
0xa: {  	v10 =	vimm.s32 $0x348F;
	v11 =	vimm.s32 $0x37CB;
	v12 =	vimm.s32 $0x3B07  }
0xb: {  	v13 =	vimm.s32 $0x3E43;
	v14 =	vimm.s32 $0x417F;
	v15 =	vimm.s32 $0x44BB  }
0xc: {  	v0 =	vsel vm14, $0x0, v0;
	v1 =	vsel vm14, $0x114, v1;
	v2 =	vsel vm14, $0x228, v2  }
0xd: {  	v3 =	vsel vm14, $0x33C, v3;
	v4 =	vsel vm14, $0x450, v4;
	v5 =	vsel vm14, $0x564, v5  }
0xe: {  	v6 =	vsel vm14, $0x678, v6;
	v7 =	vsel vm14, $0x78C, v7;
	v8 =	vsel vm14, $0x8A0, v8  }
0xf: {  	v9 =	vsel vm14, $0x9B4, v9;
	v10 =	vsel vm14, $0xAC8, v10;
	v11 =	vsel vm14, $0xBDC, v11  }
0x10: {  	v12 =	vsel vm14, $0xCF0, v12;
	v13 =	vsel vm14, $0xE04, v13;
	v14 =	vsel vm14, $0xF18, v14  }
0x11: {  	v15 =	vsel vm14, $0x102C, v15;
	v0 =	vsel vm13, $0x1140, v0;
	v1 =	vsel vm13, $0x147C, v1  }
0x12: {  	v2 =	vsel vm13, $0x17B8, v2;
	v3 =	vsel vm13, $0x1AF4, v3;
	v4 =	vsel vm13, $0x1E30, v4  }
0x13: {  	v5 =	vsel vm13, $0x216C, v5;
	v6 =	vsel vm13, $0x24A8, v6;
	v7 =	vsel vm13, $0x27E4, v7  }
0x14: {  	v8 =	vsel vm13, $0x2B20, v8;
	v9 =	vsel vm13, $0x2E5C, v9;
	v10 =	vsel vm13, $0x3198, v10  }
0x15: {  	v11 =	vsel vm13, $0x34D4, v11;
	v12 =	vsel vm13, $0x3810, v12;
	v13 =	vsel vm13, $0x3B4C, v13  }
0x16: {  	v14 =	vsel vm13, $0x3E88, v14;
	v15 =	vsel vm13, $0x41C4, v15;
	v0 =	vsel vm12, $0x1185, v0  }
0x17: {  	v1 =	vsel vm12, $0x14C1, v1;
	v2 =	vsel vm12, $0x17FD, v2;
	v3 =	vsel vm12, $0x1B39, v3  }
0x18: {  	v4 =	vsel vm12, $0x1E75, v4;
	v5 =	vsel vm12, $0x21B1, v5;
	v6 =	vsel vm12, $0x24ED, v6  }
0x19: {  	v7 =	vsel vm12, $0x2829, v7;
	v8 =	vsel vm12, $0x2B65, v8;
	v9 =	vsel vm12, $0x2EA1, v9  }
0x1a: {  	v10 =	vsel vm12, $0x31DD, v10;
	v11 =	vsel vm12, $0x3519, v11;
	v12 =	vsel vm12, $0x3855, v12  }
0x1b: {  	v13 =	vsel vm12, $0x3B91, v13;
	v14 =	vsel vm12, $0x3ECD, v14;
	v15 =	vsel vm12, $0x4209, v15  }
0x1c: {  	v0 =	vsel vm11, $0x11CA, v0;
	v1 =	vsel vm11, $0x1506, v1;
	v2 =	vsel vm11, $0x1842, v2  }
0x1d: {  	v3 =	vsel vm11, $0x1B7E, v3;
	v4 =	vsel vm11, $0x1EBA, v4;
	v5 =	vsel vm11, $0x21F6, v5  }
0x1e: {  	v6 =	vsel vm11, $0x2532, v6;
	v7 =	vsel vm11, $0x286E, v7;
	v8 =	vsel vm11, $0x2BAA, v8  }
0x1f: {  	v9 =	vsel vm11, $0x2EE6, v9;
	v10 =	vsel vm11, $0x3222, v10;
	v11 =	vsel vm11, $0x355E, v11  }
0x20: {  	v12 =	vsel vm11, $0x389A, v12;
	v13 =	vsel vm11, $0x3BD6, v13;
	v14 =	vsel vm11, $0x3F12, v14  }
0x21: {  	v15 =	vsel vm11, $0x424E, v15;
	v0 =	vsel vm10, $0x45, v0;
	v1 =	vsel vm10, $0x159, v1  }
0x22: {  	v2 =	vsel vm10, $0x26D, v2;
	v3 =	vsel vm10, $0x381, v3;
	v4 =	vsel vm10, $0x495, v4  }
0x23: {  	v5 =	vsel vm10, $0x5A9, v5;
	v6 =	vsel vm10, $0x6BD, v6;
	v7 =	vsel vm10, $0x7D1, v7  }
0x24: {  	v8 =	vsel vm10, $0x8E5, v8;
	v9 =	vsel vm10, $0x9F9, v9;
	v10 =	vsel vm10, $0xB0D, v10  }
0x25: {  	v11 =	vsel vm10, $0xC21, v11;
	v12 =	vsel vm10, $0xD35, v12;
	v13 =	vsel vm10, $0xE49, v13  }
0x26: {  	v14 =	vsel vm10, $0xF5D, v14;
	v15 =	vsel vm10, $0x1071, v15;
	v0 =	vsel vm9, $0x120F, v0  }
0x27: {  	v1 =	vsel vm9, $0x154B, v1;
	v2 =	vsel vm9, $0x1887, v2;
	v3 =	vsel vm9, $0x1BC3, v3  }
0x28: {  	v4 =	vsel vm9, $0x1EFF, v4;
	v5 =	vsel vm9, $0x223B, v5;
	v6 =	vsel vm9, $0x2577, v6  }
0x29: {  	v7 =	vsel vm9, $0x28B3, v7;
	v8 =	vsel vm9, $0x2BEF, v8;
	v9 =	vsel vm9, $0x2F2B, v9  }
0x2a: {  	v10 =	vsel vm9, $0x3267, v10;
	v11 =	vsel vm9, $0x35A3, v11;
	v12 =	vsel vm9, $0x38DF, v12  }
0x2b: {  	v13 =	vsel vm9, $0x3C1B, v13;
	v14 =	vsel vm9, $0x3F57, v14;
	v15 =	vsel vm9, $0x4293, v15  }
0x2c: {  	v0 =	vsel vm8, $0x1254, v0;
	v1 =	vsel vm8, $0x1590, v1;
	v2 =	vsel vm8, $0x18CC, v2  }
0x2d: {  	v3 =	vsel vm8, $0x1C08, v3;
	v4 =	vsel vm8, $0x1F44, v4;
	v5 =	vsel vm8, $0x2280, v5  }
0x2e: {  	v6 =	vsel vm8, $0x25BC, v6;
	v7 =	vsel vm8, $0x28F8, v7;
	v8 =	vsel vm8, $0x2C34, v8  }
0x2f: {  	v9 =	vsel vm8, $0x2F70, v9;
	v10 =	vsel vm8, $0x32AC, v10;
	v11 =	vsel vm8, $0x35E8, v11  }
0x30: {  	v12 =	vsel vm8, $0x3924, v12;
	v13 =	vsel vm8, $0x3C60, v13;
	v14 =	vsel vm8, $0x3F9C, v14  }
0x31: {  	v15 =	vsel vm8, $0x42D8, v15;
	v0 =	vsel vm7, $0x1299, v0;
	v1 =	vsel vm7, $0x15D5, v1  }
0x32: {  	v2 =	vsel vm7, $0x1911, v2;
	v3 =	vsel vm7, $0x1C4D, v3;
	v4 =	vsel vm7, $0x1F89, v4  }
0x33: {  	v5 =	vsel vm7, $0x22C5, v5;
	v6 =	vsel vm7, $0x2601, v6;
	v7 =	vsel vm7, $0x293D, v7  }
0x34: {  	v8 =	vsel vm7, $0x2C79, v8;
	v9 =	vsel vm7, $0x2FB5, v9;
	v10 =	vsel vm7, $0x32F1, v10  }
0x35: {  	v11 =	vsel vm7, $0x362D, v11;
	v12 =	vsel vm7, $0x3969, v12;
	v13 =	vsel vm7, $0x3CA5, v13  }
0x36: {  	v14 =	vsel vm7, $0x3FE1, v14;
	v15 =	vsel vm7, $0x431D, v15;
	v0 =	vsel vm6, $0x8A, v0  }
0x37: {  	v1 =	vsel vm6, $0x19E, v1;
	v2 =	vsel vm6, $0x2B2, v2;
	v3 =	vsel vm6, $0x3C6, v3  }
0x38: {  	v4 =	vsel vm6, $0x4DA, v4;
	v5 =	vsel vm6, $0x5EE, v5;
	v6 =	vsel vm6, $0x702, v6  }
0x39: {  	v7 =	vsel vm6, $0x816, v7;
	v8 =	vsel vm6, $0x92A, v8;
	v9 =	vsel vm6, $0xA3E, v9  }
0x3a: {  	v10 =	vsel vm6, $0xB52, v10;
	v11 =	vsel vm6, $0xC66, v11;
	v12 =	vsel vm6, $0xD7A, v12  }
0x3b: {  	v13 =	vsel vm6, $0xE8E, v13;
	v14 =	vsel vm6, $0xFA2, v14;
	v15 =	vsel vm6, $0x10B6, v15  }
0x3c: {  	v0 =	vsel vm5, $0x12DE, v0;
	v1 =	vsel vm5, $0x161A, v1;
	v2 =	vsel vm5, $0x1956, v2  }
0x3d: {  	v3 =	vsel vm5, $0x1C92, v3;
	v4 =	vsel vm5, $0x1FCE, v4;
	v5 =	vsel vm5, $0x230A, v5  }
0x3e: {  	v6 =	vsel vm5, $0x2646, v6;
	v7 =	vsel vm5, $0x2982, v7;
	v8 =	vsel vm5, $0x2CBE, v8  }
0x3f: {  	v9 =	vsel vm5, $0x2FFA, v9;
	v10 =	vsel vm5, $0x3336, v10;
	v11 =	vsel vm5, $0x3672, v11  }
0x40: {  	v12 =	vsel vm5, $0x39AE, v12;
	v13 =	vsel vm5, $0x3CEA, v13;
	v14 =	vsel vm5, $0x4026, v14  }
0x41: {  	v15 =	vsel vm5, $0x4362, v15;
	v0 =	vsel vm4, $0x1323, v0;
	v1 =	vsel vm4, $0x165F, v1  }
0x42: {  	v2 =	vsel vm4, $0x199B, v2;
	v3 =	vsel vm4, $0x1CD7, v3;
	v4 =	vsel vm4, $0x2013, v4  }
0x43: {  	v5 =	vsel vm4, $0x234F, v5;
	v6 =	vsel vm4, $0x268B, v6;
	v7 =	vsel vm4, $0x29C7, v7  }
0x44: {  	v8 =	vsel vm4, $0x2D03, v8;
	v9 =	vsel vm4, $0x303F, v9;
	v10 =	vsel vm4, $0x337B, v10  }
0x45: {  	v11 =	vsel vm4, $0x36B7, v11;
	v12 =	vsel vm4, $0x39F3, v12;
	v13 =	vsel vm4, $0x3D2F, v13  }
0x46: {  	v14 =	vsel vm4, $0x406B, v14;
	v15 =	vsel vm4, $0x43A7, v15;
	v0 =	vsel vm3, $0x1368, v0  }
0x47: {  	v1 =	vsel vm3, $0x16A4, v1;
	v2 =	vsel vm3, $0x19E0, v2;
	v3 =	vsel vm3, $0x1D1C, v3  }
0x48: {  	v4 =	vsel vm3, $0x2058, v4;
	v5 =	vsel vm3, $0x2394, v5;
	v6 =	vsel vm3, $0x26D0, v6  }
0x49: {  	v7 =	vsel vm3, $0x2A0C, v7;
	v8 =	vsel vm3, $0x2D48, v8;
	v9 =	vsel vm3, $0x3084, v9  }
0x4a: {  	v10 =	vsel vm3, $0x33C0, v10;
	v11 =	vsel vm3, $0x36FC, v11;
	v12 =	vsel vm3, $0x3A38, v12  }
0x4b: {  	v13 =	vsel vm3, $0x3D74, v13;
	v14 =	vsel vm3, $0x40B0, v14;
	v15 =	vsel vm3, $0x43EC, v15  }
0x4c: {  	v0 =	vsel vm2, $0xCF, v0;
	v1 =	vsel vm2, $0x1E3, v1;
	v2 =	vsel vm2, $0x2F7, v2  }
0x4d: {  	v3 =	vsel vm2, $0x40B, v3;
	v4 =	vsel vm2, $0x51F, v4;
	v5 =	vsel vm2, $0x633, v5  }
0x4e: {  	v6 =	vsel vm2, $0x747, v6;
	v7 =	vsel vm2, $0x85B, v7;
	v8 =	vsel vm2, $0x96F, v8  }
0x4f: {  	s0 =	rddreg [dreg:$0x0];
	v9 =	vsel vm2, $0xA83, v9;
	v10 =	vsel vm2, $0xB97, v10;
	v11 =	vsel vm2, $0xCAB, v11  }
0x50: {  	s1 =	rddreg [dreg:$0x1];
	v12 =	vsel vm2, $0xDBF, v12;
	v13 =	vsel vm2, $0xED3, v13;
	v14 =	vsel vm2, $0xFE7, v14  }
0x51: {  	s3 =	rddreg [dreg:$0x2];
	v15 =	vsel vm2, $0x10FB, v15;
	v0 =	vsel vm1, $0x13AD, v0;
	v1 =	vsel vm1, $0x16E9, v1  }
0x52: {  	s2 =	srdreg.scid;
	s6 =	stileid.u32;
	v2 =	vsel vm1, $0x1A25, v2;
	v3 =	vsel vm1, $0x1D61, v3;
	v4 =	vsel vm1, $0x209D, v4  }
0x53: {  	s5 =	simm.s32 $0x0;
	s10 =	simm.s32 $0x1;
	s11 =	simm.s32 $0x4000;
	v5 =	vsel vm1, $0x23D9, v5;
	v6 =	vsel vm1, $0x2715, v6;
	v7 =	vsel vm1, $0x2A51, v7  }
0x54: {  	s12 =	simm.s32 $0x8000;
	s13 =	simm.s32 $0x2;
	s14 =	simm.s32 $0x400;
	v8 =	vsel vm1, $0x2D8D, v8;
	v9 =	vsel vm1, $0x30C9, v9;
	v10 =	vsel vm1, $0x3405, v10  }
0x55: {  	s15 =	simm.s32 $0x20000;
	s16 =	simm.s32 $0xC500;
	s17 =	simm.s32 $0xE500;
	v11 =	vsel vm1, $0x3741, v11;
	v12 =	vsel vm1, $0x3A7D, v12;
	v13 =	vsel vm1, $0x3DB9, v13  }
0x56: {  	s18 =	simm.s32 $0x3;
	s2 =	sand.u32 $0x1, s2;
	s6 =	sshll.u32 s6, $0x1;
	v14 =	vsel vm1, $0x40F5, v14;
	v15 =	vsel vm1, $0x4431, v15;
	v0 =	vsel vm0, $0x13F2, v0  }
0x57: {  	s19 =	simm.s32 $0x4;
	s4 =	ssub.s32 $0x2, s2;
	s2 =	sor.u32 s2, s6;
	v1 =	vsel vm0, $0x172E, v1;
	v2 =	vsel vm0, $0x1A6A, v2;
	v3 =	vsel vm0, $0x1DA6, v3  }
0x58: {  	s20 =	simm.s32 $0x0;
	s7 =	sshrl.u32 s4, $0x1;
	s6 =	sshll.u32 s2, $0xE;
	v4 =	vsel vm0, $0x20E2, v4;
	v5 =	vsel vm0, $0x241E, v5;
	v6 =	vsel vm0, $0x275A, v6  }
0x59: {  	[smem:$0x7FF] =	sst s5;
	s4 =	ssub.s32 s4, s7;
	s6 =	sadd.s32 s0, s6;
	v7 =	vsel vm0, $0x2A96, v7;
	v8 =	vsel vm0, $0x2DD2, v8;
	v9 =	vsel vm0, $0x310E, v9  }
0x5a: {  	_ =	strace $0x80000047;
	[dreg:$0x4] =	wrdreg s6;
	s31 =	smax.u32 s4, $0x1;
	v10 =	vsel vm0, $0x344A, v10;
	v11 =	vsel vm0, $0x3786, v11;
	v12 =	vsel vm0, $0x3AC2, v12  }
0x5b: {  	s8 =	sadd.s32 $0x800, s0;
	s7 =	sshll.u32 s2, $0x2;
	[dreg:$0x5] =	wrdreg s31;
	v13 =	vsel vm0, $0x3DFE, v13;
	v14 =	vsel vm0, $0x413A, v14;
	v15 =	vsel vm0, $0x4476, v15  }
.LBB2_1:
0x5c: {  	s2 =	rddreg [dreg:$0x4];
	s21 =	simm.s32 $0x0  }
0x5d: {  	[tilespmem:s5], [sflag:$0x1] =	stream.linear.gather [hbm4b:s2+s5], $0x4000, $0x38;
	[tilespmem:$0x14500] =	vst v63  }
.LBB2_2:
0x5e: {  	s2 =	smul.u32 $0xAB, s21;
	_ =	sdelay $0x1  }
0x5f: {  	s2 =	sshrl.u32 s2, $0x9  }
0x60: {  	s2 =	sand.u32 $0x7F, s2  }
0x61: {  	s4 =	smul.u32 $0xFFFFFFFD, s2;
	_ =	sdelay $0x1  }
0x62: {  	s23 =	sadd.s32 s2, s7;
	s22 =	sadd.s32 s21, s4  }
0x63: {  	s29 =	sshll.u32 s23, $0xF;
	s26 =	sshll.u32 s22, $0x16  }
0x64: {  	_ =	swait.ge [sflag:s10], $0x4000;
	s2 =	sadd.s32 s29, s26  }
0x65: {  	[sflag:s10] =	ssyncset.done $0x0;
	s2 =	sshrl.u32 s2, $0x3  }
0x66: {  	p0 =	seq.s32 s21, $0x0;
	[sflag:s10] =	ssyncadd.s32 $0xFFFFC000;
	s2 =	sadd.s32 s2, s8  }
0x67: {  	[tilespmem:s11], [sflag:$0x2] =	stream.linear.gather [hbm4b:s2+s5], $0x4000, $0x38;
	[tilespmem:$0x14500] =	vst v63  }
0x68: {  	s2 =	simm.s32 @!p0 $0x3  }
0x69: {  	_ =	swait.ge @!p0 [sflag:s2], $0x2000  }
0x6a: {  	[sflag:s2] =	ssyncset.done @!p0 $0x0  }
0x6b: {  	[sflag:s2] =	ssyncadd.s32 @!p0 $0xFFFFE000;
	s2 =	simm.s32 @!p0 $0x4  }
0x6c: {  	_ =	swait.ge @!p0 [sflag:s2], $0x6000  }
0x6d: {  	[sflag:s2] =	ssyncset.done @!p0 $0x0  }
0x6e: {  	s30 =	simm.s32 $0x400;
	s28 =	simm.s32 $0x7;
	[sflag:s2] =	ssyncadd.s32 @!p0 $0xFFFFA000  }
0x6f: {  	s9 =	simm.s32 $0x1;
	v17 =	vadd.s32 s28, v0;
	v16 =	vld [tilespmem:s30+$0xFFFFFF80]  }
0x70: {  	s24 =	simm.s32 $0x2;
	v19 =	vadd.s32 s9, v0;
	v18 =	vld [tilespmem:s30+$0xFFFFFC80]  }
0x71: {  	s6 =	simm.s32 $0x3;
	v21 =	vadd.s32 s24, v0;
	v20 =	vld [tilespmem:s30+$0xFFFFFD00]  }
0x72: {  	s31 =	simm.s32 $0x4;
	v23 =	vadd.s32 s6, v0;
	v22 =	vld [tilespmem:s30+$0xFFFFFD80]  }
0x73: {  	s25 =	simm.s32 $0x5;
	v25 =	vadd.s32 s31, v0;
	v24 =	vld [tilespmem:s30+$0xFFFFFE00]  }
0x74: {  	v27 =	vadd.s32 s25, v0;
	s26 =	simm.s32 $0x6;
	v26 =	vld [tilespmem:s30+$0xFFFFFE80];
	[tilespmem:v17+s12+$0x0] =	vst.idx.msk $0xffff, v16  }
0x75: {  	s29 =	simm.s32 $0x0;
	[tilespmem:v19+s12+$0x0] =	vst.idx.msk $0xffff, v18;
	v18 =	vld [tilespmem:s30+$0xFFFFFF00];
	v19 =	vadd.s32 s26, v0  }
0x76: {  	[tilespmem:v21+s12+$0x0] =	vst.idx.msk $0xffff, v20;
	v20 =	vld [tilespmem:s30+$0xFFFFFC00];
	v21 =	vadd.s32 s29, v0  }
0x77: {  	v17 =	vadd.s32 s28, v1;
	[tilespmem:v23+s12+$0x0] =	vst.idx.msk $0xffff, v22;
	v16 =	vld [tilespmem:s30+$0xFFFFFF90]  }
0x78: {  	v23 =	vadd.s32 s9, v1;
	[tilespmem:v25+s12+$0x0] =	vst.idx.msk $0xffff, v24;
	v22 =	vld [tilespmem:s30+$0xFFFFFC90]  }
0x79: {  	v25 =	vadd.s32 s24, v1;
	[tilespmem:v27+s12+$0x0] =	vst.idx.msk $0xffff, v26;
	v24 =	vld [tilespmem:s30+$0xFFFFFD10]  }
0x7a: {  	v27 =	vadd.s32 s6, v1;
	v26 =	vld [tilespmem:s30+$0xFFFFFD90];
	[tilespmem:v19+s12+$0x0] =	vst.idx.msk $0xffff, v18  }
0x7b: {  	[tilespmem:v21+s12+$0x0] =	vst.idx.msk $0xffff, v20;
	v18 =	vld [tilespmem:s30+$0xFFFFFE10];
	v19 =	vadd.s32 s31, v1  }
0x7c: {  	v20 =	vld [tilespmem:s30+$0xFFFFFE90];
	v21 =	vadd.s32 s25, v1;
	[tilespmem:v17+s12+$0x0] =	vst.idx.msk $0xffff, v16  }
0x7d: {  	[tilespmem:v23+s12+$0x0] =	vst.idx.msk $0xffff, v22;
	v22 =	vld [tilespmem:s30+$0xFFFFFF10];
	v23 =	vadd.s32 s26, v1  }
0x7e: {  	[tilespmem:v25+s12+$0x0] =	vst.idx.msk $0xffff, v24;
	v24 =	vld [tilespmem:s30+$0xFFFFFC10];
	v25 =	vadd.s32 s29, v1  }
0x7f: {  	v17 =	vadd.s32 s28, v2;
	[tilespmem:v27+s12+$0x0] =	vst.idx.msk $0xffff, v26;
	v16 =	vld [tilespmem:s30+$0xFFFFFFA0]  }
0x80: {  	v27 =	vadd.s32 s9, v2;
	v26 =	vld [tilespmem:s30+$0xFFFFFCA0];
	[tilespmem:v19+s12+$0x0] =	vst.idx.msk $0xffff, v18  }
0x81: {  	v18 =	vld [tilespmem:s30+$0xFFFFFD20];
	v19 =	vadd.s32 s24, v2;
	[tilespmem:v21+s12+$0x0] =	vst.idx.msk $0xffff, v20  }
0x82: {  	v20 =	vld [tilespmem:s30+$0xFFFFFDA0];
	v21 =	vadd.s32 s6, v2;
	[tilespmem:v23+s12+$0x0] =	vst.idx.msk $0xffff, v22  }
0x83: {  	[tilespmem:v25+s12+$0x0] =	vst.idx.msk $0xffff, v24;
	v22 =	vld [tilespmem:s30+$0xFFFFFE20];
	v23 =	vadd.s32 s31, v2  }
0x84: {  	v24 =	vld [tilespmem:s30+$0xFFFFFEA0];
	v25 =	vadd.s32 s25, v2;
	[tilespmem:v17+s12+$0x0] =	vst.idx.msk $0xffff, v16  }
0x85: {  	[tilespmem:v27+s12+$0x0] =	vst.idx.msk $0xffff, v26;
	v26 =	vld [tilespmem:s30+$0xFFFFFF20];
	v27 =	vadd.s32 s26, v2  }
0x86: {  	v17 =	vadd.s32 s28, v3;
	v16 =	vld [tilespmem:s30+$0xFFFFFFB0];
	[tilespmem:v19+s12+$0x0] =	vst.idx.msk $0xffff, v18  }
0x87: {  	v18 =	vld [tilespmem:s30+$0xFFFFFC20];
	v19 =	vadd.s32 s29, v2;
	[tilespmem:v21+s12+$0x0] =	vst.idx.msk $0xffff, v20  }
0x88: {  	v20 =	vld [tilespmem:s30+$0xFFFFFCB0];
	v21 =	vadd.s32 s9, v3;
	[tilespmem:v23+s12+$0x0] =	vst.idx.msk $0xffff, v22  }
0x89: {  	v22 =	vld [tilespmem:s30+$0xFFFFFD30];
	v23 =	vadd.s32 s24, v3;
	[tilespmem:v25+s12+$0x0] =	vst.idx.msk $0xffff, v24  }
0x8a: {  	v24 =	vld [tilespmem:s30+$0xFFFFFDB0];
	v25 =	vadd.s32 s6, v3;
	[tilespmem:v27+s12+$0x0] =	vst.idx.msk $0xffff, v26  }
0x8b: {  	v26 =	vld [tilespmem:s30+$0xFFFFFE30];
	v27 =	vadd.s32 s31, v3;
	[tilespmem:v17+s12+$0x0] =	vst.idx.msk $0xffff, v16  }
0x8c: {  	v17 =	vadd.s32 s28, v4;
	v16 =	vld [tilespmem:s30+$0xFFFFFFC0];
	[tilespmem:v19+s12+$0x0] =	vst.idx.msk $0xffff, v18  }
0x8d: {  	[tilespmem:v21+s12+$0x0] =	vst.idx.msk $0xffff, v20;
	v18 =	vld [tilespmem:s30+$0xFFFFFEB0];
	v19 =	vadd.s32 s25, v3  }
0x8e: {  	v20 =	vld [tilespmem:s30+$0xFFFFFF30];
	v21 =	vadd.s32 s26, v3;
	[tilespmem:v23+s12+$0x0] =	vst.idx.msk $0xffff, v22  }
0x8f: {  	v22 =	vld [tilespmem:s30+$0xFFFFFC30];
	v23 =	vadd.s32 s29, v3;
	[tilespmem:v25+s12+$0x0] =	vst.idx.msk $0xffff, v24  }
0x90: {  	v24 =	vld [tilespmem:s30+$0xFFFFFCC0];
	v25 =	vadd.s32 s9, v4;
	[tilespmem:v27+s12+$0x0] =	vst.idx.msk $0xffff, v26  }
0x91: {  	v26 =	vld [tilespmem:s30+$0xFFFFFD40];
	v27 =	vadd.s32 s24, v4;
	[tilespmem:v17+s12+$0x0] =	vst.idx.msk $0xffff, v16  }
0x92: {  	v17 =	vadd.s32 s28, v5;
	v16 =	vld [tilespmem:s30+$0xFFFFFFD0];
	[tilespmem:v19+s12+$0x0] =	vst.idx.msk $0xffff, v18  }
0x93: {  	v18 =	vld [tilespmem:s30+$0xFFFFFDC0];
	v19 =	vadd.s32 s6, v4;
	[tilespmem:v21+s12+$0x0] =	vst.idx.msk $0xffff, v20  }
0x94: {  	v20 =	vld [tilespmem:s30+$0xFFFFFE40];
	v21 =	vadd.s32 s31, v4;
	[tilespmem:v23+s12+$0x0] =	vst.idx.msk $0xffff, v22  }
0x95: {  	[tilespmem:v25+s12+$0x0] =	vst.idx.msk $0xffff, v24;
	v22 =	vld [tilespmem:s30+$0xFFFFFEC0];
	v23 =	vadd.s32 s25, v4  }
0x96: {  	v24 =	vld [tilespmem:s30+$0xFFFFFF40];
	v25 =	vadd.s32 s26, v4;
	[tilespmem:v27+s12+$0x0] =	vst.idx.msk $0xffff, v26  }
0x97: {  	v26 =	vld [tilespmem:s30+$0xFFFFFC40];
	v27 =	vadd.s32 s29, v4;
	[tilespmem:v17+s12+$0x0] =	vst.idx.msk $0xffff, v16  }
0x98: {  	v17 =	vadd.s32 s28, v6;
	[tilespmem:v19+s12+$0x0] =	vst.idx.msk $0xffff, v18;
	v16 =	vld [tilespmem:s30+$0xFFFFFFE0]  }
0x99: {  	v18 =	vld [tilespmem:s30+$0xFFFFFCD0];
	v19 =	vadd.s32 s9, v5;
	[tilespmem:v21+s12+$0x0] =	vst.idx.msk $0xffff, v20  }
0x9a: {  	v20 =	vld [tilespmem:s30+$0xFFFFFD50];
	v21 =	vadd.s32 s24, v5;
	[tilespmem:v23+s12+$0x0] =	vst.idx.msk $0xffff, v22  }
0x9b: {  	v22 =	vld [tilespmem:s30+$0xFFFFFDD0];
	v23 =	vadd.s32 s6, v5;
	[tilespmem:v25+s12+$0x0] =	vst.idx.msk $0xffff, v24  }
0x9c: {  	v24 =	vld [tilespmem:s30+$0xFFFFFE50];
	v25 =	vadd.s32 s31, v5;
	[tilespmem:v27+s12+$0x0] =	vst.idx.msk $0xffff, v26  }
0x9d: {  	v26 =	vld [tilespmem:s30+$0xFFFFFED0];
	v27 =	vadd.s32 s25, v5;
	[tilespmem:v17+s12+$0x0] =	vst.idx.msk $0xffff, v16  }
0x9e: {  	[tilespmem:v19+s12+$0x0] =	vst.idx.msk $0xffff, v18;
	v17 =	vadd.s32 s28, v7;
	v16 =	vld [tilespmem:s30+$0xFFFFFFF0]  }
0x9f: {  	[tilespmem:v21+s12+$0x0] =	vst.idx.msk $0xffff, v20;
	v18 =	vld [tilespmem:s30+$0xFFFFFF50];
	v19 =	vadd.s32 s26, v5  }
0xa0: {  	v20 =	vld [tilespmem:s30+$0xFFFFFC50];
	v21 =	vadd.s32 s29, v5;
	[tilespmem:v23+s12+$0x0] =	vst.idx.msk $0xffff, v22  }
0xa1: {  	v22 =	vld [tilespmem:s30+$0xFFFFFCE0];
	v23 =	vadd.s32 s9, v6;
	[tilespmem:v25+s12+$0x0] =	vst.idx.msk $0xffff, v24  }
0xa2: {  	v24 =	vld [tilespmem:s30+$0xFFFFFD60];
	v25 =	vadd.s32 s24, v6;
	[tilespmem:v27+s12+$0x0] =	vst.idx.msk $0xffff, v26  }
0xa3: {  	v26 =	vld [tilespmem:s30+$0xFFFFFDE0];
	v27 =	vadd.s32 s6, v6;
	[tilespmem:v17+s12+$0x0] =	vst.idx.msk $0xffff, v16  }
0xa4: {  	[tilespmem:v19+s12+$0x0] =	vst.idx.msk $0xffff, v18;
	v17 =	vadd.s32 s28, v8;
	v16 =	vld [tilespmem:s30+$0x380]  }
0xa5: {  	[tilespmem:v21+s12+$0x0] =	vst.idx.msk $0xffff, v20;
	v18 =	vld [tilespmem:s30+$0xFFFFFE60];
	v19 =	vadd.s32 s31, v6  }
0xa6: {  	v20 =	vld [tilespmem:s30+$0xFFFFFEE0];
	v21 =	vadd.s32 s25, v6;
	[tilespmem:v23+s12+$0x0] =	vst.idx.msk $0xffff, v22  }
0xa7: {  	[tilespmem:v25+s12+$0x0] =	vst.idx.msk $0xffff, v24;
	v22 =	vld [tilespmem:s30+$0xFFFFFF60];
	v23 =	vadd.s32 s26, v6  }
0xa8: {  	v24 =	vld [tilespmem:s30+$0xFFFFFC60];
	v25 =	vadd.s32 s29, v6;
	[tilespmem:v27+s12+$0x0] =	vst.idx.msk $0xffff, v26  }
0xa9: {  	v26 =	vld [tilespmem:s30+$0xFFFFFCF0];
	v27 =	vadd.s32 s9, v7;
	[tilespmem:v17+s12+$0x0] =	vst.idx.msk $0xffff, v16  }
0xaa: {  	[tilespmem:v19+s12+$0x0] =	vst.idx.msk $0xffff, v18;
	v17 =	vadd.s32 s28, v9;
	v16 =	vld [tilespmem:s30+$0x390]  }
0xab: {  	v18 =	vld [tilespmem:s30+$0xFFFFFD70];
	v19 =	vadd.s32 s24, v7;
	[tilespmem:v21+s12+$0x0] =	vst.idx.msk $0xffff, v20  }
0xac: {  	v20 =	vld [tilespmem:s30+$0xFFFFFDF0];
	v21 =	vadd.s32 s6, v7;
	[tilespmem:v23+s12+$0x0] =	vst.idx.msk $0xffff, v22  }
0xad: {  	[tilespmem:v25+s12+$0x0] =	vst.idx.msk $0xffff, v24;
	v22 =	vld [tilespmem:s30+$0xFFFFFE70];
	v23 =	vadd.s32 s31, v7  }
0xae: {  	v24 =	vld [tilespmem:s30+$0xFFFFFEF0];
	v25 =	vadd.s32 s25, v7;
	[tilespmem:v27+s12+$0x0] =	vst.idx.msk $0xffff, v26  }
0xaf: {  	v26 =	vld [tilespmem:s30+$0xFFFFFF70];
	v27 =	vadd.s32 s26, v7;
	[tilespmem:v17+s12+$0x0] =	vst.idx.msk $0xffff, v16  }
0xb0: {  	[tilespmem:v19+s12+$0x0] =	vst.idx.msk $0xffff, v18;
	v17 =	vadd.s32 s28, v10;
	v16 =	vld [tilespmem:s30+$0x3A0]  }
0xb1: {  	v18 =	vld [tilespmem:s30+$0xFFFFFC70];
	v19 =	vadd.s32 s29, v7;
	[tilespmem:v21+s12+$0x0] =	vst.idx.msk $0xffff, v20  }
0xb2: {  	v20 =	vld [tilespmem:s30+$0x80];
	v21 =	vadd.s32 s9, v8;
	[tilespmem:v23+s12+$0x0] =	vst.idx.msk $0xffff, v22  }
0xb3: {  	v22 =	vld [tilespmem:s30+$0x100];
	v23 =	vadd.s32 s24, v8;
	[tilespmem:v25+s12+$0x0] =	vst.idx.msk $0xffff, v24  }
0xb4: {  	v24 =	vld [tilespmem:s30+$0x180];
	v25 =	vadd.s32 s6, v8;
	[tilespmem:v27+s12+$0x0] =	vst.idx.msk $0xffff, v26  }
0xb5: {  	v26 =	vld [tilespmem:s30+$0x200];
	v27 =	vadd.s32 s31, v8;
	[tilespmem:v17+s12+$0x0] =	vst.idx.msk $0xffff, v16  }
0xb6: {  	[tilespmem:v19+s12+$0x0] =	vst.idx.msk $0xffff, v18;
	v17 =	vadd.s32 s28, v11;
	v16 =	vld [tilespmem:s30+$0x3B0]  }
0xb7: {  	[tilespmem:v21+s12+$0x0] =	vst.idx.msk $0xffff, v20;
	v18 =	vld [tilespmem:s30+$0x280];
	v19 =	vadd.s32 s25, v8  }
0xb8: {  	v20 =	vld [tilespmem:s30+$0x300];
	v21 =	vadd.s32 s26, v8;
	[tilespmem:v23+s12+$0x0] =	vst.idx.msk $0xffff, v22  }
0xb9: {  	v22 =	vld [tilespmem:s30+$0x0];
	v23 =	vadd.s32 s29, v8;
	[tilespmem:v25+s12+$0x0] =	vst.idx.msk $0xffff, v24  }
0xba: {  	v24 =	vld [tilespmem:s30+$0x90];
	v25 =	vadd.s32 s9, v9;
	[tilespmem:v27+s12+$0x0] =	vst.idx.msk $0xffff, v26  }
0xbb: {  	v26 =	vld [tilespmem:s30+$0x110];
	v27 =	vadd.s32 s24, v9;
	[tilespmem:v17+s12+$0x0] =	vst.idx.msk $0xffff, v16  }
0xbc: {  	[tilespmem:v19+s12+$0x0] =	vst.idx.msk $0xffff, v18;
	v17 =	vadd.s32 s28, v12;
	v16 =	vld [tilespmem:s30+$0x3C0]  }
0xbd: {  	v18 =	vld [tilespmem:s30+$0x190];
	v19 =	vadd.s32 s6, v9;
	[tilespmem:v21+s12+$0x0] =	vst.idx.msk $0xffff, v20  }
0xbe: {  	v20 =	vld [tilespmem:s30+$0x210];
	v21 =	vadd.s32 s31, v9;
	[tilespmem:v23+s12+$0x0] =	vst.idx.msk $0xffff, v22  }
0xbf: {  	[tilespmem:v25+s12+$0x0] =	vst.idx.msk $0xffff, v24;
	v22 =	vld [tilespmem:s30+$0x290];
	v23 =	vadd.s32 s25, v9  }
0xc0: {  	v24 =	vld [tilespmem:s30+$0x310];
	v25 =	vadd.s32 s26, v9;
	[tilespmem:v27+s12+$0x0] =	vst.idx.msk $0xffff, v26  }
0xc1: {  	v26 =	vld [tilespmem:s30+$0x10];
	v27 =	vadd.s32 s29, v9;
	[tilespmem:v17+s12+$0x0] =	vst.idx.msk $0xffff, v16  }
0xc2: {  	[tilespmem:v19+s12+$0x0] =	vst.idx.msk $0xffff, v18;
	v17 =	vadd.s32 s28, v13;
	v16 =	vld [tilespmem:s30+$0x3D0]  }
0xc3: {  	v18 =	vld [tilespmem:s30+$0xA0];
	v19 =	vadd.s32 s9, v10;
	[tilespmem:v21+s12+$0x0] =	vst.idx.msk $0xffff, v20  }
0xc4: {  	v20 =	vld [tilespmem:s30+$0x120];
	v21 =	vadd.s32 s24, v10;
	[tilespmem:v23+s12+$0x0] =	vst.idx.msk $0xffff, v22  }
0xc5: {  	v22 =	vld [tilespmem:s30+$0x1A0];
	v23 =	vadd.s32 s6, v10;
	[tilespmem:v25+s12+$0x0] =	vst.idx.msk $0xffff, v24  }
0xc6: {  	v24 =	vld [tilespmem:s30+$0x220];
	v25 =	vadd.s32 s31, v10;
	[tilespmem:v27+s12+$0x0] =	vst.idx.msk $0xffff, v26  }
0xc7: {  	v26 =	vld [tilespmem:s30+$0x2A0];
	v27 =	vadd.s32 s25, v10;
	[tilespmem:v17+s12+$0x0] =	vst.idx.msk $0xffff, v16  }
0xc8: {  	[tilespmem:v19+s12+$0x0] =	vst.idx.msk $0xffff, v18;
	v17 =	vadd.s32 s28, v14;
	v16 =	vld [tilespmem:s30+$0x3E0]  }
0xc9: {  	[tilespmem:v21+s12+$0x0] =	vst.idx.msk $0xffff, v20;
	v18 =	vld [tilespmem:s30+$0x320];
	v19 =	vadd.s32 s26, v10  }
0xca: {  	v20 =	vld [tilespmem:s30+$0x20];
	v21 =	vadd.s32 s29, v10;
	[tilespmem:v23+s12+$0x0] =	vst.idx.msk $0xffff, v22  }
0xcb: {  	v22 =	vld [tilespmem:s30+$0xB0];
	v23 =	vadd.s32 s9, v11;
	[tilespmem:v25+s12+$0x0] =	vst.idx.msk $0xffff, v24  }
0xcc: {  	v24 =	vld [tilespmem:s30+$0x130];
	v25 =	vadd.s32 s24, v11;
	[tilespmem:v27+s12+$0x0] =	vst.idx.msk $0xffff, v26  }
0xcd: {  	v26 =	vld [tilespmem:s30+$0x1B0];
	v27 =	vadd.s32 s6, v11;
	[tilespmem:v17+s12+$0x0] =	vst.idx.msk $0xffff, v16  }
0xce: {  	[tilespmem:v19+s12+$0x0] =	vst.idx.msk $0xffff, v18;
	v17 =	vadd.s32 s28, v15;
	v16 =	vld [tilespmem:s30+$0x3F0]  }
0xcf: {  	[tilespmem:v21+s12+$0x0] =	vst.idx.msk $0xffff, v20;
	v18 =	vld [tilespmem:s30+$0x2B0];
	v19 =	vadd.s32 s25, v11  }
0xd0: {  	v21 =	vadd.s32 s26, v11;
	[tilespmem:v23+s12+$0x0] =	vst.idx.msk $0xffff, v22;
	v20 =	vld [tilespmem:s30+$0x330]  }
0xd1: {  	v22 =	vld [tilespmem:s30+$0x30];
	v23 =	vadd.s32 s29, v11;
	[tilespmem:v25+s12+$0x0] =	vst.idx.msk $0xffff, v24  }
0xd2: {  	v25 =	vadd.s32 s9, v12;
	v24 =	vld [tilespmem:s30+$0xC0];
	[tilespmem:v27+s12+$0x0] =	vst.idx.msk $0xffff, v26  }
0xd3: {  	[tilespmem:v17+s12+$0x0] =	vst.idx.msk $0xffff, v16;
	v16 =	vld [tilespmem:s30+$0x230];
	v17 =	vadd.s32 s31, v11  }
0xd4: {  	v26 =	vld [tilespmem:s30+$0x140];
	v27 =	vadd.s32 s24, v12;
	[tilespmem:v19+s12+$0x0] =	vst.idx.msk $0xffff, v18  }
0xd5: {  	[tilespmem:v21+s12+$0x0] =	vst.idx.msk $0xffff, v20;
	v20 =	vld [tilespmem:s30+$0x2C0];
	v21 =	vadd.s32 s25, v12  }
0xd6: {  	[tilespmem:v23+s12+$0x0] =	vst.idx.msk $0xffff, v22;
	v23 =	vadd.s32 s26, v12;
	v22 =	vld [tilespmem:s30+$0x340]  }
0xd7: {  	[tilespmem:v25+s12+$0x0] =	vst.idx.msk $0xffff, v24;
	v24 =	vld [tilespmem:s30+$0x40];
	v25 =	vadd.s32 s29, v12  }
0xd8: {  	[tilespmem:v17+s12+$0x0] =	vst.idx.msk $0xffff, v16;
	v16 =	vld [tilespmem:s30+$0x1C0];
	v17 =	vadd.s32 s6, v12  }
0xd9: {  	v19 =	vadd.s32 s31, v12;
	[tilespmem:v27+s12+$0x0] =	vst.idx.msk $0xffff, v26;
	v18 =	vld [tilespmem:s30+$0x240]  }
0xda: {  	v27 =	vadd.s32 s9, v13;
	v26 =	vld [tilespmem:s30+$0xD0];
	[tilespmem:v21+s12+$0x0] =	vst.idx.msk $0xffff, v20  }
0xdb: {  	[tilespmem:v23+s12+$0x0] =	vst.idx.msk $0xffff, v22;
	v22 =	vld [tilespmem:s30+$0x2D0];
	v23 =	vadd.s32 s25, v13  }
0xdc: {  	[tilespmem:v25+s12+$0x0] =	vst.idx.msk $0xffff, v24;
	v25 =	vadd.s32 s26, v13;
	v24 =	vld [tilespmem:s30+$0x350]  }
0xdd: {  	[tilespmem:v17+s12+$0x0] =	vst.idx.msk $0xffff, v16;
	v16 =	vld [tilespmem:s30+$0x150];
	v17 =	vadd.s32 s24, v13  }
0xde: {  	[tilespmem:v19+s12+$0x0] =	vst.idx.msk $0xffff, v18;
	v18 =	vld [tilespmem:s30+$0x1D0];
	v19 =	vadd.s32 s6, v13  }
0xdf: {  	v21 =	vadd.s32 s31, v13;
	[tilespmem:v27+s12+$0x0] =	vst.idx.msk $0xffff, v26;
	v20 =	vld [tilespmem:s30+$0x250]  }
0xe0: {  	v26 =	vld [tilespmem:s30+$0x50];
	v27 =	vadd.s32 s29, v13;
	[tilespmem:v23+s12+$0x0] =	vst.idx.msk $0xffff, v22  }
0xe1: {  	[tilespmem:v25+s12+$0x0] =	vst.idx.msk $0xffff, v24;
	v24 =	vld [tilespmem:s30+$0x2E0];
	v25 =	vadd.s32 s25, v14  }
0xe2: {  	[tilespmem:v17+s12+$0x0] =	vst.idx.msk $0xffff, v16;
	v16 =	vld [tilespmem:s30+$0xE0];
	v17 =	vadd.s32 s9, v14  }
0xe3: {  	[tilespmem:v19+s12+$0x0] =	vst.idx.msk $0xffff, v18;
	v18 =	vld [tilespmem:s30+$0x160];
	v19 =	vadd.s32 s24, v14  }
0xe4: {  	[tilespmem:v21+s12+$0x0] =	vst.idx.msk $0xffff, v20;
	v20 =	vld [tilespmem:s30+$0x1E0];
	v21 =	vadd.s32 s6, v14  }
0xe5: {  	v23 =	vadd.s32 s31, v14;
	[tilespmem:v27+s12+$0x0] =	vst.idx.msk $0xffff, v26;
	v22 =	vld [tilespmem:s30+$0x260]  }
0xe6: {  	v27 =	vadd.s32 s29, v14;
	v26 =	vld [tilespmem:s30+$0x60];
	[tilespmem:v25+s12+$0x0] =	vst.idx.msk $0xffff, v24  }
0xe7: {  	[tilespmem:v17+s12+$0x0] =	vst.idx.msk $0xffff, v16;
	v16 =	vld [tilespmem:s30+$0x360];
	v17 =	vadd.s32 s26, v14  }
0xe8: {  	v28 =	vadd.s32 s9, v15;
	[tilespmem:v19+s12+$0x0] =	vst.idx.msk $0xffff, v18;
	v18 =	vld [tilespmem:s30+$0xF0]  }
0xe9: {  	v30 =	vadd.s32 s24, v15;
	[tilespmem:v21+s12+$0x0] =	vst.idx.msk $0xffff, v20;
	v29 =	vld [tilespmem:s30+$0x170]  }
0xea: {  	v25 =	vadd.s32 s6, v15;
	[tilespmem:v23+s12+$0x0] =	vst.idx.msk $0xffff, v22;
	v23 =	vld [tilespmem:s30+$0x1F0]  }
0xeb: {  	v24 =	vadd.s32 s31, v15;
	[tilespmem:v27+s12+$0x0] =	vst.idx.msk $0xffff, v26;
	v19 =	vld [tilespmem:s30+$0x270]  }
0xec: {  	v22 =	vadd.s32 s25, v15;
	[tilespmem:v17+s12+$0x0] =	vst.idx.msk $0xffff, v16;
	v16 =	vld [tilespmem:s30+$0x2F0]  }
0xed: {  	s28 =	simm.s32 $0x10;
	v20 =	vadd.s32 s26, v15;
	[tilespmem:v28+s12+$0x0] =	vst.idx.msk $0xffff, v18;
	v17 =	vld [tilespmem:s30+$0x370]  }
0xee: {  	s24 =	simm.s32 $0x8;
	s26 =	simm.s32 $0xF;
	v21 =	vadd.s32 s29, v15;
	s25 =	simm.s32 $0xC00;
	v18 =	vld [tilespmem:s30+$0x70];
	[tilespmem:v30+s12+$0x0] =	vst.idx.msk $0xffff, v29  }
.LBB2_3:
0xef: {  	p0 =	slt.u32 s28, $0x38;
	s30 =	sadd.s32 $0x1, s24;
	v26 =	vld [tilespmem:s25+$0xFFFFFF80];
	v27 =	vadd.s32 s26, v0;
	[tilespmem:v25+s12+$0x0] =	vst.idx.msk $0xffff, v23;
	s29 =	smov.u32 s24  }
0xf0: {  	s24 =	smov.u32 s28;
	v23 =	vld [tilespmem:s25+$0xFFFFFC80];
	v25 =	vadd.s32 s30, v0;
	s31 =	sadd.s32 $0x2, s29;
	[tilespmem:v24+s12+$0x0] =	vst.idx.msk $0xffff, v19  }
0xf1: {  	s2 =	sadd.s32 $0x3, s29;
	v19 =	vld [tilespmem:s25+$0xFFFFFD00];
	v24 =	vadd.s32 s31, v0;
	[tilespmem:v22+s12+$0x0] =	vst.idx.msk $0xffff, v16  }
0xf2: {  	s4 =	sadd.s32 $0x4, s29;
	v22 =	vadd.s32 s2, v0;
	v16 =	vld [tilespmem:s25+$0xFFFFFD80];
	[tilespmem:v20+s12+$0x0] =	vst.idx.msk $0xffff, v17  }
0xf3: {  	s6 =	sadd.s32 $0x5, s29;
	v20 =	vadd.s32 s4, v0;
	v17 =	vld [tilespmem:s25+$0xFFFFFE00];
	[tilespmem:v21+s12+$0x0] =	vst.idx.msk $0xffff, v18  }
0xf4: {  	v21 =	vadd.s32 s6, v0;
	v18 =	vld [tilespmem:s25+$0xFFFFFE80];
	[tilespmem:v27+s12+$0x0] =	vst.idx.msk $0xffff, v26  }
0xf5: {  	s9 =	sadd.s32 $0x6, s29;
	[tilespmem:v25+s12+$0x0] =	vst.idx.msk $0xffff, v23;
	v23 =	vld [tilespmem:s25+$0xFFFFFF90];
	v25 =	vadd.s32 s26, v1  }
0xf6: {  	[tilespmem:v24+s12+$0x0] =	vst.idx.msk $0xffff, v19;
	v19 =	vld [tilespmem:s25+$0xFFFFFF00];
	v24 =	vadd.s32 s9, v0  }
0xf7: {  	v27 =	vadd.s32 s29, v0;
	v26 =	vld [tilespmem:s25+$0xFFFFFC00];
	[tilespmem:v22+s12+$0x0] =	vst.idx.msk $0xffff, v16  }
0xf8: {  	v22 =	vadd.s32 s30, v1;
	v16 =	vld [tilespmem:s25+$0xFFFFFC90];
	[tilespmem:v20+s12+$0x0] =	vst.idx.msk $0xffff, v17  }
0xf9: {  	v20 =	vadd.s32 s31, v1;
	v17 =	vld [tilespmem:s25+$0xFFFFFD10];
	[tilespmem:v21+s12+$0x0] =	vst.idx.msk $0xffff, v18  }
0xfa: {  	v21 =	vadd.s32 s2, v1;
	v18 =	vld [tilespmem:s25+$0xFFFFFD90];
	[tilespmem:v25+s12+$0x0] =	vst.idx.msk $0xffff, v23  }
0xfb: {  	v23 =	vadd.s32 s26, v2;
	[tilespmem:v24+s12+$0x0] =	vst.idx.msk $0xffff, v19;
	v19 =	vld [tilespmem:s25+$0xFFFFFFA0]  }
0xfc: {  	v25 =	vadd.s32 s4, v1;
	[tilespmem:v27+s12+$0x0] =	vst.idx.msk $0xffff, v26;
	v24 =	vld [tilespmem:s25+$0xFFFFFE10]  }
0xfd: {  	[tilespmem:v22+s12+$0x0] =	vst.idx.msk $0xffff, v16;
	v16 =	vld [tilespmem:s25+$0xFFFFFE90];
	v22 =	vadd.s32 s6, v1  }
0xfe: {  	[tilespmem:v20+s12+$0x0] =	vst.idx.msk $0xffff, v17;
	v17 =	vld [tilespmem:s25+$0xFFFFFF10];
	v20 =	vadd.s32 s9, v1  }
0xff: {  	v27 =	vadd.s32 s29, v1;
	v26 =	vld [tilespmem:s25+$0xFFFFFC10];
	[tilespmem:v21+s12+$0x0] =	vst.idx.msk $0xffff, v18  }
0x100: {  	v21 =	vadd.s32 s30, v2;
	v18 =	vld [tilespmem:s25+$0xFFFFFCA0];
	[tilespmem:v23+s12+$0x0] =	vst.idx.msk $0xffff, v19  }
0x101: {  	v23 =	vadd.s32 s26, v3;
	[tilespmem:v25+s12+$0x0] =	vst.idx.msk $0xffff, v24;
	v19 =	vld [tilespmem:s25+$0xFFFFFFB0]  }
0x102: {  	v25 =	vadd.s32 s31, v2;
	v24 =	vld [tilespmem:s25+$0xFFFFFD20];
	[tilespmem:v22+s12+$0x0] =	vst.idx.msk $0xffff, v16  }
0x103: {  	v22 =	vadd.s32 s2, v2;
	v16 =	vld [tilespmem:s25+$0xFFFFFDA0];
	[tilespmem:v20+s12+$0x0] =	vst.idx.msk $0xffff, v17  }
0x104: {  	v20 =	vadd.s32 s4, v2;
	[tilespmem:v27+s12+$0x0] =	vst.idx.msk $0xffff, v26;
	v17 =	vld [tilespmem:s25+$0xFFFFFE20]  }
0x105: {  	[tilespmem:v21+s12+$0x0] =	vst.idx.msk $0xffff, v18;
	v18 =	vld [tilespmem:s25+$0xFFFFFEA0];
	v21 =	vadd.s32 s6, v2  }
0x106: {  	v27 =	vadd.s32 s9, v2;
	v26 =	vld [tilespmem:s25+$0xFFFFFF20];
	[tilespmem:v23+s12+$0x0] =	vst.idx.msk $0xffff, v19  }
0x107: {  	v23 =	vadd.s32 s26, v4;
	[tilespmem:v25+s12+$0x0] =	vst.idx.msk $0xffff, v24;
	v19 =	vld [tilespmem:s25+$0xFFFFFFC0]  }
0x108: {  	v25 =	vadd.s32 s29, v2;
	v24 =	vld [tilespmem:s25+$0xFFFFFC20];
	[tilespmem:v22+s12+$0x0] =	vst.idx.msk $0xffff, v16  }
0x109: {  	v22 =	vadd.s32 s30, v3;
	v16 =	vld [tilespmem:s25+$0xFFFFFCB0];
	[tilespmem:v20+s12+$0x0] =	vst.idx.msk $0xffff, v17  }
0x10a: {  	v20 =	vadd.s32 s31, v3;
	v17 =	vld [tilespmem:s25+$0xFFFFFD30];
	[tilespmem:v21+s12+$0x0] =	vst.idx.msk $0xffff, v18  }
0x10b: {  	v21 =	vadd.s32 s2, v3;
	v18 =	vld [tilespmem:s25+$0xFFFFFDB0];
	[tilespmem:v27+s12+$0x0] =	vst.idx.msk $0xffff, v26  }
0x10c: {  	v27 =	vadd.s32 s4, v3;
	v26 =	vld [tilespmem:s25+$0xFFFFFE30];
	[tilespmem:v23+s12+$0x0] =	vst.idx.msk $0xffff, v19  }
0x10d: {  	v23 =	vadd.s32 s26, v5;
	[tilespmem:v25+s12+$0x0] =	vst.idx.msk $0xffff, v24;
	v19 =	vld [tilespmem:s25+$0xFFFFFFD0]  }
0x10e: {  	[tilespmem:v22+s12+$0x0] =	vst.idx.msk $0xffff, v16;
	v16 =	vld [tilespmem:s25+$0xFFFFFEB0];
	v22 =	vadd.s32 s6, v3  }
0x10f: {  	[tilespmem:v20+s12+$0x0] =	vst.idx.msk $0xffff, v17;
	v17 =	vld [tilespmem:s25+$0xFFFFFF30];
	v20 =	vadd.s32 s9, v3  }
0x110: {  	v25 =	vadd.s32 s29, v3;
	v24 =	vld [tilespmem:s25+$0xFFFFFC30];
	[tilespmem:v21+s12+$0x0] =	vst.idx.msk $0xffff, v18  }
0x111: {  	v21 =	vadd.s32 s30, v4;
	v18 =	vld [tilespmem:s25+$0xFFFFFCC0];
	[tilespmem:v27+s12+$0x0] =	vst.idx.msk $0xffff, v26  }
0x112: {  	v27 =	vadd.s32 s31, v4;
	v26 =	vld [tilespmem:s25+$0xFFFFFD40];
	[tilespmem:v23+s12+$0x0] =	vst.idx.msk $0xffff, v19  }
0x113: {  	v19 =	vadd.s32 s26, v6;
	[tilespmem:v22+s12+$0x0] =	vst.idx.msk $0xffff, v16;
	v16 =	vld [tilespmem:s25+$0xFFFFFFE0]  }
0x114: {  	v23 =	vadd.s32 s2, v4;
	v22 =	vld [tilespmem:s25+$0xFFFFFDC0];
	[tilespmem:v20+s12+$0x0] =	vst.idx.msk $0xffff, v17  }
0x115: {  	v20 =	vadd.s32 s4, v4;
	[tilespmem:v25+s12+$0x0] =	vst.idx.msk $0xffff, v24;
	v17 =	vld [tilespmem:s25+$0xFFFFFE40]  }
0x116: {  	[tilespmem:v21+s12+$0x0] =	vst.idx.msk $0xffff, v18;
	v18 =	vld [tilespmem:s25+$0xFFFFFEC0];
	v21 =	vadd.s32 s6, v4  }
0x117: {  	v25 =	vadd.s32 s9, v4;
	[tilespmem:v27+s12+$0x0] =	vst.idx.msk $0xffff, v26;
	v24 =	vld [tilespmem:s25+$0xFFFFFF40]  }
0x118: {  	v27 =	vadd.s32 s29, v4;
	v26 =	vld [tilespmem:s25+$0xFFFFFC40];
	[tilespmem:v19+s12+$0x0] =	vst.idx.msk $0xffff, v16  }
0x119: {  	v19 =	vadd.s32 s26, v7;
	[tilespmem:v23+s12+$0x0] =	vst.idx.msk $0xffff, v22;
	v16 =	vld [tilespmem:s25+$0xFFFFFFF0]  }
0x11a: {  	v23 =	vadd.s32 s30, v5;
	v22 =	vld [tilespmem:s25+$0xFFFFFCD0];
	[tilespmem:v20+s12+$0x0] =	vst.idx.msk $0xffff, v17  }
0x11b: {  	v20 =	vadd.s32 s31, v5;
	v17 =	vld [tilespmem:s25+$0xFFFFFD50];
	[tilespmem:v21+s12+$0x0] =	vst.idx.msk $0xffff, v18  }
0x11c: {  	v21 =	vadd.s32 s2, v5;
	v18 =	vld [tilespmem:s25+$0xFFFFFDD0];
	[tilespmem:v25+s12+$0x0] =	vst.idx.msk $0xffff, v24  }
0x11d: {  	v25 =	vadd.s32 s4, v5;
	[tilespmem:v27+s12+$0x0] =	vst.idx.msk $0xffff, v26;
	v24 =	vld [tilespmem:s25+$0xFFFFFE50]  }
0x11e: {  	v27 =	vadd.s32 s6, v5;
	v26 =	vld [tilespmem:s25+$0xFFFFFED0];
	[tilespmem:v19+s12+$0x0] =	vst.idx.msk $0xffff, v16  }
0x11f: {  	v19 =	vadd.s32 s26, v8;
	[tilespmem:v23+s12+$0x0] =	vst.idx.msk $0xffff, v22;
	v16 =	vld [tilespmem:s25+$0x380]  }
0x120: {  	[tilespmem:v20+s12+$0x0] =	vst.idx.msk $0xffff, v17;
	v17 =	vld [tilespmem:s25+$0xFFFFFF50];
	v20 =	vadd.s32 s9, v5  }
0x121: {  	v23 =	vadd.s32 s29, v5;
	v22 =	vld [tilespmem:s25+$0xFFFFFC50];
	[tilespmem:v21+s12+$0x0] =	vst.idx.msk $0xffff, v18  }
0x122: {  	v21 =	vadd.s32 s30, v6;
	v18 =	vld [tilespmem:s25+$0xFFFFFCE0];
	[tilespmem:v25+s12+$0x0] =	vst.idx.msk $0xffff, v24  }
0x123: {  	v25 =	vadd.s32 s31, v6;
	v24 =	vld [tilespmem:s25+$0xFFFFFD60];
	[tilespmem:v27+s12+$0x0] =	vst.idx.msk $0xffff, v26  }
0x124: {  	v27 =	vadd.s32 s2, v6;
	v26 =	vld [tilespmem:s25+$0xFFFFFDE0];
	[tilespmem:v19+s12+$0x0] =	vst.idx.msk $0xffff, v16  }
0x125: {  	[tilespmem:v20+s12+$0x0] =	vst.idx.msk $0xffff, v17;
	v16 =	vld [tilespmem:s25+$0x390];
	v17 =	vadd.s32 s26, v9  }
0x126: {  	v20 =	vadd.s32 s4, v6;
	[tilespmem:v23+s12+$0x0] =	vst.idx.msk $0xffff, v22;
	v19 =	vld [tilespmem:s25+$0xFFFFFE60]  }
0x127: {  	[tilespmem:v21+s12+$0x0] =	vst.idx.msk $0xffff, v18;
	v18 =	vld [tilespmem:s25+$0xFFFFFEE0];
	v21 =	vadd.s32 s6, v6  }
0x128: {  	v23 =	vadd.s32 s9, v6;
	[tilespmem:v25+s12+$0x0] =	vst.idx.msk $0xffff, v24;
	v22 =	vld [tilespmem:s25+$0xFFFFFF60]  }
0x129: {  	v25 =	vadd.s32 s29, v6;
	v24 =	vld [tilespmem:s25+$0xFFFFFC60];
	[tilespmem:v27+s12+$0x0] =	vst.idx.msk $0xffff, v26  }
0x12a: {  	v27 =	vadd.s32 s30, v7;
	v26 =	vld [tilespmem:s25+$0xFFFFFCF0];
	[tilespmem:v17+s12+$0x0] =	vst.idx.msk $0xffff, v16  }
0x12b: {  	v17 =	vadd.s32 s26, v10;
	[tilespmem:v20+s12+$0x0] =	vst.idx.msk $0xffff, v19;
	v16 =	vld [tilespmem:s25+$0x3A0]  }
0x12c: {  	v20 =	vadd.s32 s31, v7;
	v19 =	vld [tilespmem:s25+$0xFFFFFD70];
	[tilespmem:v21+s12+$0x0] =	vst.idx.msk $0xffff, v18  }
0x12d: {  	v21 =	vadd.s32 s2, v7;
	v18 =	vld [tilespmem:s25+$0xFFFFFDF0];
	[tilespmem:v23+s12+$0x0] =	vst.idx.msk $0xffff, v22  }
0x12e: {  	v23 =	vadd.s32 s4, v7;
	[tilespmem:v25+s12+$0x0] =	vst.idx.msk $0xffff, v24;
	v22 =	vld [tilespmem:s25+$0xFFFFFE70]  }
0x12f: {  	v25 =	vadd.s32 s6, v7;
	[tilespmem:v27+s12+$0x0] =	vst.idx.msk $0xffff, v26;
	v24 =	vld [tilespmem:s25+$0xFFFFFEF0]  }
0x130: {  	v27 =	vadd.s32 s9, v7;
	v26 =	vld [tilespmem:s25+$0xFFFFFF70];
	[tilespmem:v17+s12+$0x0] =	vst.idx.msk $0xffff, v16  }
0x131: {  	v17 =	vadd.s32 s26, v11;
	[tilespmem:v20+s12+$0x0] =	vst.idx.msk $0xffff, v19;
	v16 =	vld [tilespmem:s25+$0x3B0]  }
0x132: {  	v20 =	vadd.s32 s29, v7;
	v19 =	vld [tilespmem:s25+$0xFFFFFC70];
	[tilespmem:v21+s12+$0x0] =	vst.idx.msk $0xffff, v18  }
0x133: {  	v21 =	vadd.s32 s30, v8;
	v18 =	vld [tilespmem:s25+$0x80];
	[tilespmem:v23+s12+$0x0] =	vst.idx.msk $0xffff, v22  }
0x134: {  	v23 =	vadd.s32 s31, v8;
	v22 =	vld [tilespmem:s25+$0x100];
	[tilespmem:v25+s12+$0x0] =	vst.idx.msk $0xffff, v24  }
0x135: {  	v25 =	vadd.s32 s2, v8;
	v24 =	vld [tilespmem:s25+$0x180];
	[tilespmem:v27+s12+$0x0] =	vst.idx.msk $0xffff, v26  }
0x136: {  	v27 =	vadd.s32 s4, v8;
	v26 =	vld [tilespmem:s25+$0x200];
	[tilespmem:v17+s12+$0x0] =	vst.idx.msk $0xffff, v16  }
0x137: {  	v17 =	vadd.s32 s26, v12;
	[tilespmem:v20+s12+$0x0] =	vst.idx.msk $0xffff, v19;
	v16 =	vld [tilespmem:s25+$0x3C0]  }
0x138: {  	v19 =	vadd.s32 s6, v8;
	[tilespmem:v21+s12+$0x0] =	vst.idx.msk $0xffff, v18;
	v18 =	vld [tilespmem:s25+$0x280]  }
0x139: {  	v21 =	vadd.s32 s9, v8;
	[tilespmem:v23+s12+$0x0] =	vst.idx.msk $0xffff, v22;
	v20 =	vld [tilespmem:s25+$0x300]  }
0x13a: {  	v23 =	vadd.s32 s29, v8;
	v22 =	vld [tilespmem:s25+$0x0];
	[tilespmem:v25+s12+$0x0] =	vst.idx.msk $0xffff, v24  }
0x13b: {  	v25 =	vadd.s32 s30, v9;
	v24 =	vld [tilespmem:s25+$0x90];
	[tilespmem:v27+s12+$0x0] =	vst.idx.msk $0xffff, v26  }
0x13c: {  	v27 =	vadd.s32 s31, v9;
	v26 =	vld [tilespmem:s25+$0x110];
	[tilespmem:v17+s12+$0x0] =	vst.idx.msk $0xffff, v16  }
0x13d: {  	v17 =	vadd.s32 s26, v13;
	[tilespmem:v19+s12+$0x0] =	vst.idx.msk $0xffff, v18;
	v16 =	vld [tilespmem:s25+$0x3D0]  }
0x13e: {  	v19 =	vadd.s32 s2, v9;
	v18 =	vld [tilespmem:s25+$0x190];
	[tilespmem:v21+s12+$0x0] =	vst.idx.msk $0xffff, v20  }
0x13f: {  	v21 =	vadd.s32 s4, v9;
	[tilespmem:v23+s12+$0x0] =	vst.idx.msk $0xffff, v22;
	v20 =	vld [tilespmem:s25+$0x210]  }
0x140: {  	v23 =	vadd.s32 s6, v9;
	[tilespmem:v25+s12+$0x0] =	vst.idx.msk $0xffff, v24;
	v22 =	vld [tilespmem:s25+$0x290]  }
0x141: {  	v25 =	vadd.s32 s9, v9;
	[tilespmem:v27+s12+$0x0] =	vst.idx.msk $0xffff, v26;
	v24 =	vld [tilespmem:s25+$0x310]  }
0x142: {  	v27 =	vadd.s32 s29, v9;
	v26 =	vld [tilespmem:s25+$0x10];
	[tilespmem:v17+s12+$0x0] =	vst.idx.msk $0xffff, v16  }
0x143: {  	v17 =	vadd.s32 s26, v14;
	[tilespmem:v19+s12+$0x0] =	vst.idx.msk $0xffff, v18;
	v16 =	vld [tilespmem:s25+$0x3E0]  }
0x144: {  	v19 =	vadd.s32 s30, v10;
	v18 =	vld [tilespmem:s25+$0xA0];
	[tilespmem:v21+s12+$0x0] =	vst.idx.msk $0xffff, v20  }
0x145: {  	v21 =	vadd.s32 s31, v10;
	v20 =	vld [tilespmem:s25+$0x120];
	[tilespmem:v23+s12+$0x0] =	vst.idx.msk $0xffff, v22  }
0x146: {  	v23 =	vadd.s32 s2, v10;
	v22 =	vld [tilespmem:s25+$0x1A0];
	[tilespmem:v25+s12+$0x0] =	vst.idx.msk $0xffff, v24  }
0x147: {  	v25 =	vadd.s32 s4, v10;
	[tilespmem:v27+s12+$0x0] =	vst.idx.msk $0xffff, v26;
	v24 =	vld [tilespmem:s25+$0x220]  }
0x148: {  	v27 =	vadd.s32 s6, v10;
	v26 =	vld [tilespmem:s25+$0x2A0];
	[tilespmem:v17+s12+$0x0] =	vst.idx.msk $0xffff, v16  }
0x149: {  	v17 =	vadd.s32 s26, v15;
	[tilespmem:v19+s12+$0x0] =	vst.idx.msk $0xffff, v18;
	v16 =	vld [tilespmem:s25+$0x3F0]  }
0x14a: {  	v19 =	vadd.s32 s9, v10;
	[tilespmem:v21+s12+$0x0] =	vst.idx.msk $0xffff, v20;
	v18 =	vld [tilespmem:s25+$0x320]  }
0x14b: {  	v21 =	vadd.s32 s29, v10;
	v20 =	vld [tilespmem:s25+$0x20];
	[tilespmem:v23+s12+$0x0] =	vst.idx.msk $0xffff, v22  }
0x14c: {  	v23 =	vadd.s32 s30, v11;
	v22 =	vld [tilespmem:s25+$0xB0];
	[tilespmem:v25+s12+$0x0] =	vst.idx.msk $0xffff, v24  }
0x14d: {  	v25 =	vadd.s32 s31, v11;
	v24 =	vld [tilespmem:s25+$0x130];
	[tilespmem:v27+s12+$0x0] =	vst.idx.msk $0xffff, v26  }
0x14e: {  	v27 =	vadd.s32 s2, v11;
	v26 =	vld [tilespmem:s25+$0x1B0];
	[tilespmem:v17+s12+$0x0] =	vst.idx.msk $0xffff, v16  }
0x14f: {  	v17 =	vadd.s32 s4, v11;
	v16 =	vld [tilespmem:s25+$0x230];
	[tilespmem:v19+s12+$0x0] =	vst.idx.msk $0xffff, v18  }
0x150: {  	v19 =	vadd.s32 s6, v11;
	[tilespmem:v21+s12+$0x0] =	vst.idx.msk $0xffff, v20;
	v18 =	vld [tilespmem:s25+$0x2B0]  }
0x151: {  	v21 =	vadd.s32 s9, v11;
	[tilespmem:v23+s12+$0x0] =	vst.idx.msk $0xffff, v22;
	v20 =	vld [tilespmem:s25+$0x330]  }
0x152: {  	v23 =	vadd.s32 s29, v11;
	v22 =	vld [tilespmem:s25+$0x30];
	[tilespmem:v25+s12+$0x0] =	vst.idx.msk $0xffff, v24  }
0x153: {  	v25 =	vadd.s32 s30, v12;
	v24 =	vld [tilespmem:s25+$0xC0];
	[tilespmem:v27+s12+$0x0] =	vst.idx.msk $0xffff, v26  }
0x154: {  	v27 =	vadd.s32 s31, v12;
	v26 =	vld [tilespmem:s25+$0x140];
	[tilespmem:v17+s12+$0x0] =	vst.idx.msk $0xffff, v16  }
0x155: {  	v17 =	vadd.s32 s2, v12;
	v16 =	vld [tilespmem:s25+$0x1C0];
	[tilespmem:v19+s12+$0x0] =	vst.idx.msk $0xffff, v18  }
0x156: {  	v19 =	vadd.s32 s4, v12;
	v18 =	vld [tilespmem:s25+$0x240];
	[tilespmem:v21+s12+$0x0] =	vst.idx.msk $0xffff, v20  }
0x157: {  	v21 =	vadd.s32 s6, v12;
	[tilespmem:v23+s12+$0x0] =	vst.idx.msk $0xffff, v22;
	v20 =	vld [tilespmem:s25+$0x2C0]  }
0x158: {  	v23 =	vadd.s32 s9, v12;
	[tilespmem:v25+s12+$0x0] =	vst.idx.msk $0xffff, v24;
	v22 =	vld [tilespmem:s25+$0x340]  }
0x159: {  	v25 =	vadd.s32 s29, v12;
	v24 =	vld [tilespmem:s25+$0x40];
	[tilespmem:v27+s12+$0x0] =	vst.idx.msk $0xffff, v26  }
0x15a: {  	v27 =	vadd.s32 s30, v13;
	v26 =	vld [tilespmem:s25+$0xD0];
	[tilespmem:v17+s12+$0x0] =	vst.idx.msk $0xffff, v16  }
0x15b: {  	v17 =	vadd.s32 s31, v13;
	v16 =	vld [tilespmem:s25+$0x150];
	[tilespmem:v19+s12+$0x0] =	vst.idx.msk $0xffff, v18  }
0x15c: {  	v19 =	vadd.s32 s2, v13;
	v18 =	vld [tilespmem:s25+$0x1D0];
	[tilespmem:v21+s12+$0x0] =	vst.idx.msk $0xffff, v20  }
0x15d: {  	v21 =	vadd.s32 s4, v13;
	v20 =	vld [tilespmem:s25+$0x250];
	[tilespmem:v23+s12+$0x0] =	vst.idx.msk $0xffff, v22  }
0x15e: {  	v23 =	vadd.s32 s6, v13;
	[tilespmem:v25+s12+$0x0] =	vst.idx.msk $0xffff, v24;
	v22 =	vld [tilespmem:s25+$0x2D0]  }
0x15f: {  	v25 =	vadd.s32 s9, v13;
	[tilespmem:v27+s12+$0x0] =	vst.idx.msk $0xffff, v26;
	v24 =	vld [tilespmem:s25+$0x350]  }
0x160: {  	v27 =	vadd.s32 s29, v13;
	v26 =	vld [tilespmem:s25+$0x50];
	[tilespmem:v17+s12+$0x0] =	vst.idx.msk $0xffff, v16  }
0x161: {  	v17 =	vadd.s32 s30, v14;
	v16 =	vld [tilespmem:s25+$0xE0];
	[tilespmem:v19+s12+$0x0] =	vst.idx.msk $0xffff, v18  }
0x162: {  	v19 =	vadd.s32 s31, v14;
	v18 =	vld [tilespmem:s25+$0x160];
	[tilespmem:v21+s12+$0x0] =	vst.idx.msk $0xffff, v20  }
0x163: {  	v21 =	vadd.s32 s2, v14;
	v20 =	vld [tilespmem:s25+$0x1E0];
	[tilespmem:v23+s12+$0x0] =	vst.idx.msk $0xffff, v22  }
0x164: {  	v23 =	vadd.s32 s4, v14;
	v22 =	vld [tilespmem:s25+$0x260];
	[tilespmem:v25+s12+$0x0] =	vst.idx.msk $0xffff, v24  }
0x165: {  	[tilespmem:v27+s12+$0x0] =	vst.idx.msk $0xffff, v26;
	v24 =	vld [tilespmem:s25+$0x2E0];
	v26 =	vadd.s32 s6, v14  }
0x166: {  	[tilespmem:v17+s12+$0x0] =	vst.idx.msk $0xffff, v16;
	v16 =	vld [tilespmem:s25+$0x360];
	v17 =	vadd.s32 s9, v14  }
0x167: {  	v28 =	vadd.s32 s29, v14;
	v27 =	vld [tilespmem:s25+$0x60];
	[tilespmem:v19+s12+$0x0] =	vst.idx.msk $0xffff, v18  }
0x168: {  	v29 =	vadd.s32 s30, v15;
	v18 =	vld [tilespmem:s25+$0xF0];
	[tilespmem:v21+s12+$0x0] =	vst.idx.msk $0xffff, v20  }
0x169: {  	v31 =	vadd.s32 s31, v15;
	v30 =	vld [tilespmem:s25+$0x170];
	[tilespmem:v23+s12+$0x0] =	vst.idx.msk $0xffff, v22  }
.Ltmp0:
0x16a: {  	v25 =	vadd.s32 s2, v15;
	v23 =	vld [tilespmem:s25+$0x1F0];
	[tilespmem:v26+s12+$0x0] =	vst.idx.msk $0xffff, v24;
	(pc) =	sbr.rel @p0 .LBB2_3-.Ltmp0, $4  }
0x16b: {  	v24 =	vadd.s32 s4, v15;
	v19 =	vld [tilespmem:s25+$0x270];
	[tilespmem:v17+s12+$0x0] =	vst.idx.msk $0xffff, v16  }
0x16c: {  	v22 =	vadd.s32 s6, v15;
	[tilespmem:v28+s12+$0x0] =	vst.idx.msk $0xffff, v27;
	v16 =	vld [tilespmem:s25+$0x2F0]  }
0x16d: {  	v20 =	vadd.s32 s9, v15;
	[tilespmem:v29+s12+$0x0] =	vst.idx.msk $0xffff, v18;
	v17 =	vld [tilespmem:s25+$0x370]  }
0x16e: {  	s28 =	sadd.s32 $0x8, s28;
	s26 =	sadd.s32 $0x7, s24;
	v21 =	vadd.s32 s29, v15;
	v18 =	vld [tilespmem:s25+$0x70];
	[tilespmem:v31+s12+$0x0] =	vst.idx.msk $0xffff, v30;
	s25 =	sadd.s32 $0x800, s25  }
0x16f: {  	_ =	sdelay $0x3  }
0x170: {  	v26 =	vld [tilespmem:s25+$0xFFFFFF80];
	v27 =	vadd.s32 s26, v0;
	[tilespmem:v25+s12+$0x0] =	vst.idx.msk $0xffff, v23  }
0x171: {  	s2 =	sadd.s32 $0x1, s24;
	v58 =	vld [tilespmem:s25+$0xFFFFFC00];
	v59 =	vadd.s32 s24, v0;
	[tilespmem:v24+s12+$0x0] =	vst.idx.msk $0xffff, v19  }
0x172: {  	v23 =	vld [tilespmem:s25+$0xFFFFFC80];
	s4 =	sadd.s32 $0x2, s24;
	v54 =	vadd.s32 s2, v0;
	[tilespmem:v22+s12+$0x0] =	vst.idx.msk $0xffff, v16  }
0x173: {  	s6 =	sadd.s32 $0x3, s24;
	v19 =	vld [tilespmem:s25+$0xFFFFFD00];
	v55 =	vadd.s32 s4, v0;
	[tilespmem:v20+s12+$0x0] =	vst.idx.msk $0xffff, v17  }
0x174: {  	s9 =	sadd.s32 $0x4, s24;
	v16 =	vld [tilespmem:s25+$0xFFFFFD80];
	v22 =	vadd.s32 s6, v0;
	[tilespmem:v21+s12+$0x0] =	vst.idx.msk $0xffff, v18  }
0x175: {  	s28 =	sadd.s32 $0x5, s24;
	v17 =	vld [tilespmem:s25+$0xFFFFFE00];
	v20 =	vadd.s32 s9, v0;
	[tilespmem:v27+s12+$0x0] =	vst.idx.msk $0xffff, v26  }
0x176: {  	v18 =	vld [tilespmem:s25+$0xFFFFFE80];
	v21 =	vadd.s32 s28, v0;
	[tilespmem:v59+s12+$0x0] =	vst.idx.msk $0xffff, v58  }
0x177: {  	s29 =	sadd.s32 $0x6, s24;
	v56 =	vadd.s32 s26, v1;
	[tilespmem:v54+s12+$0x0] =	vst.idx.msk $0xffff, v23;
	v23 =	vld [tilespmem:s25+$0xFFFFFF90]  }
0x178: {  	v57 =	vadd.s32 s29, v0;
	[tilespmem:v55+s12+$0x0] =	vst.idx.msk $0xffff, v19;
	v19 =	vld [tilespmem:s25+$0xFFFFFF00]  }
0x179: {  	[tilespmem:v22+s12+$0x0] =	vst.idx.msk $0xffff, v16;
	v16 =	vld [tilespmem:s25+$0xFFFFFC90];
	v22 =	vadd.s32 s2, v1  }
0x17a: {  	v62 =	vadd.s32 s24, v1;
	v26 =	vld [tilespmem:s25+$0xFFFFFC10];
	[tilespmem:v20+s12+$0x0] =	vst.idx.msk $0xffff, v17  }
0x17b: {  	v17 =	vld [tilespmem:s25+$0xFFFFFD10];
	v20 =	vadd.s32 s4, v1;
	[tilespmem:v21+s12+$0x0] =	vst.idx.msk $0xffff, v18  }
0x17c: {  	v18 =	vld [tilespmem:s25+$0xFFFFFD90];
	v21 =	vadd.s32 s6, v1;
	[tilespmem:v56+s12+$0x0] =	vst.idx.msk $0xffff, v23  }
0x17d: {  	[tilespmem:v57+s12+$0x0] =	vst.idx.msk $0xffff, v19;
	v23 =	vadd.s32 s26, v2;
	v19 =	vld [tilespmem:s25+$0xFFFFFFA0]  }
0x17e: {  	[tilespmem:v22+s12+$0x0] =	vst.idx.msk $0xffff, v16;
	v16 =	vld [tilespmem:s25+$0xFFFFFE90];
	v22 =	vadd.s32 s28, v1  }
0x17f: {  	v61 =	vadd.s32 s9, v1;
	v60 =	vld [tilespmem:s25+$0xFFFFFE10];
	[tilespmem:v62+s12+$0x0] =	vst.idx.msk $0xffff, v26  }
0x180: {  	[tilespmem:v20+s12+$0x0] =	vst.idx.msk $0xffff, v17;
	v17 =	vld [tilespmem:s25+$0xFFFFFF10];
	v20 =	vadd.s32 s29, v1  }
0x181: {  	[tilespmem:v21+s12+$0x0] =	vst.idx.msk $0xffff, v18;
	v18 =	vld [tilespmem:s25+$0xFFFFFCA0];
	v21 =	vadd.s32 s2, v2  }
0x182: {  	v30 =	vadd.s32 s4, v2;
	v63 =	vld [tilespmem:s25+$0xFFFFFD20];
	[tilespmem:v23+s12+$0x0] =	vst.idx.msk $0xffff, v19  }
0x183: {  	[tilespmem:v22+s12+$0x0] =	vst.idx.msk $0xffff, v16;
	v16 =	vld [tilespmem:s25+$0xFFFFFDA0];
	v22 =	vadd.s32 s6, v2  }
0x184: {  	[tilespmem:v61+s12+$0x0] =	vst.idx.msk $0xffff, v60;
	v23 =	vadd.s32 s26, v3;
	v19 =	vld [tilespmem:s25+$0xFFFFFFB0]  }
0x185: {  	[tilespmem:v20+s12+$0x0] =	vst.idx.msk $0xffff, v17;
	v17 =	vld [tilespmem:s25+$0xFFFFFE20];
	v20 =	vadd.s32 s9, v2  }
0x186: {  	v34 =	vadd.s32 s24, v2;
	v33 =	vld [tilespmem:s25+$0xFFFFFC20];
	[tilespmem:v21+s12+$0x0] =	vst.idx.msk $0xffff, v18  }
0x187: {  	v18 =	vld [tilespmem:s25+$0xFFFFFEA0];
	v21 =	vadd.s32 s28, v2;
	[tilespmem:v30+s12+$0x0] =	vst.idx.msk $0xffff, v63  }
0x188: {  	v32 =	vadd.s32 s29, v2;
	v31 =	vld [tilespmem:s25+$0xFFFFFF20];
	[tilespmem:v22+s12+$0x0] =	vst.idx.msk $0xffff, v16  }
0x189: {  	v16 =	vld [tilespmem:s25+$0xFFFFFCB0];
	v22 =	vadd.s32 s2, v3;
	[tilespmem:v23+s12+$0x0] =	vst.idx.msk $0xffff, v19  }
0x18a: {  	[tilespmem:v20+s12+$0x0] =	vst.idx.msk $0xffff, v17;
	v17 =	vld [tilespmem:s25+$0xFFFFFD30];
	v20 =	vadd.s32 s4, v3  }
0x18b: {  	[tilespmem:v34+s12+$0x0] =	vst.idx.msk $0xffff, v33;
	v23 =	vadd.s32 s26, v4;
	v19 =	vld [tilespmem:s25+$0xFFFFFFC0]  }
0x18c: {  	[tilespmem:v21+s12+$0x0] =	vst.idx.msk $0xffff, v18;
	v18 =	vld [tilespmem:s25+$0xFFFFFDB0];
	v21 =	vadd.s32 s6, v3  }
0x18d: {  	v37 =	vadd.s32 s24, v3;
	v24 =	vld [tilespmem:s25+$0xFFFFFC30];
	[tilespmem:v32+s12+$0x0] =	vst.idx.msk $0xffff, v31  }
0x18e: {  	v36 =	vadd.s32 s9, v3;
	v35 =	vld [tilespmem:s25+$0xFFFFFE30];
	[tilespmem:v22+s12+$0x0] =	vst.idx.msk $0xffff, v16  }
0x18f: {  	v16 =	vld [tilespmem:s25+$0xFFFFFEB0];
	v22 =	vadd.s32 s28, v3;
	[tilespmem:v20+s12+$0x0] =	vst.idx.msk $0xffff, v17  }
0x190: {  	v17 =	vld [tilespmem:s25+$0xFFFFFF30];
	v20 =	vadd.s32 s29, v3;
	[tilespmem:v23+s12+$0x0] =	vst.idx.msk $0xffff, v19  }
0x191: {  	[tilespmem:v21+s12+$0x0] =	vst.idx.msk $0xffff, v18;
	v18 =	vld [tilespmem:s25+$0xFFFFFCC0];
	v21 =	vadd.s32 s2, v4  }
0x192: {  	[tilespmem:v37+s12+$0x0] =	vst.idx.msk $0xffff, v24;
	v23 =	vadd.s32 s26, v5;
	v19 =	vld [tilespmem:s25+$0xFFFFFFD0]  }
0x193: {  	v43 =	vadd.s32 s24, v4;
	v42 =	vld [tilespmem:s25+$0xFFFFFC40];
	[tilespmem:v36+s12+$0x0] =	vst.idx.msk $0xffff, v35  }
0x194: {  	v39 =	vadd.s32 s4, v4;
	v38 =	vld [tilespmem:s25+$0xFFFFFD40];
	[tilespmem:v22+s12+$0x0] =	vst.idx.msk $0xffff, v16  }
0x195: {  	[tilespmem:v20+s12+$0x0] =	vst.idx.msk $0xffff, v17;
	v17 =	vld [tilespmem:s25+$0xFFFFFE40];
	v20 =	vadd.s32 s9, v4  }
0x196: {  	[tilespmem:v21+s12+$0x0] =	vst.idx.msk $0xffff, v18;
	v18 =	vld [tilespmem:s25+$0xFFFFFEC0];
	v21 =	vadd.s32 s28, v4  }
0x197: {  	v22 =	vld [tilespmem:s25+$0xFFFFFDC0];
	[tilespmem:v23+s12+$0x0] =	vst.idx.msk $0xffff, v19;
	v23 =	vadd.s32 s6, v4  }
0x198: {  	[tilespmem:v43+s12+$0x0] =	vst.idx.msk $0xffff, v42;
	v19 =	vadd.s32 s26, v6;
	v16 =	vld [tilespmem:s25+$0xFFFFFFE0]  }
0x199: {  	v41 =	vadd.s32 s29, v4;
	[tilespmem:v39+s12+$0x0] =	vst.idx.msk $0xffff, v38;
	v40 =	vld [tilespmem:s25+$0xFFFFFF40]  }
0x19a: {  	[tilespmem:v20+s12+$0x0] =	vst.idx.msk $0xffff, v17;
	v17 =	vld [tilespmem:s25+$0xFFFFFD50];
	v20 =	vadd.s32 s4, v5  }
0x19b: {  	v45 =	vadd.s32 s9, v5;
	[tilespmem:v21+s12+$0x0] =	vst.idx.msk $0xffff, v18;
	v44 =	vld [tilespmem:s25+$0xFFFFFE50]  }
0x19c: {  	[tilespmem:v23+s12+$0x0] =	vst.idx.msk $0xffff, v22;
	v22 =	vld [tilespmem:s25+$0xFFFFFCD0];
	v23 =	vadd.s32 s2, v5  }
0x19d: {  	v21 =	vadd.s32 s6, v5;
	[tilespmem:v19+s12+$0x0] =	vst.idx.msk $0xffff, v16;
	v18 =	vld [tilespmem:s25+$0xFFFFFDD0]  }
0x19e: {  	[tilespmem:v41+s12+$0x0] =	vst.idx.msk $0xffff, v40;
	v19 =	vadd.s32 s26, v7;
	v16 =	vld [tilespmem:s25+$0xFFFFFFF0]  }
0x19f: {  	v47 =	vadd.s32 s28, v5;
	v46 =	vld [tilespmem:s25+$0xFFFFFED0];
	[tilespmem:v20+s12+$0x0] =	vst.idx.msk $0xffff, v17  }
0x1a0: {  	v17 =	vld [tilespmem:s25+$0xFFFFFF50];
	v20 =	vadd.s32 s29, v5;
	[tilespmem:v45+s12+$0x0] =	vst.idx.msk $0xffff, v44  }
0x1a1: {  	[tilespmem:v23+s12+$0x0] =	vst.idx.msk $0xffff, v22;
	v22 =	vld [tilespmem:s25+$0xFFFFFC50];
	v23 =	vadd.s32 s24, v5  }
0x1a2: {  	[tilespmem:v21+s12+$0x0] =	vst.idx.msk $0xffff, v18;
	v18 =	vld [tilespmem:s25+$0xFFFFFCE0];
	v21 =	vadd.s32 s2, v6  }
0x1a3: {  	v49 =	vadd.s32 s4, v6;
	v48 =	vld [tilespmem:s25+$0xFFFFFD60];
	[tilespmem:v19+s12+$0x0] =	vst.idx.msk $0xffff, v16  }
0x1a4: {  	[tilespmem:v47+s12+$0x0] =	vst.idx.msk $0xffff, v46;
	v19 =	vadd.s32 s26, v8;
	v16 =	vld [tilespmem:s25+$0x380]  }
0x1a5: {  	v51 =	vadd.s32 s6, v6;
	v50 =	vld [tilespmem:s25+$0xFFFFFDE0];
	[tilespmem:v20+s12+$0x0] =	vst.idx.msk $0xffff, v17  }
0x1a6: {  	[tilespmem:v23+s12+$0x0] =	vst.idx.msk $0xffff, v22;
	v22 =	vld [tilespmem:s25+$0xFFFFFF60];
	v23 =	vadd.s32 s29, v6  }
0x1a7: {  	[tilespmem:v21+s12+$0x0] =	vst.idx.msk $0xffff, v18;
	v18 =	vld [tilespmem:s25+$0xFFFFFEE0];
	v21 =	vadd.s32 s28, v6  }
0x1a8: {  	v53 =	vadd.s32 s24, v6;
	[tilespmem:v49+s12+$0x0] =	vst.idx.msk $0xffff, v48;
	v52 =	vld [tilespmem:s25+$0xFFFFFC60]  }
0x1a9: {  	v20 =	vadd.s32 s9, v6;
	[tilespmem:v19+s12+$0x0] =	vst.idx.msk $0xffff, v16;
	v19 =	vld [tilespmem:s25+$0xFFFFFE60]  }
0x1aa: {  	v17 =	vadd.s32 s26, v9;
	[tilespmem:v51+s12+$0x0] =	vst.idx.msk $0xffff, v50;
	v16 =	vld [tilespmem:s25+$0x390]  }
0x1ab: {  	v55 =	vadd.s32 s2, v7;
	v54 =	vld [tilespmem:s25+$0xFFFFFCF0];
	[tilespmem:v23+s12+$0x0] =	vst.idx.msk $0xffff, v22  }
0x1ac: {  	[tilespmem:v21+s12+$0x0] =	vst.idx.msk $0xffff, v18;
	v18 =	vld [tilespmem:s25+$0xFFFFFDF0];
	v21 =	vadd.s32 s6, v7  }
0x1ad: {  	v59 =	vadd.s32 s29, v7;
	[tilespmem:v53+s12+$0x0] =	vst.idx.msk $0xffff, v52;
	v58 =	vld [tilespmem:s25+$0xFFFFFF70]  }
0x1ae: {  	[tilespmem:v20+s12+$0x0] =	vst.idx.msk $0xffff, v19;
	v19 =	vld [tilespmem:s25+$0xFFFFFD70];
	v20 =	vadd.s32 s4, v7  }
0x1af: {  	v23 =	vadd.s32 s9, v7;
	[tilespmem:v17+s12+$0x0] =	vst.idx.msk $0xffff, v16;
	v22 =	vld [tilespmem:s25+$0xFFFFFE70]  }
0x1b0: {  	[tilespmem:v55+s12+$0x0] =	vst.idx.msk $0xffff, v54;
	v17 =	vadd.s32 s26, v10;
	v16 =	vld [tilespmem:s25+$0x3A0]  }
0x1b1: {  	v57 =	vadd.s32 s28, v7;
	v56 =	vld [tilespmem:s25+$0xFFFFFEF0];
	[tilespmem:v21+s12+$0x0] =	vst.idx.msk $0xffff, v18  }
0x1b2: {  	v18 =	vld [tilespmem:s25+$0x80];
	v21 =	vadd.s32 s2, v8;
	[tilespmem:v59+s12+$0x0] =	vst.idx.msk $0xffff, v58  }
0x1b3: {  	v61 =	vadd.s32 s6, v8;
	v60 =	vld [tilespmem:s25+$0x180];
	[tilespmem:v20+s12+$0x0] =	vst.idx.msk $0xffff, v19  }
0x1b4: {  	v19 =	vld [tilespmem:s25+$0xFFFFFC70];
	v20 =	vadd.s32 s24, v7;
	[tilespmem:v23+s12+$0x0] =	vst.idx.msk $0xffff, v22  }
0x1b5: {  	v22 =	vld [tilespmem:s25+$0x100];
	v23 =	vadd.s32 s4, v8;
	[tilespmem:v17+s12+$0x0] =	vst.idx.msk $0xffff, v16  }
0x1b6: {  	[tilespmem:v57+s12+$0x0] =	vst.idx.msk $0xffff, v56;
	v17 =	vadd.s32 s26, v11;
	v16 =	vld [tilespmem:s25+$0x3B0]  }
0x1b7: {  	v63 =	vadd.s32 s9, v8;
	v62 =	vld [tilespmem:s25+$0x200];
	[tilespmem:v21+s12+$0x0] =	vst.idx.msk $0xffff, v18  }
0x1b8: {  	v31 =	vadd.s32 s2, v9;
	[tilespmem:v61+s12+$0x0] =	vst.idx.msk $0xffff, v60;
	v30 =	vld [tilespmem:s25+$0x90]  }
0x1b9: {  	v21 =	vadd.s32 s29, v8;
	[tilespmem:v20+s12+$0x0] =	vst.idx.msk $0xffff, v19;
	v20 =	vld [tilespmem:s25+$0x300]  }
0x1ba: {  	v18 =	vld [tilespmem:s25+$0x280];
	v19 =	vadd.s32 s28, v8;
	[tilespmem:v23+s12+$0x0] =	vst.idx.msk $0xffff, v22  }
0x1bb: {  	v22 =	vld [tilespmem:s25+$0x0];
	v23 =	vadd.s32 s24, v8;
	[tilespmem:v17+s12+$0x0] =	vst.idx.msk $0xffff, v16  }
0x1bc: {  	[tilespmem:v63+s12+$0x0] =	vst.idx.msk $0xffff, v62;
	v17 =	vadd.s32 s26, v12;
	v16 =	vld [tilespmem:s25+$0x3C0]  }
0x1bd: {  	v33 =	vadd.s32 s4, v9;
	v32 =	vld [tilespmem:s25+$0x110];
	[tilespmem:v31+s12+$0x0] =	vst.idx.msk $0xffff, v30  }
0x1be: {  	[tilespmem:v21+s12+$0x0] =	vst.idx.msk $0xffff, v20;
	v20 =	vld [tilespmem:s25+$0x210];
	v21 =	vadd.s32 s9, v9  }
0x1bf: {  	[tilespmem:v19+s12+$0x0] =	vst.idx.msk $0xffff, v18;
	v18 =	vld [tilespmem:s25+$0x190];
	v19 =	vadd.s32 s6, v9  }
0x1c0: {  	[tilespmem:v23+s12+$0x0] =	vst.idx.msk $0xffff, v22;
	v22 =	vld [tilespmem:s25+$0x290];
	v23 =	vadd.s32 s28, v9  }
0x1c1: {  	v37 =	vadd.s32 s24, v9;
	v36 =	vld [tilespmem:s25+$0x10];
	[tilespmem:v17+s12+$0x0] =	vst.idx.msk $0xffff, v16  }
0x1c2: {  	[tilespmem:v33+s12+$0x0] =	vst.idx.msk $0xffff, v32;
	v17 =	vadd.s32 s26, v13;
	v16 =	vld [tilespmem:s25+$0x3D0]  }
0x1c3: {  	[tilespmem:v21+s12+$0x0] =	vst.idx.msk $0xffff, v20;
	v20 =	vld [tilespmem:s25+$0x120];
	v21 =	vadd.s32 s4, v10  }
0x1c4: {  	[tilespmem:v19+s12+$0x0] =	vst.idx.msk $0xffff, v18;
	v18 =	vld [tilespmem:s25+$0xA0];
	v19 =	vadd.s32 s2, v10  }
0x1c5: {  	[tilespmem:v23+s12+$0x0] =	vst.idx.msk $0xffff, v22;
	v22 =	vld [tilespmem:s25+$0x1A0];
	v23 =	vadd.s32 s6, v10  }
0x1c6: {  	v35 =	vadd.s32 s29, v9;
	v34 =	vld [tilespmem:s25+$0x310];
	[tilespmem:v37+s12+$0x0] =	vst.idx.msk $0xffff, v36  }
0x1c7: {  	v39 =	vadd.s32 s9, v10;
	v38 =	vld [tilespmem:s25+$0x220];
	[tilespmem:v17+s12+$0x0] =	vst.idx.msk $0xffff, v16  }
0x1c8: {  	[tilespmem:v21+s12+$0x0] =	vst.idx.msk $0xffff, v20;
	v20 =	vld [tilespmem:s25+$0x20];
	v21 =	vadd.s32 s24, v10  }
0x1c9: {  	v17 =	vadd.s32 s26, v14;
	[tilespmem:v19+s12+$0x0] =	vst.idx.msk $0xffff, v18;
	v16 =	vld [tilespmem:s25+$0x3E0]  }
0x1ca: {  	[tilespmem:v23+s12+$0x0] =	vst.idx.msk $0xffff, v22;
	v22 =	vld [tilespmem:s25+$0xB0];
	v23 =	vadd.s32 s2, v11  }
0x1cb: {  	v41 =	vadd.s32 s28, v10;
	[tilespmem:v35+s12+$0x0] =	vst.idx.msk $0xffff, v34;
	v40 =	vld [tilespmem:s25+$0x2A0]  }
0x1cc: {  	v18 =	vld [tilespmem:s25+$0x320];
	v19 =	vadd.s32 s29, v10;
	[tilespmem:v39+s12+$0x0] =	vst.idx.msk $0xffff, v38  }
0x1cd: {  	v43 =	vadd.s32 s4, v11;
	v42 =	vld [tilespmem:s25+$0x130];
	[tilespmem:v21+s12+$0x0] =	vst.idx.msk $0xffff, v20  }
0x1ce: {  	v45 =	vadd.s32 s6, v11;
	v44 =	vld [tilespmem:s25+$0x1B0];
	[tilespmem:v17+s12+$0x0] =	vst.idx.msk $0xffff, v16  }
0x1cf: {  	[tilespmem:v23+s12+$0x0] =	vst.idx.msk $0xffff, v22;
	v22 =	vld [tilespmem:s25+$0x30];
	v23 =	vadd.s32 s24, v11  }
0x1d0: {  	[tilespmem:v41+s12+$0x0] =	vst.idx.msk $0xffff, v40;
	v17 =	vadd.s32 s26, v15;
	v16 =	vld [tilespmem:s25+$0x3F0]  }
0x1d1: {  	[tilespmem:v19+s12+$0x0] =	vst.idx.msk $0xffff, v18;
	v18 =	vld [tilespmem:s25+$0x2B0];
	v19 =	vadd.s32 s28, v11  }
0x1d2: {  	v21 =	vadd.s32 s29, v11;
	v20 =	vld [tilespmem:s25+$0x330];
	[tilespmem:v43+s12+$0x0] =	vst.idx.msk $0xffff, v42  }
0x1d3: {  	v47 =	vadd.s32 s2, v12;
	v46 =	vld [tilespmem:s25+$0xC0];
	[tilespmem:v45+s12+$0x0] =	vst.idx.msk $0xffff, v44  }
0x1d4: {  	v49 =	vadd.s32 s4, v12;
	v48 =	vld [tilespmem:s25+$0x140];
	[tilespmem:v23+s12+$0x0] =	vst.idx.msk $0xffff, v22  }
0x1d5: {  	[tilespmem:v17+s12+$0x0] =	vst.idx.msk $0xffff, v16;
	v16 =	vld [tilespmem:s25+$0x230];
	v17 =	vadd.s32 s9, v11  }
0x1d6: {  	v51 =	vadd.s32 s24, v12;
	[tilespmem:v19+s12+$0x0] =	vst.idx.msk $0xffff, v18;
	v50 =	vld [tilespmem:s25+$0x40]  }
0x1d7: {  	[tilespmem:v21+s12+$0x0] =	vst.idx.msk $0xffff, v20;
	v20 =	vld [tilespmem:s25+$0x2C0];
	v21 =	vadd.s32 s28, v12  }
0x1d8: {  	v23 =	vadd.s32 s29, v12;
	[tilespmem:v47+s12+$0x0] =	vst.idx.msk $0xffff, v46;
	v22 =	vld [tilespmem:s25+$0x340]  }
0x1d9: {  	v53 =	vadd.s32 s2, v13;
	[tilespmem:v49+s12+$0x0] =	vst.idx.msk $0xffff, v48;
	v52 =	vld [tilespmem:s25+$0xD0]  }
0x1da: {  	[tilespmem:v17+s12+$0x0] =	vst.idx.msk $0xffff, v16;
	v16 =	vld [tilespmem:s25+$0x1C0];
	v17 =	vadd.s32 s6, v12  }
0x1db: {  	v19 =	vadd.s32 s9, v12;
	[tilespmem:v51+s12+$0x0] =	vst.idx.msk $0xffff, v50;
	v18 =	vld [tilespmem:s25+$0x240]  }
0x1dc: {  	v57 =	vadd.s32 s24, v13;
	[tilespmem:v21+s12+$0x0] =	vst.idx.msk $0xffff, v20;
	v56 =	vld [tilespmem:s25+$0x50]  }
0x1dd: {  	[tilespmem:v23+s12+$0x0] =	vst.idx.msk $0xffff, v22;
	v22 =	vld [tilespmem:s25+$0x2D0];
	v23 =	vadd.s32 s28, v13  }
0x1de: {  	v55 =	vadd.s32 s29, v13;
	[tilespmem:v53+s12+$0x0] =	vst.idx.msk $0xffff, v52;
	v54 =	vld [tilespmem:s25+$0x350]  }
0x1df: {  	[tilespmem:v17+s12+$0x0] =	vst.idx.msk $0xffff, v16;
	v16 =	vld [tilespmem:s25+$0x150];
	v17 =	vadd.s32 s4, v13  }
0x1e0: {  	[tilespmem:v19+s12+$0x0] =	vst.idx.msk $0xffff, v18;
	v18 =	vld [tilespmem:s25+$0x1D0];
	v19 =	vadd.s32 s6, v13  }
0x1e1: {  	v21 =	vadd.s32 s9, v13;
	[tilespmem:v57+s12+$0x0] =	vst.idx.msk $0xffff, v56;
	v20 =	vld [tilespmem:s25+$0x250]  }
0x1e2: {  	v60 =	vadd.s32 s24, v14;
	[tilespmem:v23+s12+$0x0] =	vst.idx.msk $0xffff, v22;
	v26 =	vld [tilespmem:s25+$0x60]  }
0x1e3: {  	v59 =	vadd.s32 s28, v14;
	[tilespmem:v55+s12+$0x0] =	vst.idx.msk $0xffff, v54;
	v58 =	vld [tilespmem:s25+$0x2E0]  }
0x1e4: {  	[tilespmem:v17+s12+$0x0] =	vst.idx.msk $0xffff, v16;
	v16 =	vld [tilespmem:s25+$0xE0];
	v17 =	vadd.s32 s2, v14  }
0x1e5: {  	[tilespmem:v19+s12+$0x0] =	vst.idx.msk $0xffff, v18;
	v18 =	vld [tilespmem:s25+$0x160];
	v19 =	vadd.s32 s4, v14  }
0x1e6: {  	[tilespmem:v21+s12+$0x0] =	vst.idx.msk $0xffff, v20;
	v20 =	vld [tilespmem:s25+$0x1E0];
	v21 =	vadd.s32 s6, v14  }
0x1e7: {  	v23 =	vadd.s32 s9, v14;
	[tilespmem:v60+s12+$0x0] =	vst.idx.msk $0xffff, v26;
	v22 =	vld [tilespmem:s25+$0x260]  }
0x1e8: {  	v63 =	vadd.s32 s24, v15;
	[tilespmem:v59+s12+$0x0] =	vst.idx.msk $0xffff, v58;
	v26 =	vld [tilespmem:s25+$0x70]  }
0x1e9: {  	[tilespmem:v17+s12+$0x0] =	vst.idx.msk $0xffff, v16;
	v16 =	vld [tilespmem:s25+$0x360];
	v17 =	vadd.s32 s29, v14  }
0x1ea: {  	[tilespmem:v19+s12+$0x0] =	vst.idx.msk $0xffff, v18;
	v18 =	vld [tilespmem:s25+$0xF0];
	v19 =	vadd.s32 s2, v15  }
0x1eb: {  	[tilespmem:v21+s12+$0x0] =	vst.idx.msk $0xffff, v20;
	v20 =	vld [tilespmem:s25+$0x170];
	v21 =	vadd.s32 s4, v15  }
0x1ec: {  	[tilespmem:v23+s12+$0x0] =	vst.idx.msk $0xffff, v22;
	v22 =	vld [tilespmem:s25+$0x1F0];
	v23 =	vadd.s32 s6, v15  }
0x1ed: {  	v62 =	vadd.s32 s9, v15;
	[tilespmem:v63+s12+$0x0] =	vst.idx.msk $0xffff, v26;
	v61 =	vld [tilespmem:s25+$0x270]  }
0x1ee: {  	[tilespmem:v17+s12+$0x0] =	vst.idx.msk $0xffff, v16;
	v16 =	vld [tilespmem:s25+$0x2F0];
	v17 =	vadd.s32 s28, v15  }
0x1ef: {  	[tilespmem:v19+s12+$0x0] =	vst.idx.msk $0xffff, v18;
	v18 =	vld [tilespmem:s25+$0x370];
	v19 =	vadd.s32 s29, v15  }
0x1f0: {  	[tilespmem:v21+s12+$0x0] =	vst.idx.msk $0xffff, v20  }
0x1f1: {  	[tilespmem:v23+s12+$0x0] =	vst.idx.msk $0xffff, v22  }
0x1f2: {  	[tilespmem:v62+s12+$0x0] =	vst.idx.msk $0xffff, v61  }
0x1f3: {  	[tilespmem:v17+s12+$0x0] =	vst.idx.msk $0xffff, v16  }
0x1f4: {  	s31 =	simm.s32 $0x8114;
	[tilespmem:v19+s12+$0x0] =	vst.idx.msk $0xffff, v18  }
0x1f5: {  	v16 =	vld [tilespmem:s31+$0xCF]  }
0x1f6: {  	v17 =	vld [tilespmem:s31+$0xFFFFFF31]  }
0x1f7: {  	v18 =	vld [tilespmem:s31+$0xFFFFFF76]  }
0x1f8: {  	v19 =	vld [tilespmem:s31+$0xFFFFFFBB]  }
0x1f9: {  	s6 =	simm.s32 $0xC700;
	v20 =	vld [tilespmem:s31+$0x0]  }
0x1fa: {  	v21 =	vld [tilespmem:s31+$0x45];
	[tilespmem:s6+$0x180] =	vst v16  }
0x1fb: {  	[tilespmem:s6+$0xFFFFFE80] =	vst v17;
	v17 =	vld [tilespmem:s31+$0x8A]  }
0x1fc: {  	[tilespmem:s6+$0xFFFFFF00] =	vst v18;
	v18 =	vld [tilespmem:s31+$0xFFFFFEEC]  }
0x1fd: {  	[tilespmem:s6+$0xFFFFFF80] =	vst v19;
	v16 =	vld [tilespmem:s31+$0xDF]  }
0x1fe: {  	[tilespmem:s6+$0x0] =	vst v20;
	v19 =	vld [tilespmem:s31+$0xFFFFFF41]  }
0x1ff: {  	[tilespmem:s6+$0x80] =	vst v21;
	v20 =	vld [tilespmem:s31+$0xFFFFFF86]  }
0x200: {  	v21 =	vld [tilespmem:s31+$0xFFFFFFCB];
	[tilespmem:s6+$0x100] =	vst v17  }
0x201: {  	[tilespmem:s6+$0xFFFFFE00] =	vst v18;
	v17 =	vld [tilespmem:s31+$0x10]  }
0x202: {  	[tilespmem:s6+$0x190] =	vst v16;
	v18 =	vld [tilespmem:s31+$0xFFFFFEFC]  }
0x203: {  	[tilespmem:s6+$0xFFFFFE90] =	vst v19;
	v19 =	vld [tilespmem:s31+$0x55]  }
0x204: {  	[tilespmem:s6+$0xFFFFFF10] =	vst v20;
	v20 =	vld [tilespmem:s31+$0x9A]  }
0x205: {  	[tilespmem:s6+$0xFFFFFF90] =	vst v21;
	v16 =	vld [tilespmem:s31+$0xEF]  }
0x206: {  	v21 =	vld [tilespmem:s31+$0xFFFFFF51];
	[tilespmem:s6+$0x10] =	vst v17  }
0x207: {  	v17 =	vld [tilespmem:s31+$0xFFFFFF96];
	[tilespmem:s6+$0xFFFFFE10] =	vst v18  }
0x208: {  	[tilespmem:s6+$0x90] =	vst v19;
	v19 =	vld [tilespmem:s31+$0xFFFFFFDB]  }
0x209: {  	[tilespmem:s6+$0x110] =	vst v20;
	v18 =	vld [tilespmem:s31+$0xFFFFFF0C]  }
0x20a: {  	v20 =	vld [tilespmem:s31+$0x20];
	[tilespmem:s6+$0x1A0] =	vst v16  }
0x20b: {  	[tilespmem:s6+$0xFFFFFEA0] =	vst v21;
	v16 =	vld [tilespmem:s31+$0xFF]  }
0x20c: {  	v21 =	vld [tilespmem:s31+$0x65];
	[tilespmem:s6+$0xFFFFFF20] =	vst v17  }
0x20d: {  	v22 =	vld [tilespmem:s31+$0xAA];
	[tilespmem:s6+$0xFFFFFFA0] =	vst v19  }
0x20e: {  	v23 =	vld [tilespmem:s31+$0xFFFFFF61];
	[tilespmem:s6+$0xFFFFFE20] =	vst v18  }
0x20f: {  	p0 =	por $0x1, $0x1;
	[tilespmem:s6+$0x20] =	vst v20;
	v24 =	vld [tilespmem:s31+$0xFFFFFF1C]  }
.Ltmp1:
0x210: {  	[tilespmem:s6+$0x1B0] =	vst v16;
	v16 =	vld [tilespmem:s31+$0xFFFFFFA6];
	(pc) =	sbr.rel @!p0 .LBB2_6-.Ltmp1, $4  }
0x211: {  	v17 =	vld [tilespmem:s31+$0xFFFFFFEB];
	[tilespmem:s6+$0xA0] =	vst v21  }
0x212: {  	v18 =	vld [tilespmem:s31+$0x30];
	[tilespmem:s6+$0x120] =	vst v22  }
0x213: {  	s24 =	simm.s32 $0x833C;
	[tilespmem:s6+$0xFFFFFEB0] =	vst v23;
	v19 =	vld [tilespmem:s31+$0x75]  }
0x214: {  	s9 =	simm.s32 $0x0;
	s2 =	simm.s32 $0xE700;
	s4 =	simm.s32 $0x9353;
	v20 =	vld [tilespmem:s31+$0xBA];
	[tilespmem:s6+$0xFFFFFE30] =	vst v24  }
.LBB2_5:
0x215: {  	v21 =	vld [tilespmem:s24+$0xCF];
	s9 =	sadd.s32 $0x8, s9;
	[tilespmem:s6+$0xFFFFFF30] =	vst v16  }
0x216: {  	v16 =	vld [tilespmem:s24+$0xFFFFFF31];
	p0 =	slt.u32 s9, $0x38;
	[tilespmem:s6+$0xFFFFFFB0] =	vst v17  }
0x217: {  	v17 =	vld [tilespmem:s24+$0xFFFFFF76];
	[tilespmem:s6+$0x30] =	vst v18  }
0x218: {  	v18 =	vld [tilespmem:s24+$0xFFFFFFBB];
	[tilespmem:s6+$0xB0] =	vst v19  }
0x219: {  	v19 =	vld [tilespmem:s24+$0x0];
	[tilespmem:s6+$0x130] =	vst v20;
	s6 =	sadd.s32 $0x400, s6  }
0x21a: {  	v20 =	vld [tilespmem:s24+$0x45];
	[tilespmem:s6+$0x180] =	vst v21  }
0x21b: {  	[tilespmem:s6+$0xFFFFFE80] =	vst v16;
	v16 =	vld [tilespmem:s24+$0xDF]  }
0x21c: {  	[tilespmem:s6+$0xFFFFFF00] =	vst v17;
	v17 =	vld [tilespmem:s24+$0x8A]  }
0x21d: {  	v21 =	vld [tilespmem:s24+$0xFFFFFEEC];
	[tilespmem:s6+$0xFFFFFF80] =	vst v18  }
0x21e: {  	v18 =	vld [tilespmem:s24+$0xFFFFFF41];
	[tilespmem:s6+$0x0] =	vst v19  }
0x21f: {  	v19 =	vld [tilespmem:s24+$0xFFFFFF86];
	[tilespmem:s6+$0x80] =	vst v20  }
0x220: {  	v20 =	vld [tilespmem:s24+$0xFFFFFFCB];
	[tilespmem:s6+$0x190] =	vst v16  }
0x221: {  	[tilespmem:s6+$0x100] =	vst v17;
	v16 =	vld [tilespmem:s24+$0xEF]  }
0x222: {  	[tilespmem:s6+$0xFFFFFE00] =	vst v21;
	v17 =	vld [tilespmem:s24+$0x10]  }
0x223: {  	v21 =	vld [tilespmem:s24+$0xFFFFFEFC];
	[tilespmem:s6+$0xFFFFFE90] =	vst v18  }
0x224: {  	[tilespmem:s6+$0xFFFFFF10] =	vst v19;
	v18 =	vld [tilespmem:s24+$0x55]  }
0x225: {  	[tilespmem:s6+$0xFFFFFF90] =	vst v20;
	v19 =	vld [tilespmem:s24+$0x9A]  }
0x226: {  	v20 =	vld [tilespmem:s24+$0xFFFFFF51];
	[tilespmem:s6+$0x1A0] =	vst v16  }
0x227: {  	[tilespmem:s6+$0x10] =	vst v17;
	v16 =	vld [tilespmem:s24+$0xFF]  }
0x228: {  	[tilespmem:s6+$0xFFFFFE10] =	vst v21;
	v17 =	vld [tilespmem:s24+$0xFFFFFF96]  }
0x229: {  	v21 =	vld [tilespmem:s24+$0xFFFFFF0C];
	[tilespmem:s6+$0x90] =	vst v18  }
0x22a: {  	v18 =	vld [tilespmem:s24+$0xFFFFFFDB];
	[tilespmem:s6+$0x110] =	vst v19  }
0x22b: {  	[tilespmem:s6+$0xFFFFFEA0] =	vst v20;
	v19 =	vld [tilespmem:s24+$0x20]  }
0x22c: {  	v20 =	vld [tilespmem:s24+$0x65];
	[tilespmem:s6+$0x1B0] =	vst v16  }
0x22d: {  	[tilespmem:s6+$0xFFFFFF20] =	vst v17;
	v22 =	vld [tilespmem:s24+$0xAA]  }
0x22e: {  	[tilespmem:s6+$0xFFFFFE20] =	vst v21;
	v21 =	vld [tilespmem:s24+$0xFFFFFF61]  }
0x22f: {  	v23 =	vld [tilespmem:s24+$0xFFFFFF1C];
	[tilespmem:s6+$0xFFFFFFA0] =	vst v18  }
.Ltmp2:
0x230: {  	v16 =	vld [tilespmem:s24+$0xFFFFFFA6];
	[tilespmem:s6+$0x20] =	vst v19;
	(pc) =	sbr.rel @p0 .LBB2_5-.Ltmp2, $4  }
0x231: {  	v17 =	vld [tilespmem:s24+$0xFFFFFFEB];
	[tilespmem:s6+$0xA0] =	vst v20  }
0x232: {  	v18 =	vld [tilespmem:s24+$0x30];
	[tilespmem:s6+$0x120] =	vst v22  }
0x233: {  	[tilespmem:s6+$0xFFFFFEB0] =	vst v21;
	v19 =	vld [tilespmem:s24+$0x75]  }
0x234: {  	[tilespmem:s6+$0xFFFFFE30] =	vst v23;
	v20 =	vld [tilespmem:s24+$0xBA];
	s24 =	sadd.s32 $0x228, s24  }
.LBB2_6:
0x235: {  	[tilespmem:s6+$0xFFFFFF30] =	vst v16  }
0x236: {  	[tilespmem:s6+$0xFFFFFFB0] =	vst v17  }
0x237: {  	[tilespmem:s6+$0x30] =	vst v18  }
0x238: {  	[tilespmem:s6+$0xB0] =	vst v19  }
0x239: {  	[tilespmem:s6+$0x130] =	vst v20  }
0x23a: {  	v16 =	vld [tilespmem:s4+$0xFFFFFFD0]  }
0x23b: {  	v17 =	vld [tilespmem:s4+$0xFFFFFE32]  }
0x23c: {  	v18 =	vld [tilespmem:s4+$0xFFFFFE77]  }
0x23d: {  	v19 =	vld [tilespmem:s4+$0xFFFFFEBC]  }
0x23e: {  	v20 =	vld [tilespmem:s4+$0xFFFFFF01]  }
0x23f: {  	v21 =	vld [tilespmem:s4+$0xFFFFFF46];
	[tilespmem:s2+$0x180] =	vst v16  }
0x240: {  	[tilespmem:s2+$0xFFFFFE80] =	vst v17;
	v17 =	vld [tilespmem:s4+$0xFFFFFF8B]  }
0x241: {  	[tilespmem:s2+$0xFFFFFF00] =	vst v18;
	v18 =	vld [tilespmem:s4+$0xFFFFFDED]  }
0x242: {  	[tilespmem:s2+$0xFFFFFF80] =	vst v19;
	v16 =	vld [tilespmem:s4+$0xFFFFFFE0]  }
0x243: {  	[tilespmem:s2+$0x0] =	vst v20;
	v19 =	vld [tilespmem:s4+$0xFFFFFE42]  }
0x244: {  	[tilespmem:s2+$0x80] =	vst v21;
	v20 =	vld [tilespmem:s4+$0xFFFFFE87]  }
0x245: {  	v21 =	vld [tilespmem:s4+$0xFFFFFECC];
	[tilespmem:s2+$0x100] =	vst v17  }
0x246: {  	[tilespmem:s2+$0xFFFFFE00] =	vst v18;
	v17 =	vld [tilespmem:s4+$0xFFFFFF11]  }
0x247: {  	[tilespmem:s2+$0x190] =	vst v16;
	v18 =	vld [tilespmem:s4+$0xFFFFFDFD]  }
0x248: {  	[tilespmem:s2+$0xFFFFFE90] =	vst v19;
	v19 =	vld [tilespmem:s4+$0xFFFFFF56]  }
0x249: {  	[tilespmem:s2+$0xFFFFFF10] =	vst v20;
	v20 =	vld [tilespmem:s4+$0xFFFFFF9B]  }
0x24a: {  	[tilespmem:s2+$0xFFFFFF90] =	vst v21;
	v16 =	vld [tilespmem:s4+$0xFFFFFFF0]  }
0x24b: {  	v21 =	vld [tilespmem:s4+$0xFFFFFE52];
	[tilespmem:s2+$0x10] =	vst v17  }
0x24c: {  	v17 =	vld [tilespmem:s4+$0xFFFFFE97];
	[tilespmem:s2+$0xFFFFFE10] =	vst v18  }
0x24d: {  	[tilespmem:s2+$0x90] =	vst v19;
	v19 =	vld [tilespmem:s4+$0xFFFFFEDC]  }
0x24e: {  	[tilespmem:s2+$0x110] =	vst v20;
	v18 =	vld [tilespmem:s4+$0xFFFFFE0D]  }
0x24f: {  	v20 =	vld [tilespmem:s4+$0xFFFFFF21];
	[tilespmem:s2+$0x1A0] =	vst v16  }
0x250: {  	[tilespmem:s2+$0xFFFFFEA0] =	vst v21;
	v21 =	vld [tilespmem:s4+$0xFFFFFF66]  }
0x251: {  	v16 =	vld [tilespmem:s4+$0x0];
	[tilespmem:s2+$0xFFFFFF20] =	vst v17  }
0x252: {  	v22 =	vld [tilespmem:s4+$0xFFFFFFAB];
	[tilespmem:s2+$0xFFFFFFA0] =	vst v19  }
0x253: {  	v23 =	vld [tilespmem:s4+$0xFFFFFE62];
	[tilespmem:s2+$0xFFFFFE20] =	vst v18  }
0x254: {  	p0 =	por $0x1, $0x1;
	[tilespmem:s2+$0x20] =	vst v20;
	v24 =	vld [tilespmem:s4+$0xFFFFFE1D]  }
.Ltmp3:
0x255: {  	v18 =	vld [tilespmem:s4+$0xFFFFFEA7];
	[tilespmem:s2+$0xA0] =	vst v21;
	(pc) =	sbr.rel @!p0 .LBB2_8-.Ltmp3, $4  }
0x256: {  	[tilespmem:s2+$0x1B0] =	vst v16;
	v16 =	vld [tilespmem:s4+$0xFFFFFEEC]  }
0x257: {  	v17 =	vld [tilespmem:s4+$0xFFFFFF31];
	[tilespmem:s2+$0x120] =	vst v22  }
0x258: {  	[tilespmem:s2+$0xFFFFFEB0] =	vst v23;
	v19 =	vld [tilespmem:s4+$0xFFFFFF76]  }
0x259: {  	s6 =	simm.s32 $0x0;
	v20 =	vld [tilespmem:s4+$0xFFFFFFBB];
	s4 =	sadd.s32 $0x228, s4;
	[tilespmem:s2+$0xFFFFFE30] =	vst v24  }
.LBB2_7:
0x25a: {  	v21 =	vld [tilespmem:s4+$0xFFFFFFD0];
	s6 =	sadd.s32 $0x8, s6;
	[tilespmem:s2+$0xFFFFFF30] =	vst v18  }
0x25b: {  	v18 =	vld [tilespmem:s4+$0xFFFFFE32];
	p0 =	slt.u32 s6, $0xB8;
	[tilespmem:s2+$0xFFFFFFB0] =	vst v16  }
0x25c: {  	v16 =	vld [tilespmem:s4+$0xFFFFFE77];
	[tilespmem:s2+$0x30] =	vst v17  }
0x25d: {  	v17 =	vld [tilespmem:s4+$0xFFFFFEBC];
	[tilespmem:s2+$0xB0] =	vst v19  }
0x25e: {  	v19 =	vld [tilespmem:s4+$0xFFFFFF01];
	[tilespmem:s2+$0x130] =	vst v20;
	s2 =	sadd.s32 $0x400, s2  }
0x25f: {  	v20 =	vld [tilespmem:s4+$0xFFFFFF46];
	[tilespmem:s2+$0x180] =	vst v21  }
0x260: {  	[tilespmem:s2+$0xFFFFFE80] =	vst v18;
	v18 =	vld [tilespmem:s4+$0xFFFFFFE0]  }
0x261: {  	[tilespmem:s2+$0xFFFFFF00] =	vst v16;
	v16 =	vld [tilespmem:s4+$0xFFFFFF8B]  }
0x262: {  	v21 =	vld [tilespmem:s4+$0xFFFFFDED];
	[tilespmem:s2+$0xFFFFFF80] =	vst v17  }
0x263: {  	v17 =	vld [tilespmem:s4+$0xFFFFFE42];
	[tilespmem:s2+$0x0] =	vst v19  }
0x264: {  	v19 =	vld [tilespmem:s4+$0xFFFFFE87];
	[tilespmem:s2+$0x80] =	vst v20  }
0x265: {  	v20 =	vld [tilespmem:s4+$0xFFFFFECC];
	[tilespmem:s2+$0x190] =	vst v18  }
0x266: {  	[tilespmem:s2+$0x100] =	vst v16;
	v16 =	vld [tilespmem:s4+$0xFFFFFFF0]  }
0x267: {  	[tilespmem:s2+$0xFFFFFE00] =	vst v21;
	v18 =	vld [tilespmem:s4+$0xFFFFFF11]  }
0x268: {  	v21 =	vld [tilespmem:s4+$0xFFFFFDFD];
	[tilespmem:s2+$0xFFFFFE90] =	vst v17  }
0x269: {  	[tilespmem:s2+$0xFFFFFF10] =	vst v19;
	v17 =	vld [tilespmem:s4+$0xFFFFFF56]  }
0x26a: {  	[tilespmem:s2+$0xFFFFFF90] =	vst v20;
	v19 =	vld [tilespmem:s4+$0xFFFFFF9B]  }
0x26b: {  	v20 =	vld [tilespmem:s4+$0xFFFFFE52];
	[tilespmem:s2+$0x1A0] =	vst v16  }
0x26c: {  	[tilespmem:s2+$0x10] =	vst v18;
	v16 =	vld [tilespmem:s4+$0x0]  }
0x26d: {  	[tilespmem:s2+$0xFFFFFE10] =	vst v21;
	v18 =	vld [tilespmem:s4+$0xFFFFFE97]  }
0x26e: {  	v21 =	vld [tilespmem:s4+$0xFFFFFE0D];
	[tilespmem:s2+$0x90] =	vst v17  }
0x26f: {  	v17 =	vld [tilespmem:s4+$0xFFFFFEDC];
	[tilespmem:s2+$0x110] =	vst v19  }
0x270: {  	[tilespmem:s2+$0xFFFFFEA0] =	vst v20;
	v19 =	vld [tilespmem:s4+$0xFFFFFF21]  }
0x271: {  	v20 =	vld [tilespmem:s4+$0xFFFFFF66];
	[tilespmem:s2+$0x1B0] =	vst v16  }
0x272: {  	[tilespmem:s2+$0xFFFFFF20] =	vst v18;
	v22 =	vld [tilespmem:s4+$0xFFFFFFAB]  }
0x273: {  	[tilespmem:s2+$0xFFFFFE20] =	vst v21;
	v21 =	vld [tilespmem:s4+$0xFFFFFE62]  }
0x274: {  	v23 =	vld [tilespmem:s4+$0xFFFFFE1D];
	[tilespmem:s2+$0xFFFFFFA0] =	vst v17  }
.Ltmp4:
0x275: {  	v18 =	vld [tilespmem:s4+$0xFFFFFEA7];
	[tilespmem:s2+$0x20] =	vst v19;
	(pc) =	sbr.rel @p0 .LBB2_7-.Ltmp4, $4  }
0x276: {  	v16 =	vld [tilespmem:s4+$0xFFFFFEEC];
	[tilespmem:s2+$0xA0] =	vst v20  }
0x277: {  	v17 =	vld [tilespmem:s4+$0xFFFFFF31];
	[tilespmem:s2+$0x120] =	vst v22  }
0x278: {  	[tilespmem:s2+$0xFFFFFEB0] =	vst v21;
	v19 =	vld [tilespmem:s4+$0xFFFFFF76]  }
0x279: {  	[tilespmem:s2+$0xFFFFFE30] =	vst v23;
	v20 =	vld [tilespmem:s4+$0xFFFFFFBB];
	s4 =	sadd.s32 $0x228, s4  }
.LBB2_8:
0x27a: {  	s21 =	sadd.s32 $0x1, s21  }
0x27b: {  	p0 =	slt.s32 s21, $0xB;
	s4 =	smov.u32 s21  }
0x27c: {  	s4 =	simm.s32 @!p0 $0xB  }
0x27d: {  	s6 =	smulhi.u32 $0xAAAAAAAB, s4;
	_ =	sdelay $0x1  }
0x27e: {  	[tilespmem:s2+$0xFFFFFF30] =	vst v18;
	s6 =	sshrl.u32 s6, $0x1  }
0x27f: {  	[tilespmem:s2+$0xFFFFFFB0] =	vst v16;
	s9 =	smul.u32 $0x3FD, s6  }
0x280: {  	[tilespmem:s2+$0x30] =	vst v17  }
0x281: {  	[tilespmem:s2+$0xB0] =	vst v19;
	s6 =	sadd.s32 s7, s6;
	s4 =	sadd.s32 s4, s9  }
0x282: {  	[tilespmem:s2+$0x130] =	vst v20;
	s26 =	sshll.u32 s6, $0xF;
	s25 =	sshll.u32 s4, $0x16  }
0x283: {  	_ =	swait.ge [sflag:s13], $0x4000;
	s2 =	sadd.s32 s26, s25  }
0x284: {  	[sflag:s13] =	ssyncset.done $0x0;
	s2 =	sshrl.u32 s2, $0x3  }
0x285: {  	[sflag:s13] =	ssyncadd.s32 $0xFFFFC000;
	s29 =	sadd.s32 s0, s2;
	s2 =	simm.s32 $0x0  }
0x286: {  	[tilespmem:s2], [sflag:$0x1] =	stream.linear.gather [hbm4b:s29+s2], $0x4000, $0x38;
	[tilespmem:$0x14500] =	vst v63  }
0x287: {  	s4 =	simm.s32 $0x4400;
	s29 =	simm.s32 $0x7  }
0x288: {  	s24 =	simm.s32 $0x1;
	v16 =	vld [tilespmem:s4+$0xFFFFFF80];
	v17 =	vadd.s32 s29, v0  }
0x289: {  	v19 =	vadd.s32 s24, v0;
	s26 =	simm.s32 $0x2;
	v18 =	vld [tilespmem:s4+$0xFFFFFC80]  }
0x28a: {  	s30 =	simm.s32 $0x3;
	v21 =	vadd.s32 s26, v0;
	v20 =	vld [tilespmem:s4+$0xFFFFFD00]  }
0x28b: {  	s31 =	simm.s32 $0x4;
	v23 =	vadd.s32 s30, v0;
	v22 =	vld [tilespmem:s4+$0xFFFFFD80]  }
0x28c: {  	v25 =	vadd.s32 s31, v0;
	s25 =	simm.s32 $0x5;
	v24 =	vld [tilespmem:s4+$0xFFFFFE00]  }
0x28d: {  	s28 =	simm.s32 $0x6;
	v27 =	vadd.s32 s25, v0;
	v26 =	vld [tilespmem:s4+$0xFFFFFE80];
	[tilespmem:v17+s12+$0x0] =	vst.idx.msk $0xffff, v16  }
0x28e: {  	[tilespmem:v19+s12+$0x0] =	vst.idx.msk $0xffff, v18;
	v18 =	vld [tilespmem:s4+$0xFFFFFF00];
	v19 =	vadd.s32 s28, v0  }
0x28f: {  	[tilespmem:v21+s12+$0x0] =	vst.idx.msk $0xffff, v20;
	v20 =	vld [tilespmem:s4+$0xFFFFFC00];
	v21 =	vadd.s32 s2, v0  }
0x290: {  	v17 =	vadd.s32 s29, v1;
	[tilespmem:v23+s12+$0x0] =	vst.idx.msk $0xffff, v22;
	v16 =	vld [tilespmem:s4+$0xFFFFFF90]  }
0x291: {  	v23 =	vadd.s32 s24, v1;
	[tilespmem:v25+s12+$0x0] =	vst.idx.msk $0xffff, v24;
	v22 =	vld [tilespmem:s4+$0xFFFFFC90]  }
0x292: {  	v25 =	vadd.s32 s26, v1;
	[tilespmem:v27+s12+$0x0] =	vst.idx.msk $0xffff, v26;
	v24 =	vld [tilespmem:s4+$0xFFFFFD10]  }
0x293: {  	v27 =	vadd.s32 s30, v1;
	v26 =	vld [tilespmem:s4+$0xFFFFFD90];
	[tilespmem:v19+s12+$0x0] =	vst.idx.msk $0xffff, v18  }
0x294: {  	[tilespmem:v21+s12+$0x0] =	vst.idx.msk $0xffff, v20;
	v18 =	vld [tilespmem:s4+$0xFFFFFE10];
	v19 =	vadd.s32 s31, v1  }
0x295: {  	v20 =	vld [tilespmem:s4+$0xFFFFFE90];
	v21 =	vadd.s32 s25, v1;
	[tilespmem:v17+s12+$0x0] =	vst.idx.msk $0xffff, v16  }
0x296: {  	[tilespmem:v23+s12+$0x0] =	vst.idx.msk $0xffff, v22;
	v22 =	vld [tilespmem:s4+$0xFFFFFF10];
	v23 =	vadd.s32 s28, v1  }
0x297: {  	[tilespmem:v25+s12+$0x0] =	vst.idx.msk $0xffff, v24;
	v24 =	vld [tilespmem:s4+$0xFFFFFC10];
	v25 =	vadd.s32 s2, v1  }
0x298: {  	v17 =	vadd.s32 s29, v2;
	[tilespmem:v27+s12+$0x0] =	vst.idx.msk $0xffff, v26;
	v16 =	vld [tilespmem:s4+$0xFFFFFFA0]  }
0x299: {  	v27 =	vadd.s32 s24, v2;
	v26 =	vld [tilespmem:s4+$0xFFFFFCA0];
	[tilespmem:v19+s12+$0x0] =	vst.idx.msk $0xffff, v18  }
0x29a: {  	v18 =	vld [tilespmem:s4+$0xFFFFFD20];
	v19 =	vadd.s32 s26, v2;
	[tilespmem:v21+s12+$0x0] =	vst.idx.msk $0xffff, v20  }
0x29b: {  	v20 =	vld [tilespmem:s4+$0xFFFFFDA0];
	v21 =	vadd.s32 s30, v2;
	[tilespmem:v23+s12+$0x0] =	vst.idx.msk $0xffff, v22  }
0x29c: {  	[tilespmem:v25+s12+$0x0] =	vst.idx.msk $0xffff, v24;
	v22 =	vld [tilespmem:s4+$0xFFFFFE20];
	v23 =	vadd.s32 s31, v2  }
0x29d: {  	v24 =	vld [tilespmem:s4+$0xFFFFFEA0];
	v25 =	vadd.s32 s25, v2;
	[tilespmem:v17+s12+$0x0] =	vst.idx.msk $0xffff, v16  }
0x29e: {  	[tilespmem:v27+s12+$0x0] =	vst.idx.msk $0xffff, v26;
	v26 =	vld [tilespmem:s4+$0xFFFFFF20];
	v27 =	vadd.s32 s28, v2  }
0x29f: {  	v17 =	vadd.s32 s29, v3;
	v16 =	vld [tilespmem:s4+$0xFFFFFFB0];
	[tilespmem:v19+s12+$0x0] =	vst.idx.msk $0xffff, v18  }
0x2a0: {  	v18 =	vld [tilespmem:s4+$0xFFFFFC20];
	v19 =	vadd.s32 s2, v2;
	[tilespmem:v21+s12+$0x0] =	vst.idx.msk $0xffff, v20  }
0x2a1: {  	v20 =	vld [tilespmem:s4+$0xFFFFFCB0];
	v21 =	vadd.s32 s24, v3;
	[tilespmem:v23+s12+$0x0] =	vst.idx.msk $0xffff, v22  }
0x2a2: {  	v22 =	vld [tilespmem:s4+$0xFFFFFD30];
	v23 =	vadd.s32 s26, v3;
	[tilespmem:v25+s12+$0x0] =	vst.idx.msk $0xffff, v24  }
0x2a3: {  	v24 =	vld [tilespmem:s4+$0xFFFFFDB0];
	v25 =	vadd.s32 s30, v3;
	[tilespmem:v27+s12+$0x0] =	vst.idx.msk $0xffff, v26  }
0x2a4: {  	v26 =	vld [tilespmem:s4+$0xFFFFFE30];
	v27 =	vadd.s32 s31, v3;
	[tilespmem:v17+s12+$0x0] =	vst.idx.msk $0xffff, v16  }
0x2a5: {  	v17 =	vadd.s32 s29, v4;
	v16 =	vld [tilespmem:s4+$0xFFFFFFC0];
	[tilespmem:v19+s12+$0x0] =	vst.idx.msk $0xffff, v18  }
0x2a6: {  	[tilespmem:v21+s12+$0x0] =	vst.idx.msk $0xffff, v20;
	v18 =	vld [tilespmem:s4+$0xFFFFFEB0];
	v19 =	vadd.s32 s25, v3  }
0x2a7: {  	v20 =	vld [tilespmem:s4+$0xFFFFFF30];
	v21 =	vadd.s32 s28, v3;
	[tilespmem:v23+s12+$0x0] =	vst.idx.msk $0xffff, v22  }
0x2a8: {  	v22 =	vld [tilespmem:s4+$0xFFFFFC30];
	v23 =	vadd.s32 s2, v3;
	[tilespmem:v25+s12+$0x0] =	vst.idx.msk $0xffff, v24  }
0x2a9: {  	v24 =	vld [tilespmem:s4+$0xFFFFFCC0];
	v25 =	vadd.s32 s24, v4;
	[tilespmem:v27+s12+$0x0] =	vst.idx.msk $0xffff, v26  }
0x2aa: {  	v26 =	vld [tilespmem:s4+$0xFFFFFD40];
	v27 =	vadd.s32 s26, v4;
	[tilespmem:v17+s12+$0x0] =	vst.idx.msk $0xffff, v16  }
0x2ab: {  	v17 =	vadd.s32 s29, v5;
	v16 =	vld [tilespmem:s4+$0xFFFFFFD0];
	[tilespmem:v19+s12+$0x0] =	vst.idx.msk $0xffff, v18  }
0x2ac: {  	v18 =	vld [tilespmem:s4+$0xFFFFFDC0];
	v19 =	vadd.s32 s30, v4;
	[tilespmem:v21+s12+$0x0] =	vst.idx.msk $0xffff, v20  }
0x2ad: {  	v20 =	vld [tilespmem:s4+$0xFFFFFE40];
	v21 =	vadd.s32 s31, v4;
	[tilespmem:v23+s12+$0x0] =	vst.idx.msk $0xffff, v22  }
0x2ae: {  	[tilespmem:v25+s12+$0x0] =	vst.idx.msk $0xffff, v24;
	v22 =	vld [tilespmem:s4+$0xFFFFFEC0];
	v23 =	vadd.s32 s25, v4  }
0x2af: {  	v24 =	vld [tilespmem:s4+$0xFFFFFF40];
	v25 =	vadd.s32 s28, v4;
	[tilespmem:v27+s12+$0x0] =	vst.idx.msk $0xffff, v26  }
0x2b0: {  	v26 =	vld [tilespmem:s4+$0xFFFFFC40];
	v27 =	vadd.s32 s2, v4;
	[tilespmem:v17+s12+$0x0] =	vst.idx.msk $0xffff, v16  }
0x2b1: {  	v17 =	vadd.s32 s29, v6;
	[tilespmem:v19+s12+$0x0] =	vst.idx.msk $0xffff, v18;
	v16 =	vld [tilespmem:s4+$0xFFFFFFE0]  }
0x2b2: {  	v18 =	vld [tilespmem:s4+$0xFFFFFCD0];
	v19 =	vadd.s32 s24, v5;
	[tilespmem:v21+s12+$0x0] =	vst.idx.msk $0xffff, v20  }
0x2b3: {  	v20 =	vld [tilespmem:s4+$0xFFFFFD50];
	v21 =	vadd.s32 s26, v5;
	[tilespmem:v23+s12+$0x0] =	vst.idx.msk $0xffff, v22  }
0x2b4: {  	v22 =	vld [tilespmem:s4+$0xFFFFFDD0];
	v23 =	vadd.s32 s30, v5;
	[tilespmem:v25+s12+$0x0] =	vst.idx.msk $0xffff, v24  }
0x2b5: {  	v24 =	vld [tilespmem:s4+$0xFFFFFE50];
	v25 =	vadd.s32 s31, v5;
	[tilespmem:v27+s12+$0x0] =	vst.idx.msk $0xffff, v26  }
0x2b6: {  	v26 =	vld [tilespmem:s4+$0xFFFFFED0];
	v27 =	vadd.s32 s25, v5;
	[tilespmem:v17+s12+$0x0] =	vst.idx.msk $0xffff, v16  }
0x2b7: {  	[tilespmem:v19+s12+$0x0] =	vst.idx.msk $0xffff, v18;
	v17 =	vadd.s32 s29, v7;
	v16 =	vld [tilespmem:s4+$0xFFFFFFF0]  }
0x2b8: {  	[tilespmem:v21+s12+$0x0] =	vst.idx.msk $0xffff, v20;
	v18 =	vld [tilespmem:s4+$0xFFFFFF50];
	v19 =	vadd.s32 s28, v5  }
0x2b9: {  	v20 =	vld [tilespmem:s4+$0xFFFFFC50];
	v21 =	vadd.s32 s2, v5;
	[tilespmem:v23+s12+$0x0] =	vst.idx.msk $0xffff, v22  }
0x2ba: {  	v22 =	vld [tilespmem:s4+$0xFFFFFCE0];
	v23 =	vadd.s32 s24, v6;
	[tilespmem:v25+s12+$0x0] =	vst.idx.msk $0xffff, v24  }
0x2bb: {  	v24 =	vld [tilespmem:s4+$0xFFFFFD60];
	v25 =	vadd.s32 s26, v6;
	[tilespmem:v27+s12+$0x0] =	vst.idx.msk $0xffff, v26  }
0x2bc: {  	v26 =	vld [tilespmem:s4+$0xFFFFFDE0];
	v27 =	vadd.s32 s30, v6;
	[tilespmem:v17+s12+$0x0] =	vst.idx.msk $0xffff, v16  }
0x2bd: {  	[tilespmem:v19+s12+$0x0] =	vst.idx.msk $0xffff, v18;
	v17 =	vadd.s32 s29, v8;
	v16 =	vld [tilespmem:s4+$0x380]  }
0x2be: {  	[tilespmem:v21+s12+$0x0] =	vst.idx.msk $0xffff, v20;
	v18 =	vld [tilespmem:s4+$0xFFFFFE60];
	v19 =	vadd.s32 s31, v6  }
0x2bf: {  	v20 =	vld [tilespmem:s4+$0xFFFFFEE0];
	v21 =	vadd.s32 s25, v6;
	[tilespmem:v23+s12+$0x0] =	vst.idx.msk $0xffff, v22  }
0x2c0: {  	[tilespmem:v25+s12+$0x0] =	vst.idx.msk $0xffff, v24;
	v22 =	vld [tilespmem:s4+$0xFFFFFF60];
	v23 =	vadd.s32 s28, v6  }
0x2c1: {  	v24 =	vld [tilespmem:s4+$0xFFFFFC60];
	v25 =	vadd.s32 s2, v6;
	[tilespmem:v27+s12+$0x0] =	vst.idx.msk $0xffff, v26  }
0x2c2: {  	v26 =	vld [tilespmem:s4+$0xFFFFFCF0];
	v27 =	vadd.s32 s24, v7;
	[tilespmem:v17+s12+$0x0] =	vst.idx.msk $0xffff, v16  }
0x2c3: {  	[tilespmem:v19+s12+$0x0] =	vst.idx.msk $0xffff, v18;
	v17 =	vadd.s32 s29, v9;
	v16 =	vld [tilespmem:s4+$0x390]  }
0x2c4: {  	v18 =	vld [tilespmem:s4+$0xFFFFFD70];
	v19 =	vadd.s32 s26, v7;
	[tilespmem:v21+s12+$0x0] =	vst.idx.msk $0xffff, v20  }
0x2c5: {  	v20 =	vld [tilespmem:s4+$0xFFFFFDF0];
	v21 =	vadd.s32 s30, v7;
	[tilespmem:v23+s12+$0x0] =	vst.idx.msk $0xffff, v22  }
0x2c6: {  	[tilespmem:v25+s12+$0x0] =	vst.idx.msk $0xffff, v24;
	v22 =	vld [tilespmem:s4+$0xFFFFFE70];
	v23 =	vadd.s32 s31, v7  }
0x2c7: {  	v24 =	vld [tilespmem:s4+$0xFFFFFEF0];
	v25 =	vadd.s32 s25, v7;
	[tilespmem:v27+s12+$0x0] =	vst.idx.msk $0xffff, v26  }
0x2c8: {  	v26 =	vld [tilespmem:s4+$0xFFFFFF70];
	v27 =	vadd.s32 s28, v7;
	[tilespmem:v17+s12+$0x0] =	vst.idx.msk $0xffff, v16  }
0x2c9: {  	[tilespmem:v19+s12+$0x0] =	vst.idx.msk $0xffff, v18;
	v17 =	vadd.s32 s29, v10;
	v16 =	vld [tilespmem:s4+$0x3A0]  }
0x2ca: {  	v18 =	vld [tilespmem:s4+$0xFFFFFC70];
	v19 =	vadd.s32 s2, v7;
	[tilespmem:v21+s12+$0x0] =	vst.idx.msk $0xffff, v20  }
0x2cb: {  	v20 =	vld [tilespmem:s4+$0x80];
	v21 =	vadd.s32 s24, v8;
	[tilespmem:v23+s12+$0x0] =	vst.idx.msk $0xffff, v22  }
0x2cc: {  	v22 =	vld [tilespmem:s4+$0x100];
	v23 =	vadd.s32 s26, v8;
	[tilespmem:v25+s12+$0x0] =	vst.idx.msk $0xffff, v24  }
0x2cd: {  	v24 =	vld [tilespmem:s4+$0x180];
	v25 =	vadd.s32 s30, v8;
	[tilespmem:v27+s12+$0x0] =	vst.idx.msk $0xffff, v26  }
0x2ce: {  	v26 =	vld [tilespmem:s4+$0x200];
	v27 =	vadd.s32 s31, v8;
	[tilespmem:v17+s12+$0x0] =	vst.idx.msk $0xffff, v16  }
0x2cf: {  	[tilespmem:v19+s12+$0x0] =	vst.idx.msk $0xffff, v18;
	v17 =	vadd.s32 s29, v11;
	v16 =	vld [tilespmem:s4+$0x3B0]  }
0x2d0: {  	[tilespmem:v21+s12+$0x0] =	vst.idx.msk $0xffff, v20;
	v18 =	vld [tilespmem:s4+$0x280];
	v19 =	vadd.s32 s25, v8  }
0x2d1: {  	v20 =	vld [tilespmem:s4+$0x300];
	v21 =	vadd.s32 s28, v8;
	[tilespmem:v23+s12+$0x0] =	vst.idx.msk $0xffff, v22  }
0x2d2: {  	v22 =	vld [tilespmem:s4+$0x0];
	v23 =	vadd.s32 s2, v8;
	[tilespmem:v25+s12+$0x0] =	vst.idx.msk $0xffff, v24  }
0x2d3: {  	v24 =	vld [tilespmem:s4+$0x90];
	v25 =	vadd.s32 s24, v9;
	[tilespmem:v27+s12+$0x0] =	vst.idx.msk $0xffff, v26  }
0x2d4: {  	v26 =	vld [tilespmem:s4+$0x110];
	v27 =	vadd.s32 s26, v9;
	[tilespmem:v17+s12+$0x0] =	vst.idx.msk $0xffff, v16  }
0x2d5: {  	[tilespmem:v19+s12+$0x0] =	vst.idx.msk $0xffff, v18;
	v17 =	vadd.s32 s29, v12;
	v16 =	vld [tilespmem:s4+$0x3C0]  }
0x2d6: {  	v18 =	vld [tilespmem:s4+$0x190];
	v19 =	vadd.s32 s30, v9;
	[tilespmem:v21+s12+$0x0] =	vst.idx.msk $0xffff, v20  }
0x2d7: {  	v20 =	vld [tilespmem:s4+$0x210];
	v21 =	vadd.s32 s31, v9;
	[tilespmem:v23+s12+$0x0] =	vst.idx.msk $0xffff, v22  }
0x2d8: {  	[tilespmem:v25+s12+$0x0] =	vst.idx.msk $0xffff, v24;
	v22 =	vld [tilespmem:s4+$0x290];
	v23 =	vadd.s32 s25, v9  }
0x2d9: {  	v24 =	vld [tilespmem:s4+$0x310];
	v25 =	vadd.s32 s28, v9;
	[tilespmem:v27+s12+$0x0] =	vst.idx.msk $0xffff, v26  }
0x2da: {  	v26 =	vld [tilespmem:s4+$0x10];
	v27 =	vadd.s32 s2, v9;
	[tilespmem:v17+s12+$0x0] =	vst.idx.msk $0xffff, v16  }
0x2db: {  	[tilespmem:v19+s12+$0x0] =	vst.idx.msk $0xffff, v18;
	v17 =	vadd.s32 s29, v13;
	v16 =	vld [tilespmem:s4+$0x3D0]  }
0x2dc: {  	v18 =	vld [tilespmem:s4+$0xA0];
	v19 =	vadd.s32 s24, v10;
	[tilespmem:v21+s12+$0x0] =	vst.idx.msk $0xffff, v20  }
0x2dd: {  	v20 =	vld [tilespmem:s4+$0x120];
	v21 =	vadd.s32 s26, v10;
	[tilespmem:v23+s12+$0x0] =	vst.idx.msk $0xffff, v22  }
0x2de: {  	v22 =	vld [tilespmem:s4+$0x1A0];
	v23 =	vadd.s32 s30, v10;
	[tilespmem:v25+s12+$0x0] =	vst.idx.msk $0xffff, v24  }
0x2df: {  	v24 =	vld [tilespmem:s4+$0x220];
	v25 =	vadd.s32 s31, v10;
	[tilespmem:v27+s12+$0x0] =	vst.idx.msk $0xffff, v26  }
0x2e0: {  	v26 =	vld [tilespmem:s4+$0x2A0];
	v27 =	vadd.s32 s25, v10;
	[tilespmem:v17+s12+$0x0] =	vst.idx.msk $0xffff, v16  }
0x2e1: {  	[tilespmem:v19+s12+$0x0] =	vst.idx.msk $0xffff, v18;
	v17 =	vadd.s32 s29, v14;
	v16 =	vld [tilespmem:s4+$0x3E0]  }
0x2e2: {  	[tilespmem:v21+s12+$0x0] =	vst.idx.msk $0xffff, v20;
	v18 =	vld [tilespmem:s4+$0x320];
	v19 =	vadd.s32 s28, v10  }
0x2e3: {  	v20 =	vld [tilespmem:s4+$0x20];
	v21 =	vadd.s32 s2, v10;
	[tilespmem:v23+s12+$0x0] =	vst.idx.msk $0xffff, v22  }
0x2e4: {  	v22 =	vld [tilespmem:s4+$0xB0];
	v23 =	vadd.s32 s24, v11;
	[tilespmem:v25+s12+$0x0] =	vst.idx.msk $0xffff, v24  }
0x2e5: {  	v24 =	vld [tilespmem:s4+$0x130];
	v25 =	vadd.s32 s26, v11;
	[tilespmem:v27+s12+$0x0] =	vst.idx.msk $0xffff, v26  }
0x2e6: {  	v26 =	vld [tilespmem:s4+$0x1B0];
	v27 =	vadd.s32 s30, v11;
	[tilespmem:v17+s12+$0x0] =	vst.idx.msk $0xffff, v16  }
0x2e7: {  	[tilespmem:v19+s12+$0x0] =	vst.idx.msk $0xffff, v18;
	v17 =	vadd.s32 s29, v15;
	v16 =	vld [tilespmem:s4+$0x3F0]  }
0x2e8: {  	[tilespmem:v21+s12+$0x0] =	vst.idx.msk $0xffff, v20;
	v18 =	vld [tilespmem:s4+$0x2B0];
	v19 =	vadd.s32 s25, v11  }
0x2e9: {  	v21 =	vadd.s32 s28, v11;
	[tilespmem:v23+s12+$0x0] =	vst.idx.msk $0xffff, v22;
	v20 =	vld [tilespmem:s4+$0x330]  }
0x2ea: {  	v22 =	vld [tilespmem:s4+$0x30];
	v23 =	vadd.s32 s2, v11;
	[tilespmem:v25+s12+$0x0] =	vst.idx.msk $0xffff, v24  }
0x2eb: {  	v25 =	vadd.s32 s24, v12;
	v24 =	vld [tilespmem:s4+$0xC0];
	[tilespmem:v27+s12+$0x0] =	vst.idx.msk $0xffff, v26  }
0x2ec: {  	[tilespmem:v17+s12+$0x0] =	vst.idx.msk $0xffff, v16;
	v16 =	vld [tilespmem:s4+$0x230];
	v17 =	vadd.s32 s31, v11  }
0x2ed: {  	v26 =	vld [tilespmem:s4+$0x140];
	v27 =	vadd.s32 s26, v12;
	[tilespmem:v19+s12+$0x0] =	vst.idx.msk $0xffff, v18  }
0x2ee: {  	[tilespmem:v21+s12+$0x0] =	vst.idx.msk $0xffff, v20;
	v20 =	vld [tilespmem:s4+$0x2C0];
	v21 =	vadd.s32 s25, v12  }
0x2ef: {  	[tilespmem:v23+s12+$0x0] =	vst.idx.msk $0xffff, v22;
	v23 =	vadd.s32 s28, v12;
	v22 =	vld [tilespmem:s4+$0x340]  }
0x2f0: {  	[tilespmem:v25+s12+$0x0] =	vst.idx.msk $0xffff, v24;
	v24 =	vld [tilespmem:s4+$0x40];
	v25 =	vadd.s32 s2, v12  }
0x2f1: {  	[tilespmem:v17+s12+$0x0] =	vst.idx.msk $0xffff, v16;
	v16 =	vld [tilespmem:s4+$0x1C0];
	v17 =	vadd.s32 s30, v12  }
0x2f2: {  	v19 =	vadd.s32 s31, v12;
	[tilespmem:v27+s12+$0x0] =	vst.idx.msk $0xffff, v26;
	v18 =	vld [tilespmem:s4+$0x240]  }
0x2f3: {  	v27 =	vadd.s32 s24, v13;
	v26 =	vld [tilespmem:s4+$0xD0];
	[tilespmem:v21+s12+$0x0] =	vst.idx.msk $0xffff, v20  }
0x2f4: {  	[tilespmem:v23+s12+$0x0] =	vst.idx.msk $0xffff, v22;
	v22 =	vld [tilespmem:s4+$0x2D0];
	v23 =	vadd.s32 s25, v13  }
0x2f5: {  	[tilespmem:v25+s12+$0x0] =	vst.idx.msk $0xffff, v24;
	v25 =	vadd.s32 s28, v13;
	v24 =	vld [tilespmem:s4+$0x350]  }
0x2f6: {  	[tilespmem:v17+s12+$0x0] =	vst.idx.msk $0xffff, v16;
	v16 =	vld [tilespmem:s4+$0x150];
	v17 =	vadd.s32 s26, v13  }
0x2f7: {  	[tilespmem:v19+s12+$0x0] =	vst.idx.msk $0xffff, v18;
	v18 =	vld [tilespmem:s4+$0x1D0];
	v19 =	vadd.s32 s30, v13  }
0x2f8: {  	v21 =	vadd.s32 s31, v13;
	[tilespmem:v27+s12+$0x0] =	vst.idx.msk $0xffff, v26;
	v20 =	vld [tilespmem:s4+$0x250]  }
0x2f9: {  	v26 =	vld [tilespmem:s4+$0x50];
	v27 =	vadd.s32 s2, v13;
	[tilespmem:v23+s12+$0x0] =	vst.idx.msk $0xffff, v22  }
0x2fa: {  	[tilespmem:v25+s12+$0x0] =	vst.idx.msk $0xffff, v24;
	v24 =	vld [tilespmem:s4+$0x2E0];
	v25 =	vadd.s32 s25, v14  }
0x2fb: {  	[tilespmem:v17+s12+$0x0] =	vst.idx.msk $0xffff, v16;
	v16 =	vld [tilespmem:s4+$0xE0];
	v17 =	vadd.s32 s24, v14  }
0x2fc: {  	[tilespmem:v19+s12+$0x0] =	vst.idx.msk $0xffff, v18;
	v18 =	vld [tilespmem:s4+$0x160];
	v19 =	vadd.s32 s26, v14  }
0x2fd: {  	[tilespmem:v21+s12+$0x0] =	vst.idx.msk $0xffff, v20;
	v20 =	vld [tilespmem:s4+$0x1E0];
	v21 =	vadd.s32 s30, v14  }
0x2fe: {  	v23 =	vadd.s32 s31, v14;
	[tilespmem:v27+s12+$0x0] =	vst.idx.msk $0xffff, v26;
	v22 =	vld [tilespmem:s4+$0x260]  }
0x2ff: {  	v27 =	vadd.s32 s2, v14;
	v26 =	vld [tilespmem:s4+$0x60];
	[tilespmem:v25+s12+$0x0] =	vst.idx.msk $0xffff, v24  }
0x300: {  	[tilespmem:v17+s12+$0x0] =	vst.idx.msk $0xffff, v16;
	v16 =	vld [tilespmem:s4+$0x360];
	v17 =	vadd.s32 s28, v14  }
0x301: {  	v28 =	vadd.s32 s24, v15;
	[tilespmem:v19+s12+$0x0] =	vst.idx.msk $0xffff, v18;
	v18 =	vld [tilespmem:s4+$0xF0]  }
0x302: {  	v30 =	vadd.s32 s26, v15;
	[tilespmem:v21+s12+$0x0] =	vst.idx.msk $0xffff, v20;
	v29 =	vld [tilespmem:s4+$0x170]  }
0x303: {  	v25 =	vadd.s32 s30, v15;
	[tilespmem:v23+s12+$0x0] =	vst.idx.msk $0xffff, v22;
	v23 =	vld [tilespmem:s4+$0x1F0]  }
0x304: {  	v24 =	vadd.s32 s31, v15;
	[tilespmem:v27+s12+$0x0] =	vst.idx.msk $0xffff, v26;
	v19 =	vld [tilespmem:s4+$0x270]  }
0x305: {  	v22 =	vadd.s32 s25, v15;
	[tilespmem:v17+s12+$0x0] =	vst.idx.msk $0xffff, v16;
	v16 =	vld [tilespmem:s4+$0x2F0]  }
0x306: {  	s24 =	simm.s32 $0x8;
	v20 =	vadd.s32 s28, v15;
	[tilespmem:v28+s12+$0x0] =	vst.idx.msk $0xffff, v18;
	v17 =	vld [tilespmem:s4+$0x370]  }
0x307: {  	s26 =	simm.s32 $0xF;
	s28 =	simm.s32 $0x10;
	v21 =	vadd.s32 s2, v15;
	s25 =	simm.s32 $0x4C00;
	v18 =	vld [tilespmem:s4+$0x70];
	[tilespmem:v30+s12+$0x0] =	vst.idx.msk $0xffff, v29  }
.LBB2_9:
0x308: {  	p0 =	slt.u32 s28, $0x38;
	s30 =	sadd.s32 $0x1, s24;
	v26 =	vld [tilespmem:s25+$0xFFFFFF80];
	v27 =	vadd.s32 s26, v0;
	[tilespmem:v25+s12+$0x0] =	vst.idx.msk $0xffff, v23;
	s29 =	smov.u32 s24  }
0x309: {  	s24 =	smov.u32 s28;
	v23 =	vld [tilespmem:s25+$0xFFFFFC80];
	v25 =	vadd.s32 s30, v0;
	s31 =	sadd.s32 $0x2, s29;
	[tilespmem:v24+s12+$0x0] =	vst.idx.msk $0xffff, v19  }
0x30a: {  	s2 =	sadd.s32 $0x3, s29;
	v19 =	vld [tilespmem:s25+$0xFFFFFD00];
	v24 =	vadd.s32 s31, v0;
	[tilespmem:v22+s12+$0x0] =	vst.idx.msk $0xffff, v16  }
0x30b: {  	s4 =	sadd.s32 $0x4, s29;
	v22 =	vadd.s32 s2, v0;
	v16 =	vld [tilespmem:s25+$0xFFFFFD80];
	[tilespmem:v20+s12+$0x0] =	vst.idx.msk $0xffff, v17  }
0x30c: {  	s6 =	sadd.s32 $0x5, s29;
	v20 =	vadd.s32 s4, v0;
	v17 =	vld [tilespmem:s25+$0xFFFFFE00];
	[tilespmem:v21+s12+$0x0] =	vst.idx.msk $0xffff, v18  }
0x30d: {  	v21 =	vadd.s32 s6, v0;
	v18 =	vld [tilespmem:s25+$0xFFFFFE80];
	[tilespmem:v27+s12+$0x0] =	vst.idx.msk $0xffff, v26  }
0x30e: {  	s9 =	sadd.s32 $0x6, s29;
	[tilespmem:v25+s12+$0x0] =	vst.idx.msk $0xffff, v23;
	v23 =	vld [tilespmem:s25+$0xFFFFFF90];
	v25 =	vadd.s32 s26, v1  }
0x30f: {  	[tilespmem:v24+s12+$0x0] =	vst.idx.msk $0xffff, v19;
	v19 =	vld [tilespmem:s25+$0xFFFFFF00];
	v24 =	vadd.s32 s9, v0  }
0x310: {  	v27 =	vadd.s32 s29, v0;
	v26 =	vld [tilespmem:s25+$0xFFFFFC00];
	[tilespmem:v22+s12+$0x0] =	vst.idx.msk $0xffff, v16  }
0x311: {  	v22 =	vadd.s32 s30, v1;
	v16 =	vld [tilespmem:s25+$0xFFFFFC90];
	[tilespmem:v20+s12+$0x0] =	vst.idx.msk $0xffff, v17  }
0x312: {  	v20 =	vadd.s32 s31, v1;
	v17 =	vld [tilespmem:s25+$0xFFFFFD10];
	[tilespmem:v21+s12+$0x0] =	vst.idx.msk $0xffff, v18  }
0x313: {  	v21 =	vadd.s32 s2, v1;
	v18 =	vld [tilespmem:s25+$0xFFFFFD90];
	[tilespmem:v25+s12+$0x0] =	vst.idx.msk $0xffff, v23  }
0x314: {  	v23 =	vadd.s32 s26, v2;
	[tilespmem:v24+s12+$0x0] =	vst.idx.msk $0xffff, v19;
	v19 =	vld [tilespmem:s25+$0xFFFFFFA0]  }
0x315: {  	v25 =	vadd.s32 s4, v1;
	[tilespmem:v27+s12+$0x0] =	vst.idx.msk $0xffff, v26;
	v24 =	vld [tilespmem:s25+$0xFFFFFE10]  }
0x316: {  	[tilespmem:v22+s12+$0x0] =	vst.idx.msk $0xffff, v16;
	v16 =	vld [tilespmem:s25+$0xFFFFFE90];
	v22 =	vadd.s32 s6, v1  }
0x317: {  	[tilespmem:v20+s12+$0x0] =	vst.idx.msk $0xffff, v17;
	v17 =	vld [tilespmem:s25+$0xFFFFFF10];
	v20 =	vadd.s32 s9, v1  }
0x318: {  	v27 =	vadd.s32 s29, v1;
	v26 =	vld [tilespmem:s25+$0xFFFFFC10];
	[tilespmem:v21+s12+$0x0] =	vst.idx.msk $0xffff, v18  }
0x319: {  	v21 =	vadd.s32 s30, v2;
	v18 =	vld [tilespmem:s25+$0xFFFFFCA0];
	[tilespmem:v23+s12+$0x0] =	vst.idx.msk $0xffff, v19  }
0x31a: {  	v23 =	vadd.s32 s26, v3;
	[tilespmem:v25+s12+$0x0] =	vst.idx.msk $0xffff, v24;
	v19 =	vld [tilespmem:s25+$0xFFFFFFB0]  }
0x31b: {  	v25 =	vadd.s32 s31, v2;
	v24 =	vld [tilespmem:s25+$0xFFFFFD20];
	[tilespmem:v22+s12+$0x0] =	vst.idx.msk $0xffff, v16  }
0x31c: {  	v22 =	vadd.s32 s2, v2;
	v16 =	vld [tilespmem:s25+$0xFFFFFDA0];
	[tilespmem:v20+s12+$0x0] =	vst.idx.msk $0xffff, v17  }
0x31d: {  	v20 =	vadd.s32 s4, v2;
	[tilespmem:v27+s12+$0x0] =	vst.idx.msk $0xffff, v26;
	v17 =	vld [tilespmem:s25+$0xFFFFFE20]  }
0x31e: {  	[tilespmem:v21+s12+$0x0] =	vst.idx.msk $0xffff, v18;
	v18 =	vld [tilespmem:s25+$0xFFFFFEA0];
	v21 =	vadd.s32 s6, v2  }
0x31f: {  	v27 =	vadd.s32 s9, v2;
	v26 =	vld [tilespmem:s25+$0xFFFFFF20];
	[tilespmem:v23+s12+$0x0] =	vst.idx.msk $0xffff, v19  }
0x320: {  	v23 =	vadd.s32 s26, v4;
	[tilespmem:v25+s12+$0x0] =	vst.idx.msk $0xffff, v24;
	v19 =	vld [tilespmem:s25+$0xFFFFFFC0]  }
0x321: {  	v25 =	vadd.s32 s29, v2;
	v24 =	vld [tilespmem:s25+$0xFFFFFC20];
	[tilespmem:v22+s12+$0x0] =	vst.idx.msk $0xffff, v16  }
0x322: {  	v22 =	vadd.s32 s30, v3;
	v16 =	vld [tilespmem:s25+$0xFFFFFCB0];
	[tilespmem:v20+s12+$0x0] =	vst.idx.msk $0xffff, v17  }
0x323: {  	v20 =	vadd.s32 s31, v3;
	v17 =	vld [tilespmem:s25+$0xFFFFFD30];
	[tilespmem:v21+s12+$0x0] =	vst.idx.msk $0xffff, v18  }
0x324: {  	v21 =	vadd.s32 s2, v3;
	v18 =	vld [tilespmem:s25+$0xFFFFFDB0];
	[tilespmem:v27+s12+$0x0] =	vst.idx.msk $0xffff, v26  }
0x325: {  	v27 =	vadd.s32 s4, v3;
	v26 =	vld [tilespmem:s25+$0xFFFFFE30];
	[tilespmem:v23+s12+$0x0] =	vst.idx.msk $0xffff, v19  }
0x326: {  	v23 =	vadd.s32 s26, v5;
	[tilespmem:v25+s12+$0x0] =	vst.idx.msk $0xffff, v24;
	v19 =	vld [tilespmem:s25+$0xFFFFFFD0]  }
0x327: {  	[tilespmem:v22+s12+$0x0] =	vst.idx.msk $0xffff, v16;
	v16 =	vld [tilespmem:s25+$0xFFFFFEB0];
	v22 =	vadd.s32 s6, v3  }
0x328: {  	[tilespmem:v20+s12+$0x0] =	vst.idx.msk $0xffff, v17;
	v17 =	vld [tilespmem:s25+$0xFFFFFF30];
	v20 =	vadd.s32 s9, v3  }
0x329: {  	v25 =	vadd.s32 s29, v3;
	v24 =	vld [tilespmem:s25+$0xFFFFFC30];
	[tilespmem:v21+s12+$0x0] =	vst.idx.msk $0xffff, v18  }
0x32a: {  	v21 =	vadd.s32 s30, v4;
	v18 =	vld [tilespmem:s25+$0xFFFFFCC0];
	[tilespmem:v27+s12+$0x0] =	vst.idx.msk $0xffff, v26  }
0x32b: {  	v27 =	vadd.s32 s31, v4;
	v26 =	vld [tilespmem:s25+$0xFFFFFD40];
	[tilespmem:v23+s12+$0x0] =	vst.idx.msk $0xffff, v19  }
0x32c: {  	v19 =	vadd.s32 s26, v6;
	[tilespmem:v22+s12+$0x0] =	vst.idx.msk $0xffff, v16;
	v16 =	vld [tilespmem:s25+$0xFFFFFFE0]  }
0x32d: {  	v23 =	vadd.s32 s2, v4;
	v22 =	vld [tilespmem:s25+$0xFFFFFDC0];
	[tilespmem:v20+s12+$0x0] =	vst.idx.msk $0xffff, v17  }
0x32e: {  	v20 =	vadd.s32 s4, v4;
	[tilespmem:v25+s12+$0x0] =	vst.idx.msk $0xffff, v24;
	v17 =	vld [tilespmem:s25+$0xFFFFFE40]  }
0x32f: {  	[tilespmem:v21+s12+$0x0] =	vst.idx.msk $0xffff, v18;
	v18 =	vld [tilespmem:s25+$0xFFFFFEC0];
	v21 =	vadd.s32 s6, v4  }
0x330: {  	v25 =	vadd.s32 s9, v4;
	[tilespmem:v27+s12+$0x0] =	vst.idx.msk $0xffff, v26;
	v24 =	vld [tilespmem:s25+$0xFFFFFF40]  }
0x331: {  	v27 =	vadd.s32 s29, v4;
	v26 =	vld [tilespmem:s25+$0xFFFFFC40];
	[tilespmem:v19+s12+$0x0] =	vst.idx.msk $0xffff, v16  }
0x332: {  	v19 =	vadd.s32 s26, v7;
	[tilespmem:v23+s12+$0x0] =	vst.idx.msk $0xffff, v22;
	v16 =	vld [tilespmem:s25+$0xFFFFFFF0]  }
0x333: {  	v23 =	vadd.s32 s30, v5;
	v22 =	vld [tilespmem:s25+$0xFFFFFCD0];
	[tilespmem:v20+s12+$0x0] =	vst.idx.msk $0xffff, v17  }
0x334: {  	v20 =	vadd.s32 s31, v5;
	v17 =	vld [tilespmem:s25+$0xFFFFFD50];
	[tilespmem:v21+s12+$0x0] =	vst.idx.msk $0xffff, v18  }
0x335: {  	v21 =	vadd.s32 s2, v5;
	v18 =	vld [tilespmem:s25+$0xFFFFFDD0];
	[tilespmem:v25+s12+$0x0] =	vst.idx.msk $0xffff, v24  }
0x336: {  	v25 =	vadd.s32 s4, v5;
	[tilespmem:v27+s12+$0x0] =	vst.idx.msk $0xffff, v26;
	v24 =	vld [tilespmem:s25+$0xFFFFFE50]  }
0x337: {  	v27 =	vadd.s32 s6, v5;
	v26 =	vld [tilespmem:s25+$0xFFFFFED0];
	[tilespmem:v19+s12+$0x0] =	vst.idx.msk $0xffff, v16  }
0x338: {  	v19 =	vadd.s32 s26, v8;
	[tilespmem:v23+s12+$0x0] =	vst.idx.msk $0xffff, v22;
	v16 =	vld [tilespmem:s25+$0x380]  }
0x339: {  	[tilespmem:v20+s12+$0x0] =	vst.idx.msk $0xffff, v17;
	v17 =	vld [tilespmem:s25+$0xFFFFFF50];
	v20 =	vadd.s32 s9, v5  }
0x33a: {  	v23 =	vadd.s32 s29, v5;
	v22 =	vld [tilespmem:s25+$0xFFFFFC50];
	[tilespmem:v21+s12+$0x0] =	vst.idx.msk $0xffff, v18  }
0x33b: {  	v21 =	vadd.s32 s30, v6;
	v18 =	vld [tilespmem:s25+$0xFFFFFCE0];
	[tilespmem:v25+s12+$0x0] =	vst.idx.msk $0xffff, v24  }
0x33c: {  	v25 =	vadd.s32 s31, v6;
	v24 =	vld [tilespmem:s25+$0xFFFFFD60];
	[tilespmem:v27+s12+$0x0] =	vst.idx.msk $0xffff, v26  }
0x33d: {  	v27 =	vadd.s32 s2, v6;
	v26 =	vld [tilespmem:s25+$0xFFFFFDE0];
	[tilespmem:v19+s12+$0x0] =	vst.idx.msk $0xffff, v16  }
0x33e: {  	[tilespmem:v20+s12+$0x0] =	vst.idx.msk $0xffff, v17;
	v16 =	vld [tilespmem:s25+$0x390];
	v17 =	vadd.s32 s26, v9  }
0x33f: {  	v20 =	vadd.s32 s4, v6;
	[tilespmem:v23+s12+$0x0] =	vst.idx.msk $0xffff, v22;
	v19 =	vld [tilespmem:s25+$0xFFFFFE60]  }
0x340: {  	[tilespmem:v21+s12+$0x0] =	vst.idx.msk $0xffff, v18;
	v18 =	vld [tilespmem:s25+$0xFFFFFEE0];
	v21 =	vadd.s32 s6, v6  }
0x341: {  	v23 =	vadd.s32 s9, v6;
	[tilespmem:v25+s12+$0x0] =	vst.idx.msk $0xffff, v24;
	v22 =	vld [tilespmem:s25+$0xFFFFFF60]  }
0x342: {  	v25 =	vadd.s32 s29, v6;
	v24 =	vld [tilespmem:s25+$0xFFFFFC60];
	[tilespmem:v27+s12+$0x0] =	vst.idx.msk $0xffff, v26  }
0x343: {  	v27 =	vadd.s32 s30, v7;
	v26 =	vld [tilespmem:s25+$0xFFFFFCF0];
	[tilespmem:v17+s12+$0x0] =	vst.idx.msk $0xffff, v16  }
0x344: {  	v17 =	vadd.s32 s26, v10;
	[tilespmem:v20+s12+$0x0] =	vst.idx.msk $0xffff, v19;
	v16 =	vld [tilespmem:s25+$0x3A0]  }
0x345: {  	v20 =	vadd.s32 s31, v7;
	v19 =	vld [tilespmem:s25+$0xFFFFFD70];
	[tilespmem:v21+s12+$0x0] =	vst.idx.msk $0xffff, v18  }
0x346: {  	v21 =	vadd.s32 s2, v7;
	v18 =	vld [tilespmem:s25+$0xFFFFFDF0];
	[tilespmem:v23+s12+$0x0] =	vst.idx.msk $0xffff, v22  }
0x347: {  	v23 =	vadd.s32 s4, v7;
	[tilespmem:v25+s12+$0x0] =	vst.idx.msk $0xffff, v24;
	v22 =	vld [tilespmem:s25+$0xFFFFFE70]  }
0x348: {  	v25 =	vadd.s32 s6, v7;
	[tilespmem:v27+s12+$0x0] =	vst.idx.msk $0xffff, v26;
	v24 =	vld [tilespmem:s25+$0xFFFFFEF0]  }
0x349: {  	v27 =	vadd.s32 s9, v7;
	v26 =	vld [tilespmem:s25+$0xFFFFFF70];
	[tilespmem:v17+s12+$0x0] =	vst.idx.msk $0xffff, v16  }
0x34a: {  	v17 =	vadd.s32 s26, v11;
	[tilespmem:v20+s12+$0x0] =	vst.idx.msk $0xffff, v19;
	v16 =	vld [tilespmem:s25+$0x3B0]  }
0x34b: {  	v20 =	vadd.s32 s29, v7;
	v19 =	vld [tilespmem:s25+$0xFFFFFC70];
	[tilespmem:v21+s12+$0x0] =	vst.idx.msk $0xffff, v18  }
0x34c: {  	v21 =	vadd.s32 s30, v8;
	v18 =	vld [tilespmem:s25+$0x80];
	[tilespmem:v23+s12+$0x0] =	vst.idx.msk $0xffff, v22  }
0x34d: {  	v23 =	vadd.s32 s31, v8;
	v22 =	vld [tilespmem:s25+$0x100];
	[tilespmem:v25+s12+$0x0] =	vst.idx.msk $0xffff, v24  }
0x34e: {  	v25 =	vadd.s32 s2, v8;
	v24 =	vld [tilespmem:s25+$0x180];
	[tilespmem:v27+s12+$0x0] =	vst.idx.msk $0xffff, v26  }
0x34f: {  	v27 =	vadd.s32 s4, v8;
	v26 =	vld [tilespmem:s25+$0x200];
	[tilespmem:v17+s12+$0x0] =	vst.idx.msk $0xffff, v16  }
0x350: {  	v17 =	vadd.s32 s26, v12;
	[tilespmem:v20+s12+$0x0] =	vst.idx.msk $0xffff, v19;
	v16 =	vld [tilespmem:s25+$0x3C0]  }
0x351: {  	v19 =	vadd.s32 s6, v8;
	[tilespmem:v21+s12+$0x0] =	vst.idx.msk $0xffff, v18;
	v18 =	vld [tilespmem:s25+$0x280]  }
0x352: {  	v21 =	vadd.s32 s9, v8;
	[tilespmem:v23+s12+$0x0] =	vst.idx.msk $0xffff, v22;
	v20 =	vld [tilespmem:s25+$0x300]  }
0x353: {  	v23 =	vadd.s32 s29, v8;
	v22 =	vld [tilespmem:s25+$0x0];
	[tilespmem:v25+s12+$0x0] =	vst.idx.msk $0xffff, v24  }
0x354: {  	v25 =	vadd.s32 s30, v9;
	v24 =	vld [tilespmem:s25+$0x90];
	[tilespmem:v27+s12+$0x0] =	vst.idx.msk $0xffff, v26  }
0x355: {  	v27 =	vadd.s32 s31, v9;
	v26 =	vld [tilespmem:s25+$0x110];
	[tilespmem:v17+s12+$0x0] =	vst.idx.msk $0xffff, v16  }
0x356: {  	v17 =	vadd.s32 s26, v13;
	[tilespmem:v19+s12+$0x0] =	vst.idx.msk $0xffff, v18;
	v16 =	vld [tilespmem:s25+$0x3D0]  }
0x357: {  	v19 =	vadd.s32 s2, v9;
	v18 =	vld [tilespmem:s25+$0x190];
	[tilespmem:v21+s12+$0x0] =	vst.idx.msk $0xffff, v20  }
0x358: {  	v21 =	vadd.s32 s4, v9;
	[tilespmem:v23+s12+$0x0] =	vst.idx.msk $0xffff, v22;
	v20 =	vld [tilespmem:s25+$0x210]  }
0x359: {  	v23 =	vadd.s32 s6, v9;
	[tilespmem:v25+s12+$0x0] =	vst.idx.msk $0xffff, v24;
	v22 =	vld [tilespmem:s25+$0x290]  }
0x35a: {  	v25 =	vadd.s32 s9, v9;
	[tilespmem:v27+s12+$0x0] =	vst.idx.msk $0xffff, v26;
	v24 =	vld [tilespmem:s25+$0x310]  }
0x35b: {  	v27 =	vadd.s32 s29, v9;
	v26 =	vld [tilespmem:s25+$0x10];
	[tilespmem:v17+s12+$0x0] =	vst.idx.msk $0xffff, v16  }
0x35c: {  	v17 =	vadd.s32 s26, v14;
	[tilespmem:v19+s12+$0x0] =	vst.idx.msk $0xffff, v18;
	v16 =	vld [tilespmem:s25+$0x3E0]  }
0x35d: {  	v19 =	vadd.s32 s30, v10;
	v18 =	vld [tilespmem:s25+$0xA0];
	[tilespmem:v21+s12+$0x0] =	vst.idx.msk $0xffff, v20  }
0x35e: {  	v21 =	vadd.s32 s31, v10;
	v20 =	vld [tilespmem:s25+$0x120];
	[tilespmem:v23+s12+$0x0] =	vst.idx.msk $0xffff, v22  }
0x35f: {  	v23 =	vadd.s32 s2, v10;
	v22 =	vld [tilespmem:s25+$0x1A0];
	[tilespmem:v25+s12+$0x0] =	vst.idx.msk $0xffff, v24  }
0x360: {  	v25 =	vadd.s32 s4, v10;
	[tilespmem:v27+s12+$0x0] =	vst.idx.msk $0xffff, v26;
	v24 =	vld [tilespmem:s25+$0x220]  }
0x361: {  	v27 =	vadd.s32 s6, v10;
	v26 =	vld [tilespmem:s25+$0x2A0];
	[tilespmem:v17+s12+$0x0] =	vst.idx.msk $0xffff, v16  }
0x362: {  	v17 =	vadd.s32 s26, v15;
	[tilespmem:v19+s12+$0x0] =	vst.idx.msk $0xffff, v18;
	v16 =	vld [tilespmem:s25+$0x3F0]  }
0x363: {  	v19 =	vadd.s32 s9, v10;
	[tilespmem:v21+s12+$0x0] =	vst.idx.msk $0xffff, v20;
	v18 =	vld [tilespmem:s25+$0x320]  }
0x364: {  	v21 =	vadd.s32 s29, v10;
	v20 =	vld [tilespmem:s25+$0x20];
	[tilespmem:v23+s12+$0x0] =	vst.idx.msk $0xffff, v22  }
0x365: {  	v23 =	vadd.s32 s30, v11;
	v22 =	vld [tilespmem:s25+$0xB0];
	[tilespmem:v25+s12+$0x0] =	vst.idx.msk $0xffff, v24  }
0x366: {  	v25 =	vadd.s32 s31, v11;
	v24 =	vld [tilespmem:s25+$0x130];
	[tilespmem:v27+s12+$0x0] =	vst.idx.msk $0xffff, v26  }
0x367: {  	v27 =	vadd.s32 s2, v11;
	v26 =	vld [tilespmem:s25+$0x1B0];
	[tilespmem:v17+s12+$0x0] =	vst.idx.msk $0xffff, v16  }
0x368: {  	v17 =	vadd.s32 s4, v11;
	v16 =	vld [tilespmem:s25+$0x230];
	[tilespmem:v19+s12+$0x0] =	vst.idx.msk $0xffff, v18  }
0x369: {  	v19 =	vadd.s32 s6, v11;
	[tilespmem:v21+s12+$0x0] =	vst.idx.msk $0xffff, v20;
	v18 =	vld [tilespmem:s25+$0x2B0]  }
0x36a: {  	v21 =	vadd.s32 s9, v11;
	[tilespmem:v23+s12+$0x0] =	vst.idx.msk $0xffff, v22;
	v20 =	vld [tilespmem:s25+$0x330]  }
0x36b: {  	v23 =	vadd.s32 s29, v11;
	v22 =	vld [tilespmem:s25+$0x30];
	[tilespmem:v25+s12+$0x0] =	vst.idx.msk $0xffff, v24  }
0x36c: {  	v25 =	vadd.s32 s30, v12;
	v24 =	vld [tilespmem:s25+$0xC0];
	[tilespmem:v27+s12+$0x0] =	vst.idx.msk $0xffff, v26  }
0x36d: {  	v27 =	vadd.s32 s31, v12;
	v26 =	vld [tilespmem:s25+$0x140];
	[tilespmem:v17+s12+$0x0] =	vst.idx.msk $0xffff, v16  }
0x36e: {  	v17 =	vadd.s32 s2, v12;
	v16 =	vld [tilespmem:s25+$0x1C0];
	[tilespmem:v19+s12+$0x0] =	vst.idx.msk $0xffff, v18  }
0x36f: {  	v19 =	vadd.s32 s4, v12;
	v18 =	vld [tilespmem:s25+$0x240];
	[tilespmem:v21+s12+$0x0] =	vst.idx.msk $0xffff, v20  }
0x370: {  	v21 =	vadd.s32 s6, v12;
	[tilespmem:v23+s12+$0x0] =	vst.idx.msk $0xffff, v22;
	v20 =	vld [tilespmem:s25+$0x2C0]  }
0x371: {  	v23 =	vadd.s32 s9, v12;
	[tilespmem:v25+s12+$0x0] =	vst.idx.msk $0xffff, v24;
	v22 =	vld [tilespmem:s25+$0x340]  }
0x372: {  	v25 =	vadd.s32 s29, v12;
	v24 =	vld [tilespmem:s25+$0x40];
	[tilespmem:v27+s12+$0x0] =	vst.idx.msk $0xffff, v26  }
0x373: {  	v27 =	vadd.s32 s30, v13;
	v26 =	vld [tilespmem:s25+$0xD0];
	[tilespmem:v17+s12+$0x0] =	vst.idx.msk $0xffff, v16  }
0x374: {  	v17 =	vadd.s32 s31, v13;
	v16 =	vld [tilespmem:s25+$0x150];
	[tilespmem:v19+s12+$0x0] =	vst.idx.msk $0xffff, v18  }
0x375: {  	v19 =	vadd.s32 s2, v13;
	v18 =	vld [tilespmem:s25+$0x1D0];
	[tilespmem:v21+s12+$0x0] =	vst.idx.msk $0xffff, v20  }
0x376: {  	v21 =	vadd.s32 s4, v13;
	v20 =	vld [tilespmem:s25+$0x250];
	[tilespmem:v23+s12+$0x0] =	vst.idx.msk $0xffff, v22  }
0x377: {  	v23 =	vadd.s32 s6, v13;
	[tilespmem:v25+s12+$0x0] =	vst.idx.msk $0xffff, v24;
	v22 =	vld [tilespmem:s25+$0x2D0]  }
0x378: {  	v25 =	vadd.s32 s9, v13;
	[tilespmem:v27+s12+$0x0] =	vst.idx.msk $0xffff, v26;
	v24 =	vld [tilespmem:s25+$0x350]  }
0x379: {  	v27 =	vadd.s32 s29, v13;
	v26 =	vld [tilespmem:s25+$0x50];
	[tilespmem:v17+s12+$0x0] =	vst.idx.msk $0xffff, v16  }
0x37a: {  	v17 =	vadd.s32 s30, v14;
	v16 =	vld [tilespmem:s25+$0xE0];
	[tilespmem:v19+s12+$0x0] =	vst.idx.msk $0xffff, v18  }
0x37b: {  	v19 =	vadd.s32 s31, v14;
	v18 =	vld [tilespmem:s25+$0x160];
	[tilespmem:v21+s12+$0x0] =	vst.idx.msk $0xffff, v20  }
0x37c: {  	v21 =	vadd.s32 s2, v14;
	v20 =	vld [tilespmem:s25+$0x1E0];
	[tilespmem:v23+s12+$0x0] =	vst.idx.msk $0xffff, v22  }
0x37d: {  	v23 =	vadd.s32 s4, v14;
	v22 =	vld [tilespmem:s25+$0x260];
	[tilespmem:v25+s12+$0x0] =	vst.idx.msk $0xffff, v24  }
0x37e: {  	[tilespmem:v27+s12+$0x0] =	vst.idx.msk $0xffff, v26;
	v24 =	vld [tilespmem:s25+$0x2E0];
	v26 =	vadd.s32 s6, v14  }
0x37f: {  	[tilespmem:v17+s12+$0x0] =	vst.idx.msk $0xffff, v16;
	v16 =	vld [tilespmem:s25+$0x360];
	v17 =	vadd.s32 s9, v14  }
0x380: {  	v28 =	vadd.s32 s29, v14;
	v27 =	vld [tilespmem:s25+$0x60];
	[tilespmem:v19+s12+$0x0] =	vst.idx.msk $0xffff, v18  }
0x381: {  	v29 =	vadd.s32 s30, v15;
	v18 =	vld [tilespmem:s25+$0xF0];
	[tilespmem:v21+s12+$0x0] =	vst.idx.msk $0xffff, v20  }
0x382: {  	v31 =	vadd.s32 s31, v15;
	v30 =	vld [tilespmem:s25+$0x170];
	[tilespmem:v23+s12+$0x0] =	vst.idx.msk $0xffff, v22  }
.Ltmp5:
0x383: {  	v25 =	vadd.s32 s2, v15;
	v23 =	vld [tilespmem:s25+$0x1F0];
	[tilespmem:v26+s12+$0x0] =	vst.idx.msk $0xffff, v24;
	(pc) =	sbr.rel @p0 .LBB2_9-.Ltmp5, $4  }
0x384: {  	v24 =	vadd.s32 s4, v15;
	v19 =	vld [tilespmem:s25+$0x270];
	[tilespmem:v17+s12+$0x0] =	vst.idx.msk $0xffff, v16  }
0x385: {  	v22 =	vadd.s32 s6, v15;
	[tilespmem:v28+s12+$0x0] =	vst.idx.msk $0xffff, v27;
	v16 =	vld [tilespmem:s25+$0x2F0]  }
0x386: {  	v20 =	vadd.s32 s9, v15;
	[tilespmem:v29+s12+$0x0] =	vst.idx.msk $0xffff, v18;
	v17 =	vld [tilespmem:s25+$0x370]  }
0x387: {  	s28 =	sadd.s32 $0x8, s28;
	s26 =	sadd.s32 $0x7, s24;
	v21 =	vadd.s32 s29, v15;
	v18 =	vld [tilespmem:s25+$0x70];
	[tilespmem:v31+s12+$0x0] =	vst.idx.msk $0xffff, v30;
	s25 =	sadd.s32 $0x800, s25  }
0x388: {  	_ =	sdelay $0x3  }
0x389: {  	v26 =	vld [tilespmem:s25+$0xFFFFFF80];
	v27 =	vadd.s32 s26, v0;
	[tilespmem:v25+s12+$0x0] =	vst.idx.msk $0xffff, v23  }
0x38a: {  	s2 =	sadd.s32 $0x1, s24;
	v58 =	vld [tilespmem:s25+$0xFFFFFC00];
	v59 =	vadd.s32 s24, v0;
	[tilespmem:v24+s12+$0x0] =	vst.idx.msk $0xffff, v19  }
0x38b: {  	v23 =	vld [tilespmem:s25+$0xFFFFFC80];
	s4 =	sadd.s32 $0x2, s24;
	v54 =	vadd.s32 s2, v0;
	[tilespmem:v22+s12+$0x0] =	vst.idx.msk $0xffff, v16  }
0x38c: {  	s6 =	sadd.s32 $0x3, s24;
	v19 =	vld [tilespmem:s25+$0xFFFFFD00];
	v55 =	vadd.s32 s4, v0;
	[tilespmem:v20+s12+$0x0] =	vst.idx.msk $0xffff, v17  }
0x38d: {  	s9 =	sadd.s32 $0x4, s24;
	v16 =	vld [tilespmem:s25+$0xFFFFFD80];
	v22 =	vadd.s32 s6, v0;
	[tilespmem:v21+s12+$0x0] =	vst.idx.msk $0xffff, v18  }
0x38e: {  	s28 =	sadd.s32 $0x5, s24;
	v17 =	vld [tilespmem:s25+$0xFFFFFE00];
	v20 =	vadd.s32 s9, v0;
	[tilespmem:v27+s12+$0x0] =	vst.idx.msk $0xffff, v26  }
0x38f: {  	v18 =	vld [tilespmem:s25+$0xFFFFFE80];
	v21 =	vadd.s32 s28, v0;
	[tilespmem:v59+s12+$0x0] =	vst.idx.msk $0xffff, v58  }
0x390: {  	s29 =	sadd.s32 $0x6, s24;
	v56 =	vadd.s32 s26, v1;
	[tilespmem:v54+s12+$0x0] =	vst.idx.msk $0xffff, v23;
	v23 =	vld [tilespmem:s25+$0xFFFFFF90]  }
0x391: {  	v57 =	vadd.s32 s29, v0;
	[tilespmem:v55+s12+$0x0] =	vst.idx.msk $0xffff, v19;
	v19 =	vld [tilespmem:s25+$0xFFFFFF00]  }
0x392: {  	[tilespmem:v22+s12+$0x0] =	vst.idx.msk $0xffff, v16;
	v16 =	vld [tilespmem:s25+$0xFFFFFC90];
	v22 =	vadd.s32 s2, v1  }
0x393: {  	v62 =	vadd.s32 s24, v1;
	v26 =	vld [tilespmem:s25+$0xFFFFFC10];
	[tilespmem:v20+s12+$0x0] =	vst.idx.msk $0xffff, v17  }
0x394: {  	v17 =	vld [tilespmem:s25+$0xFFFFFD10];
	v20 =	vadd.s32 s4, v1;
	[tilespmem:v21+s12+$0x0] =	vst.idx.msk $0xffff, v18  }
0x395: {  	v18 =	vld [tilespmem:s25+$0xFFFFFD90];
	v21 =	vadd.s32 s6, v1;
	[tilespmem:v56+s12+$0x0] =	vst.idx.msk $0xffff, v23  }
0x396: {  	[tilespmem:v57+s12+$0x0] =	vst.idx.msk $0xffff, v19;
	v23 =	vadd.s32 s26, v2;
	v19 =	vld [tilespmem:s25+$0xFFFFFFA0]  }
0x397: {  	[tilespmem:v22+s12+$0x0] =	vst.idx.msk $0xffff, v16;
	v16 =	vld [tilespmem:s25+$0xFFFFFE90];
	v22 =	vadd.s32 s28, v1  }
0x398: {  	v61 =	vadd.s32 s9, v1;
	v60 =	vld [tilespmem:s25+$0xFFFFFE10];
	[tilespmem:v62+s12+$0x0] =	vst.idx.msk $0xffff, v26  }
0x399: {  	[tilespmem:v20+s12+$0x0] =	vst.idx.msk $0xffff, v17;
	v17 =	vld [tilespmem:s25+$0xFFFFFF10];
	v20 =	vadd.s32 s29, v1  }
0x39a: {  	[tilespmem:v21+s12+$0x0] =	vst.idx.msk $0xffff, v18;
	v18 =	vld [tilespmem:s25+$0xFFFFFCA0];
	v21 =	vadd.s32 s2, v2  }
0x39b: {  	v30 =	vadd.s32 s4, v2;
	v63 =	vld [tilespmem:s25+$0xFFFFFD20];
	[tilespmem:v23+s12+$0x0] =	vst.idx.msk $0xffff, v19  }
0x39c: {  	[tilespmem:v22+s12+$0x0] =	vst.idx.msk $0xffff, v16;
	v16 =	vld [tilespmem:s25+$0xFFFFFDA0];
	v22 =	vadd.s32 s6, v2  }
0x39d: {  	[tilespmem:v61+s12+$0x0] =	vst.idx.msk $0xffff, v60;
	v23 =	vadd.s32 s26, v3;
	v19 =	vld [tilespmem:s25+$0xFFFFFFB0]  }
0x39e: {  	[tilespmem:v20+s12+$0x0] =	vst.idx.msk $0xffff, v17;
	v17 =	vld [tilespmem:s25+$0xFFFFFE20];
	v20 =	vadd.s32 s9, v2  }
0x39f: {  	v34 =	vadd.s32 s24, v2;
	v33 =	vld [tilespmem:s25+$0xFFFFFC20];
	[tilespmem:v21+s12+$0x0] =	vst.idx.msk $0xffff, v18  }
0x3a0: {  	v18 =	vld [tilespmem:s25+$0xFFFFFEA0];
	v21 =	vadd.s32 s28, v2;
	[tilespmem:v30+s12+$0x0] =	vst.idx.msk $0xffff, v63  }
0x3a1: {  	v32 =	vadd.s32 s29, v2;
	v31 =	vld [tilespmem:s25+$0xFFFFFF20];
	[tilespmem:v22+s12+$0x0] =	vst.idx.msk $0xffff, v16  }
0x3a2: {  	v16 =	vld [tilespmem:s25+$0xFFFFFCB0];
	v22 =	vadd.s32 s2, v3;
	[tilespmem:v23+s12+$0x0] =	vst.idx.msk $0xffff, v19  }
0x3a3: {  	[tilespmem:v20+s12+$0x0] =	vst.idx.msk $0xffff, v17;
	v17 =	vld [tilespmem:s25+$0xFFFFFD30];
	v20 =	vadd.s32 s4, v3  }
0x3a4: {  	[tilespmem:v34+s12+$0x0] =	vst.idx.msk $0xffff, v33;
	v23 =	vadd.s32 s26, v4;
	v19 =	vld [tilespmem:s25+$0xFFFFFFC0]  }
0x3a5: {  	[tilespmem:v21+s12+$0x0] =	vst.idx.msk $0xffff, v18;
	v18 =	vld [tilespmem:s25+$0xFFFFFDB0];
	v21 =	vadd.s32 s6, v3  }
0x3a6: {  	v37 =	vadd.s32 s24, v3;
	v24 =	vld [tilespmem:s25+$0xFFFFFC30];
	[tilespmem:v32+s12+$0x0] =	vst.idx.msk $0xffff, v31  }
0x3a7: {  	v36 =	vadd.s32 s9, v3;
	v35 =	vld [tilespmem:s25+$0xFFFFFE30];
	[tilespmem:v22+s12+$0x0] =	vst.idx.msk $0xffff, v16  }
0x3a8: {  	v16 =	vld [tilespmem:s25+$0xFFFFFEB0];
	v22 =	vadd.s32 s28, v3;
	[tilespmem:v20+s12+$0x0] =	vst.idx.msk $0xffff, v17  }
0x3a9: {  	v17 =	vld [tilespmem:s25+$0xFFFFFF30];
	v20 =	vadd.s32 s29, v3;
	[tilespmem:v23+s12+$0x0] =	vst.idx.msk $0xffff, v19  }
0x3aa: {  	[tilespmem:v21+s12+$0x0] =	vst.idx.msk $0xffff, v18;
	v18 =	vld [tilespmem:s25+$0xFFFFFCC0];
	v21 =	vadd.s32 s2, v4  }
0x3ab: {  	[tilespmem:v37+s12+$0x0] =	vst.idx.msk $0xffff, v24;
	v23 =	vadd.s32 s26, v5;
	v19 =	vld [tilespmem:s25+$0xFFFFFFD0]  }
0x3ac: {  	v43 =	vadd.s32 s24, v4;
	v42 =	vld [tilespmem:s25+$0xFFFFFC40];
	[tilespmem:v36+s12+$0x0] =	vst.idx.msk $0xffff, v35  }
0x3ad: {  	v39 =	vadd.s32 s4, v4;
	v38 =	vld [tilespmem:s25+$0xFFFFFD40];
	[tilespmem:v22+s12+$0x0] =	vst.idx.msk $0xffff, v16  }
0x3ae: {  	[tilespmem:v20+s12+$0x0] =	vst.idx.msk $0xffff, v17;
	v17 =	vld [tilespmem:s25+$0xFFFFFE40];
	v20 =	vadd.s32 s9, v4  }
0x3af: {  	[tilespmem:v21+s12+$0x0] =	vst.idx.msk $0xffff, v18;
	v18 =	vld [tilespmem:s25+$0xFFFFFEC0];
	v21 =	vadd.s32 s28, v4  }
0x3b0: {  	v22 =	vld [tilespmem:s25+$0xFFFFFDC0];
	[tilespmem:v23+s12+$0x0] =	vst.idx.msk $0xffff, v19;
	v23 =	vadd.s32 s6, v4  }
0x3b1: {  	[tilespmem:v43+s12+$0x0] =	vst.idx.msk $0xffff, v42;
	v19 =	vadd.s32 s26, v6;
	v16 =	vld [tilespmem:s25+$0xFFFFFFE0]  }
0x3b2: {  	v41 =	vadd.s32 s29, v4;
	[tilespmem:v39+s12+$0x0] =	vst.idx.msk $0xffff, v38;
	v40 =	vld [tilespmem:s25+$0xFFFFFF40]  }
0x3b3: {  	[tilespmem:v20+s12+$0x0] =	vst.idx.msk $0xffff, v17;
	v17 =	vld [tilespmem:s25+$0xFFFFFD50];
	v20 =	vadd.s32 s4, v5  }
0x3b4: {  	v45 =	vadd.s32 s9, v5;
	[tilespmem:v21+s12+$0x0] =	vst.idx.msk $0xffff, v18;
	v44 =	vld [tilespmem:s25+$0xFFFFFE50]  }
0x3b5: {  	[tilespmem:v23+s12+$0x0] =	vst.idx.msk $0xffff, v22;
	v22 =	vld [tilespmem:s25+$0xFFFFFCD0];
	v23 =	vadd.s32 s2, v5  }
0x3b6: {  	v21 =	vadd.s32 s6, v5;
	[tilespmem:v19+s12+$0x0] =	vst.idx.msk $0xffff, v16;
	v18 =	vld [tilespmem:s25+$0xFFFFFDD0]  }
0x3b7: {  	[tilespmem:v41+s12+$0x0] =	vst.idx.msk $0xffff, v40;
	v19 =	vadd.s32 s26, v7;
	v16 =	vld [tilespmem:s25+$0xFFFFFFF0]  }
0x3b8: {  	v47 =	vadd.s32 s28, v5;
	v46 =	vld [tilespmem:s25+$0xFFFFFED0];
	[tilespmem:v20+s12+$0x0] =	vst.idx.msk $0xffff, v17  }
0x3b9: {  	v17 =	vld [tilespmem:s25+$0xFFFFFF50];
	v20 =	vadd.s32 s29, v5;
	[tilespmem:v45+s12+$0x0] =	vst.idx.msk $0xffff, v44  }
0x3ba: {  	[tilespmem:v23+s12+$0x0] =	vst.idx.msk $0xffff, v22;
	v22 =	vld [tilespmem:s25+$0xFFFFFC50];
	v23 =	vadd.s32 s24, v5  }
0x3bb: {  	[tilespmem:v21+s12+$0x0] =	vst.idx.msk $0xffff, v18;
	v18 =	vld [tilespmem:s25+$0xFFFFFCE0];
	v21 =	vadd.s32 s2, v6  }
0x3bc: {  	v49 =	vadd.s32 s4, v6;
	v48 =	vld [tilespmem:s25+$0xFFFFFD60];
	[tilespmem:v19+s12+$0x0] =	vst.idx.msk $0xffff, v16  }
0x3bd: {  	[tilespmem:v47+s12+$0x0] =	vst.idx.msk $0xffff, v46;
	v19 =	vadd.s32 s26, v8;
	v16 =	vld [tilespmem:s25+$0x380]  }
0x3be: {  	v51 =	vadd.s32 s6, v6;
	v50 =	vld [tilespmem:s25+$0xFFFFFDE0];
	[tilespmem:v20+s12+$0x0] =	vst.idx.msk $0xffff, v17  }
0x3bf: {  	[tilespmem:v23+s12+$0x0] =	vst.idx.msk $0xffff, v22;
	v22 =	vld [tilespmem:s25+$0xFFFFFF60];
	v23 =	vadd.s32 s29, v6  }
0x3c0: {  	[tilespmem:v21+s12+$0x0] =	vst.idx.msk $0xffff, v18;
	v18 =	vld [tilespmem:s25+$0xFFFFFEE0];
	v21 =	vadd.s32 s28, v6  }
0x3c1: {  	v53 =	vadd.s32 s24, v6;
	[tilespmem:v49+s12+$0x0] =	vst.idx.msk $0xffff, v48;
	v52 =	vld [tilespmem:s25+$0xFFFFFC60]  }
0x3c2: {  	v20 =	vadd.s32 s9, v6;
	[tilespmem:v19+s12+$0x0] =	vst.idx.msk $0xffff, v16;
	v19 =	vld [tilespmem:s25+$0xFFFFFE60]  }
0x3c3: {  	v17 =	vadd.s32 s26, v9;
	[tilespmem:v51+s12+$0x0] =	vst.idx.msk $0xffff, v50;
	v16 =	vld [tilespmem:s25+$0x390]  }
0x3c4: {  	v55 =	vadd.s32 s2, v7;
	v54 =	vld [tilespmem:s25+$0xFFFFFCF0];
	[tilespmem:v23+s12+$0x0] =	vst.idx.msk $0xffff, v22  }
0x3c5: {  	[tilespmem:v21+s12+$0x0] =	vst.idx.msk $0xffff, v18;
	v18 =	vld [tilespmem:s25+$0xFFFFFDF0];
	v21 =	vadd.s32 s6, v7  }
0x3c6: {  	v59 =	vadd.s32 s29, v7;
	[tilespmem:v53+s12+$0x0] =	vst.idx.msk $0xffff, v52;
	v58 =	vld [tilespmem:s25+$0xFFFFFF70]  }
0x3c7: {  	[tilespmem:v20+s12+$0x0] =	vst.idx.msk $0xffff, v19;
	v19 =	vld [tilespmem:s25+$0xFFFFFD70];
	v20 =	vadd.s32 s4, v7  }
0x3c8: {  	v23 =	vadd.s32 s9, v7;
	[tilespmem:v17+s12+$0x0] =	vst.idx.msk $0xffff, v16;
	v22 =	vld [tilespmem:s25+$0xFFFFFE70]  }
0x3c9: {  	[tilespmem:v55+s12+$0x0] =	vst.idx.msk $0xffff, v54;
	v17 =	vadd.s32 s26, v10;
	v16 =	vld [tilespmem:s25+$0x3A0]  }
0x3ca: {  	v57 =	vadd.s32 s28, v7;
	v56 =	vld [tilespmem:s25+$0xFFFFFEF0];
	[tilespmem:v21+s12+$0x0] =	vst.idx.msk $0xffff, v18  }
0x3cb: {  	v18 =	vld [tilespmem:s25+$0x80];
	v21 =	vadd.s32 s2, v8;
	[tilespmem:v59+s12+$0x0] =	vst.idx.msk $0xffff, v58  }
0x3cc: {  	v61 =	vadd.s32 s6, v8;
	v60 =	vld [tilespmem:s25+$0x180];
	[tilespmem:v20+s12+$0x0] =	vst.idx.msk $0xffff, v19  }
0x3cd: {  	v19 =	vld [tilespmem:s25+$0xFFFFFC70];
	v20 =	vadd.s32 s24, v7;
	[tilespmem:v23+s12+$0x0] =	vst.idx.msk $0xffff, v22  }
0x3ce: {  	v22 =	vld [tilespmem:s25+$0x100];
	v23 =	vadd.s32 s4, v8;
	[tilespmem:v17+s12+$0x0] =	vst.idx.msk $0xffff, v16  }
0x3cf: {  	[tilespmem:v57+s12+$0x0] =	vst.idx.msk $0xffff, v56;
	v17 =	vadd.s32 s26, v11;
	v16 =	vld [tilespmem:s25+$0x3B0]  }
0x3d0: {  	v63 =	vadd.s32 s9, v8;
	v62 =	vld [tilespmem:s25+$0x200];
	[tilespmem:v21+s12+$0x0] =	vst.idx.msk $0xffff, v18  }
0x3d1: {  	v31 =	vadd.s32 s2, v9;
	[tilespmem:v61+s12+$0x0] =	vst.idx.msk $0xffff, v60;
	v30 =	vld [tilespmem:s25+$0x90]  }
0x3d2: {  	v21 =	vadd.s32 s29, v8;
	[tilespmem:v20+s12+$0x0] =	vst.idx.msk $0xffff, v19;
	v20 =	vld [tilespmem:s25+$0x300]  }
0x3d3: {  	v18 =	vld [tilespmem:s25+$0x280];
	v19 =	vadd.s32 s28, v8;
	[tilespmem:v23+s12+$0x0] =	vst.idx.msk $0xffff, v22  }
0x3d4: {  	v22 =	vld [tilespmem:s25+$0x0];
	v23 =	vadd.s32 s24, v8;
	[tilespmem:v17+s12+$0x0] =	vst.idx.msk $0xffff, v16  }
0x3d5: {  	[tilespmem:v63+s12+$0x0] =	vst.idx.msk $0xffff, v62;
	v17 =	vadd.s32 s26, v12;
	v16 =	vld [tilespmem:s25+$0x3C0]  }
0x3d6: {  	v33 =	vadd.s32 s4, v9;
	v32 =	vld [tilespmem:s25+$0x110];
	[tilespmem:v31+s12+$0x0] =	vst.idx.msk $0xffff, v30  }
0x3d7: {  	[tilespmem:v21+s12+$0x0] =	vst.idx.msk $0xffff, v20;
	v20 =	vld [tilespmem:s25+$0x210];
	v21 =	vadd.s32 s9, v9  }
0x3d8: {  	[tilespmem:v19+s12+$0x0] =	vst.idx.msk $0xffff, v18;
	v18 =	vld [tilespmem:s25+$0x190];
	v19 =	vadd.s32 s6, v9  }
0x3d9: {  	[tilespmem:v23+s12+$0x0] =	vst.idx.msk $0xffff, v22;
	v22 =	vld [tilespmem:s25+$0x290];
	v23 =	vadd.s32 s28, v9  }
0x3da: {  	v37 =	vadd.s32 s24, v9;
	v36 =	vld [tilespmem:s25+$0x10];
	[tilespmem:v17+s12+$0x0] =	vst.idx.msk $0xffff, v16  }
0x3db: {  	[tilespmem:v33+s12+$0x0] =	vst.idx.msk $0xffff, v32;
	v17 =	vadd.s32 s26, v13;
	v16 =	vld [tilespmem:s25+$0x3D0]  }
0x3dc: {  	[tilespmem:v21+s12+$0x0] =	vst.idx.msk $0xffff, v20;
	v20 =	vld [tilespmem:s25+$0x120];
	v21 =	vadd.s32 s4, v10  }
0x3dd: {  	[tilespmem:v19+s12+$0x0] =	vst.idx.msk $0xffff, v18;
	v18 =	vld [tilespmem:s25+$0xA0];
	v19 =	vadd.s32 s2, v10  }
0x3de: {  	[tilespmem:v23+s12+$0x0] =	vst.idx.msk $0xffff, v22;
	v22 =	vld [tilespmem:s25+$0x1A0];
	v23 =	vadd.s32 s6, v10  }
0x3df: {  	v35 =	vadd.s32 s29, v9;
	v34 =	vld [tilespmem:s25+$0x310];
	[tilespmem:v37+s12+$0x0] =	vst.idx.msk $0xffff, v36  }
0x3e0: {  	v39 =	vadd.s32 s9, v10;
	v38 =	vld [tilespmem:s25+$0x220];
	[tilespmem:v17+s12+$0x0] =	vst.idx.msk $0xffff, v16  }
0x3e1: {  	[tilespmem:v21+s12+$0x0] =	vst.idx.msk $0xffff, v20;
	v20 =	vld [tilespmem:s25+$0x20];
	v21 =	vadd.s32 s24, v10  }
0x3e2: {  	v17 =	vadd.s32 s26, v14;
	[tilespmem:v19+s12+$0x0] =	vst.idx.msk $0xffff, v18;
	v16 =	vld [tilespmem:s25+$0x3E0]  }
0x3e3: {  	[tilespmem:v23+s12+$0x0] =	vst.idx.msk $0xffff, v22;
	v22 =	vld [tilespmem:s25+$0xB0];
	v23 =	vadd.s32 s2, v11  }
0x3e4: {  	v41 =	vadd.s32 s28, v10;
	[tilespmem:v35+s12+$0x0] =	vst.idx.msk $0xffff, v34;
	v40 =	vld [tilespmem:s25+$0x2A0]  }
0x3e5: {  	v18 =	vld [tilespmem:s25+$0x320];
	v19 =	vadd.s32 s29, v10;
	[tilespmem:v39+s12+$0x0] =	vst.idx.msk $0xffff, v38  }
0x3e6: {  	v43 =	vadd.s32 s4, v11;
	v42 =	vld [tilespmem:s25+$0x130];
	[tilespmem:v21+s12+$0x0] =	vst.idx.msk $0xffff, v20  }
0x3e7: {  	v45 =	vadd.s32 s6, v11;
	v44 =	vld [tilespmem:s25+$0x1B0];
	[tilespmem:v17+s12+$0x0] =	vst.idx.msk $0xffff, v16  }
0x3e8: {  	[tilespmem:v23+s12+$0x0] =	vst.idx.msk $0xffff, v22;
	v22 =	vld [tilespmem:s25+$0x30];
	v23 =	vadd.s32 s24, v11  }
0x3e9: {  	[tilespmem:v41+s12+$0x0] =	vst.idx.msk $0xffff, v40;
	v17 =	vadd.s32 s26, v15;
	v16 =	vld [tilespmem:s25+$0x3F0]  }
0x3ea: {  	[tilespmem:v19+s12+$0x0] =	vst.idx.msk $0xffff, v18;
	v18 =	vld [tilespmem:s25+$0x2B0];
	v19 =	vadd.s32 s28, v11  }
0x3eb: {  	v21 =	vadd.s32 s29, v11;
	v20 =	vld [tilespmem:s25+$0x330];
	[tilespmem:v43+s12+$0x0] =	vst.idx.msk $0xffff, v42  }
0x3ec: {  	v47 =	vadd.s32 s2, v12;
	v46 =	vld [tilespmem:s25+$0xC0];
	[tilespmem:v45+s12+$0x0] =	vst.idx.msk $0xffff, v44  }
0x3ed: {  	v49 =	vadd.s32 s4, v12;
	v48 =	vld [tilespmem:s25+$0x140];
	[tilespmem:v23+s12+$0x0] =	vst.idx.msk $0xffff, v22  }
0x3ee: {  	[tilespmem:v17+s12+$0x0] =	vst.idx.msk $0xffff, v16;
	v16 =	vld [tilespmem:s25+$0x230];
	v17 =	vadd.s32 s9, v11  }
0x3ef: {  	v51 =	vadd.s32 s24, v12;
	[tilespmem:v19+s12+$0x0] =	vst.idx.msk $0xffff, v18;
	v50 =	vld [tilespmem:s25+$0x40]  }
0x3f0: {  	[tilespmem:v21+s12+$0x0] =	vst.idx.msk $0xffff, v20;
	v20 =	vld [tilespmem:s25+$0x2C0];
	v21 =	vadd.s32 s28, v12  }
0x3f1: {  	v23 =	vadd.s32 s29, v12;
	[tilespmem:v47+s12+$0x0] =	vst.idx.msk $0xffff, v46;
	v22 =	vld [tilespmem:s25+$0x340]  }
0x3f2: {  	v53 =	vadd.s32 s2, v13;
	[tilespmem:v49+s12+$0x0] =	vst.idx.msk $0xffff, v48;
	v52 =	vld [tilespmem:s25+$0xD0]  }
0x3f3: {  	[tilespmem:v17+s12+$0x0] =	vst.idx.msk $0xffff, v16;
	v16 =	vld [tilespmem:s25+$0x1C0];
	v17 =	vadd.s32 s6, v12  }
0x3f4: {  	v19 =	vadd.s32 s9, v12;
	[tilespmem:v51+s12+$0x0] =	vst.idx.msk $0xffff, v50;
	v18 =	vld [tilespmem:s25+$0x240]  }
0x3f5: {  	v57 =	vadd.s32 s24, v13;
	[tilespmem:v21+s12+$0x0] =	vst.idx.msk $0xffff, v20;
	v56 =	vld [tilespmem:s25+$0x50]  }
0x3f6: {  	[tilespmem:v23+s12+$0x0] =	vst.idx.msk $0xffff, v22;
	v22 =	vld [tilespmem:s25+$0x2D0];
	v23 =	vadd.s32 s28, v13  }
0x3f7: {  	v55 =	vadd.s32 s29, v13;
	[tilespmem:v53+s12+$0x0] =	vst.idx.msk $0xffff, v52;
	v54 =	vld [tilespmem:s25+$0x350]  }
0x3f8: {  	[tilespmem:v17+s12+$0x0] =	vst.idx.msk $0xffff, v16;
	v16 =	vld [tilespmem:s25+$0x150];
	v17 =	vadd.s32 s4, v13  }
0x3f9: {  	[tilespmem:v19+s12+$0x0] =	vst.idx.msk $0xffff, v18;
	v18 =	vld [tilespmem:s25+$0x1D0];
	v19 =	vadd.s32 s6, v13  }
0x3fa: {  	v21 =	vadd.s32 s9, v13;
	[tilespmem:v57+s12+$0x0] =	vst.idx.msk $0xffff, v56;
	v20 =	vld [tilespmem:s25+$0x250]  }
0x3fb: {  	v60 =	vadd.s32 s24, v14;
	[tilespmem:v23+s12+$0x0] =	vst.idx.msk $0xffff, v22;
	v26 =	vld [tilespmem:s25+$0x60]  }
0x3fc: {  	v59 =	vadd.s32 s28, v14;
	[tilespmem:v55+s12+$0x0] =	vst.idx.msk $0xffff, v54;
	v58 =	vld [tilespmem:s25+$0x2E0]  }
0x3fd: {  	[tilespmem:v17+s12+$0x0] =	vst.idx.msk $0xffff, v16;
	v16 =	vld [tilespmem:s25+$0xE0];
	v17 =	vadd.s32 s2, v14  }
0x3fe: {  	[tilespmem:v19+s12+$0x0] =	vst.idx.msk $0xffff, v18;
	v18 =	vld [tilespmem:s25+$0x160];
	v19 =	vadd.s32 s4, v14  }
0x3ff: {  	[tilespmem:v21+s12+$0x0] =	vst.idx.msk $0xffff, v20;
	v20 =	vld [tilespmem:s25+$0x1E0];
	v21 =	vadd.s32 s6, v14  }
0x400: {  	v23 =	vadd.s32 s9, v14;
	[tilespmem:v60+s12+$0x0] =	vst.idx.msk $0xffff, v26;
	v22 =	vld [tilespmem:s25+$0x260]  }
0x401: {  	v63 =	vadd.s32 s24, v15;
	[tilespmem:v59+s12+$0x0] =	vst.idx.msk $0xffff, v58;
	v26 =	vld [tilespmem:s25+$0x70]  }
0x402: {  	[tilespmem:v17+s12+$0x0] =	vst.idx.msk $0xffff, v16;
	v16 =	vld [tilespmem:s25+$0x360];
	v17 =	vadd.s32 s29, v14  }
0x403: {  	[tilespmem:v19+s12+$0x0] =	vst.idx.msk $0xffff, v18;
	v18 =	vld [tilespmem:s25+$0xF0];
	v19 =	vadd.s32 s2, v15  }
0x404: {  	[tilespmem:v21+s12+$0x0] =	vst.idx.msk $0xffff, v20;
	v20 =	vld [tilespmem:s25+$0x170];
	v21 =	vadd.s32 s4, v15  }
0x405: {  	[tilespmem:v23+s12+$0x0] =	vst.idx.msk $0xffff, v22;
	v22 =	vld [tilespmem:s25+$0x1F0];
	v23 =	vadd.s32 s6, v15  }
0x406: {  	v62 =	vadd.s32 s9, v15;
	[tilespmem:v63+s12+$0x0] =	vst.idx.msk $0xffff, v26;
	v61 =	vld [tilespmem:s25+$0x270]  }
0x407: {  	[tilespmem:v17+s12+$0x0] =	vst.idx.msk $0xffff, v16;
	v16 =	vld [tilespmem:s25+$0x2F0];
	v17 =	vadd.s32 s28, v15  }
0x408: {  	[tilespmem:v19+s12+$0x0] =	vst.idx.msk $0xffff, v18;
	v18 =	vld [tilespmem:s25+$0x370];
	v19 =	vadd.s32 s29, v15  }
0x409: {  	[tilespmem:v21+s12+$0x0] =	vst.idx.msk $0xffff, v20  }
0x40a: {  	[tilespmem:v23+s12+$0x0] =	vst.idx.msk $0xffff, v22  }
0x40b: {  	[tilespmem:v62+s12+$0x0] =	vst.idx.msk $0xffff, v61  }
0x40c: {  	[tilespmem:v17+s12+$0x0] =	vst.idx.msk $0xffff, v16  }
0x40d: {  	s31 =	simm.s32 $0x8114;
	[tilespmem:v19+s12+$0x0] =	vst.idx.msk $0xffff, v18  }
0x40e: {  	v16 =	vld [tilespmem:s31+$0xCF]  }
0x40f: {  	v17 =	vld [tilespmem:s31+$0xFFFFFF31]  }
0x410: {  	v18 =	vld [tilespmem:s31+$0xFFFFFF76]  }
0x411: {  	v19 =	vld [tilespmem:s31+$0xFFFFFFBB]  }
0x412: {  	s6 =	simm.s32 $0xC740;
	v20 =	vld [tilespmem:s31+$0x0]  }
0x413: {  	v21 =	vld [tilespmem:s31+$0x45];
	[tilespmem:s6+$0x180] =	vst v16  }
0x414: {  	[tilespmem:s6+$0xFFFFFE80] =	vst v17;
	v17 =	vld [tilespmem:s31+$0x8A]  }
0x415: {  	[tilespmem:s6+$0xFFFFFF00] =	vst v18;
	v18 =	vld [tilespmem:s31+$0xFFFFFEEC]  }
0x416: {  	[tilespmem:s6+$0xFFFFFF80] =	vst v19;
	v16 =	vld [tilespmem:s31+$0xDF]  }
0x417: {  	[tilespmem:s6+$0x0] =	vst v20;
	v19 =	vld [tilespmem:s31+$0xFFFFFF41]  }
0x418: {  	[tilespmem:s6+$0x80] =	vst v21;
	v20 =	vld [tilespmem:s31+$0xFFFFFF86]  }
0x419: {  	v21 =	vld [tilespmem:s31+$0xFFFFFFCB];
	[tilespmem:s6+$0x100] =	vst v17  }
0x41a: {  	[tilespmem:s6+$0xFFFFFE00] =	vst v18;
	v17 =	vld [tilespmem:s31+$0x10]  }
0x41b: {  	[tilespmem:s6+$0x190] =	vst v16;
	v18 =	vld [tilespmem:s31+$0xFFFFFEFC]  }
0x41c: {  	[tilespmem:s6+$0xFFFFFE90] =	vst v19;
	v19 =	vld [tilespmem:s31+$0x55]  }
0x41d: {  	[tilespmem:s6+$0xFFFFFF10] =	vst v20;
	v20 =	vld [tilespmem:s31+$0x9A]  }
0x41e: {  	[tilespmem:s6+$0xFFFFFF90] =	vst v21;
	v16 =	vld [tilespmem:s31+$0xEF]  }
0x41f: {  	v21 =	vld [tilespmem:s31+$0xFFFFFF51];
	[tilespmem:s6+$0x10] =	vst v17  }
0x420: {  	v17 =	vld [tilespmem:s31+$0xFFFFFF96];
	[tilespmem:s6+$0xFFFFFE10] =	vst v18  }
0x421: {  	[tilespmem:s6+$0x90] =	vst v19;
	v19 =	vld [tilespmem:s31+$0xFFFFFFDB]  }
0x422: {  	[tilespmem:s6+$0x110] =	vst v20;
	v18 =	vld [tilespmem:s31+$0xFFFFFF0C]  }
0x423: {  	v20 =	vld [tilespmem:s31+$0x20];
	[tilespmem:s6+$0x1A0] =	vst v16  }
0x424: {  	[tilespmem:s6+$0xFFFFFEA0] =	vst v21;
	v16 =	vld [tilespmem:s31+$0xFF]  }
0x425: {  	v21 =	vld [tilespmem:s31+$0x65];
	[tilespmem:s6+$0xFFFFFF20] =	vst v17  }
0x426: {  	v22 =	vld [tilespmem:s31+$0xAA];
	[tilespmem:s6+$0xFFFFFFA0] =	vst v19  }
0x427: {  	v23 =	vld [tilespmem:s31+$0xFFFFFF61];
	[tilespmem:s6+$0xFFFFFE20] =	vst v18  }
0x428: {  	p0 =	por $0x1, $0x1;
	[tilespmem:s6+$0x20] =	vst v20;
	v24 =	vld [tilespmem:s31+$0xFFFFFF1C]  }
.Ltmp6:
0x429: {  	[tilespmem:s6+$0x1B0] =	vst v16;
	v16 =	vld [tilespmem:s31+$0xFFFFFFA6];
	(pc) =	sbr.rel @!p0 .LBB2_12-.Ltmp6, $4  }
0x42a: {  	v17 =	vld [tilespmem:s31+$0xFFFFFFEB];
	[tilespmem:s6+$0xA0] =	vst v21  }
0x42b: {  	v18 =	vld [tilespmem:s31+$0x30];
	[tilespmem:s6+$0x120] =	vst v22  }
0x42c: {  	s24 =	simm.s32 $0x833C;
	[tilespmem:s6+$0xFFFFFEB0] =	vst v23;
	v19 =	vld [tilespmem:s31+$0x75]  }
0x42d: {  	s9 =	simm.s32 $0x0;
	s2 =	simm.s32 $0xE740;
	s4 =	simm.s32 $0x9353;
	v20 =	vld [tilespmem:s31+$0xBA];
	[tilespmem:s6+$0xFFFFFE30] =	vst v24  }
.LBB2_11:
0x42e: {  	v21 =	vld [tilespmem:s24+$0xCF];
	s9 =	sadd.s32 $0x8, s9;
	[tilespmem:s6+$0xFFFFFF30] =	vst v16  }
0x42f: {  	v16 =	vld [tilespmem:s24+$0xFFFFFF31];
	p0 =	slt.u32 s9, $0x38;
	[tilespmem:s6+$0xFFFFFFB0] =	vst v17  }
0x430: {  	v17 =	vld [tilespmem:s24+$0xFFFFFF76];
	[tilespmem:s6+$0x30] =	vst v18  }
0x431: {  	v18 =	vld [tilespmem:s24+$0xFFFFFFBB];
	[tilespmem:s6+$0xB0] =	vst v19  }
0x432: {  	v19 =	vld [tilespmem:s24+$0x0];
	[tilespmem:s6+$0x130] =	vst v20;
	s6 =	sadd.s32 $0x400, s6  }
0x433: {  	v20 =	vld [tilespmem:s24+$0x45];
	[tilespmem:s6+$0x180] =	vst v21  }
0x434: {  	[tilespmem:s6+$0xFFFFFE80] =	vst v16;
	v16 =	vld [tilespmem:s24+$0xDF]  }
0x435: {  	[tilespmem:s6+$0xFFFFFF00] =	vst v17;
	v17 =	vld [tilespmem:s24+$0x8A]  }
0x436: {  	v21 =	vld [tilespmem:s24+$0xFFFFFEEC];
	[tilespmem:s6+$0xFFFFFF80] =	vst v18  }
0x437: {  	v18 =	vld [tilespmem:s24+$0xFFFFFF41];
	[tilespmem:s6+$0x0] =	vst v19  }
0x438: {  	v19 =	vld [tilespmem:s24+$0xFFFFFF86];
	[tilespmem:s6+$0x80] =	vst v20  }
0x439: {  	v20 =	vld [tilespmem:s24+$0xFFFFFFCB];
	[tilespmem:s6+$0x190] =	vst v16  }
0x43a: {  	[tilespmem:s6+$0x100] =	vst v17;
	v16 =	vld [tilespmem:s24+$0xEF]  }
0x43b: {  	[tilespmem:s6+$0xFFFFFE00] =	vst v21;
	v17 =	vld [tilespmem:s24+$0x10]  }
0x43c: {  	v21 =	vld [tilespmem:s24+$0xFFFFFEFC];
	[tilespmem:s6+$0xFFFFFE90] =	vst v18  }
0x43d: {  	[tilespmem:s6+$0xFFFFFF10] =	vst v19;
	v18 =	vld [tilespmem:s24+$0x55]  }
0x43e: {  	[tilespmem:s6+$0xFFFFFF90] =	vst v20;
	v19 =	vld [tilespmem:s24+$0x9A]  }
0x43f: {  	v20 =	vld [tilespmem:s24+$0xFFFFFF51];
	[tilespmem:s6+$0x1A0] =	vst v16  }
0x440: {  	[tilespmem:s6+$0x10] =	vst v17;
	v16 =	vld [tilespmem:s24+$0xFF]  }
0x441: {  	[tilespmem:s6+$0xFFFFFE10] =	vst v21;
	v17 =	vld [tilespmem:s24+$0xFFFFFF96]  }
0x442: {  	v21 =	vld [tilespmem:s24+$0xFFFFFF0C];
	[tilespmem:s6+$0x90] =	vst v18  }
0x443: {  	v18 =	vld [tilespmem:s24+$0xFFFFFFDB];
	[tilespmem:s6+$0x110] =	vst v19  }
0x444: {  	[tilespmem:s6+$0xFFFFFEA0] =	vst v20;
	v19 =	vld [tilespmem:s24+$0x20]  }
0x445: {  	v20 =	vld [tilespmem:s24+$0x65];
	[tilespmem:s6+$0x1B0] =	vst v16  }
0x446: {  	[tilespmem:s6+$0xFFFFFF20] =	vst v17;
	v22 =	vld [tilespmem:s24+$0xAA]  }
0x447: {  	[tilespmem:s6+$0xFFFFFE20] =	vst v21;
	v21 =	vld [tilespmem:s24+$0xFFFFFF61]  }
0x448: {  	v23 =	vld [tilespmem:s24+$0xFFFFFF1C];
	[tilespmem:s6+$0xFFFFFFA0] =	vst v18  }
.Ltmp7:
0x449: {  	v16 =	vld [tilespmem:s24+$0xFFFFFFA6];
	[tilespmem:s6+$0x20] =	vst v19;
	(pc) =	sbr.rel @p0 .LBB2_11-.Ltmp7, $4  }
0x44a: {  	v17 =	vld [tilespmem:s24+$0xFFFFFFEB];
	[tilespmem:s6+$0xA0] =	vst v20  }
0x44b: {  	v18 =	vld [tilespmem:s24+$0x30];
	[tilespmem:s6+$0x120] =	vst v22  }
0x44c: {  	[tilespmem:s6+$0xFFFFFEB0] =	vst v21;
	v19 =	vld [tilespmem:s24+$0x75]  }
0x44d: {  	[tilespmem:s6+$0xFFFFFE30] =	vst v23;
	v20 =	vld [tilespmem:s24+$0xBA];
	s24 =	sadd.s32 $0x228, s24  }
.LBB2_12:
0x44e: {  	[tilespmem:s6+$0xFFFFFF30] =	vst v16  }
0x44f: {  	[tilespmem:s6+$0xFFFFFFB0] =	vst v17  }
0x450: {  	[tilespmem:s6+$0x30] =	vst v18  }
0x451: {  	[tilespmem:s6+$0xB0] =	vst v19  }
0x452: {  	[tilespmem:s6+$0x130] =	vst v20  }
0x453: {  	v16 =	vld [tilespmem:s4+$0xFFFFFFD0]  }
0x454: {  	v17 =	vld [tilespmem:s4+$0xFFFFFE32]  }
0x455: {  	v18 =	vld [tilespmem:s4+$0xFFFFFE77]  }
0x456: {  	v19 =	vld [tilespmem:s4+$0xFFFFFEBC]  }
0x457: {  	v20 =	vld [tilespmem:s4+$0xFFFFFF01]  }
0x458: {  	v21 =	vld [tilespmem:s4+$0xFFFFFF46];
	[tilespmem:s2+$0x180] =	vst v16  }
0x459: {  	[tilespmem:s2+$0xFFFFFE80] =	vst v17;
	v17 =	vld [tilespmem:s4+$0xFFFFFF8B]  }
0x45a: {  	[tilespmem:s2+$0xFFFFFF00] =	vst v18;
	v18 =	vld [tilespmem:s4+$0xFFFFFDED]  }
0x45b: {  	[tilespmem:s2+$0xFFFFFF80] =	vst v19;
	v16 =	vld [tilespmem:s4+$0xFFFFFFE0]  }
0x45c: {  	[tilespmem:s2+$0x0] =	vst v20;
	v19 =	vld [tilespmem:s4+$0xFFFFFE42]  }
0x45d: {  	[tilespmem:s2+$0x80] =	vst v21;
	v20 =	vld [tilespmem:s4+$0xFFFFFE87]  }
0x45e: {  	v21 =	vld [tilespmem:s4+$0xFFFFFECC];
	[tilespmem:s2+$0x100] =	vst v17  }
0x45f: {  	[tilespmem:s2+$0xFFFFFE00] =	vst v18;
	v17 =	vld [tilespmem:s4+$0xFFFFFF11]  }
0x460: {  	[tilespmem:s2+$0x190] =	vst v16;
	v18 =	vld [tilespmem:s4+$0xFFFFFDFD]  }
0x461: {  	[tilespmem:s2+$0xFFFFFE90] =	vst v19;
	v19 =	vld [tilespmem:s4+$0xFFFFFF56]  }
0x462: {  	[tilespmem:s2+$0xFFFFFF10] =	vst v20;
	v20 =	vld [tilespmem:s4+$0xFFFFFF9B]  }
0x463: {  	[tilespmem:s2+$0xFFFFFF90] =	vst v21;
	v16 =	vld [tilespmem:s4+$0xFFFFFFF0]  }
0x464: {  	v21 =	vld [tilespmem:s4+$0xFFFFFE52];
	[tilespmem:s2+$0x10] =	vst v17  }
0x465: {  	v17 =	vld [tilespmem:s4+$0xFFFFFE97];
	[tilespmem:s2+$0xFFFFFE10] =	vst v18  }
0x466: {  	[tilespmem:s2+$0x90] =	vst v19;
	v19 =	vld [tilespmem:s4+$0xFFFFFEDC]  }
0x467: {  	[tilespmem:s2+$0x110] =	vst v20;
	v18 =	vld [tilespmem:s4+$0xFFFFFE0D]  }
0x468: {  	v20 =	vld [tilespmem:s4+$0xFFFFFF21];
	[tilespmem:s2+$0x1A0] =	vst v16  }
0x469: {  	[tilespmem:s2+$0xFFFFFEA0] =	vst v21;
	v21 =	vld [tilespmem:s4+$0xFFFFFF66]  }
0x46a: {  	v22 =	vld [tilespmem:s4+$0xFFFFFFAB];
	[tilespmem:s2+$0xFFFFFF20] =	vst v17  }
0x46b: {  	v16 =	vld [tilespmem:s4+$0x0];
	[tilespmem:s2+$0xFFFFFFA0] =	vst v19  }
0x46c: {  	v23 =	vld [tilespmem:s4+$0xFFFFFE62];
	[tilespmem:s2+$0xFFFFFE20] =	vst v18  }
0x46d: {  	p0 =	por $0x1, $0x1;
	[tilespmem:s2+$0x20] =	vst v20;
	v24 =	vld [tilespmem:s4+$0xFFFFFE1D]  }
.Ltmp8:
0x46e: {  	v17 =	vld [tilespmem:s4+$0xFFFFFEA7];
	[tilespmem:s2+$0xA0] =	vst v21;
	(pc) =	sbr.rel @!p0 .LBB2_14-.Ltmp8, $4  }
0x46f: {  	v18 =	vld [tilespmem:s4+$0xFFFFFEEC];
	[tilespmem:s2+$0x120] =	vst v22  }
0x470: {  	[tilespmem:s2+$0x1B0] =	vst v16;
	v16 =	vld [tilespmem:s4+$0xFFFFFF31]  }
0x471: {  	[tilespmem:s2+$0xFFFFFEB0] =	vst v23;
	v19 =	vld [tilespmem:s4+$0xFFFFFF76]  }
0x472: {  	s6 =	simm.s32 $0x0;
	v20 =	vld [tilespmem:s4+$0xFFFFFFBB];
	s4 =	sadd.s32 $0x228, s4;
	[tilespmem:s2+$0xFFFFFE30] =	vst v24  }
.LBB2_13:
0x473: {  	v21 =	vld [tilespmem:s4+$0xFFFFFFD0];
	s6 =	sadd.s32 $0x8, s6;
	[tilespmem:s2+$0xFFFFFF30] =	vst v17  }
0x474: {  	v17 =	vld [tilespmem:s4+$0xFFFFFE32];
	p0 =	slt.u32 s6, $0xB8;
	[tilespmem:s2+$0xFFFFFFB0] =	vst v18  }
0x475: {  	v18 =	vld [tilespmem:s4+$0xFFFFFE77];
	[tilespmem:s2+$0x30] =	vst v16  }
0x476: {  	v16 =	vld [tilespmem:s4+$0xFFFFFEBC];
	[tilespmem:s2+$0xB0] =	vst v19  }
0x477: {  	v19 =	vld [tilespmem:s4+$0xFFFFFF01];
	[tilespmem:s2+$0x130] =	vst v20;
	s2 =	sadd.s32 $0x400, s2  }
0x478: {  	v20 =	vld [tilespmem:s4+$0xFFFFFF46];
	[tilespmem:s2+$0x180] =	vst v21  }
0x479: {  	[tilespmem:s2+$0xFFFFFE80] =	vst v17;
	v17 =	vld [tilespmem:s4+$0xFFFFFFE0]  }
0x47a: {  	[tilespmem:s2+$0xFFFFFF00] =	vst v18;
	v18 =	vld [tilespmem:s4+$0xFFFFFF8B]  }
0x47b: {  	v21 =	vld [tilespmem:s4+$0xFFFFFDED];
	[tilespmem:s2+$0xFFFFFF80] =	vst v16  }
0x47c: {  	v16 =	vld [tilespmem:s4+$0xFFFFFE42];
	[tilespmem:s2+$0x0] =	vst v19  }
0x47d: {  	v19 =	vld [tilespmem:s4+$0xFFFFFE87];
	[tilespmem:s2+$0x80] =	vst v20  }
0x47e: {  	v20 =	vld [tilespmem:s4+$0xFFFFFECC];
	[tilespmem:s2+$0x190] =	vst v17  }
0x47f: {  	[tilespmem:s2+$0x100] =	vst v18;
	v17 =	vld [tilespmem:s4+$0xFFFFFFF0]  }
0x480: {  	[tilespmem:s2+$0xFFFFFE00] =	vst v21;
	v18 =	vld [tilespmem:s4+$0xFFFFFF11]  }
0x481: {  	v21 =	vld [tilespmem:s4+$0xFFFFFDFD];
	[tilespmem:s2+$0xFFFFFE90] =	vst v16  }
0x482: {  	[tilespmem:s2+$0xFFFFFF10] =	vst v19;
	v16 =	vld [tilespmem:s4+$0xFFFFFF56]  }
0x483: {  	[tilespmem:s2+$0xFFFFFF90] =	vst v20;
	v19 =	vld [tilespmem:s4+$0xFFFFFF9B]  }
0x484: {  	v20 =	vld [tilespmem:s4+$0xFFFFFE52];
	[tilespmem:s2+$0x1A0] =	vst v17  }
0x485: {  	[tilespmem:s2+$0x10] =	vst v18;
	v17 =	vld [tilespmem:s4+$0x0]  }
0x486: {  	[tilespmem:s2+$0xFFFFFE10] =	vst v21;
	v18 =	vld [tilespmem:s4+$0xFFFFFE97]  }
0x487: {  	v21 =	vld [tilespmem:s4+$0xFFFFFE0D];
	[tilespmem:s2+$0x90] =	vst v16  }
0x488: {  	v16 =	vld [tilespmem:s4+$0xFFFFFEDC];
	[tilespmem:s2+$0x110] =	vst v19  }
0x489: {  	[tilespmem:s2+$0xFFFFFEA0] =	vst v20;
	v19 =	vld [tilespmem:s4+$0xFFFFFF21]  }
0x48a: {  	v20 =	vld [tilespmem:s4+$0xFFFFFF66];
	[tilespmem:s2+$0x1B0] =	vst v17  }
0x48b: {  	[tilespmem:s2+$0xFFFFFF20] =	vst v18;
	v22 =	vld [tilespmem:s4+$0xFFFFFFAB]  }
0x48c: {  	[tilespmem:s2+$0xFFFFFE20] =	vst v21;
	v21 =	vld [tilespmem:s4+$0xFFFFFE62]  }
0x48d: {  	v23 =	vld [tilespmem:s4+$0xFFFFFE1D];
	[tilespmem:s2+$0xFFFFFFA0] =	vst v16  }
.Ltmp9:
0x48e: {  	v17 =	vld [tilespmem:s4+$0xFFFFFEA7];
	[tilespmem:s2+$0x20] =	vst v19;
	(pc) =	sbr.rel @p0 .LBB2_13-.Ltmp9, $4  }
0x48f: {  	v18 =	vld [tilespmem:s4+$0xFFFFFEEC];
	[tilespmem:s2+$0xA0] =	vst v20  }
0x490: {  	v16 =	vld [tilespmem:s4+$0xFFFFFF31];
	[tilespmem:s2+$0x120] =	vst v22  }
0x491: {  	[tilespmem:s2+$0xFFFFFEB0] =	vst v21;
	v19 =	vld [tilespmem:s4+$0xFFFFFF76]  }
0x492: {  	[tilespmem:s2+$0xFFFFFE30] =	vst v23;
	v20 =	vld [tilespmem:s4+$0xFFFFFFBB];
	s4 =	sadd.s32 $0x228, s4  }
.LBB2_14:
0x493: {  	[tilespmem:s2+$0xFFFFFF30] =	vst v17  }
0x494: {  	s4 =	sshll.u32 s22, $0x14;
	s6 =	sshll.u32 s23, $0xA;
	s30 =	smul.u32 $0x300000, s22;
	[tilespmem:s2+$0xFFFFFFB0] =	vst v18  }
0x495: {  	p0 =	sne.s32 s21, $0xC;
	s4 =	sor.u32 s6, s4;
	[tilespmem:s2+$0x30] =	vst v16  }
.Ltmp10:
0x496: {  	s4 =	sshrl.u32 s4, $0x3;
	s31 =	sor.u32 s6, s30;
	[tilespmem:s2+$0xB0] =	vst v19;
	(pc) =	sbr.rel @p0 .LBB2_2-.Ltmp10, $4  }
0x497: {  	s29 =	sadd.s32 s1, s4;
	[tilespmem:s2+$0x130] =	vst v20;
	s2 =	sshrl.u32 s31, $0x3  }
0x498: {  	[hbm4b:s29+s14] =	stream.strided.scatter [tilespmem:s16], [sflag:$0x3], $0x2000, s15, s14, $0x38;
	[tilespmem:$0x14500] =	vst v63  }
0x499: {  	s2 =	sadd.s32 s3, s2  }
0x49a: {  	[hbm4b:s2+s14] =	stream.strided.scatter [tilespmem:s17], [sflag:$0x4], $0x6000, s15, s14, $0x38;
	[tilespmem:$0x14500] =	vst v63  }
0x49b: {  	_ =	swait.ge [sflag:s18], $0x2000  }
0x49c: {  	[sflag:s18] =	ssyncset.done $0x0  }
0x49d: {  	[sflag:s18] =	ssyncadd.s32 $0xFFFFE000  }
0x49e: {  	_ =	swait.ge [sflag:s19], $0x6000  }
0x49f: {  	[sflag:s19] =	ssyncset.done $0x0  }
0x4a0: {  	[sflag:s19] =	ssyncadd.s32 $0xFFFFA000  }
0x4a1: {  	_ =	swait.ge [sflag:s10], $0x4000  }
0x4a2: {  	s20 =	sadd.s32 $0x1, s20;
	s2 =	rddreg [dreg:$0x5]  }
0x4a3: {  	p0 =	sne.s32 s20, s2  }
.Ltmp11:
0x4a4: {  	_ = 	snop;
	(pc) =	sbr.rel @p0 .LBB2_1-.Ltmp11, $3  }
0x4a5: {  	_ =	sdelay $0x1  }
0x4a6: {  	[sflag:s10] =	ssyncset.done $0x0  }
0x4a7: {  	[sflag:s10] =	ssyncadd.s32 $0xFFFFC000  }
0x4a8: {  	_ =	sfence.sel $0x180000  }
0x4a9: {  	[bflag:$0x0] =	sbarrier.arrive $0xFFFF  }
0x4aa: {  	_ =	strace $0x90000047  }
0x4ab: {  	s0 =	stileid.u32;
	[bflag:$0x2] =	sbarrier.arrive $0xFFFF  }
0x4ac: {  	p0 =	sne.s32 s0, $0x0;
	s0 =	rddreg [dreg:$0x3]  }
0x4ad: {  	s0 =	sadd.s32 @!p0 $0x100000, s0  }
0x4ae: {  	[sflag:s0] =	ssyncadd.tile.s32 @!p0 $0x1;
	_ =	shalt  }
.Lfunc_end2:
_tile_overlayer_lowered:
.L_overlay_start_2:
0x4af: {  	(tag) =	ssettag $0x2  }
0x4b0: {  	s0 =	rddreg [dreg:$0x0];
	s2 =	stileid.u32  }
0x4b1: {  	s1 =	rddreg [dreg:$0x1];
	p0 =	sne.s32 s2, $0x0  }
0x4b2: {  	s3 =	rddreg [dreg:$0x2];
	[bflag:$0x3] =	sbarrier.arrive $0xFFFF;
	s2 =	simm.s32 @!p0 $0x1C05  }
0x4b3: {  	[timem:s3], [sflag:s2] =	dma.local @!p0 [hbm:s0], s1  }
0x4b4: {  	s0 =	simm.s32 @!p0 $0x5  }
0x4b5: {  	_ =	swait.ge @!p0 [sflag:s0], s1  }
0x4b6: {  	s1 =	ssub.s32 @!p0 $0x0, s1;
	[sflag:s0] =	ssyncset.done @!p0 $0x0  }
0x4b7: {  	[sflag:s0] =	ssyncadd.s32 @!p0 s1  }
0x4b8: {  	[bflag:$0x3] =	sbarrier.arrive $0xFFFF  }
0x4b9: {  	_ =	shalt  }

</sc_bundles>
